<compile_context>
chip_gen: v7x
topology: tpu7x:2x2x1
jax: 0.10.2.dev20260603
libtpu: 0.0.44.dev20260713+nightly
codegen_flags: <defaults>
</compile_context>

<pallas_src>
import jax
import jax.numpy as jnp
from jax import lax
from jax.experimental import pallas as pl
from jax.experimental.pallas import tpu as pltpu
from jax.experimental.pallas import tpu_sc as plsc

F = 26
NUM_EMB = 1000000
B = 4096
L = 20
D = 64
H1 = 512
H2 = 128
GP = F // 2

NC = 2
NS = 16
NW = NC * NS
BPW = B // NW
SUB = 4
PPS = BPW // SUB
RPS = PPS * L
GW = 128
NG = RPS // GW
IRF = BPW * L // GW


NU = F * SUB
IRS = NG


def _pool_body(feat_hbm, table_hbm, x3_hbm,
               idx0, idx1, idx2, buf0, buf1, buf2, acc0, acc1, acc2,
               gs0, gs1, gs2, is0, is1, is2, os0, os1, os2):
    wid = lax.axis_index("s") * NC + lax.axis_index("c")
    idxb = (idx0, idx1, idx2)
    bufs = (buf0, buf1, buf2)
    accs = (acc0, acc1, acc2)
    gsem = (gs0, gs1, gs2)
    isem = (is0, is1, is2)
    osem = (os0, os1, os2)

    def idx_rows(u):
        return (u // SUB) * (B * L // GW) + wid * IRF + (u % SUB) * IRS

    def idx_fetch(u, slot):
        pltpu.async_copy(feat_hbm.at[pl.ds(idx_rows(u), IRS)],
                         idxb[slot], isem[slot])

    def idx_wait(slot):
        pltpu.make_async_copy(feat_hbm.at[pl.ds(0, IRS)], idxb[slot],
                              isem[slot]).wait()

    def fire(slot):
        for j in range(NG):
            pltpu.async_copy(table_hbm.at[idxb[slot].at[j]],
                             bufs[slot].at[pl.ds(j * GW, GW)], gsem[slot])

    def gather_wait(slot):
        pltpu.make_async_copy(table_hbm.at[pl.ds(0, RPS)], bufs[slot],
                              gsem[slot]).wait()

    def x3_dst(u):
        f = u // SUB
        b0 = wid * BPW + (u % SUB) * PPS
        return x3_hbm.at[f // 2, pl.ds(b0, PPS), pl.ds((f % 2) * D, D)]

    def out_fire(u, aslot):
        pltpu.async_copy(accs[aslot], x3_dst(u), osem[aslot])

    def out_wait(aslot):
        pltpu.make_async_copy(accs[aslot], x3_dst(0), osem[aslot]).wait()

    def acc(u, slot, aslot):
        buf = bufs[slot]
        av = accs[aslot]

        @pl.loop(0, PPS)
        def _pool(p):
            base = p * L
            for c in range(D // 16):
                vals = [buf[base + l, pl.ds(c * 16, 16)] for l in range(L)]
                while len(vals) > 1:
                    nxt = [vals[i] + vals[i + 1]
                           for i in range(0, len(vals) - 1, 2)]
                    if len(vals) % 2:
                        nxt.append(vals[-1])
                    vals = nxt
                av[p, pl.ds(c * 16, 16)] = vals[0]

    for j in range(3):
        idx_fetch(j, j)
    for j in range(2):
        idx_wait(j)
        fire(j)

    @pl.loop(0, NU // 3)
    def _main(k):
        for off in range(3):
            u = 3 * k + off
            slot = off
            nslot = (off + 2) % 3
            gather_wait(slot)
            idx_wait(nslot)
            fire(nslot)
            idx_fetch(jnp.minimum(u + 3, NU - 1), slot)

            @pl.when(k > 0)
            def _drain_prev_out():
                out_wait(off)

            acc(u, slot, off)
            out_fire(u, off)

    for u in (NU - 2, NU - 1):
        slot = u % 3
        gather_wait(slot)
        out_wait(slot)
        acc(u, slot, slot)
        out_fire(u, slot)
    out_wait((NU - 3) % 3)
    out_wait((NU - 2) % 3)
    out_wait((NU - 1) % 3)


_pool = pl.kernel(
    _pool_body,
    out_type=jax.ShapeDtypeStruct((GP, B, 2 * D), jnp.float32),
    mesh=plsc.VectorSubcoreMesh(core_axis_name="c", subcore_axis_name="s"),
    compiler_params=pltpu.CompilerParams(use_tc_tiling_on_sc=False),
    scratch_types=(
        [pltpu.VMEM((IRS, GW), jnp.int32)] * 3
        + [pltpu.VMEM((RPS, D), jnp.float32)] * 3
        + [pltpu.VMEM((PPS, D), jnp.float32)] * 3
        + [pltpu.SemaphoreType.DMA] * 9
    ),
)


def _mlp_body(x3_ref, w1_ref, b1_ref, w2_ref, b2_ref, w3_ref, b3_ref, o_ref):
    h = b1_ref[...]
    for g in range(GP):
        h = h + lax.dot_general(
            x3_ref[g], w1_ref[:, pl.ds(g * 2 * D, 2 * D)],
            (((1,), (1,)), ((), ())),
            preferred_element_type=jnp.float32)
    h = jnp.maximum(h, 0.0)
    h = lax.dot_general(h, w2_ref[...], (((1,), (1,)), ((), ())),
                        preferred_element_type=jnp.float32)
    h = jnp.maximum(h + b2_ref[...], 0.0)
    o_ref[...] = jnp.sum(h * w3_ref[...], axis=1, keepdims=True) + b3_ref[...]


BT = 512


def _mlp(x3, w1, b1, w2, b2, w3, b3):
    return pl.pallas_call(
        _mlp_body,
        grid=(B // BT,),
        in_specs=[
            pl.BlockSpec((GP, BT, 2 * D), lambda i: (0, i, 0)),
            pl.BlockSpec((H1, F * D), lambda i: (0, 0)),
            pl.BlockSpec((1, H1), lambda i: (0, 0)),
            pl.BlockSpec((H2, H1), lambda i: (0, 0)),
            pl.BlockSpec((1, H2), lambda i: (0, 0)),
            pl.BlockSpec((1, H2), lambda i: (0, 0)),
            pl.BlockSpec((1, 1), lambda i: (0, 0)),
        ],
        out_specs=pl.BlockSpec((BT, 1), lambda i: (i, 0)),
        out_shape=jax.ShapeDtypeStruct((B, 1), jnp.float32),
    )(x3, w1, b1, w2, b2, w3, b3)


def kernel(features, emb_table, W1, b1, W2, b2, W3, b3):
    feat = features.reshape(-1, GW)
    x3 = _pool(feat, emb_table)
    return _mlp(x3, W1, b1.reshape(1, H1), W2, b2.reshape(1, H2),
                W3, b3.reshape(1, 1))

# --- scband reference (transcript-rebuilt; emitter-appended) ---
"""Pipeline reference for scband-my-model-40114994545023 (READ-ONLY COPY).

The authoritative reference and input builder live on the scoring server;
editing this copy changes nothing except your own understanding.
"""

import jax, jax.numpy as jnp
import numpy as np

NUM_EMB = 1000000
EMB_DIM = 64
N_FIELDS = 26
B = 4096
L = 20
H1 = 512
H2 = 128


def setup_inputs(seed: int = 0) -> dict:
    key = jax.random.key(seed)
    ks = jax.random.split(key, 8)
    # forward arg: one int tensor per sparse field, stacked on axis 0 -> [N_FIELDS, B, L]
    features = jax.random.randint(ks[0], (N_FIELDS, B, L), 0, NUM_EMB, dtype=jnp.int32)
    # learned parameters
    emb_table = jax.random.normal(ks[1], (NUM_EMB, EMB_DIM), dtype=jnp.float32) * 0.05
    emb_table = emb_table.at[0].set(0.0)  # padding_idx=0
    d_in = EMB_DIM * N_FIELDS
    W1 = jax.random.normal(ks[2], (H1, d_in), dtype=jnp.float32) * (1.0 / np.sqrt(d_in))
    b1 = jax.random.normal(ks[3], (H1,), dtype=jnp.float32) * 0.01
    W2 = jax.random.normal(ks[4], (H2, H1), dtype=jnp.float32) * (1.0 / np.sqrt(H1))
    b2 = jax.random.normal(ks[5], (H2,), dtype=jnp.float32) * 0.01
    W3 = jax.random.normal(ks[6], (1, H2), dtype=jnp.float32) * (1.0 / np.sqrt(H2))
    b3 = jax.random.normal(ks[7], (1,), dtype=jnp.float32) * 0.01
    return {"features": features, "emb_table": emb_table, "W1": W1, "b1": b1, "W2": W2, "b2": b2, "W3": W3, "b3": b3}


def reference(features, emb_table, W1, b1, W2, b2, W3, b3):
    # per-field embedding lookup + sum-pool over history dim
    emb = jnp.take(emb_table, features, axis=0)      # [F, B, L, D]
    pooled = jnp.sum(emb, axis=2)                    # [F, B, D]
    # concat fields in features_col order along feature dim
    x = jnp.transpose(pooled, (1, 0, 2)).reshape(B, N_FIELDS * EMB_DIM)  # [B, F*D]
    x = jax.nn.relu(x @ W1.T + b1)
    x = jax.nn.relu(x @ W2.T + b2)
    x = x @ W3.T + b3
    return x

if __name__ == "__main__":
    import jax
    _d = setup_inputs()
    print(jax.jit(kernel)(*tuple(_d.values())))

</pallas_src>

<mosaic_0001>
#map = affine_map<(d0, d1) -> (0, 0)>
#map1 = affine_map<(d0, d1) -> (0, 0, 0)>
module attributes {stable_mosaic.version = 14 : i64} {
  func.func @_pool_body(%arg0: i32, %arg1: i32, %arg2: memref<16640x128xi32, #tpu.memory_space<hbm>>, %arg3: memref<1000000x64xf32, #tpu.memory_space<hbm>>, %arg4: memref<13x4096x128xf32, #tpu.memory_space<hbm>>, %arg5: memref<5x128xi32, #tpu.memory_space<vmem>>, %arg6: memref<5x128xi32, #tpu.memory_space<vmem>>, %arg7: memref<5x128xi32, #tpu.memory_space<vmem>>, %arg8: memref<640x64xf32, #tpu.memory_space<vmem>>, %arg9: memref<640x64xf32, #tpu.memory_space<vmem>>, %arg10: memref<640x64xf32, #tpu.memory_space<vmem>>, %arg11: memref<32x64xf32, #tpu.memory_space<vmem>>, %arg12: memref<32x64xf32, #tpu.memory_space<vmem>>, %arg13: memref<32x64xf32, #tpu.memory_space<vmem>>, %arg14: memref<!tpu.dma_semaphore, #tpu.memory_space<semaphore_mem>>, %arg15: memref<!tpu.dma_semaphore, #tpu.memory_space<semaphore_mem>>, %arg16: memref<!tpu.dma_semaphore, #tpu.memory_space<semaphore_mem>>, %arg17: memref<!tpu.dma_semaphore, #tpu.memory_space<semaphore_mem>>, %arg18: memref<!tpu.dma_semaphore, #tpu.memory_space<semaphore_mem>>, %arg19: memref<!tpu.dma_semaphore, #tpu.memory_space<semaphore_mem>>, %arg20: memref<!tpu.dma_semaphore, #tpu.memory_space<semaphore_mem>>, %arg21: memref<!tpu.dma_semaphore, #tpu.memory_space<semaphore_mem>>, %arg22: memref<!tpu.dma_semaphore, #tpu.memory_space<semaphore_mem>>) attributes {dimension_semantics = [#tpu.dimension_semantics<core_parallel>, #tpu.dimension_semantics<subcore_parallel>], iteration_bounds = array<i64: 2, 16>, scalar_prefetch = 0 : i64, scratch_operands = 18 : i64, tpu.core_type = #tpu.core_type<sc_vector_subcore>, window_params = [{transform_indices = #map}, {transform_indices = #map}, {transform_indices = #map1}]} {
    %mul3A = arith.constant 2 : i32
    %mul3A_0 = arith.muli %arg1, %mul3A : i32
    %add3A = arith.addi %mul3A_0, %arg0 : i32
    %mul3A_1 = arith.constant 20 : i32
    %mul3A_2 = arith.muli %add3A, %mul3A_1 : i32
    %add3A_3 = arith.constant 0 : i32
    %add3A_4 = arith.addi %add3A_3, %mul3A_2 : i32
    %add3A_5 = arith.constant 0 : i32
    %add3A_6 = arith.addi %add3A_4, %add3A_5 : i32
    %dma_start3A = arith.constant 0 : i32
    %dma_start3A_7 = tpu.memref_slice %arg2[%add3A_6, %dma_start3A] : memref<16640x128xi32, #tpu.memory_space<hbm>> -> memref<5x128xi32, #tpu.memory_space<hbm>>
    %dma_start3A_8 = arith.constant 0 : i32
    %dma_start3A_9 = tpu.memref_slice %arg2[%add3A_6, %dma_start3A_8] : memref<16640x128xi32, #tpu.memory_space<hbm>> -> memref<5x128xi32, #tpu.memory_space<hbm>>
    tpu.enqueue_dma source(%dma_start3A_9 : memref<5x128xi32, #tpu.memory_space<hbm>>) target(%arg5 : memref<5x128xi32, #tpu.memory_space<vmem>>) target_semaphore(%arg17 : memref<!tpu.dma_semaphore, #tpu.memory_space<semaphore_mem>>)
    %mul3A_10 = arith.constant 20 : i32
    %mul3A_11 = arith.muli %add3A, %mul3A_10 : i32
    %add3A_12 = arith.constant 0 : i32
    %add3A_13 = arith.addi %add3A_12, %mul3A_11 : i32
    %add3A_14 = arith.constant 5 : i32
    %add3A_15 = arith.addi %add3A_13, %add3A_14 : i32
    %dma_start3A_16 = arith.constant 0 : i32
    %dma_start3A_17 = tpu.memref_slice %arg2[%add3A_15, %dma_start3A_16] : memref<16640x128xi32, #tpu.memory_space<hbm>> -> memref<5x128xi32, #tpu.memory_space<hbm>>
    %dma_start3A_18 = arith.constant 0 : i32
    %dma_start3A_19 = tpu.memref_slice %arg2[%add3A_15, %dma_start3A_18] : memref<16640x128xi32, #tpu.memory_space<hbm>> -> memref<5x128xi32, #tpu.memory_space<hbm>>
    tpu.enqueue_dma source(%dma_start3A_19 : memref<5x128xi32, #tpu.memory_space<hbm>>) target(%arg6 : memref<5x128xi32, #tpu.memory_space<vmem>>) target_semaphore(%arg18 : memref<!tpu.dma_semaphore, #tpu.memory_space<semaphore_mem>>)
    %mul3A_20 = arith.constant 20 : i32
    %mul3A_21 = arith.muli %add3A, %mul3A_20 : i32
    %add3A_22 = arith.constant 0 : i32
    %add3A_23 = arith.addi %add3A_22, %mul3A_21 : i32
    %add3A_24 = arith.constant 10 : i32
    %add3A_25 = arith.addi %add3A_23, %add3A_24 : i32
    %dma_start3A_26 = arith.constant 0 : i32
    %dma_start3A_27 = tpu.memref_slice %arg2[%add3A_25, %dma_start3A_26] : memref<16640x128xi32, #tpu.memory_space<hbm>> -> memref<5x128xi32, #tpu.memory_space<hbm>>
    %dma_start3A_28 = arith.constant 0 : i32
    %dma_start3A_29 = tpu.memref_slice %arg2[%add3A_25, %dma_start3A_28] : memref<16640x128xi32, #tpu.memory_space<hbm>> -> memref<5x128xi32, #tpu.memory_space<hbm>>
    tpu.enqueue_dma source(%dma_start3A_29 : memref<5x128xi32, #tpu.memory_space<hbm>>) target(%arg7 : memref<5x128xi32, #tpu.memory_space<vmem>>) target_semaphore(%arg19 : memref<!tpu.dma_semaphore, #tpu.memory_space<semaphore_mem>>)
    %dma_wait3A = arith.constant 0 : i32
    %dma_wait3A_30 = arith.constant 0 : i32
    %dma_wait3A_31 = tpu.memref_slice %arg2[%dma_wait3A, %dma_wait3A_30] : memref<16640x128xi32, #tpu.memory_space<hbm>> -> memref<5x128xi32, #tpu.memory_space<hbm>>
    %dma_wait3A_32 = arith.constant 0 : i32
    %dma_wait3A_33 = arith.constant 0 : i32
    %dma_wait3A_34 = tpu.memref_slice %arg2[%dma_wait3A_32, %dma_wait3A_33] : memref<16640x128xi32, #tpu.memory_space<hbm>> -> memref<5x128xi32, #tpu.memory_space<hbm>>
    tpu.wait_dma2 semaphore(%arg17 : memref<!tpu.dma_semaphore, #tpu.memory_space<semaphore_mem>>) src(%dma_wait3A_34 : memref<5x128xi32, #tpu.memory_space<hbm>>) dst(%arg5 : memref<5x128xi32, #tpu.memory_space<vmem>>)
    %dma_start3A_35 = arith.constant 0 : i32
    %dma_start3A_36 = arith.constant 0 : i32
    %dma_start3A_37 = arith.constant 0 : i32
    %dma_start3A_38 = tpu.memref_slice %arg8[%dma_start3A_36, %dma_start3A_37] : memref<640x64xf32, #tpu.memory_space<vmem>> -> memref<128x64xf32, #tpu.memory_space<vmem>>
    %dma_start3A_39 = arith.constant 0 : i32
    %dma_start3A_40 = tpu.memref_slice %arg5[%dma_start3A_35, %dma_start3A_39] : memref<5x128xi32, #tpu.memory_space<vmem>> -> memref<1x128xi32, #tpu.memory_space<vmem>>
    %dma_start3A_41 = tpu.memref_squeeze %dma_start3A_40 : memref<1x128xi32, #tpu.memory_space<vmem>> -> memref<128xi32, #tpu.memory_space<vmem>>
    %dma_start3A_42 = arith.constant 0 : i32
    %dma_start3A_43 = arith.constant 0 : i32
    %dma_start3A_44 = tpu.memref_slice %arg3[%dma_start3A_42, %dma_start3A_43] : memref<1000000x64xf32, #tpu.memory_space<hbm>> -> memref<1000000x64xf32, #tpu.memory_space<hbm>>
    tpu.enqueue_indirect_dma source(%dma_start3A_44 : memref<1000000x64xf32, #tpu.memory_space<hbm>>) target(%dma_start3A_38 : memref<128x64xf32, #tpu.memory_space<vmem>>) offsets(%dma_start3A_41 : memref<128xi32, #tpu.memory_space<vmem>>) semaphore(%arg14 : memref<!tpu.dma_semaphore, #tpu.memory_space<semaphore_mem>>)
    %dma_start3A_45 = arith.constant 1 : i32
    %dma_start3A_46 = arith.constant 128 : i32
    %dma_start3A_47 = arith.constant 0 : i32
    %dma_start3A_48 = tpu.memref_slice %arg8[%dma_start3A_46, %dma_start3A_47] : memref<640x64xf32, #tpu.memory_space<vmem>> -> memref<128x64xf32, #tpu.memory_space<vmem>>
    %dma_start3A_49 = arith.constant 0 : i32
    %dma_start3A_50 = tpu.memref_slice %arg5[%dma_start3A_45, %dma_start3A_49] : memref<5x128xi32, #tpu.memory_space<vmem>> -> memref<1x128xi32, #tpu.memory_space<vmem>>
    %dma_start3A_51 = tpu.memref_squeeze %dma_start3A_50 : memref<1x128xi32, #tpu.memory_space<vmem>> -> memref<128xi32, #tpu.memory_space<vmem>>
    %dma_start3A_52 = arith.constant 0 : i32
    %dma_start3A_53 = arith.constant 0 : i32
    %dma_start3A_54 = tpu.memref_slice %arg3[%dma_start3A_52, %dma_start3A_53] : memref<1000000x64xf32, #tpu.memory_space<hbm>> -> memref<1000000x64xf32, #tpu.memory_space<hbm>>
    tpu.enqueue_indirect_dma source(%dma_start3A_54 : memref<1000000x64xf32, #tpu.memory_space<hbm>>) target(%dma_start3A_48 : memref<128x64xf32, #tpu.memory_space<vmem>>) offsets(%dma_start3A_51 : memref<128xi32, #tpu.memory_space<vmem>>) semaphore(%arg14 : memref<!tpu.dma_semaphore, #tpu.memory_space<semaphore_mem>>)
    %dma_start3A_55 = arith.constant 2 : i32
    %dma_start3A_56 = arith.constant 256 : i32
    %dma_start3A_57 = arith.constant 0 : i32
    %dma_start3A_58 = tpu.memref_slice %arg8[%dma_start3A_56, %dma_start3A_57] : memref<640x64xf32, #tpu.memory_space<vmem>> -> memref<128x64xf32, #tpu.memory_space<vmem>>
    %dma_start3A_59 = arith.constant 0 : i32
    %dma_start3A_60 = tpu.memref_slice %arg5[%dma_start3A_55, %dma_start3A_59] : memref<5x128xi32, #tpu.memory_space<vmem>> -> memref<1x128xi32, #tpu.memory_space<vmem>>
    %dma_start3A_61 = tpu.memref_squeeze %dma_start3A_60 : memref<1x128xi32, #tpu.memory_space<vmem>> -> memref<128xi32, #tpu.memory_space<vmem>>
    %dma_start3A_62 = arith.constant 0 : i32
    %dma_start3A_63 = arith.constant 0 : i32
    %dma_start3A_64 = tpu.memref_slice %arg3[%dma_start3A_62, %dma_start3A_63] : memref<1000000x64xf32, #tpu.memory_space<hbm>> -> memref<1000000x64xf32, #tpu.memory_space<hbm>>
    tpu.enqueue_indirect_dma source(%dma_start3A_64 : memref<1000000x64xf32, #tpu.memory_space<hbm>>) target(%dma_start3A_58 : memref<128x64xf32, #tpu.memory_space<vmem>>) offsets(%dma_start3A_61 : memref<128xi32, #tpu.memory_space<vmem>>) semaphore(%arg14 : memref<!tpu.dma_semaphore, #tpu.memory_space<semaphore_mem>>)
    %dma_start3A_65 = arith.constant 3 : i32
    %dma_start3A_66 = arith.constant 384 : i32
    %dma_start3A_67 = arith.constant 0 : i32
    %dma_start3A_68 = tpu.memref_slice %arg8[%dma_start3A_66, %dma_start3A_67] : memref<640x64xf32, #tpu.memory_space<vmem>> -> memref<128x64xf32, #tpu.memory_space<vmem>>
    %dma_start3A_69 = arith.constant 0 : i32
    %dma_start3A_70 = tpu.memref_slice %arg5[%dma_start3A_65, %dma_start3A_69] : memref<5x128xi32, #tpu.memory_space<vmem>> -> memref<1x128xi32, #tpu.memory_space<vmem>>
    %dma_start3A_71 = tpu.memref_squeeze %dma_start3A_70 : memref<1x128xi32, #tpu.memory_space<vmem>> -> memref<128xi32, #tpu.memory_space<vmem>>
    %dma_start3A_72 = arith.constant 0 : i32
    %dma_start3A_73 = arith.constant 0 : i32
    %dma_start3A_74 = tpu.memref_slice %arg3[%dma_start3A_72, %dma_start3A_73] : memref<1000000x64xf32, #tpu.memory_space<hbm>> -> memref<1000000x64xf32, #tpu.memory_space<hbm>>
    tpu.enqueue_indirect_dma source(%dma_start3A_74 : memref<1000000x64xf32, #tpu.memory_space<hbm>>) target(%dma_start3A_68 : memref<128x64xf32, #tpu.memory_space<vmem>>) offsets(%dma_start3A_71 : memref<128xi32, #tpu.memory_space<vmem>>) semaphore(%arg14 : memref<!tpu.dma_semaphore, #tpu.memory_space<semaphore_mem>>)
    %dma_start3A_75 = arith.constant 4 : i32
    %dma_start3A_76 = arith.constant 512 : i32
    %dma_start3A_77 = arith.constant 0 : i32
    %dma_start3A_78 = tpu.memref_slice %arg8[%dma_start3A_76, %dma_start3A_77] : memref<640x64xf32, #tpu.memory_space<vmem>> -> memref<128x64xf32, #tpu.memory_space<vmem>>
    %dma_start3A_79 = arith.constant 0 : i32
    %dma_start3A_80 = tpu.memref_slice %arg5[%dma_start3A_75, %dma_start3A_79] : memref<5x128xi32, #tpu.memory_space<vmem>> -> memref<1x128xi32, #tpu.memory_space<vmem>>
    %dma_start3A_81 = tpu.memref_squeeze %dma_start3A_80 : memref<1x128xi32, #tpu.memory_space<vmem>> -> memref<128xi32, #tpu.memory_space<vmem>>
    %dma_start3A_82 = arith.constant 0 : i32
    %dma_start3A_83 = arith.constant 0 : i32
    %dma_start3A_84 = tpu.memref_slice %arg3[%dma_start3A_82, %dma_start3A_83] : memref<1000000x64xf32, #tpu.memory_space<hbm>> -> memref<1000000x64xf32, #tpu.memory_space<hbm>>
    tpu.enqueue_indirect_dma source(%dma_start3A_84 : memref<1000000x64xf32, #tpu.memory_space<hbm>>) target(%dma_start3A_78 : memref<128x64xf32, #tpu.memory_space<vmem>>) offsets(%dma_start3A_81 : memref<128xi32, #tpu.memory_space<vmem>>) semaphore(%arg14 : memref<!tpu.dma_semaphore, #tpu.memory_space<semaphore_mem>>)
    %dma_wait3A_85 = arith.constant 0 : i32
    %dma_wait3A_86 = arith.constant 0 : i32
    %dma_wait3A_87 = tpu.memref_slice %arg2[%dma_wait3A_85, %dma_wait3A_86] : memref<16640x128xi32, #tpu.memory_space<hbm>> -> memref<5x128xi32, #tpu.memory_space<hbm>>
    %dma_wait3A_88 = arith.constant 0 : i32
    %dma_wait3A_89 = arith.constant 0 : i32
    %dma_wait3A_90 = tpu.memref_slice %arg2[%dma_wait3A_88, %dma_wait3A_89] : memref<16640x128xi32, #tpu.memory_space<hbm>> -> memref<5x128xi32, #tpu.memory_space<hbm>>
    tpu.wait_dma2 semaphore(%arg18 : memref<!tpu.dma_semaphore, #tpu.memory_space<semaphore_mem>>) src(%dma_wait3A_90 : memref<5x128xi32, #tpu.memory_space<hbm>>) dst(%arg6 : memref<5x128xi32, #tpu.memory_space<vmem>>)
    %dma_start3A_91 = arith.constant 0 : i32
    %dma_start3A_92 = arith.constant 0 : i32
    %dma_start3A_93 = arith.constant 0 : i32
    %dma_start3A_94 = tpu.memref_slice %arg9[%dma_start3A_92, %dma_start3A_93] : memref<640x64xf32, #tpu.memory_space<vmem>> -> memref<128x64xf32, #tpu.memory_space<vmem>>
    %dma_start3A_95 = arith.constant 0 : i32
    %dma_start3A_96 = tpu.memref_slice %arg6[%dma_start3A_91, %dma_start3A_95] : memref<5x128xi32, #tpu.memory_space<vmem>> -> memref<1x128xi32, #tpu.memory_space<vmem>>
    %dma_start3A_97 = tpu.memref_squeeze %dma_start3A_96 : memref<1x128xi32, #tpu.memory_space<vmem>> -> memref<128xi32, #tpu.memory_space<vmem>>
    %dma_start3A_98 = arith.constant 0 : i32
    %dma_start3A_99 = arith.constant 0 : i32
    %dma_start3A_100 = tpu.memref_slice %arg3[%dma_start3A_98, %dma_start3A_99] : memref<1000000x64xf32, #tpu.memory_space<hbm>> -> memref<1000000x64xf32, #tpu.memory_space<hbm>>
    tpu.enqueue_indirect_dma source(%dma_start3A_100 : memref<1000000x64xf32, #tpu.memory_space<hbm>>) target(%dma_start3A_94 : memref<128x64xf32, #tpu.memory_space<vmem>>) offsets(%dma_start3A_97 : memref<128xi32, #tpu.memory_space<vmem>>) semaphore(%arg15 : memref<!tpu.dma_semaphore, #tpu.memory_space<semaphore_mem>>)
    %dma_start3A_101 = arith.constant 1 : i32
    %dma_start3A_102 = arith.constant 128 : i32
    %dma_start3A_103 = arith.constant 0 : i32
    %dma_start3A_104 = tpu.memref_slice %arg9[%dma_start3A_102, %dma_start3A_103] : memref<640x64xf32, #tpu.memory_space<vmem>> -> memref<128x64xf32, #tpu.memory_space<vmem>>
    %dma_start3A_105 = arith.constant 0 : i32
    %dma_start3A_106 = tpu.memref_slice %arg6[%dma_start3A_101, %dma_start3A_105] : memref<5x128xi32, #tpu.memory_space<vmem>> -> memref<1x128xi32, #tpu.memory_space<vmem>>
    %dma_start3A_107 = tpu.memref_squeeze %dma_start3A_106 : memref<1x128xi32, #tpu.memory_space<vmem>> -> memref<128xi32, #tpu.memory_space<vmem>>
    %dma_start3A_108 = arith.constant 0 : i32
    %dma_start3A_109 = arith.constant 0 : i32
    %dma_start3A_110 = tpu.memref_slice %arg3[%dma_start3A_108, %dma_start3A_109] : memref<1000000x64xf32, #tpu.memory_space<hbm>> -> memref<1000000x64xf32, #tpu.memory_space<hbm>>
    tpu.enqueue_indirect_dma source(%dma_start3A_110 : memref<1000000x64xf32, #tpu.memory_space<hbm>>) target(%dma_start3A_104 : memref<128x64xf32, #tpu.memory_space<vmem>>) offsets(%dma_start3A_107 : memref<128xi32, #tpu.memory_space<vmem>>) semaphore(%arg15 : memref<!tpu.dma_semaphore, #tpu.memory_space<semaphore_mem>>)
    %dma_start3A_111 = arith.constant 2 : i32
    %dma_start3A_112 = arith.constant 256 : i32
    %dma_start3A_113 = arith.constant 0 : i32
    %dma_start3A_114 = tpu.memref_slice %arg9[%dma_start3A_112, %dma_start3A_113] : memref<640x64xf32, #tpu.memory_space<vmem>> -> memref<128x64xf32, #tpu.memory_space<vmem>>
    %dma_start3A_115 = arith.constant 0 : i32
    %dma_start3A_116 = tpu.memref_slice %arg6[%dma_start3A_111, %dma_start3A_115] : memref<5x128xi32, #tpu.memory_space<vmem>> -> memref<1x128xi32, #tpu.memory_space<vmem>>
    %dma_start3A_117 = tpu.memref_squeeze %dma_start3A_116 : memref<1x128xi32, #tpu.memory_space<vmem>> -> memref<128xi32, #tpu.memory_space<vmem>>
    %dma_start3A_118 = arith.constant 0 : i32
    %dma_start3A_119 = arith.constant 0 : i32
    %dma_start3A_120 = tpu.memref_slice %arg3[%dma_start3A_118, %dma_start3A_119] : memref<1000000x64xf32, #tpu.memory_space<hbm>> -> memref<1000000x64xf32, #tpu.memory_space<hbm>>
    tpu.enqueue_indirect_dma source(%dma_start3A_120 : memref<1000000x64xf32, #tpu.memory_space<hbm>>) target(%dma_start3A_114 : memref<128x64xf32, #tpu.memory_space<vmem>>) offsets(%dma_start3A_117 : memref<128xi32, #tpu.memory_space<vmem>>) semaphore(%arg15 : memref<!tpu.dma_semaphore, #tpu.memory_space<semaphore_mem>>)
    %dma_start3A_121 = arith.constant 3 : i32
    %dma_start3A_122 = arith.constant 384 : i32
    %dma_start3A_123 = arith.constant 0 : i32
    %dma_start3A_124 = tpu.memref_slice %arg9[%dma_start3A_122, %dma_start3A_123] : memref<640x64xf32, #tpu.memory_space<vmem>> -> memref<128x64xf32, #tpu.memory_space<vmem>>
    %dma_start3A_125 = arith.constant 0 : i32
    %dma_start3A_126 = tpu.memref_slice %arg6[%dma_start3A_121, %dma_start3A_125] : memref<5x128xi32, #tpu.memory_space<vmem>> -> memref<1x128xi32, #tpu.memory_space<vmem>>
    %dma_start3A_127 = tpu.memref_squeeze %dma_start3A_126 : memref<1x128xi32, #tpu.memory_space<vmem>> -> memref<128xi32, #tpu.memory_space<vmem>>
    %dma_start3A_128 = arith.constant 0 : i32
    %dma_start3A_129 = arith.constant 0 : i32
    %dma_start3A_130 = tpu.memref_slice %arg3[%dma_start3A_128, %dma_start3A_129] : memref<1000000x64xf32, #tpu.memory_space<hbm>> -> memref<1000000x64xf32, #tpu.memory_space<hbm>>
    tpu.enqueue_indirect_dma source(%dma_start3A_130 : memref<1000000x64xf32, #tpu.memory_space<hbm>>) target(%dma_start3A_124 : memref<128x64xf32, #tpu.memory_space<vmem>>) offsets(%dma_start3A_127 : memref<128xi32, #tpu.memory_space<vmem>>) semaphore(%arg15 : memref<!tpu.dma_semaphore, #tpu.memory_space<semaphore_mem>>)
    %dma_start3A_131 = arith.constant 4 : i32
    %dma_start3A_132 = arith.constant 512 : i32
    %dma_start3A_133 = arith.constant 0 : i32
    %dma_start3A_134 = tpu.memref_slice %arg9[%dma_start3A_132, %dma_start3A_133] : memref<640x64xf32, #tpu.memory_space<vmem>> -> memref<128x64xf32, #tpu.memory_space<vmem>>
    %dma_start3A_135 = arith.constant 0 : i32
    %dma_start3A_136 = tpu.memref_slice %arg6[%dma_start3A_131, %dma_start3A_135] : memref<5x128xi32, #tpu.memory_space<vmem>> -> memref<1x128xi32, #tpu.memory_space<vmem>>
    %dma_start3A_137 = tpu.memref_squeeze %dma_start3A_136 : memref<1x128xi32, #tpu.memory_space<vmem>> -> memref<128xi32, #tpu.memory_space<vmem>>
    %dma_start3A_138 = arith.constant 0 : i32
    %dma_start3A_139 = arith.constant 0 : i32
    %dma_start3A_140 = tpu.memref_slice %arg3[%dma_start3A_138, %dma_start3A_139] : memref<1000000x64xf32, #tpu.memory_space<hbm>> -> memref<1000000x64xf32, #tpu.memory_space<hbm>>
    tpu.enqueue_indirect_dma source(%dma_start3A_140 : memref<1000000x64xf32, #tpu.memory_space<hbm>>) target(%dma_start3A_134 : memref<128x64xf32, #tpu.memory_space<vmem>>) offsets(%dma_start3A_137 : memref<128xi32, #tpu.memory_space<vmem>>) semaphore(%arg15 : memref<!tpu.dma_semaphore, #tpu.memory_space<semaphore_mem>>)
    %scan3A = arith.constant 0 : i32
    %scan3A_141 = arith.constant 34 : i32
    %scan3A_142 = arith.addi %scan3A, %scan3A_141 : i32
    %scan3A_143 = arith.constant 1 : i32
    scf.for %scan3A_244 = %scan3A to %scan3A_142 step %scan3A_143  : i32 {
      %mul3A_245 = arith.constant 1 : i32
      %mul3A_246 = arith.muli %scan3A_244, %mul3A_245 : i32
      %add3A_247 = arith.constant 0 : i32
      %add3A_248 = arith.addi %add3A_247, %mul3A_246 : i32
      %mul3A_249 = arith.constant 3 : i32
      %mul3A_250 = arith.muli %mul3A_249, %add3A_248 : i32
      %add3A_251 = arith.constant 0 : i32
      %add3A_252 = arith.addi %mul3A_250, %add3A_251 : i32
      %dma_wait3A_253 = arith.constant 0 : i32
      %dma_wait3A_254 = arith.constant 0 : i32
      %dma_wait3A_255 = tpu.memref_slice %arg3[%dma_wait3A_253, %dma_wait3A_254] : memref<1000000x64xf32, #tpu.memory_space<hbm>> -> memref<640x64xf32, #tpu.memory_space<hbm>>
      %dma_wait3A_256 = arith.constant 0 : i32
      %dma_wait3A_257 = arith.constant 0 : i32
      %dma_wait3A_258 = tpu.memref_slice %arg3[%dma_wait3A_256, %dma_wait3A_257] : memref<1000000x64xf32, #tpu.memory_space<hbm>> -> memref<640x64xf32, #tpu.memory_space<hbm>>
      tpu.wait_dma2 semaphore(%arg14 : memref<!tpu.dma_semaphore, #tpu.memory_space<semaphore_mem>>) src(%dma_wait3A_258 : memref<640x64xf32, #tpu.memory_space<hbm>>) dst(%arg8 : memref<640x64xf32, #tpu.memory_space<vmem>>)
      %dma_wait3A_259 = arith.constant 0 : i32
      %dma_wait3A_260 = arith.constant 0 : i32
      %dma_wait3A_261 = tpu.memref_slice %arg2[%dma_wait3A_259, %dma_wait3A_260] : memref<16640x128xi32, #tpu.memory_space<hbm>> -> memref<5x128xi32, #tpu.memory_space<hbm>>
      %dma_wait3A_262 = arith.constant 0 : i32
      %dma_wait3A_263 = arith.constant 0 : i32
      %dma_wait3A_264 = tpu.memref_slice %arg2[%dma_wait3A_262, %dma_wait3A_263] : memref<16640x128xi32, #tpu.memory_space<hbm>> -> memref<5x128xi32, #tpu.memory_space<hbm>>
      tpu.wait_dma2 semaphore(%arg19 : memref<!tpu.dma_semaphore, #tpu.memory_space<semaphore_mem>>) src(%dma_wait3A_264 : memref<5x128xi32, #tpu.memory_space<hbm>>) dst(%arg7 : memref<5x128xi32, #tpu.memory_space<vmem>>)
      %dma_start3A_265 = arith.constant 0 : i32
      %dma_start3A_266 = arith.constant 0 : i32
      %dma_start3A_267 = arith.constant 0 : i32
      %dma_start3A_268 = tpu.memref_slice %arg10[%dma_start3A_266, %dma_start3A_267] : memref<640x64xf32, #tpu.memory_space<vmem>> -> memref<128x64xf32, #tpu.memory_space<vmem>>
      %dma_start3A_269 = arith.constant 0 : i32
      %dma_start3A_270 = tpu.memref_slice %arg7[%dma_start3A_265, %dma_start3A_269] : memref<5x128xi32, #tpu.memory_space<vmem>> -> memref<1x128xi32, #tpu.memory_space<vmem>>
      %dma_start3A_271 = tpu.memref_squeeze %dma_start3A_270 : memref<1x128xi32, #tpu.memory_space<vmem>> -> memref<128xi32, #tpu.memory_space<vmem>>
      %dma_start3A_272 = arith.constant 0 : i32
      %dma_start3A_273 = arith.constant 0 : i32
      %dma_start3A_274 = tpu.memref_slice %arg3[%dma_start3A_272, %dma_start3A_273] : memref<1000000x64xf32, #tpu.memory_space<hbm>> -> memref<1000000x64xf32, #tpu.memory_space<hbm>>
      tpu.enqueue_indirect_dma source(%dma_start3A_274 : memref<1000000x64xf32, #tpu.memory_space<hbm>>) target(%dma_start3A_268 : memref<128x64xf32, #tpu.memory_space<vmem>>) offsets(%dma_start3A_271 : memref<128xi32, #tpu.memory_space<vmem>>) semaphore(%arg16 : memref<!tpu.dma_semaphore, #tpu.memory_space<semaphore_mem>>)
      %dma_start3A_275 = arith.constant 1 : i32
      %dma_start3A_276 = arith.constant 128 : i32
      %dma_start3A_277 = arith.constant 0 : i32
      %dma_start3A_278 = tpu.memref_slice %arg10[%dma_start3A_276, %dma_start3A_277] : memref<640x64xf32, #tpu.memory_space<vmem>> -> memref<128x64xf32, #tpu.memory_space<vmem>>
      %dma_start3A_279 = arith.constant 0 : i32
      %dma_start3A_280 = tpu.memref_slice %arg7[%dma_start3A_275, %dma_start3A_279] : memref<5x128xi32, #tpu.memory_space<vmem>> -> memref<1x128xi32, #tpu.memory_space<vmem>>
      %dma_start3A_281 = tpu.memref_squeeze %dma_start3A_280 : memref<1x128xi32, #tpu.memory_space<vmem>> -> memref<128xi32, #tpu.memory_space<vmem>>
      %dma_start3A_282 = arith.constant 0 : i32
      %dma_start3A_283 = arith.constant 0 : i32
      %dma_start3A_284 = tpu.memref_slice %arg3[%dma_start3A_282, %dma_start3A_283] : memref<1000000x64xf32, #tpu.memory_space<hbm>> -> memref<1000000x64xf32, #tpu.memory_space<hbm>>
      tpu.enqueue_indirect_dma source(%dma_start3A_284 : memref<1000000x64xf32, #tpu.memory_space<hbm>>) target(%dma_start3A_278 : memref<128x64xf32, #tpu.memory_space<vmem>>) offsets(%dma_start3A_281 : memref<128xi32, #tpu.memory_space<vmem>>) semaphore(%arg16 : memref<!tpu.dma_semaphore, #tpu.memory_space<semaphore_mem>>)
      %dma_start3A_285 = arith.constant 2 : i32
      %dma_start3A_286 = arith.constant 256 : i32
      %dma_start3A_287 = arith.constant 0 : i32
      %dma_start3A_288 = tpu.memref_slice %arg10[%dma_start3A_286, %dma_start3A_287] : memref<640x64xf32, #tpu.memory_space<vmem>> -> memref<128x64xf32, #tpu.memory_space<vmem>>
      %dma_start3A_289 = arith.constant 0 : i32
      %dma_start3A_290 = tpu.memref_slice %arg7[%dma_start3A_285, %dma_start3A_289] : memref<5x128xi32, #tpu.memory_space<vmem>> -> memref<1x128xi32, #tpu.memory_space<vmem>>
      %dma_start3A_291 = tpu.memref_squeeze %dma_start3A_290 : memref<1x128xi32, #tpu.memory_space<vmem>> -> memref<128xi32, #tpu.memory_space<vmem>>
      %dma_start3A_292 = arith.constant 0 : i32
      %dma_start3A_293 = arith.constant 0 : i32
      %dma_start3A_294 = tpu.memref_slice %arg3[%dma_start3A_292, %dma_start3A_293] : memref<1000000x64xf32, #tpu.memory_space<hbm>> -> memref<1000000x64xf32, #tpu.memory_space<hbm>>
      tpu.enqueue_indirect_dma source(%dma_start3A_294 : memref<1000000x64xf32, #tpu.memory_space<hbm>>) target(%dma_start3A_288 : memref<128x64xf32, #tpu.memory_space<vmem>>) offsets(%dma_start3A_291 : memref<128xi32, #tpu.memory_space<vmem>>) semaphore(%arg16 : memref<!tpu.dma_semaphore, #tpu.memory_space<semaphore_mem>>)
      %dma_start3A_295 = arith.constant 3 : i32
      %dma_start3A_296 = arith.constant 384 : i32
      %dma_start3A_297 = arith.constant 0 : i32
      %dma_start3A_298 = tpu.memref_slice %arg10[%dma_start3A_296, %dma_start3A_297] : memref<640x64xf32, #tpu.memory_space<vmem>> -> memref<128x64xf32, #tpu.memory_space<vmem>>
      %dma_start3A_299 = arith.constant 0 : i32
      %dma_start3A_300 = tpu.memref_slice %arg7[%dma_start3A_295, %dma_start3A_299] : memref<5x128xi32, #tpu.memory_space<vmem>> -> memref<1x128xi32, #tpu.memory_space<vmem>>
      %dma_start3A_301 = tpu.memref_squeeze %dma_start3A_300 : memref<1x128xi32, #tpu.memory_space<vmem>> -> memref<128xi32, #tpu.memory_space<vmem>>
      %dma_start3A_302 = arith.constant 0 : i32
      %dma_start3A_303 = arith.constant 0 : i32
      %dma_start3A_304 = tpu.memref_slice %arg3[%dma_start3A_302, %dma_start3A_303] : memref<1000000x64xf32, #tpu.memory_space<hbm>> -> memref<1000000x64xf32, #tpu.memory_space<hbm>>
      tpu.enqueue_indirect_dma source(%dma_start3A_304 : memref<1000000x64xf32, #tpu.memory_space<hbm>>) target(%dma_start3A_298 : memref<128x64xf32, #tpu.memory_space<vmem>>) offsets(%dma_start3A_301 : memref<128xi32, #tpu.memory_space<vmem>>) semaphore(%arg16 : memref<!tpu.dma_semaphore, #tpu.memory_space<semaphore_mem>>)
      %dma_start3A_305 = arith.constant 4 : i32
      %dma_start3A_306 = arith.constant 512 : i32
      %dma_start3A_307 = arith.constant 0 : i32
      %dma_start3A_308 = tpu.memref_slice %arg10[%dma_start3A_306, %dma_start3A_307] : memref<640x64xf32, #tpu.memory_space<vmem>> -> memref<128x64xf32, #tpu.memory_space<vmem>>
      %dma_start3A_309 = arith.constant 0 : i32
      %dma_start3A_310 = tpu.memref_slice %arg7[%dma_start3A_305, %dma_start3A_309] : memref<5x128xi32, #tpu.memory_space<vmem>> -> memref<1x128xi32, #tpu.memory_space<vmem>>
      %dma_start3A_311 = tpu.memref_squeeze %dma_start3A_310 : memref<1x128xi32, #tpu.memory_space<vmem>> -> memref<128xi32, #tpu.memory_space<vmem>>
      %dma_start3A_312 = arith.constant 0 : i32
      %dma_start3A_313 = arith.constant 0 : i32
      %dma_start3A_314 = tpu.memref_slice %arg3[%dma_start3A_312, %dma_start3A_313] : memref<1000000x64xf32, #tpu.memory_space<hbm>> -> memref<1000000x64xf32, #tpu.memory_space<hbm>>
      tpu.enqueue_indirect_dma source(%dma_start3A_314 : memref<1000000x64xf32, #tpu.memory_space<hbm>>) target(%dma_start3A_308 : memref<128x64xf32, #tpu.memory_space<vmem>>) offsets(%dma_start3A_311 : memref<128xi32, #tpu.memory_space<vmem>>) semaphore(%arg16 : memref<!tpu.dma_semaphore, #tpu.memory_space<semaphore_mem>>)
      %add3A_315 = arith.constant 3 : i32
      %add3A_316 = arith.addi %add3A_252, %add3A_315 : i32
      %min3A = arith.constant 103 : i32
      %min3A_317 = arith.minsi %add3A_316, %min3A : i32
      %jit3A = arith.constant 4 : i32
      %div3A = arith.divsi %min3A_317, %jit3A : i32
      %sign3A = arith.constant 0 : i32
      %sign3A_318 = arith.cmpi sgt, %min3A_317, %sign3A : i32
      %sign3A_319 = arith.extui %sign3A_318 : i1 to i32
      %sign3A_320 = arith.constant 0 : i32
      %sign3A_321 = arith.cmpi slt, %min3A_317, %sign3A_320 : i32
      %sign3A_322 = arith.extui %sign3A_321 : i1 to i32
      %sign3A_323 = arith.subi %sign3A_319, %sign3A_322 : i32
      %sign3A_324 = arith.constant 0 : i32
      %sign3A_325 = arith.cmpi sgt, %jit3A, %sign3A_324 : i32
      %sign3A_326 = arith.extui %sign3A_325 : i1 to i32
      %sign3A_327 = arith.constant 0 : i32
      %sign3A_328 = arith.cmpi slt, %jit3A, %sign3A_327 : i32
      %sign3A_329 = arith.extui %sign3A_328 : i1 to i32
      %sign3A_330 = arith.subi %sign3A_326, %sign3A_329 : i32
      %ne3A = arith.cmpi ne, %sign3A_323, %sign3A_330 : i32
      %rem3A = arith.remsi %min3A_317, %jit3A : i32
      %ne3A_331 = arith.constant 0 : i32
      %ne3A_332 = arith.cmpi ne, %rem3A, %ne3A_331 : i32
      %and3A = arith.andi %ne3A, %ne3A_332 : i1
      %sub3A = arith.constant 1 : i32
      %sub3A_333 = arith.subi %div3A, %sub3A : i32
      %select_n3A = arith.select %and3A, %sub3A_333, %div3A : i32
      %mul3A_334 = arith.constant 640 : i32
      %mul3A_335 = arith.muli %select_n3A, %mul3A_334 : i32
      %mul3A_336 = arith.constant 20 : i32
      %mul3A_337 = arith.muli %add3A, %mul3A_336 : i32
      %add3A_338 = arith.addi %mul3A_335, %mul3A_337 : i32
      %jit3A_339 = arith.constant 4 : i32
      %eq3A = arith.constant 0 : i32
      %eq3A_340 = arith.cmpi eq, %jit3A_339, %eq3A : i32
      %jit3A_341 = arith.constant 1 : i32
      %select_n3A_342 = arith.select %eq3A_340, %jit3A_341, %jit3A_339 : i32
      %rem3A_343 = arith.remsi %min3A_317, %select_n3A_342 : i32
      %ne3A_344 = arith.constant 0 : i32
      %ne3A_345 = arith.cmpi ne, %rem3A_343, %ne3A_344 : i32
      %lt3A = arith.constant 0 : i32
      %lt3A_346 = arith.cmpi slt, %rem3A_343, %lt3A : i32
      %lt3A_347 = arith.constant 0 : i32
      %lt3A_348 = arith.cmpi slt, %select_n3A_342, %lt3A_347 : i32
      %ne3A_349 = arith.xori %lt3A_346, %lt3A_348 : i1
      %and3A_350 = arith.andi %ne3A_349, %ne3A_345 : i1
      %add3A_351 = arith.addi %rem3A_343, %select_n3A_342 : i32
      %select_n3A_352 = arith.select %and3A_350, %add3A_351, %rem3A_343 : i32
      %mul3A_353 = arith.constant 5 : i32
      %mul3A_354 = arith.muli %select_n3A_352, %mul3A_353 : i32
      %add3A_355 = arith.addi %add3A_338, %mul3A_354 : i32
      %dma_start3A_356 = arith.constant 0 : i32
      %dma_start3A_357 = tpu.memref_slice %arg2[%add3A_355, %dma_start3A_356] : memref<16640x128xi32, #tpu.memory_space<hbm>> -> memref<5x128xi32, #tpu.memory_space<hbm>>
      %dma_start3A_358 = arith.constant 0 : i32
      %dma_start3A_359 = tpu.memref_slice %arg2[%add3A_355, %dma_start3A_358] : memref<16640x128xi32, #tpu.memory_space<hbm>> -> memref<5x128xi32, #tpu.memory_space<hbm>>
      tpu.enqueue_dma source(%dma_start3A_359 : memref<5x128xi32, #tpu.memory_space<hbm>>) target(%arg5 : memref<5x128xi32, #tpu.memory_space<vmem>>) target_semaphore(%arg17 : memref<!tpu.dma_semaphore, #tpu.memory_space<semaphore_mem>>)
      %gt3A = arith.constant 0 : i32
      %gt3A_360 = arith.cmpi sgt, %add3A_248, %gt3A : i32
      %convert_element_type3A = arith.extui %gt3A_360 : i1 to i32
      %cond3A = arith.constant 0 : i32
      %cond3A_361 = arith.cmpi ne, %convert_element_type3A, %cond3A : i32
      scf.if %cond3A_361 {
        %mul3A_904 = arith.constant 128 : i32
        %mul3A_905 = arith.muli %add3A, %mul3A_904 : i32
        %add3A_906 = arith.constant 0 : i32
        %add3A_907 = arith.addi %mul3A_905, %add3A_906 : i32
        %dma_wait3A_908 = arith.constant 0 : i32
        %dma_wait3A_909 = arith.constant 0 : i32
        %dma_wait3A_910 = tpu.memref_slice %arg4[%dma_wait3A_908, %add3A_907, %dma_wait3A_909] : memref<13x4096x128xf32, #tpu.memory_space<hbm>> -> memref<1x32x64xf32, #tpu.memory_space<hbm>>
        %dma_wait3A_911 = tpu.memref_squeeze %dma_wait3A_910 : memref<1x32x64xf32, #tpu.memory_space<hbm>> -> memref<32x64xf32, #tpu.memory_space<hbm>>
        %dma_wait3A_912 = arith.constant 0 : i32
        %dma_wait3A_913 = tpu.memref_slice %arg4[%dma_wait3A_908, %add3A_907, %dma_wait3A_912] : memref<13x4096x128xf32, #tpu.memory_space<hbm>> -> memref<1x32x64xf32, #tpu.memory_space<hbm>>
        %dma_wait3A_914 = tpu.memref_squeeze %dma_wait3A_913 : memref<1x32x64xf32, #tpu.memory_space<hbm>> -> memref<32x64xf32, #tpu.memory_space<hbm>>
        tpu.wait_dma2 semaphore(%arg20 : memref<!tpu.dma_semaphore, #tpu.memory_space<semaphore_mem>>) src(%arg11 : memref<32x64xf32, #tpu.memory_space<vmem>>) dst(%dma_wait3A_914 : memref<32x64xf32, #tpu.memory_space<hbm>>)
      } else {
      }
      %scan3A_362 = arith.constant 0 : i32
      %scan3A_363 = arith.constant 32 : i32
      %scan3A_364 = arith.addi %scan3A_362, %scan3A_363 : i32
      %scan3A_365 = arith.constant 1 : i32
      scf.for %scan3A_904 = %scan3A_362 to %scan3A_364 step %scan3A_365  : i32 {
        %mul3A_905 = arith.constant 1 : i32
        %mul3A_906 = arith.muli %scan3A_904, %mul3A_905 : i32
        %add3A_907 = arith.constant 0 : i32
        %add3A_908 = arith.addi %add3A_907, %mul3A_906 : i32
        %mul3A_909 = arith.constant 20 : i32
        %mul3A_910 = arith.muli %add3A_908, %mul3A_909 : i32
        %add3A_911 = arith.constant 0 : i32
        %add3A_912 = arith.addi %mul3A_910, %add3A_911 : i32
        %get3A = arith.index_cast %add3A_912 : i32 to index
        %get3A_913 = arith.constant 0 : index
        %get3A_914 = tpu.vector_load %arg8[%get3A, %get3A_913] {strides = array<i32>} : memref<640x64xf32, #tpu.memory_space<vmem>>, vector<1x16xf32>,
        %get3A_915 = vector.shape_cast %get3A_914 : vector<1x16xf32> to vector<16xf32>
        %add3A_916 = arith.constant 1 : i32
        %add3A_917 = arith.addi %mul3A_910, %add3A_916 : i32
        %get3A_918 = arith.index_cast %add3A_917 : i32 to index
        %get3A_919 = arith.constant 0 : index
        %get3A_920 = tpu.vector_load %arg8[%get3A_918, %get3A_919] {strides = array<i32>} : memref<640x64xf32, #tpu.memory_space<vmem>>, vector<1x16xf32>,
        %get3A_921 = vector.shape_cast %get3A_920 : vector<1x16xf32> to vector<16xf32>
        %add3A_922 = arith.constant 2 : i32
        %add3A_923 = arith.addi %mul3A_910, %add3A_922 : i32
        %get3A_924 = arith.index_cast %add3A_923 : i32 to index
        %get3A_925 = arith.constant 0 : index
        %get3A_926 = tpu.vector_load %arg8[%get3A_924, %get3A_925] {strides = array<i32>} : memref<640x64xf32, #tpu.memory_space<vmem>>, vector<1x16xf32>,
        %get3A_927 = vector.shape_cast %get3A_926 : vector<1x16xf32> to vector<16xf32>
        %add3A_928 = arith.constant 3 : i32
        %add3A_929 = arith.addi %mul3A_910, %add3A_928 : i32
        %get3A_930 = arith.index_cast %add3A_929 : i32 to index
        %get3A_931 = arith.constant 0 : index
        %get3A_932 = tpu.vector_load %arg8[%get3A_930, %get3A_931] {strides = array<i32>} : memref<640x64xf32, #tpu.memory_space<vmem>>, vector<1x16xf32>,
        %get3A_933 = vector.shape_cast %get3A_932 : vector<1x16xf32> to vector<16xf32>
        %add3A_934 = arith.constant 4 : i32
        %add3A_935 = arith.addi %mul3A_910, %add3A_934 : i32
        %get3A_936 = arith.index_cast %add3A_935 : i32 to index
        %get3A_937 = arith.constant 0 : index
        %get3A_938 = tpu.vector_load %arg8[%get3A_936, %get3A_937] {strides = array<i32>} : memref<640x64xf32, #tpu.memory_space<vmem>>, vector<1x16xf32>,
        %get3A_939 = vector.shape_cast %get3A_938 : vector<1x16xf32> to vector<16xf32>
        %add3A_940 = arith.constant 5 : i32
        %add3A_941 = arith.addi %mul3A_910, %add3A_940 : i32
        %get3A_942 = arith.index_cast %add3A_941 : i32 to index
        %get3A_943 = arith.constant 0 : index
        %get3A_944 = tpu.vector_load %arg8[%get3A_942, %get3A_943] {strides = array<i32>} : memref<640x64xf32, #tpu.memory_space<vmem>>, vector<1x16xf32>,
        %get3A_945 = vector.shape_cast %get3A_944 : vector<1x16xf32> to vector<16xf32>
        %add3A_946 = arith.constant 6 : i32
        %add3A_947 = arith.addi %mul3A_910, %add3A_946 : i32
        %get3A_948 = arith.index_cast %add3A_947 : i32 to index
        %get3A_949 = arith.constant 0 : index
        %get3A_950 = tpu.vector_load %arg8[%get3A_948, %get3A_949] {strides = array<i32>} : memref<640x64xf32, #tpu.memory_space<vmem>>, vector<1x16xf32>,
        %get3A_951 = vector.shape_cast %get3A_950 : vector<1x16xf32> to vector<16xf32>
        %add3A_952 = arith.constant 7 : i32
        %add3A_953 = arith.addi %mul3A_910, %add3A_952 : i32
        %get3A_954 = arith.index_cast %add3A_953 : i32 to index
        %get3A_955 = arith.constant 0 : index
        %get3A_956 = tpu.vector_load %arg8[%get3A_954, %get3A_955] {strides = array<i32>} : memref<640x64xf32, #tpu.memory_space<vmem>>, vector<1x16xf32>,
        %get3A_957 = vector.shape_cast %get3A_956 : vector<1x16xf32> to vector<16xf32>
        %add3A_958 = arith.constant 8 : i32
        %add3A_959 = arith.addi %mul3A_910, %add3A_958 : i32
        %get3A_960 = arith.index_cast %add3A_959 : i32 to index
        %get3A_961 = arith.constant 0 : index
        %get3A_962 = tpu.vector_load %arg8[%get3A_960, %get3A_961] {strides = array<i32>} : memref<640x64xf32, #tpu.memory_space<vmem>>, vector<1x16xf32>,
        %get3A_963 = vector.shape_cast %get3A_962 : vector<1x16xf32> to vector<16xf32>
        %add3A_964 = arith.constant 9 : i32
        %add3A_965 = arith.addi %mul3A_910, %add3A_964 : i32
        %get3A_966 = arith.index_cast %add3A_965 : i32 to index
        %get3A_967 = arith.constant 0 : index
        %get3A_968 = tpu.vector_load %arg8[%get3A_966, %get3A_967] {strides = array<i32>} : memref<640x64xf32, #tpu.memory_space<vmem>>, vector<1x16xf32>,
        %get3A_969 = vector.shape_cast %get3A_968 : vector<1x16xf32> to vector<16xf32>
        %add3A_970 = arith.constant 10 : i32
        %add3A_971 = arith.addi %mul3A_910, %add3A_970 : i32
        %get3A_972 = arith.index_cast %add3A_971 : i32 to index
        %get3A_973 = arith.constant 0 : index
        %get3A_974 = tpu.vector_load %arg8[%get3A_972, %get3A_973] {strides = array<i32>} : memref<640x64xf32, #tpu.memory_space<vmem>>, vector<1x16xf32>,
        %get3A_975 = vector.shape_cast %get3A_974 : vector<1x16xf32> to vector<16xf32>
        %add3A_976 = arith.constant 11 : i32
        %add3A_977 = arith.addi %mul3A_910, %add3A_976 : i32
        %get3A_978 = arith.index_cast %add3A_977 : i32 to index
        %get3A_979 = arith.constant 0 : index
        %get3A_980 = tpu.vector_load %arg8[%get3A_978, %get3A_979] {strides = array<i32>} : memref<640x64xf32, #tpu.memory_space<vmem>>, vector<1x16xf32>,
        %get3A_981 = vector.shape_cast %get3A_980 : vector<1x16xf32> to vector<16xf32>
        %add3A_982 = arith.constant 12 : i32
        %add3A_983 = arith.addi %mul3A_910, %add3A_982 : i32
        %get3A_984 = arith.index_cast %add3A_983 : i32 to index
        %get3A_985 = arith.constant 0 : index
        %get3A_986 = tpu.vector_load %arg8[%get3A_984, %get3A_985] {strides = array<i32>} : memref<640x64xf32, #tpu.memory_space<vmem>>, vector<1x16xf32>,
        %get3A_987 = vector.shape_cast %get3A_986 : vector<1x16xf32> to vector<16xf32>
        %add3A_988 = arith.constant 13 : i32
        %add3A_989 = arith.addi %mul3A_910, %add3A_988 : i32
        %get3A_990 = arith.index_cast %add3A_989 : i32 to index
        %get3A_991 = arith.constant 0 : index
        %get3A_992 = tpu.vector_load %arg8[%get3A_990, %get3A_991] {strides = array<i32>} : memref<640x64xf32, #tpu.memory_space<vmem>>, vector<1x16xf32>,
        %get3A_993 = vector.shape_cast %get3A_992 : vector<1x16xf32> to vector<16xf32>
        %add3A_994 = arith.constant 14 : i32
        %add3A_995 = arith.addi %mul3A_910, %add3A_994 : i32
        %get3A_996 = arith.index_cast %add3A_995 : i32 to index
        %get3A_997 = arith.constant 0 : index
        %get3A_998 = tpu.vector_load %arg8[%get3A_996, %get3A_997] {strides = array<i32>} : memref<640x64xf32, #tpu.memory_space<vmem>>, vector<1x16xf32>,
        %get3A_999 = vector.shape_cast %get3A_998 : vector<1x16xf32> to vector<16xf32>
        %add3A_1000 = arith.constant 15 : i32
        %add3A_1001 = arith.addi %mul3A_910, %add3A_1000 : i32
        %get3A_1002 = arith.index_cast %add3A_1001 : i32 to index
        %get3A_1003 = arith.constant 0 : index
        %get3A_1004 = tpu.vector_load %arg8[%get3A_1002, %get3A_1003] {strides = array<i32>} : memref<640x64xf32, #tpu.memory_space<vmem>>, vector<1x16xf32>,
        %get3A_1005 = vector.shape_cast %get3A_1004 : vector<1x16xf32> to vector<16xf32>
        %add3A_1006 = arith.constant 16 : i32
        %add3A_1007 = arith.addi %mul3A_910, %add3A_1006 : i32
        %get3A_1008 = arith.index_cast %add3A_1007 : i32 to index
        %get3A_1009 = arith.constant 0 : index
        %get3A_1010 = tpu.vector_load %arg8[%get3A_1008, %get3A_1009] {strides = array<i32>} : memref<640x64xf32, #tpu.memory_space<vmem>>, vector<1x16xf32>,
        %get3A_1011 = vector.shape_cast %get3A_1010 : vector<1x16xf32> to vector<16xf32>
        %add3A_1012 = arith.constant 17 : i32
        %add3A_1013 = arith.addi %mul3A_910, %add3A_1012 : i32
        %get3A_1014 = arith.index_cast %add3A_1013 : i32 to index
        %get3A_1015 = arith.constant 0 : index
        %get3A_1016 = tpu.vector_load %arg8[%get3A_1014, %get3A_1015] {strides = array<i32>} : memref<640x64xf32, #tpu.memory_space<vmem>>, vector<1x16xf32>,
        %get3A_1017 = vector.shape_cast %get3A_1016 : vector<1x16xf32> to vector<16xf32>
        %add3A_1018 = arith.constant 18 : i32
        %add3A_1019 = arith.addi %mul3A_910, %add3A_1018 : i32
        %get3A_1020 = arith.index_cast %add3A_1019 : i32 to index
        %get3A_1021 = arith.constant 0 : index
        %get3A_1022 = tpu.vector_load %arg8[%get3A_1020, %get3A_1021] {strides = array<i32>} : memref<640x64xf32, #tpu.memory_space<vmem>>, vector<1x16xf32>,
        %get3A_1023 = vector.shape_cast %get3A_1022 : vector<1x16xf32> to vector<16xf32>
        %add3A_1024 = arith.constant 19 : i32
        %add3A_1025 = arith.addi %mul3A_910, %add3A_1024 : i32
        %get3A_1026 = arith.index_cast %add3A_1025 : i32 to index
        %get3A_1027 = arith.constant 0 : index
        %get3A_1028 = tpu.vector_load %arg8[%get3A_1026, %get3A_1027] {strides = array<i32>} : memref<640x64xf32, #tpu.memory_space<vmem>>, vector<1x16xf32>,
        %get3A_1029 = vector.shape_cast %get3A_1028 : vector<1x16xf32> to vector<16xf32>
        %add3A_1030 = arith.addf %get3A_915, %get3A_921 : vector<16xf32>
        %add3A_1031 = arith.addf %get3A_927, %get3A_933 : vector<16xf32>
        %add3A_1032 = arith.addf %get3A_939, %get3A_945 : vector<16xf32>
        %add3A_1033 = arith.addf %get3A_951, %get3A_957 : vector<16xf32>
        %add3A_1034 = arith.addf %get3A_963, %get3A_969 : vector<16xf32>
        %add3A_1035 = arith.addf %get3A_975, %get3A_981 : vector<16xf32>
        %add3A_1036 = arith.addf %get3A_987, %get3A_993 : vector<16xf32>
        %add3A_1037 = arith.addf %get3A_999, %get3A_1005 : vector<16xf32>
        %add3A_1038 = arith.addf %get3A_1011, %get3A_1017 : vector<16xf32>
        %add3A_1039 = arith.addf %get3A_1023, %get3A_1029 : vector<16xf32>
        %add3A_1040 = arith.addf %add3A_1030, %add3A_1031 : vector<16xf32>
        %add3A_1041 = arith.addf %add3A_1032, %add3A_1033 : vector<16xf32>
        %add3A_1042 = arith.addf %add3A_1034, %add3A_1035 : vector<16xf32>
        %add3A_1043 = arith.addf %add3A_1036, %add3A_1037 : vector<16xf32>
        %add3A_1044 = arith.addf %add3A_1038, %add3A_1039 : vector<16xf32>
        %add3A_1045 = arith.addf %add3A_1040, %add3A_1041 : vector<16xf32>
        %add3A_1046 = arith.addf %add3A_1042, %add3A_1043 : vector<16xf32>
        %add3A_1047 = arith.addf %add3A_1045, %add3A_1046 : vector<16xf32>
        %add3A_1048 = arith.addf %add3A_1047, %add3A_1044 : vector<16xf32>
        %swap3A = arith.index_cast %add3A_908 : i32 to index
        %swap3A_1049 = arith.constant 0 : index
        %swap3A_1050 = tpu.vector_load %arg11[%swap3A, %swap3A_1049] {strides = array<i32>} : memref<32x64xf32, #tpu.memory_space<vmem>>, vector<1x16xf32>,
        %swap3A_1051 = vector.shape_cast %swap3A_1050 : vector<1x16xf32> to vector<16xf32>
        %swap3A_1052 = vector.shape_cast %add3A_1048 : vector<16xf32> to vector<1x16xf32>
        tpu.vector_store %arg11[%swap3A, %swap3A_1049], %swap3A_1052 {strides = array<i32>} : memref<32x64xf32, #tpu.memory_space<vmem>>, vector<1x16xf32>,
        %add3A_1053 = arith.constant 0 : i32
        %add3A_1054 = arith.addi %mul3A_910, %add3A_1053 : i32
        %get3A_1055 = arith.index_cast %add3A_1054 : i32 to index
        %get3A_1056 = arith.constant 16 : index
        %get3A_1057 = tpu.vector_load %arg8[%get3A_1055, %get3A_1056] {strides = array<i32>} : memref<640x64xf32, #tpu.memory_space<vmem>>, vector<1x16xf32>,
        %get3A_1058 = vector.shape_cast %get3A_1057 : vector<1x16xf32> to vector<16xf32>
        %add3A_1059 = arith.constant 1 : i32
        %add3A_1060 = arith.addi %mul3A_910, %add3A_1059 : i32
        %get3A_1061 = arith.index_cast %add3A_1060 : i32 to index
        %get3A_1062 = arith.constant 16 : index
        %get3A_1063 = tpu.vector_load %arg8[%get3A_1061, %get3A_1062] {strides = array<i32>} : memref<640x64xf32, #tpu.memory_space<vmem>>, vector<1x16xf32>,
        %get3A_1064 = vector.shape_cast %get3A_1063 : vector<1x16xf32> to vector<16xf32>
        %add3A_1065 = arith.constant 2 : i32
        %add3A_1066 = arith.addi %mul3A_910, %add3A_1065 : i32
        %get3A_1067 = arith.index_cast %add3A_1066 : i32 to index
        %get3A_1068 = arith.constant 16 : index
        %get3A_1069 = tpu.vector_load %arg8[%get3A_1067, %get3A_1068] {strides = array<i32>} : memref<640x64xf32, #tpu.memory_space<vmem>>, vector<1x16xf32>,
        %get3A_1070 = vector.shape_cast %get3A_1069 : vector<1x16xf32> to vector<16xf32>
        %add3A_1071 = arith.constant 3 : i32
        %add3A_1072 = arith.addi %mul3A_910, %add3A_1071 : i32
        %get3A_1073 = arith.index_cast %add3A_1072 : i32 to index
        %get3A_1074 = arith.constant 16 : index
        %get3A_1075 = tpu.vector_load %arg8[%get3A_1073, %get3A_1074] {strides = array<i32>} : memref<640x64xf32, #tpu.memory_space<vmem>>, vector<1x16xf32>,
        %get3A_1076 = vector.shape_cast %get3A_1075 : vector<1x16xf32> to vector<16xf32>
        %add3A_1077 = arith.constant 4 : i32
        %add3A_1078 = arith.addi %mul3A_910, %add3A_1077 : i32
        %get3A_1079 = arith.index_cast %add3A_1078 : i32 to index
        %get3A_1080 = arith.constant 16 : index
        %get3A_1081 = tpu.vector_load %arg8[%get3A_1079, %get3A_1080] {strides = array<i32>} : memref<640x64xf32, #tpu.memory_space<vmem>>, vector<1x16xf32>,
        %get3A_1082 = vector.shape_cast %get3A_1081 : vector<1x16xf32> to vector<16xf32>
        %add3A_1083 = arith.constant 5 : i32
        %add3A_1084 = arith.addi %mul3A_910, %add3A_1083 : i32
        %get3A_1085 = arith.index_cast %add3A_1084 : i32 to index
        %get3A_1086 = arith.constant 16 : index
        %get3A_1087 = tpu.vector_load %arg8[%get3A_1085, %get3A_1086] {strides = array<i32>} : memref<640x64xf32, #tpu.memory_space<vmem>>, vector<1x16xf32>,
        %get3A_1088 = vector.shape_cast %get3A_1087 : vector<1x16xf32> to vector<16xf32>
        %add3A_1089 = arith.constant 6 : i32
        %add3A_1090 = arith.addi %mul3A_910, %add3A_1089 : i32
        %get3A_1091 = arith.index_cast %add3A_1090 : i32 to index
        %get3A_1092 = arith.constant 16 : index
        %get3A_1093 = tpu.vector_load %arg8[%get3A_1091, %get3A_1092] {strides = array<i32>} : memref<640x64xf32, #tpu.memory_space<vmem>>, vector<1x16xf32>,
        %get3A_1094 = vector.shape_cast %get3A_1093 : vector<1x16xf32> to vector<16xf32>
        %add3A_1095 = arith.constant 7 : i32
        %add3A_1096 = arith.addi %mul3A_910, %add3A_1095 : i32
        %get3A_1097 = arith.index_cast %add3A_1096 : i32 to index
        %get3A_1098 = arith.constant 16 : index
        %get3A_1099 = tpu.vector_load %arg8[%get3A_1097, %get3A_1098] {strides = array<i32>} : memref<640x64xf32, #tpu.memory_space<vmem>>, vector<1x16xf32>,
        %get3A_1100 = vector.shape_cast %get3A_1099 : vector<1x16xf32> to vector<16xf32>
        %add3A_1101 = arith.constant 8 : i32
        %add3A_1102 = arith.addi %mul3A_910, %add3A_1101 : i32
        %get3A_1103 = arith.index_cast %add3A_1102 : i32 to index
        %get3A_1104 = arith.constant 16 : index
        %get3A_1105 = tpu.vector_load %arg8[%get3A_1103, %get3A_1104] {strides = array<i32>} : memref<640x64xf32, #tpu.memory_space<vmem>>, vector<1x16xf32>,
        %get3A_1106 = vector.shape_cast %get3A_1105 : vector<1x16xf32> to vector<16xf32>
        %add3A_1107 = arith.constant 9 : i32
        %add3A_1108 = arith.addi %mul3A_910, %add3A_1107 : i32
        %get3A_1109 = arith.index_cast %add3A_1108 : i32 to index
        %get3A_1110 = arith.constant 16 : index
        %get3A_1111 = tpu.vector_load %arg8[%get3A_1109, %get3A_1110] {strides = array<i32>} : memref<640x64xf32, #tpu.memory_space<vmem>>, vector<1x16xf32>,
        %get3A_1112 = vector.shape_cast %get3A_1111 : vector<1x16xf32> to vector<16xf32>
        %add3A_1113 = arith.constant 10 : i32
        %add3A_1114 = arith.addi %mul3A_910, %add3A_1113 : i32
        %get3A_1115 = arith.index_cast %add3A_1114 : i32 to index
        %get3A_1116 = arith.constant 16 : index
        %get3A_1117 = tpu.vector_load %arg8[%get3A_1115, %get3A_1116] {strides = array<i32>} : memref<640x64xf32, #tpu.memory_space<vmem>>, vector<1x16xf32>,
        %get3A_1118 = vector.shape_cast %get3A_1117 : vector<1x16xf32> to vector<16xf32>
        %add3A_1119 = arith.constant 11 : i32
        %add3A_1120 = arith.addi %mul3A_910, %add3A_1119 : i32
        %get3A_1121 = arith.index_cast %add3A_1120 : i32 to index
        %get3A_1122 = arith.constant 16 : index
        %get3A_1123 = tpu.vector_load %arg8[%get3A_1121, %get3A_1122] {strides = array<i32>} : memref<640x64xf32, #tpu.memory_space<vmem>>, vector<1x16xf32>,
        %get3A_1124 = vector.shape_cast %get3A_1123 : vector<1x16xf32> to vector<16xf32>
        %add3A_1125 = arith.constant 12 : i32
        %add3A_1126 = arith.addi %mul3A_910, %add3A_1125 : i32
        %get3A_1127 = arith.index_cast %add3A_1126 : i32 to index
        %get3A_1128 = arith.constant 16 : index
        %get3A_1129 = tpu.vector_load %arg8[%get3A_1127, %get3A_1128] {strides = array<i32>} : memref<640x64xf32, #tpu.memory_space<vmem>>, vector<1x16xf32>,
        %get3A_1130 = vector.shape_cast %get3A_1129 : vector<1x16xf32> to vector<16xf32>
        %add3A_1131 = arith.constant 13 : i32
        %add3A_1132 = arith.addi %mul3A_910, %add3A_1131 : i32
        %get3A_1133 = arith.index_cast %add3A_1132 : i32 to index
        %get3A_1134 = arith.constant 16 : index
        %get3A_1135 = tpu.vector_load %arg8[%get3A_1133, %get3A_1134] {strides = array<i32>} : memref<640x64xf32, #tpu.memory_space<vmem>>, vector<1x16xf32>,
        %get3A_1136 = vector.shape_cast %get3A_1135 : vector<1x16xf32> to vector<16xf32>
        %add3A_1137 = arith.constant 14 : i32
        %add3A_1138 = arith.addi %mul3A_910, %add3A_1137 : i32
        %get3A_1139 = arith.index_cast %add3A_1138 : i32 to index
        %get3A_1140 = arith.constant 16 : index
        %get3A_1141 = tpu.vector_load %arg8[%get3A_1139, %get3A_1140] {strides = array<i32>} : memref<640x64xf32, #tpu.memory_space<vmem>>, vector<1x16xf32>,
        %get3A_1142 = vector.shape_cast %get3A_1141 : vector<1x16xf32> to vector<16xf32>
        %add3A_1143 = arith.constant 15 : i32
        %add3A_1144 = arith.addi %mul3A_910, %add3A_1143 : i32
        %get3A_1145 = arith.index_cast %add3A_1144 : i32 to index
        %get3A_1146 = arith.constant 16 : index
        %get3A_1147 = tpu.vector_load %arg8[%get3A_1145, %get3A_1146] {strides = array<i32>} : memref<640x64xf32, #tpu.memory_space<vmem>>, vector<1x16xf32>,
        %get3A_1148 = vector.shape_cast %get3A_1147 : vector<1x16xf32> to vector<16xf32>
        %add3A_1149 = arith.constant 16 : i32
        %add3A_1150 = arith.addi %mul3A_910, %add3A_1149 : i32
        %get3A_1151 = arith.index_cast %add3A_1150 : i32 to index
        %get3A_1152 = arith.constant 16 : index
        %get3A_1153 = tpu.vector_load %arg8[%get3A_1151, %get3A_1152] {strides = array<i32>} : memref<640x64xf32, #tpu.memory_space<vmem>>, vector<1x16xf32>,
        %get3A_1154 = vector.shape_cast %get3A_1153 : vector<1x16xf32> to vector<16xf32>
        %add3A_1155 = arith.constant 17 : i32
        %add3A_1156 = arith.addi %mul3A_910, %add3A_1155 : i32
        %get3A_1157 = arith.index_cast %add3A_1156 : i32 to index
        %get3A_1158 = arith.constant 16 : index
        %get3A_1159 = tpu.vector_load %arg8[%get3A_1157, %get3A_1158] {strides = array<i32>} : memref<640x64xf32, #tpu.memory_space<vmem>>, vector<1x16xf32>,
        %get3A_1160 = vector.shape_cast %get3A_1159 : vector<1x16xf32> to vector<16xf32>
        %add3A_1161 = arith.constant 18 : i32
        %add3A_1162 = arith.addi %mul3A_910, %add3A_1161 : i32
        %get3A_1163 = arith.index_cast %add3A_1162 : i32 to index
        %get3A_1164 = arith.constant 16 : index
        %get3A_1165 = tpu.vector_load %arg8[%get3A_1163, %get3A_1164] {strides = array<i32>} : memref<640x64xf32, #tpu.memory_space<vmem>>, vector<1x16xf32>,
        %get3A_1166 = vector.shape_cast %get3A_1165 : vector<1x16xf32> to vector<16xf32>
        %add3A_1167 = arith.constant 19 : i32
        %add3A_1168 = arith.addi %mul3A_910, %add3A_1167 : i32
        %get3A_1169 = arith.index_cast %add3A_1168 : i32 to index
        %get3A_1170 = arith.constant 16 : index
        %get3A_1171 = tpu.vector_load %arg8[%get3A_1169, %get3A_1170] {strides = array<i32>} : memref<640x64xf32, #tpu.memory_space<vmem>>, vector<1x16xf32>,
        %get3A_1172 = vector.shape_cast %get3A_1171 : vector<1x16xf32> to vector<16xf32>
        %add3A_1173 = arith.addf %get3A_1058, %get3A_1064 : vector<16xf32>
        %add3A_1174 = arith.addf %get3A_1070, %get3A_1076 : vector<16xf32>
        %add3A_1175 = arith.addf %get3A_1082, %get3A_1088 : vector<16xf32>
        %add3A_1176 = arith.addf %get3A_1094, %get3A_1100 : vector<16xf32>
        %add3A_1177 = arith.addf %get3A_1106, %get3A_1112 : vector<16xf32>
        %add3A_1178 = arith.addf %get3A_1118, %get3A_1124 : vector<16xf32>
        %add3A_1179 = arith.addf %get3A_1130, %get3A_1136 : vector<16xf32>
        %add3A_1180 = arith.addf %get3A_1142, %get3A_1148 : vector<16xf32>
        %add3A_1181 = arith.addf %get3A_1154, %get3A_1160 : vector<16xf32>
        %add3A_1182 = arith.addf %get3A_1166, %get3A_1172 : vector<16xf32>
        %add3A_1183 = arith.addf %add3A_1173, %add3A_1174 : vector<16xf32>
        %add3A_1184 = arith.addf %add3A_1175, %add3A_1176 : vector<16xf32>
        %add3A_1185 = arith.addf %add3A_1177, %add3A_1178 : vector<16xf32>
        %add3A_1186 = arith.addf %add3A_1179, %add3A_1180 : vector<16xf32>
        %add3A_1187 = arith.addf %add3A_1181, %add3A_1182 : vector<16xf32>
        %add3A_1188 = arith.addf %add3A_1183, %add3A_1184 : vector<16xf32>
        %add3A_1189 = arith.addf %add3A_1185, %add3A_1186 : vector<16xf32>
        %add3A_1190 = arith.addf %add3A_1188, %add3A_1189 : vector<16xf32>
        %add3A_1191 = arith.addf %add3A_1190, %add3A_1187 : vector<16xf32>
        %swap3A_1192 = arith.index_cast %add3A_908 : i32 to index
        %swap3A_1193 = arith.constant 16 : index
        %swap3A_1194 = tpu.vector_load %arg11[%swap3A_1192, %swap3A_1193] {strides = array<i32>} : memref<32x64xf32, #tpu.memory_space<vmem>>, vector<1x16xf32>,
        %swap3A_1195 = vector.shape_cast %swap3A_1194 : vector<1x16xf32> to vector<16xf32>
        %swap3A_1196 = vector.shape_cast %add3A_1191 : vector<16xf32> to vector<1x16xf32>
        tpu.vector_store %arg11[%swap3A_1192, %swap3A_1193], %swap3A_1196 {strides = array<i32>} : memref<32x64xf32, #tpu.memory_space<vmem>>, vector<1x16xf32>,
        %add3A_1197 = arith.constant 0 : i32
        %add3A_1198 = arith.addi %mul3A_910, %add3A_1197 : i32
        %get3A_1199 = arith.index_cast %add3A_1198 : i32 to index
        %get3A_1200 = arith.constant 32 : index
        %get3A_1201 = tpu.vector_load %arg8[%get3A_1199, %get3A_1200] {strides = array<i32>} : memref<640x64xf32, #tpu.memory_space<vmem>>, vector<1x16xf32>,
        %get3A_1202 = vector.shape_cast %get3A_1201 : vector<1x16xf32> to vector<16xf32>
        %add3A_1203 = arith.constant 1 : i32
        %add3A_1204 = arith.addi %mul3A_910, %add3A_1203 : i32
        %get3A_1205 = arith.index_cast %add3A_1204 : i32 to index
        %get3A_1206 = arith.constant 32 : index
        %get3A_1207 = tpu.vector_load %arg8[%get3A_1205, %get3A_1206] {strides = array<i32>} : memref<640x64xf32, #tpu.memory_space<vmem>>, vector<1x16xf32>,
        %get3A_1208 = vector.shape_cast %get3A_1207 : vector<1x16xf32> to vector<16xf32>
        %add3A_1209 = arith.constant 2 : i32
        %add3A_1210 = arith.addi %mul3A_910, %add3A_1209 : i32
        %get3A_1211 = arith.index_cast %add3A_1210 : i32 to index
        %get3A_1212 = arith.constant 32 : index
        %get3A_1213 = tpu.vector_load %arg8[%get3A_1211, %get3A_1212] {strides = array<i32>} : memref<640x64xf32, #tpu.memory_space<vmem>>, vector<1x16xf32>,
        %get3A_1214 = vector.shape_cast %get3A_1213 : vector<1x16xf32> to vector<16xf32>
        %add3A_1215 = arith.constant 3 : i32
        %add3A_1216 = arith.addi %mul3A_910, %add3A_1215 : i32
        %get3A_1217 = arith.index_cast %add3A_1216 : i32 to index
        %get3A_1218 = arith.constant 32 : index
        %get3A_1219 = tpu.vector_load %arg8[%get3A_1217, %get3A_1218] {strides = array<i32>} : memref<640x64xf32, #tpu.memory_space<vmem>>, vector<1x16xf32>,
        %get3A_1220 = vector.shape_cast %get3A_1219 : vector<1x16xf32> to vector<16xf32>
        %add3A_1221 = arith.constant 4 : i32
        %add3A_1222 = arith.addi %mul3A_910, %add3A_1221 : i32
        %get3A_1223 = arith.index_cast %add3A_1222 : i32 to index
        %get3A_1224 = arith.constant 32 : index
        %get3A_1225 = tpu.vector_load %arg8[%get3A_1223, %get3A_1224] {strides = array<i32>} : memref<640x64xf32, #tpu.memory_space<vmem>>, vector<1x16xf32>,
        %get3A_1226 = vector.shape_cast %get3A_1225 : vector<1x16xf32> to vector<16xf32>
        %add3A_1227 = arith.constant 5 : i32
        %add3A_1228 = arith.addi %mul3A_910, %add3A_1227 : i32
        %get3A_1229 = arith.index_cast %add3A_1228 : i32 to index
        %get3A_1230 = arith.constant 32 : index
        %get3A_1231 = tpu.vector_load %arg8[%get3A_1229, %get3A_1230] {strides = array<i32>} : memref<640x64xf32, #tpu.memory_space<vmem>>, vector<1x16xf32>,
        %get3A_1232 = vector.shape_cast %get3A_1231 : vector<1x16xf32> to vector<16xf32>
        %add3A_1233 = arith.constant 6 : i32
        %add3A_1234 = arith.addi %mul3A_910, %add3A_1233 : i32
        %get3A_1235 = arith.index_cast %add3A_1234 : i32 to index
        %get3A_1236 = arith.constant 32 : index
        %get3A_1237 = tpu.vector_load %arg8[%get3A_1235, %get3A_1236] {strides = array<i32>} : memref<640x64xf32, #tpu.memory_space<vmem>>, vector<1x16xf32>,
        %get3A_1238 = vector.shape_cast %get3A_1237 : vector<1x16xf32> to vector<16xf32>
        %add3A_1239 = arith.constant 7 : i32
        %add3A_1240 = arith.addi %mul3A_910, %add3A_1239 : i32
        %get3A_1241 = arith.index_cast %add3A_1240 : i32 to index
        %get3A_1242 = arith.constant 32 : index
        %get3A_1243 = tpu.vector_load %arg8[%get3A_1241, %get3A_1242] {strides = array<i32>} : memref<640x64xf32, #tpu.memory_space<vmem>>, vector<1x16xf32>,
        %get3A_1244 = vector.shape_cast %get3A_1243 : vector<1x16xf32> to vector<16xf32>
        %add3A_1245 = arith.constant 8 : i32
        %add3A_1246 = arith.addi %mul3A_910, %add3A_1245 : i32
        %get3A_1247 = arith.index_cast %add3A_1246 : i32 to index
        %get3A_1248 = arith.constant 32 : index
        %get3A_1249 = tpu.vector_load %arg8[%get3A_1247, %get3A_1248] {strides = array<i32>} : memref<640x64xf32, #tpu.memory_space<vmem>>, vector<1x16xf32>,
        %get3A_1250 = vector.shape_cast %get3A_1249 : vector<1x16xf32> to vector<16xf32>
        %add3A_1251 = arith.constant 9 : i32
        %add3A_1252 = arith.addi %mul3A_910, %add3A_1251 : i32
        %get3A_1253 = arith.index_cast %add3A_1252 : i32 to index
        %get3A_1254 = arith.constant 32 : index
        %get3A_1255 = tpu.vector_load %arg8[%get3A_1253, %get3A_1254] {strides = array<i32>} : memref<640x64xf32, #tpu.memory_space<vmem>>, vector<1x16xf32>,
        %get3A_1256 = vector.shape_cast %get3A_1255 : vector<1x16xf32> to vector<16xf32>
        %add3A_1257 = arith.constant 10 : i32
        %add3A_1258 = arith.addi %mul3A_910, %add3A_1257 : i32
        %get3A_1259 = arith.index_cast %add3A_1258 : i32 to index
        %get3A_1260 = arith.constant 32 : index
        %get3A_1261 = tpu.vector_load %arg8[%get3A_1259, %get3A_1260] {strides = array<i32>} : memref<640x64xf32, #tpu.memory_space<vmem>>, vector<1x16xf32>,
        %get3A_1262 = vector.shape_cast %get3A_1261 : vector<1x16xf32> to vector<16xf32>
        %add3A_1263 = arith.constant 11 : i32
        %add3A_1264 = arith.addi %mul3A_910, %add3A_1263 : i32
        %get3A_1265 = arith.index_cast %add3A_1264 : i32 to index
        %get3A_1266 = arith.constant 32 : index
        %get3A_1267 = tpu.vector_load %arg8[%get3A_1265, %get3A_1266] {strides = array<i32>} : memref<640x64xf32, #tpu.memory_space<vmem>>, vector<1x16xf32>,
        %get3A_1268 = vector.shape_cast %get3A_1267 : vector<1x16xf32> to vector<16xf32>
        %add3A_1269 = arith.constant 12 : i32
        %add3A_1270 = arith.addi %mul3A_910, %add3A_1269 : i32
        %get3A_1271 = arith.index_cast %add3A_1270 : i32 to index
        %get3A_1272 = arith.constant 32 : index
        %get3A_1273 = tpu.vector_load %arg8[%get3A_1271, %get3A_1272] {strides = array<i32>} : memref<640x64xf32, #tpu.memory_space<vmem>>, vector<1x16xf32>,
        %get3A_1274 = vector.shape_cast %get3A_1273 : vector<1x16xf32> to vector<16xf32>
        %add3A_1275 = arith.constant 13 : i32
        %add3A_1276 = arith.addi %mul3A_910, %add3A_1275 : i32
        %get3A_1277 = arith.index_cast %add3A_1276 : i32 to index
        %get3A_1278 = arith.constant 32 : index
        %get3A_1279 = tpu.vector_load %arg8[%get3A_1277, %get3A_1278] {strides = array<i32>} : memref<640x64xf32, #tpu.memory_space<vmem>>, vector<1x16xf32>,
        %get3A_1280 = vector.shape_cast %get3A_1279 : vector<1x16xf32> to vector<16xf32>
        %add3A_1281 = arith.constant 14 : i32
        %add3A_1282 = arith.addi %mul3A_910, %add3A_1281 : i32
        %get3A_1283 = arith.index_cast %add3A_1282 : i32 to index
        %get3A_1284 = arith.constant 32 : index
        %get3A_1285 = tpu.vector_load %arg8[%get3A_1283, %get3A_1284] {strides = array<i32>} : memref<640x64xf32, #tpu.memory_space<vmem>>, vector<1x16xf32>,
        %get3A_1286 = vector.shape_cast %get3A_1285 : vector<1x16xf32> to vector<16xf32>
        %add3A_1287 = arith.constant 15 : i32
        %add3A_1288 = arith.addi %mul3A_910, %add3A_1287 : i32
        %get3A_1289 = arith.index_cast %add3A_1288 : i32 to index
        %get3A_1290 = arith.constant 32 : index
        %get3A_1291 = tpu.vector_load %arg8[%get3A_1289, %get3A_1290] {strides = array<i32>} : memref<640x64xf32, #tpu.memory_space<vmem>>, vector<1x16xf32>,
        %get3A_1292 = vector.shape_cast %get3A_1291 : vector<1x16xf32> to vector<16xf32>
        %add3A_1293 = arith.constant 16 : i32
        %add3A_1294 = arith.addi %mul3A_910, %add3A_1293 : i32
        %get3A_1295 = arith.index_cast %add3A_1294 : i32 to index
        %get3A_1296 = arith.constant 32 : index
        %get3A_1297 = tpu.vector_load %arg8[%get3A_1295, %get3A_1296] {strides = array<i32>} : memref<640x64xf32, #tpu.memory_space<vmem>>, vector<1x16xf32>,
        %get3A_1298 = vector.shape_cast %get3A_1297 : vector<1x16xf32> to vector<16xf32>
        %add3A_1299 = arith.constant 17 : i32
        %add3A_1300 = arith.addi %mul3A_910, %add3A_1299 : i32
        %get3A_1301 = arith.index_cast %add3A_1300 : i32 to index
        %get3A_1302 = arith.constant 32 : index
        %get3A_1303 = tpu.vector_load %arg8[%get3A_1301, %get3A_1302] {strides = array<i32>} : memref<640x64xf32, #tpu.memory_space<vmem>>, vector<1x16xf32>,
        %get3A_1304 = vector.shape_cast %get3A_1303 : vector<1x16xf32> to vector<16xf32>
        %add3A_1305 = arith.constant 18 : i32
        %add3A_1306 = arith.addi %mul3A_910, %add3A_1305 : i32
        %get3A_1307 = arith.index_cast %add3A_1306 : i32 to index
        %get3A_1308 = arith.constant 32 : index
        %get3A_1309 = tpu.vector_load %arg8[%get3A_1307, %get3A_1308] {strides = array<i32>} : memref<640x64xf32, #tpu.memory_space<vmem>>, vector<1x16xf32>,
        %get3A_1310 = vector.shape_cast %get3A_1309 : vector<1x16xf32> to vector<16xf32>
        %add3A_1311 = arith.constant 19 : i32
        %add3A_1312 = arith.addi %mul3A_910, %add3A_1311 : i32
        %get3A_1313 = arith.index_cast %add3A_1312 : i32 to index
        %get3A_1314 = arith.constant 32 : index
        %get3A_1315 = tpu.vector_load %arg8[%get3A_1313, %get3A_1314] {strides = array<i32>} : memref<640x64xf32, #tpu.memory_space<vmem>>, vector<1x16xf32>,
        %get3A_1316 = vector.shape_cast %get3A_1315 : vector<1x16xf32> to vector<16xf32>
        %add3A_1317 = arith.addf %get3A_1202, %get3A_1208 : vector<16xf32>
        %add3A_1318 = arith.addf %get3A_1214, %get3A_1220 : vector<16xf32>
        %add3A_1319 = arith.addf %get3A_1226, %get3A_1232 : vector<16xf32>
        %add3A_1320 = arith.addf %get3A_1238, %get3A_1244 : vector<16xf32>
        %add3A_1321 = arith.addf %get3A_1250, %get3A_1256 : vector<16xf32>
        %add3A_1322 = arith.addf %get3A_1262, %get3A_1268 : vector<16xf32>
        %add3A_1323 = arith.addf %get3A_1274, %get3A_1280 : vector<16xf32>
        %add3A_1324 = arith.addf %get3A_1286, %get3A_1292 : vector<16xf32>
        %add3A_1325 = arith.addf %get3A_1298, %get3A_1304 : vector<16xf32>
        %add3A_1326 = arith.addf %get3A_1310, %get3A_1316 : vector<16xf32>
        %add3A_1327 = arith.addf %add3A_1317, %add3A_1318 : vector<16xf32>
        %add3A_1328 = arith.addf %add3A_1319, %add3A_1320 : vector<16xf32>
        %add3A_1329 = arith.addf %add3A_1321, %add3A_1322 : vector<16xf32>
        %add3A_1330 = arith.addf %add3A_1323, %add3A_1324 : vector<16xf32>
        %add3A_1331 = arith.addf %add3A_1325, %add3A_1326 : vector<16xf32>
        %add3A_1332 = arith.addf %add3A_1327, %add3A_1328 : vector<16xf32>
        %add3A_1333 = arith.addf %add3A_1329, %add3A_1330 : vector<16xf32>
        %add3A_1334 = arith.addf %add3A_1332, %add3A_1333 : vector<16xf32>
        %add3A_1335 = arith.addf %add3A_1334, %add3A_1331 : vector<16xf32>
        %swap3A_1336 = arith.index_cast %add3A_908 : i32 to index
        %swap3A_1337 = arith.constant 32 : index
        %swap3A_1338 = tpu.vector_load %arg11[%swap3A_1336, %swap3A_1337] {strides = array<i32>} : memref<32x64xf32, #tpu.memory_space<vmem>>, vector<1x16xf32>,
        %swap3A_1339 = vector.shape_cast %swap3A_1338 : vector<1x16xf32> to vector<16xf32>
        %swap3A_1340 = vector.shape_cast %add3A_1335 : vector<16xf32> to vector<1x16xf32>
        tpu.vector_store %arg11[%swap3A_1336, %swap3A_1337], %swap3A_1340 {strides = array<i32>} : memref<32x64xf32, #tpu.memory_space<vmem>>, vector<1x16xf32>,
        %add3A_1341 = arith.constant 0 : i32
        %add3A_1342 = arith.addi %mul3A_910, %add3A_1341 : i32
        %get3A_1343 = arith.index_cast %add3A_1342 : i32 to index
        %get3A_1344 = arith.constant 48 : index
        %get3A_1345 = tpu.vector_load %arg8[%get3A_1343, %get3A_1344] {strides = array<i32>} : memref<640x64xf32, #tpu.memory_space<vmem>>, vector<1x16xf32>,
        %get3A_1346 = vector.shape_cast %get3A_1345 : vector<1x16xf32> to vector<16xf32>
        %add3A_1347 = arith.constant 1 : i32
        %add3A_1348 = arith.addi %mul3A_910, %add3A_1347 : i32
        %get3A_1349 = arith.index_cast %add3A_1348 : i32 to index
        %get3A_1350 = arith.constant 48 : index
        %get3A_1351 = tpu.vector_load %arg8[%get3A_1349, %get3A_1350] {strides = array<i32>} : memref<640x64xf32, #tpu.memory_space<vmem>>, vector<1x16xf32>,
        %get3A_1352 = vector.shape_cast %get3A_1351 : vector<1x16xf32> to vector<16xf32>
        %add3A_1353 = arith.constant 2 : i32
        %add3A_1354 = arith.addi %mul3A_910, %add3A_1353 : i32
        %get3A_1355 = arith.index_cast %add3A_1354 : i32 to index
        %get3A_1356 = arith.constant 48 : index
        %get3A_1357 = tpu.vector_load %arg8[%get3A_1355, %get3A_1356] {strides = array<i32>} : memref<640x64xf32, #tpu.memory_space<vmem>>, vector<1x16xf32>,
        %get3A_1358 = vector.shape_cast %get3A_1357 : vector<1x16xf32> to vector<16xf32>
        %add3A_1359 = arith.constant 3 : i32
        %add3A_1360 = arith.addi %mul3A_910, %add3A_1359 : i32
        %get3A_1361 = arith.index_cast %add3A_1360 : i32 to index
        %get3A_1362 = arith.constant 48 : index
        %get3A_1363 = tpu.vector_load %arg8[%get3A_1361, %get3A_1362] {strides = array<i32>} : memref<640x64xf32, #tpu.memory_space<vmem>>, vector<1x16xf32>,
        %get3A_1364 = vector.shape_cast %get3A_1363 : vector<1x16xf32> to vector<16xf32>
        %add3A_1365 = arith.constant 4 : i32
        %add3A_1366 = arith.addi %mul3A_910, %add3A_1365 : i32
        %get3A_1367 = arith.index_cast %add3A_1366 : i32 to index
        %get3A_1368 = arith.constant 48 : index
        %get3A_1369 = tpu.vector_load %arg8[%get3A_1367, %get3A_1368] {strides = array<i32>} : memref<640x64xf32, #tpu.memory_space<vmem>>, vector<1x16xf32>,
        %get3A_1370 = vector.shape_cast %get3A_1369 : vector<1x16xf32> to vector<16xf32>
        %add3A_1371 = arith.constant 5 : i32
        %add3A_1372 = arith.addi %mul3A_910, %add3A_1371 : i32
        %get3A_1373 = arith.index_cast %add3A_1372 : i32 to index
        %get3A_1374 = arith.constant 48 : index
        %get3A_1375 = tpu.vector_load %arg8[%get3A_1373, %get3A_1374] {strides = array<i32>} : memref<640x64xf32, #tpu.memory_space<vmem>>, vector<1x16xf32>,
        %get3A_1376 = vector.shape_cast %get3A_1375 : vector<1x16xf32> to vector<16xf32>
        %add3A_1377 = arith.constant 6 : i32
        %add3A_1378 = arith.addi %mul3A_910, %add3A_1377 : i32
        %get3A_1379 = arith.index_cast %add3A_1378 : i32 to index
        %get3A_1380 = arith.constant 48 : index
        %get3A_1381 = tpu.vector_load %arg8[%get3A_1379, %get3A_1380] {strides = array<i32>} : memref<640x64xf32, #tpu.memory_space<vmem>>, vector<1x16xf32>,
        %get3A_1382 = vector.shape_cast %get3A_1381 : vector<1x16xf32> to vector<16xf32>
        %add3A_1383 = arith.constant 7 : i32
        %add3A_1384 = arith.addi %mul3A_910, %add3A_1383 : i32
        %get3A_1385 = arith.index_cast %add3A_1384 : i32 to index
        %get3A_1386 = arith.constant 48 : index
        %get3A_1387 = tpu.vector_load %arg8[%get3A_1385, %get3A_1386] {strides = array<i32>} : memref<640x64xf32, #tpu.memory_space<vmem>>, vector<1x16xf32>,
        %get3A_1388 = vector.shape_cast %get3A_1387 : vector<1x16xf32> to vector<16xf32>
        %add3A_1389 = arith.constant 8 : i32
        %add3A_1390 = arith.addi %mul3A_910, %add3A_1389 : i32
        %get3A_1391 = arith.index_cast %add3A_1390 : i32 to index
        %get3A_1392 = arith.constant 48 : index
        %get3A_1393 = tpu.vector_load %arg8[%get3A_1391, %get3A_1392] {strides = array<i32>} : memref<640x64xf32, #tpu.memory_space<vmem>>, vector<1x16xf32>,
        %get3A_1394 = vector.shape_cast %get3A_1393 : vector<1x16xf32> to vector<16xf32>
        %add3A_1395 = arith.constant 9 : i32
        %add3A_1396 = arith.addi %mul3A_910, %add3A_1395 : i32
        %get3A_1397 = arith.index_cast %add3A_1396 : i32 to index
        %get3A_1398 = arith.constant 48 : index
        %get3A_1399 = tpu.vector_load %arg8[%get3A_1397, %get3A_1398] {strides = array<i32>} : memref<640x64xf32, #tpu.memory_space<vmem>>, vector<1x16xf32>,
        %get3A_1400 = vector.shape_cast %get3A_1399 : vector<1x16xf32> to vector<16xf32>
        %add3A_1401 = arith.constant 10 : i32
        %add3A_1402 = arith.addi %mul3A_910, %add3A_1401 : i32
        %get3A_1403 = arith.index_cast %add3A_1402 : i32 to index
        %get3A_1404 = arith.constant 48 : index
        %get3A_1405 = tpu.vector_load %arg8[%get3A_1403, %get3A_1404] {strides = array<i32>} : memref<640x64xf32, #tpu.memory_space<vmem>>, vector<1x16xf32>,
        %get3A_1406 = vector.shape_cast %get3A_1405 : vector<1x16xf32> to vector<16xf32>
        %add3A_1407 = arith.constant 11 : i32
        %add3A_1408 = arith.addi %mul3A_910, %add3A_1407 : i32
        %get3A_1409 = arith.index_cast %add3A_1408 : i32 to index
        %get3A_1410 = arith.constant 48 : index
        %get3A_1411 = tpu.vector_load %arg8[%get3A_1409, %get3A_1410] {strides = array<i32>} : memref<640x64xf32, #tpu.memory_space<vmem>>, vector<1x16xf32>,
        %get3A_1412 = vector.shape_cast %get3A_1411 : vector<1x16xf32> to vector<16xf32>
        %add3A_1413 = arith.constant 12 : i32
        %add3A_1414 = arith.addi %mul3A_910, %add3A_1413 : i32
        %get3A_1415 = arith.index_cast %add3A_1414 : i32 to index
        %get3A_1416 = arith.constant 48 : index
        %get3A_1417 = tpu.vector_load %arg8[%get3A_1415, %get3A_1416] {strides = array<i32>} : memref<640x64xf32, #tpu.memory_space<vmem>>, vector<1x16xf32>,
        %get3A_1418 = vector.shape_cast %get3A_1417 : vector<1x16xf32> to vector<16xf32>
        %add3A_1419 = arith.constant 13 : i32
        %add3A_1420 = arith.addi %mul3A_910, %add3A_1419 : i32
        %get3A_1421 = arith.index_cast %add3A_1420 : i32 to index
        %get3A_1422 = arith.constant 48 : index
        %get3A_1423 = tpu.vector_load %arg8[%get3A_1421, %get3A_1422] {strides = array<i32>} : memref<640x64xf32, #tpu.memory_space<vmem>>, vector<1x16xf32>,
        %get3A_1424 = vector.shape_cast %get3A_1423 : vector<1x16xf32> to vector<16xf32>
        %add3A_1425 = arith.constant 14 : i32
        %add3A_1426 = arith.addi %mul3A_910, %add3A_1425 : i32
        %get3A_1427 = arith.index_cast %add3A_1426 : i32 to index
        %get3A_1428 = arith.constant 48 : index
        %get3A_1429 = tpu.vector_load %arg8[%get3A_1427, %get3A_1428] {strides = array<i32>} : memref<640x64xf32, #tpu.memory_space<vmem>>, vector<1x16xf32>,
        %get3A_1430 = vector.shape_cast %get3A_1429 : vector<1x16xf32> to vector<16xf32>
        %add3A_1431 = arith.constant 15 : i32
        %add3A_1432 = arith.addi %mul3A_910, %add3A_1431 : i32
        %get3A_1433 = arith.index_cast %add3A_1432 : i32 to index
        %get3A_1434 = arith.constant 48 : index
        %get3A_1435 = tpu.vector_load %arg8[%get3A_1433, %get3A_1434] {strides = array<i32>} : memref<640x64xf32, #tpu.memory_space<vmem>>, vector<1x16xf32>,
        %get3A_1436 = vector.shape_cast %get3A_1435 : vector<1x16xf32> to vector<16xf32>
        %add3A_1437 = arith.constant 16 : i32
        %add3A_1438 = arith.addi %mul3A_910, %add3A_1437 : i32
        %get3A_1439 = arith.index_cast %add3A_1438 : i32 to index
        %get3A_1440 = arith.constant 48 : index
        %get3A_1441 = tpu.vector_load %arg8[%get3A_1439, %get3A_1440] {strides = array<i32>} : memref<640x64xf32, #tpu.memory_space<vmem>>, vector<1x16xf32>,
        %get3A_1442 = vector.shape_cast %get3A_1441 : vector<1x16xf32> to vector<16xf32>
        %add3A_1443 = arith.constant 17 : i32
        %add3A_1444 = arith.addi %mul3A_910, %add3A_1443 : i32
        %get3A_1445 = arith.index_cast %add3A_1444 : i32 to index
        %get3A_1446 = arith.constant 48 : index
        %get3A_1447 = tpu.vector_load %arg8[%get3A_1445, %get3A_1446] {strides = array<i32>} : memref<640x64xf32, #tpu.memory_space<vmem>>, vector<1x16xf32>,
        %get3A_1448 = vector.shape_cast %get3A_1447 : vector<1x16xf32> to vector<16xf32>
        %add3A_1449 = arith.constant 18 : i32
        %add3A_1450 = arith.addi %mul3A_910, %add3A_1449 : i32
        %get3A_1451 = arith.index_cast %add3A_1450 : i32 to index
        %get3A_1452 = arith.constant 48 : index
        %get3A_1453 = tpu.vector_load %arg8[%get3A_1451, %get3A_1452] {strides = array<i32>} : memref<640x64xf32, #tpu.memory_space<vmem>>, vector<1x16xf32>,
        %get3A_1454 = vector.shape_cast %get3A_1453 : vector<1x16xf32> to vector<16xf32>
        %add3A_1455 = arith.constant 19 : i32
        %add3A_1456 = arith.addi %mul3A_910, %add3A_1455 : i32
        %get3A_1457 = arith.index_cast %add3A_1456 : i32 to index
        %get3A_1458 = arith.constant 48 : index
        %get3A_1459 = tpu.vector_load %arg8[%get3A_1457, %get3A_1458] {strides = array<i32>} : memref<640x64xf32, #tpu.memory_space<vmem>>, vector<1x16xf32>,
        %get3A_1460 = vector.shape_cast %get3A_1459 : vector<1x16xf32> to vector<16xf32>
        %add3A_1461 = arith.addf %get3A_1346, %get3A_1352 : vector<16xf32>
        %add3A_1462 = arith.addf %get3A_1358, %get3A_1364 : vector<16xf32>
        %add3A_1463 = arith.addf %get3A_1370, %get3A_1376 : vector<16xf32>
        %add3A_1464 = arith.addf %get3A_1382, %get3A_1388 : vector<16xf32>
        %add3A_1465 = arith.addf %get3A_1394, %get3A_1400 : vector<16xf32>
        %add3A_1466 = arith.addf %get3A_1406, %get3A_1412 : vector<16xf32>
        %add3A_1467 = arith.addf %get3A_1418, %get3A_1424 : vector<16xf32>
        %add3A_1468 = arith.addf %get3A_1430, %get3A_1436 : vector<16xf32>
        %add3A_1469 = arith.addf %get3A_1442, %get3A_1448 : vector<16xf32>
        %add3A_1470 = arith.addf %get3A_1454, %get3A_1460 : vector<16xf32>
        %add3A_1471 = arith.addf %add3A_1461, %add3A_1462 : vector<16xf32>
        %add3A_1472 = arith.addf %add3A_1463, %add3A_1464 : vector<16xf32>
        %add3A_1473 = arith.addf %add3A_1465, %add3A_1466 : vector<16xf32>
        %add3A_1474 = arith.addf %add3A_1467, %add3A_1468 : vector<16xf32>
        %add3A_1475 = arith.addf %add3A_1469, %add3A_1470 : vector<16xf32>
        %add3A_1476 = arith.addf %add3A_1471, %add3A_1472 : vector<16xf32>
        %add3A_1477 = arith.addf %add3A_1473, %add3A_1474 : vector<16xf32>
        %add3A_1478 = arith.addf %add3A_1476, %add3A_1477 : vector<16xf32>
        %add3A_1479 = arith.addf %add3A_1478, %add3A_1475 : vector<16xf32>
        %swap3A_1480 = arith.index_cast %add3A_908 : i32 to index
        %swap3A_1481 = arith.constant 48 : index
        %swap3A_1482 = tpu.vector_load %arg11[%swap3A_1480, %swap3A_1481] {strides = array<i32>} : memref<32x64xf32, #tpu.memory_space<vmem>>, vector<1x16xf32>,
        %swap3A_1483 = vector.shape_cast %swap3A_1482 : vector<1x16xf32> to vector<16xf32>
        %swap3A_1484 = vector.shape_cast %add3A_1479 : vector<16xf32> to vector<1x16xf32>
        tpu.vector_store %arg11[%swap3A_1480, %swap3A_1481], %swap3A_1484 {strides = array<i32>} : memref<32x64xf32, #tpu.memory_space<vmem>>, vector<1x16xf32>,
      }
      %scan3A_366 = arith.constant 32 : i32
      %jit3A_367 = arith.constant 4 : i32
      %div3A_368 = arith.divsi %add3A_252, %jit3A_367 : i32
      %sign3A_369 = arith.constant 0 : i32
      %sign3A_370 = arith.cmpi sgt, %add3A_252, %sign3A_369 : i32
      %sign3A_371 = arith.extui %sign3A_370 : i1 to i32
      %sign3A_372 = arith.constant 0 : i32
      %sign3A_373 = arith.cmpi slt, %add3A_252, %sign3A_372 : i32
      %sign3A_374 = arith.extui %sign3A_373 : i1 to i32
      %sign3A_375 = arith.subi %sign3A_371, %sign3A_374 : i32
      %sign3A_376 = arith.constant 0 : i32
      %sign3A_377 = arith.cmpi sgt, %jit3A_367, %sign3A_376 : i32
      %sign3A_378 = arith.extui %sign3A_377 : i1 to i32
      %sign3A_379 = arith.constant 0 : i32
      %sign3A_380 = arith.cmpi slt, %jit3A_367, %sign3A_379 : i32
      %sign3A_381 = arith.extui %sign3A_380 : i1 to i32
      %sign3A_382 = arith.subi %sign3A_378, %sign3A_381 : i32
      %ne3A_383 = arith.cmpi ne, %sign3A_375, %sign3A_382 : i32
      %rem3A_384 = arith.remsi %add3A_252, %jit3A_367 : i32
      %ne3A_385 = arith.constant 0 : i32
      %ne3A_386 = arith.cmpi ne, %rem3A_384, %ne3A_385 : i32
      %and3A_387 = arith.andi %ne3A_383, %ne3A_386 : i1
      %sub3A_388 = arith.constant 1 : i32
      %sub3A_389 = arith.subi %div3A_368, %sub3A_388 : i32
      %select_n3A_390 = arith.select %and3A_387, %sub3A_389, %div3A_368 : i32
      %mul3A_391 = arith.constant 128 : i32
      %mul3A_392 = arith.muli %add3A, %mul3A_391 : i32
      %jit3A_393 = arith.constant 4 : i32
      %eq3A_394 = arith.constant 0 : i32
      %eq3A_395 = arith.cmpi eq, %jit3A_393, %eq3A_394 : i32
      %jit3A_396 = arith.constant 1 : i32
      %select_n3A_397 = arith.select %eq3A_395, %jit3A_396, %jit3A_393 : i32
      %rem3A_398 = arith.remsi %add3A_252, %select_n3A_397 : i32
      %ne3A_399 = arith.constant 0 : i32
      %ne3A_400 = arith.cmpi ne, %rem3A_398, %ne3A_399 : i32
      %lt3A_401 = arith.constant 0 : i32
      %lt3A_402 = arith.cmpi slt, %rem3A_398, %lt3A_401 : i32
      %lt3A_403 = arith.constant 0 : i32
      %lt3A_404 = arith.cmpi slt, %select_n3A_397, %lt3A_403 : i32
      %ne3A_405 = arith.xori %lt3A_402, %lt3A_404 : i1
      %and3A_406 = arith.andi %ne3A_405, %ne3A_400 : i1
      %add3A_407 = arith.addi %rem3A_398, %select_n3A_397 : i32
      %select_n3A_408 = arith.select %and3A_406, %add3A_407, %rem3A_398 : i32
      %mul3A_409 = arith.constant 32 : i32
      %mul3A_410 = arith.muli %select_n3A_408, %mul3A_409 : i32
      %add3A_411 = arith.addi %mul3A_392, %mul3A_410 : i32
      %jit3A_412 = arith.constant 2 : i32
      %div3A_413 = arith.divsi %select_n3A_390, %jit3A_412 : i32
      %sign3A_414 = arith.constant 0 : i32
      %sign3A_415 = arith.cmpi sgt, %select_n3A_390, %sign3A_414 : i32
      %sign3A_416 = arith.extui %sign3A_415 : i1 to i32
      %sign3A_417 = arith.constant 0 : i32
      %sign3A_418 = arith.cmpi slt, %select_n3A_390, %sign3A_417 : i32
      %sign3A_419 = arith.extui %sign3A_418 : i1 to i32
      %sign3A_420 = arith.subi %sign3A_416, %sign3A_419 : i32
      %sign3A_421 = arith.constant 0 : i32
      %sign3A_422 = arith.cmpi sgt, %jit3A_412, %sign3A_421 : i32
      %sign3A_423 = arith.extui %sign3A_422 : i1 to i32
      %sign3A_424 = arith.constant 0 : i32
      %sign3A_425 = arith.cmpi slt, %jit3A_412, %sign3A_424 : i32
      %sign3A_426 = arith.extui %sign3A_425 : i1 to i32
      %sign3A_427 = arith.subi %sign3A_423, %sign3A_426 : i32
      %ne3A_428 = arith.cmpi ne, %sign3A_420, %sign3A_427 : i32
      %rem3A_429 = arith.remsi %select_n3A_390, %jit3A_412 : i32
      %ne3A_430 = arith.constant 0 : i32
      %ne3A_431 = arith.cmpi ne, %rem3A_429, %ne3A_430 : i32
      %and3A_432 = arith.andi %ne3A_428, %ne3A_431 : i1
      %sub3A_433 = arith.constant 1 : i32
      %sub3A_434 = arith.subi %div3A_413, %sub3A_433 : i32
      %select_n3A_435 = arith.select %and3A_432, %sub3A_434, %div3A_413 : i32
      %jit3A_436 = arith.constant 2 : i32
      %eq3A_437 = arith.constant 0 : i32
      %eq3A_438 = arith.cmpi eq, %jit3A_436, %eq3A_437 : i32
      %jit3A_439 = arith.constant 1 : i32
      %select_n3A_440 = arith.select %eq3A_438, %jit3A_439, %jit3A_436 : i32
      %rem3A_441 = arith.remsi %select_n3A_390, %select_n3A_440 : i32
      %ne3A_442 = arith.constant 0 : i32
      %ne3A_443 = arith.cmpi ne, %rem3A_441, %ne3A_442 : i32
      %lt3A_444 = arith.constant 0 : i32
      %lt3A_445 = arith.cmpi slt, %rem3A_441, %lt3A_444 : i32
      %lt3A_446 = arith.constant 0 : i32
      %lt3A_447 = arith.cmpi slt, %select_n3A_440, %lt3A_446 : i32
      %ne3A_448 = arith.xori %lt3A_445, %lt3A_447 : i1
      %and3A_449 = arith.andi %ne3A_448, %ne3A_443 : i1
      %add3A_450 = arith.addi %rem3A_441, %select_n3A_440 : i32
      %select_n3A_451 = arith.select %and3A_449, %add3A_450, %rem3A_441 : i32
      %mul3A_452 = arith.constant 64 : i32
      %mul3A_453 = arith.muli %select_n3A_451, %mul3A_452 : i32
      %dma_start3A_454 = tpu.memref_slice %arg4[%select_n3A_435, %add3A_411, %mul3A_453] : memref<13x4096x128xf32, #tpu.memory_space<hbm>> -> memref<1x32x64xf32, #tpu.memory_space<hbm>>
      %dma_start3A_455 = tpu.memref_squeeze %dma_start3A_454 : memref<1x32x64xf32, #tpu.memory_space<hbm>> -> memref<32x64xf32, #tpu.memory_space<hbm>>
      %dma_start3A_456 = tpu.memref_slice %arg4[%select_n3A_435, %add3A_411, %mul3A_453] : memref<13x4096x128xf32, #tpu.memory_space<hbm>> -> memref<1x32x64xf32, #tpu.memory_space<hbm>>
      %dma_start3A_457 = tpu.memref_squeeze %dma_start3A_456 : memref<1x32x64xf32, #tpu.memory_space<hbm>> -> memref<32x64xf32, #tpu.memory_space<hbm>>
      tpu.enqueue_dma source(%arg11 : memref<32x64xf32, #tpu.memory_space<vmem>>) target(%dma_start3A_457 : memref<32x64xf32, #tpu.memory_space<hbm>>) target_semaphore(%arg20 : memref<!tpu.dma_semaphore, #tpu.memory_space<semaphore_mem>>)
      %mul3A_458 = arith.constant 3 : i32
      %mul3A_459 = arith.muli %mul3A_458, %add3A_248 : i32
      %add3A_460 = arith.constant 1 : i32
      %add3A_461 = arith.addi %mul3A_459, %add3A_460 : i32
      %dma_wait3A_462 = arith.constant 0 : i32
      %dma_wait3A_463 = arith.constant 0 : i32
      %dma_wait3A_464 = tpu.memref_slice %arg3[%dma_wait3A_462, %dma_wait3A_463] : memref<1000000x64xf32, #tpu.memory_space<hbm>> -> memref<640x64xf32, #tpu.memory_space<hbm>>
      %dma_wait3A_465 = arith.constant 0 : i32
      %dma_wait3A_466 = arith.constant 0 : i32
      %dma_wait3A_467 = tpu.memref_slice %arg3[%dma_wait3A_465, %dma_wait3A_466] : memref<1000000x64xf32, #tpu.memory_space<hbm>> -> memref<640x64xf32, #tpu.memory_space<hbm>>
      tpu.wait_dma2 semaphore(%arg15 : memref<!tpu.dma_semaphore, #tpu.memory_space<semaphore_mem>>) src(%dma_wait3A_467 : memref<640x64xf32, #tpu.memory_space<hbm>>) dst(%arg9 : memref<640x64xf32, #tpu.memory_space<vmem>>)
      %dma_wait3A_468 = arith.constant 0 : i32
      %dma_wait3A_469 = arith.constant 0 : i32
      %dma_wait3A_470 = tpu.memref_slice %arg2[%dma_wait3A_468, %dma_wait3A_469] : memref<16640x128xi32, #tpu.memory_space<hbm>> -> memref<5x128xi32, #tpu.memory_space<hbm>>
      %dma_wait3A_471 = arith.constant 0 : i32
      %dma_wait3A_472 = arith.constant 0 : i32
      %dma_wait3A_473 = tpu.memref_slice %arg2[%dma_wait3A_471, %dma_wait3A_472] : memref<16640x128xi32, #tpu.memory_space<hbm>> -> memref<5x128xi32, #tpu.memory_space<hbm>>
      tpu.wait_dma2 semaphore(%arg17 : memref<!tpu.dma_semaphore, #tpu.memory_space<semaphore_mem>>) src(%dma_wait3A_473 : memref<5x128xi32, #tpu.memory_space<hbm>>) dst(%arg5 : memref<5x128xi32, #tpu.memory_space<vmem>>)
      %dma_start3A_474 = arith.constant 0 : i32
      %dma_start3A_475 = arith.constant 0 : i32
      %dma_start3A_476 = arith.constant 0 : i32
      %dma_start3A_477 = tpu.memref_slice %arg8[%dma_start3A_475, %dma_start3A_476] : memref<640x64xf32, #tpu.memory_space<vmem>> -> memref<128x64xf32, #tpu.memory_space<vmem>>
      %dma_start3A_478 = arith.constant 0 : i32
      %dma_start3A_479 = tpu.memref_slice %arg5[%dma_start3A_474, %dma_start3A_478] : memref<5x128xi32, #tpu.memory_space<vmem>> -> memref<1x128xi32, #tpu.memory_space<vmem>>
      %dma_start3A_480 = tpu.memref_squeeze %dma_start3A_479 : memref<1x128xi32, #tpu.memory_space<vmem>> -> memref<128xi32, #tpu.memory_space<vmem>>
      %dma_start3A_481 = arith.constant 0 : i32
      %dma_start3A_482 = arith.constant 0 : i32
      %dma_start3A_483 = tpu.memref_slice %arg3[%dma_start3A_481, %dma_start3A_482] : memref<1000000x64xf32, #tpu.memory_space<hbm>> -> memref<1000000x64xf32, #tpu.memory_space<hbm>>
      tpu.enqueue_indirect_dma source(%dma_start3A_483 : memref<1000000x64xf32, #tpu.memory_space<hbm>>) target(%dma_start3A_477 : memref<128x64xf32, #tpu.memory_space<vmem>>) offsets(%dma_start3A_480 : memref<128xi32, #tpu.memory_space<vmem>>) semaphore(%arg14 : memref<!tpu.dma_semaphore, #tpu.memory_space<semaphore_mem>>)
      %dma_start3A_484 = arith.constant 1 : i32
      %dma_start3A_485 = arith.constant 128 : i32
      %dma_start3A_486 = arith.constant 0 : i32
      %dma_start3A_487 = tpu.memref_slice %arg8[%dma_start3A_485, %dma_start3A_486] : memref<640x64xf32, #tpu.memory_space<vmem>> -> memref<128x64xf32, #tpu.memory_space<vmem>>
      %dma_start3A_488 = arith.constant 0 : i32
      %dma_start3A_489 = tpu.memref_slice %arg5[%dma_start3A_484, %dma_start3A_488] : memref<5x128xi32, #tpu.memory_space<vmem>> -> memref<1x128xi32, #tpu.memory_space<vmem>>
      %dma_start3A_490 = tpu.memref_squeeze %dma_start3A_489 : memref<1x128xi32, #tpu.memory_space<vmem>> -> memref<128xi32, #tpu.memory_space<vmem>>
      %dma_start3A_491 = arith.constant 0 : i32
      %dma_start3A_492 = arith.constant 0 : i32
      %dma_start3A_493 = tpu.memref_slice %arg3[%dma_start3A_491, %dma_start3A_492] : memref<1000000x64xf32, #tpu.memory_space<hbm>> -> memref<1000000x64xf32, #tpu.memory_space<hbm>>
      tpu.enqueue_indirect_dma source(%dma_start3A_493 : memref<1000000x64xf32, #tpu.memory_space<hbm>>) target(%dma_start3A_487 : memref<128x64xf32, #tpu.memory_space<vmem>>) offsets(%dma_start3A_490 : memref<128xi32, #tpu.memory_space<vmem>>) semaphore(%arg14 : memref<!tpu.dma_semaphore, #tpu.memory_space<semaphore_mem>>)
      %dma_start3A_494 = arith.constant 2 : i32
      %dma_start3A_495 = arith.constant 256 : i32
      %dma_start3A_496 = arith.constant 0 : i32
      %dma_start3A_497 = tpu.memref_slice %arg8[%dma_start3A_495, %dma_start3A_496] : memref<640x64xf32, #tpu.memory_space<vmem>> -> memref<128x64xf32, #tpu.memory_space<vmem>>
      %dma_start3A_498 = arith.constant 0 : i32
      %dma_start3A_499 = tpu.memref_slice %arg5[%dma_start3A_494, %dma_start3A_498] : memref<5x128xi32, #tpu.memory_space<vmem>> -> memref<1x128xi32, #tpu.memory_space<vmem>>
      %dma_start3A_500 = tpu.memref_squeeze %dma_start3A_499 : memref<1x128xi32, #tpu.memory_space<vmem>> -> memref<128xi32, #tpu.memory_space<vmem>>
      %dma_start3A_501 = arith.constant 0 : i32
      %dma_start3A_502 = arith.constant 0 : i32
      %dma_start3A_503 = tpu.memref_slice %arg3[%dma_start3A_501, %dma_start3A_502] : memref<1000000x64xf32, #tpu.memory_space<hbm>> -> memref<1000000x64xf32, #tpu.memory_space<hbm>>
      tpu.enqueue_indirect_dma source(%dma_start3A_503 : memref<1000000x64xf32, #tpu.memory_space<hbm>>) target(%dma_start3A_497 : memref<128x64xf32, #tpu.memory_space<vmem>>) offsets(%dma_start3A_500 : memref<128xi32, #tpu.memory_space<vmem>>) semaphore(%arg14 : memref<!tpu.dma_semaphore, #tpu.memory_space<semaphore_mem>>)
      %dma_start3A_504 = arith.constant 3 : i32
      %dma_start3A_505 = arith.constant 384 : i32
      %dma_start3A_506 = arith.constant 0 : i32
      %dma_start3A_507 = tpu.memref_slice %arg8[%dma_start3A_505, %dma_start3A_506] : memref<640x64xf32, #tpu.memory_space<vmem>> -> memref<128x64xf32, #tpu.memory_space<vmem>>
      %dma_start3A_508 = arith.constant 0 : i32
      %dma_start3A_509 = tpu.memref_slice %arg5[%dma_start3A_504, %dma_start3A_508] : memref<5x128xi32, #tpu.memory_space<vmem>> -> memref<1x128xi32, #tpu.memory_space<vmem>>
      %dma_start3A_510 = tpu.memref_squeeze %dma_start3A_509 : memref<1x128xi32, #tpu.memory_space<vmem>> -> memref<128xi32, #tpu.memory_space<vmem>>
      %dma_start3A_511 = arith.constant 0 : i32
      %dma_start3A_512 = arith.constant 0 : i32
      %dma_start3A_513 = tpu.memref_slice %arg3[%dma_start3A_511, %dma_start3A_512] : memref<1000000x64xf32, #tpu.memory_space<hbm>> -> memref<1000000x64xf32, #tpu.memory_space<hbm>>
      tpu.enqueue_indirect_dma source(%dma_start3A_513 : memref<1000000x64xf32, #tpu.memory_space<hbm>>) target(%dma_start3A_507 : memref<128x64xf32, #tpu.memory_space<vmem>>) offsets(%dma_start3A_510 : memref<128xi32, #tpu.memory_space<vmem>>) semaphore(%arg14 : memref<!tpu.dma_semaphore, #tpu.memory_space<semaphore_mem>>)
      %dma_start3A_514 = arith.constant 4 : i32
      %dma_start3A_515 = arith.constant 512 : i32
      %dma_start3A_516 = arith.constant 0 : i32
      %dma_start3A_517 = tpu.memref_slice %arg8[%dma_start3A_515, %dma_start3A_516] : memref<640x64xf32, #tpu.memory_space<vmem>> -> memref<128x64xf32, #tpu.memory_space<vmem>>
      %dma_start3A_518 = arith.constant 0 : i32
      %dma_start3A_519 = tpu.memref_slice %arg5[%dma_start3A_514, %dma_start3A_518] : memref<5x128xi32, #tpu.memory_space<vmem>> -> memref<1x128xi32, #tpu.memory_space<vmem>>
      %dma_start3A_520 = tpu.memref_squeeze %dma_start3A_519 : memref<1x128xi32, #tpu.memory_space<vmem>> -> memref<128xi32, #tpu.memory_space<vmem>>
      %dma_start3A_521 = arith.constant 0 : i32
      %dma_start3A_522 = arith.constant 0 : i32
      %dma_start3A_523 = tpu.memref_slice %arg3[%dma_start3A_521, %dma_start3A_522] : memref<1000000x64xf32, #tpu.memory_space<hbm>> -> memref<1000000x64xf32, #tpu.memory_space<hbm>>
      tpu.enqueue_indirect_dma source(%dma_start3A_523 : memref<1000000x64xf32, #tpu.memory_space<hbm>>) target(%dma_start3A_517 : memref<128x64xf32, #tpu.memory_space<vmem>>) offsets(%dma_start3A_520 : memref<128xi32, #tpu.memory_space<vmem>>) semaphore(%arg14 : memref<!tpu.dma_semaphore, #tpu.memory_space<semaphore_mem>>)
      %add3A_524 = arith.constant 3 : i32
      %add3A_525 = arith.addi %add3A_461, %add3A_524 : i32
      %min3A_526 = arith.constant 103 : i32
      %min3A_527 = arith.minsi %add3A_525, %min3A_526 : i32
      %jit3A_528 = arith.constant 4 : i32
      %div3A_529 = arith.divsi %min3A_527, %jit3A_528 : i32
      %sign3A_530 = arith.constant 0 : i32
      %sign3A_531 = arith.cmpi sgt, %min3A_527, %sign3A_530 : i32
      %sign3A_532 = arith.extui %sign3A_531 : i1 to i32
      %sign3A_533 = arith.constant 0 : i32
      %sign3A_534 = arith.cmpi slt, %min3A_527, %sign3A_533 : i32
      %sign3A_535 = arith.extui %sign3A_534 : i1 to i32
      %sign3A_536 = arith.subi %sign3A_532, %sign3A_535 : i32
      %sign3A_537 = arith.constant 0 : i32
      %sign3A_538 = arith.cmpi sgt, %jit3A_528, %sign3A_537 : i32
      %sign3A_539 = arith.extui %sign3A_538 : i1 to i32
      %sign3A_540 = arith.constant 0 : i32
      %sign3A_541 = arith.cmpi slt, %jit3A_528, %sign3A_540 : i32
      %sign3A_542 = arith.extui %sign3A_541 : i1 to i32
      %sign3A_543 = arith.subi %sign3A_539, %sign3A_542 : i32
      %ne3A_544 = arith.cmpi ne, %sign3A_536, %sign3A_543 : i32
      %rem3A_545 = arith.remsi %min3A_527, %jit3A_528 : i32
      %ne3A_546 = arith.constant 0 : i32
      %ne3A_547 = arith.cmpi ne, %rem3A_545, %ne3A_546 : i32
      %and3A_548 = arith.andi %ne3A_544, %ne3A_547 : i1
      %sub3A_549 = arith.constant 1 : i32
      %sub3A_550 = arith.subi %div3A_529, %sub3A_549 : i32
      %select_n3A_551 = arith.select %and3A_548, %sub3A_550, %div3A_529 : i32
      %mul3A_552 = arith.constant 640 : i32
      %mul3A_553 = arith.muli %select_n3A_551, %mul3A_552 : i32
      %mul3A_554 = arith.constant 20 : i32
      %mul3A_555 = arith.muli %add3A, %mul3A_554 : i32
      %add3A_556 = arith.addi %mul3A_553, %mul3A_555 : i32
      %jit3A_557 = arith.constant 4 : i32
      %eq3A_558 = arith.constant 0 : i32
      %eq3A_559 = arith.cmpi eq, %jit3A_557, %eq3A_558 : i32
      %jit3A_560 = arith.constant 1 : i32
      %select_n3A_561 = arith.select %eq3A_559, %jit3A_560, %jit3A_557 : i32
      %rem3A_562 = arith.remsi %min3A_527, %select_n3A_561 : i32
      %ne3A_563 = arith.constant 0 : i32
      %ne3A_564 = arith.cmpi ne, %rem3A_562, %ne3A_563 : i32
      %lt3A_565 = arith.constant 0 : i32
      %lt3A_566 = arith.cmpi slt, %rem3A_562, %lt3A_565 : i32
      %lt3A_567 = arith.constant 0 : i32
      %lt3A_568 = arith.cmpi slt, %select_n3A_561, %lt3A_567 : i32
      %ne3A_569 = arith.xori %lt3A_566, %lt3A_568 : i1
      %and3A_570 = arith.andi %ne3A_569, %ne3A_564 : i1
      %add3A_571 = arith.addi %rem3A_562, %select_n3A_561 : i32
      %select_n3A_572 = arith.select %and3A_570, %add3A_571, %rem3A_562 : i32
      %mul3A_573 = arith.constant 5 : i32
      %mul3A_574 = arith.muli %select_n3A_572, %mul3A_573 : i32
      %add3A_575 = arith.addi %add3A_556, %mul3A_574 : i32
      %dma_start3A_576 = arith.constant 0 : i32
      %dma_start3A_577 = tpu.memref_slice %arg2[%add3A_575, %dma_start3A_576] : memref<16640x128xi32, #tpu.memory_space<hbm>> -> memref<5x128xi32, #tpu.memory_space<hbm>>
      %dma_start3A_578 = arith.constant 0 : i32
      %dma_start3A_579 = tpu.memref_slice %arg2[%add3A_575, %dma_start3A_578] : memref<16640x128xi32, #tpu.memory_space<hbm>> -> memref<5x128xi32, #tpu.memory_space<hbm>>
      tpu.enqueue_dma source(%dma_start3A_579 : memref<5x128xi32, #tpu.memory_space<hbm>>) target(%arg6 : memref<5x128xi32, #tpu.memory_space<vmem>>) target_semaphore(%arg18 : memref<!tpu.dma_semaphore, #tpu.memory_space<semaphore_mem>>)
      %gt3A_580 = arith.constant 0 : i32
      %gt3A_581 = arith.cmpi sgt, %add3A_248, %gt3A_580 : i32
      %convert_element_type3A_582 = arith.extui %gt3A_581 : i1 to i32
      %cond3A_583 = arith.constant 0 : i32
      %cond3A_584 = arith.cmpi ne, %convert_element_type3A_582, %cond3A_583 : i32
      scf.if %cond3A_584 {
        %mul3A_904 = arith.constant 128 : i32
        %mul3A_905 = arith.muli %add3A, %mul3A_904 : i32
        %add3A_906 = arith.constant 0 : i32
        %add3A_907 = arith.addi %mul3A_905, %add3A_906 : i32
        %dma_wait3A_908 = arith.constant 0 : i32
        %dma_wait3A_909 = arith.constant 0 : i32
        %dma_wait3A_910 = tpu.memref_slice %arg4[%dma_wait3A_908, %add3A_907, %dma_wait3A_909] : memref<13x4096x128xf32, #tpu.memory_space<hbm>> -> memref<1x32x64xf32, #tpu.memory_space<hbm>>
        %dma_wait3A_911 = tpu.memref_squeeze %dma_wait3A_910 : memref<1x32x64xf32, #tpu.memory_space<hbm>> -> memref<32x64xf32, #tpu.memory_space<hbm>>
        %dma_wait3A_912 = arith.constant 0 : i32
        %dma_wait3A_913 = tpu.memref_slice %arg4[%dma_wait3A_908, %add3A_907, %dma_wait3A_912] : memref<13x4096x128xf32, #tpu.memory_space<hbm>> -> memref<1x32x64xf32, #tpu.memory_space<hbm>>
        %dma_wait3A_914 = tpu.memref_squeeze %dma_wait3A_913 : memref<1x32x64xf32, #tpu.memory_space<hbm>> -> memref<32x64xf32, #tpu.memory_space<hbm>>
        tpu.wait_dma2 semaphore(%arg21 : memref<!tpu.dma_semaphore, #tpu.memory_space<semaphore_mem>>) src(%arg12 : memref<32x64xf32, #tpu.memory_space<vmem>>) dst(%dma_wait3A_914 : memref<32x64xf32, #tpu.memory_space<hbm>>)
      } else {
      }
      %scan3A_585 = arith.constant 0 : i32
      %scan3A_586 = arith.constant 32 : i32
      %scan3A_587 = arith.addi %scan3A_585, %scan3A_586 : i32
      %scan3A_588 = arith.constant 1 : i32
      scf.for %scan3A_904 = %scan3A_585 to %scan3A_587 step %scan3A_588  : i32 {
        %mul3A_905 = arith.constant 1 : i32
        %mul3A_906 = arith.muli %scan3A_904, %mul3A_905 : i32
        %add3A_907 = arith.constant 0 : i32
        %add3A_908 = arith.addi %add3A_907, %mul3A_906 : i32
        %mul3A_909 = arith.constant 20 : i32
        %mul3A_910 = arith.muli %add3A_908, %mul3A_909 : i32
        %add3A_911 = arith.constant 0 : i32
        %add3A_912 = arith.addi %mul3A_910, %add3A_911 : i32
        %get3A = arith.index_cast %add3A_912 : i32 to index
        %get3A_913 = arith.constant 0 : index
        %get3A_914 = tpu.vector_load %arg9[%get3A, %get3A_913] {strides = array<i32>} : memref<640x64xf32, #tpu.memory_space<vmem>>, vector<1x16xf32>,
        %get3A_915 = vector.shape_cast %get3A_914 : vector<1x16xf32> to vector<16xf32>
        %add3A_916 = arith.constant 1 : i32
        %add3A_917 = arith.addi %mul3A_910, %add3A_916 : i32
        %get3A_918 = arith.index_cast %add3A_917 : i32 to index
        %get3A_919 = arith.constant 0 : index
        %get3A_920 = tpu.vector_load %arg9[%get3A_918, %get3A_919] {strides = array<i32>} : memref<640x64xf32, #tpu.memory_space<vmem>>, vector<1x16xf32>,
        %get3A_921 = vector.shape_cast %get3A_920 : vector<1x16xf32> to vector<16xf32>
        %add3A_922 = arith.constant 2 : i32
        %add3A_923 = arith.addi %mul3A_910, %add3A_922 : i32
        %get3A_924 = arith.index_cast %add3A_923 : i32 to index
        %get3A_925 = arith.constant 0 : index
        %get3A_926 = tpu.vector_load %arg9[%get3A_924, %get3A_925] {strides = array<i32>} : memref<640x64xf32, #tpu.memory_space<vmem>>, vector<1x16xf32>,
        %get3A_927 = vector.shape_cast %get3A_926 : vector<1x16xf32> to vector<16xf32>
        %add3A_928 = arith.constant 3 : i32
        %add3A_929 = arith.addi %mul3A_910, %add3A_928 : i32
        %get3A_930 = arith.index_cast %add3A_929 : i32 to index
        %get3A_931 = arith.constant 0 : index
        %get3A_932 = tpu.vector_load %arg9[%get3A_930, %get3A_931] {strides = array<i32>} : memref<640x64xf32, #tpu.memory_space<vmem>>, vector<1x16xf32>,
        %get3A_933 = vector.shape_cast %get3A_932 : vector<1x16xf32> to vector<16xf32>
        %add3A_934 = arith.constant 4 : i32
        %add3A_935 = arith.addi %mul3A_910, %add3A_934 : i32
        %get3A_936 = arith.index_cast %add3A_935 : i32 to index
        %get3A_937 = arith.constant 0 : index
        %get3A_938 = tpu.vector_load %arg9[%get3A_936, %get3A_937] {strides = array<i32>} : memref<640x64xf32, #tpu.memory_space<vmem>>, vector<1x16xf32>,
        %get3A_939 = vector.shape_cast %get3A_938 : vector<1x16xf32> to vector<16xf32>
        %add3A_940 = arith.constant 5 : i32
        %add3A_941 = arith.addi %mul3A_910, %add3A_940 : i32
        %get3A_942 = arith.index_cast %add3A_941 : i32 to index
        %get3A_943 = arith.constant 0 : index
        %get3A_944 = tpu.vector_load %arg9[%get3A_942, %get3A_943] {strides = array<i32>} : memref<640x64xf32, #tpu.memory_space<vmem>>, vector<1x16xf32>,
        %get3A_945 = vector.shape_cast %get3A_944 : vector<1x16xf32> to vector<16xf32>
        %add3A_946 = arith.constant 6 : i32
        %add3A_947 = arith.addi %mul3A_910, %add3A_946 : i32
        %get3A_948 = arith.index_cast %add3A_947 : i32 to index
        %get3A_949 = arith.constant 0 : index
        %get3A_950 = tpu.vector_load %arg9[%get3A_948, %get3A_949] {strides = array<i32>} : memref<640x64xf32, #tpu.memory_space<vmem>>, vector<1x16xf32>,
        %get3A_951 = vector.shape_cast %get3A_950 : vector<1x16xf32> to vector<16xf32>
        %add3A_952 = arith.constant 7 : i32
        %add3A_953 = arith.addi %mul3A_910, %add3A_952 : i32
        %get3A_954 = arith.index_cast %add3A_953 : i32 to index
        %get3A_955 = arith.constant 0 : index
        %get3A_956 = tpu.vector_load %arg9[%get3A_954, %get3A_955] {strides = array<i32>} : memref<640x64xf32, #tpu.memory_space<vmem>>, vector<1x16xf32>,
        %get3A_957 = vector.shape_cast %get3A_956 : vector<1x16xf32> to vector<16xf32>
        %add3A_958 = arith.constant 8 : i32
        %add3A_959 = arith.addi %mul3A_910, %add3A_958 : i32
        %get3A_960 = arith.index_cast %add3A_959 : i32 to index
        %get3A_961 = arith.constant 0 : index
        %get3A_962 = tpu.vector_load %arg9[%get3A_960, %get3A_961] {strides = array<i32>} : memref<640x64xf32, #tpu.memory_space<vmem>>, vector<1x16xf32>,
        %get3A_963 = vector.shape_cast %get3A_962 : vector<1x16xf32> to vector<16xf32>
        %add3A_964 = arith.constant 9 : i32
        %add3A_965 = arith.addi %mul3A_910, %add3A_964 : i32
        %get3A_966 = arith.index_cast %add3A_965 : i32 to index
        %get3A_967 = arith.constant 0 : index
        %get3A_968 = tpu.vector_load %arg9[%get3A_966, %get3A_967] {strides = array<i32>} : memref<640x64xf32, #tpu.memory_space<vmem>>, vector<1x16xf32>,
        %get3A_969 = vector.shape_cast %get3A_968 : vector<1x16xf32> to vector<16xf32>
        %add3A_970 = arith.constant 10 : i32
        %add3A_971 = arith.addi %mul3A_910, %add3A_970 : i32
        %get3A_972 = arith.index_cast %add3A_971 : i32 to index
        %get3A_973 = arith.constant 0 : index
        %get3A_974 = tpu.vector_load %arg9[%get3A_972, %get3A_973] {strides = array<i32>} : memref<640x64xf32, #tpu.memory_space<vmem>>, vector<1x16xf32>,
        %get3A_975 = vector.shape_cast %get3A_974 : vector<1x16xf32> to vector<16xf32>
        %add3A_976 = arith.constant 11 : i32
        %add3A_977 = arith.addi %mul3A_910, %add3A_976 : i32
        %get3A_978 = arith.index_cast %add3A_977 : i32 to index
        %get3A_979 = arith.constant 0 : index
        %get3A_980 = tpu.vector_load %arg9[%get3A_978, %get3A_979] {strides = array<i32>} : memref<640x64xf32, #tpu.memory_space<vmem>>, vector<1x16xf32>,
        %get3A_981 = vector.shape_cast %get3A_980 : vector<1x16xf32> to vector<16xf32>
        %add3A_982 = arith.constant 12 : i32
        %add3A_983 = arith.addi %mul3A_910, %add3A_982 : i32
        %get3A_984 = arith.index_cast %add3A_983 : i32 to index
        %get3A_985 = arith.constant 0 : index
        %get3A_986 = tpu.vector_load %arg9[%get3A_984, %get3A_985] {strides = array<i32>} : memref<640x64xf32, #tpu.memory_space<vmem>>, vector<1x16xf32>,
        %get3A_987 = vector.shape_cast %get3A_986 : vector<1x16xf32> to vector<16xf32>
        %add3A_988 = arith.constant 13 : i32
        %add3A_989 = arith.addi %mul3A_910, %add3A_988 : i32
        %get3A_990 = arith.index_cast %add3A_989 : i32 to index
        %get3A_991 = arith.constant 0 : index
        %get3A_992 = tpu.vector_load %arg9[%get3A_990, %get3A_991] {strides = array<i32>} : memref<640x64xf32, #tpu.memory_space<vmem>>, vector<1x16xf32>,
        %get3A_993 = vector.shape_cast %get3A_992 : vector<1x16xf32> to vector<16xf32>
        %add3A_994 = arith.constant 14 : i32
        %add3A_995 = arith.addi %mul3A_910, %add3A_994 : i32
        %get3A_996 = arith.index_cast %add3A_995 : i32 to index
        %get3A_997 = arith.constant 0 : index
        %get3A_998 = tpu.vector_load %arg9[%get3A_996, %get3A_997] {strides = array<i32>} : memref<640x64xf32, #tpu.memory_space<vmem>>, vector<1x16xf32>,
        %get3A_999 = vector.shape_cast %get3A_998 : vector<1x16xf32> to vector<16xf32>
        %add3A_1000 = arith.constant 15 : i32
        %add3A_1001 = arith.addi %mul3A_910, %add3A_1000 : i32
        %get3A_1002 = arith.index_cast %add3A_1001 : i32 to index
        %get3A_1003 = arith.constant 0 : index
        %get3A_1004 = tpu.vector_load %arg9[%get3A_1002, %get3A_1003] {strides = array<i32>} : memref<640x64xf32, #tpu.memory_space<vmem>>, vector<1x16xf32>,
        %get3A_1005 = vector.shape_cast %get3A_1004 : vector<1x16xf32> to vector<16xf32>
        %add3A_1006 = arith.constant 16 : i32
        %add3A_1007 = arith.addi %mul3A_910, %add3A_1006 : i32
        %get3A_1008 = arith.index_cast %add3A_1007 : i32 to index
        %get3A_1009 = arith.constant 0 : index
        %get3A_1010 = tpu.vector_load %arg9[%get3A_1008, %get3A_1009] {strides = array<i32>} : memref<640x64xf32, #tpu.memory_space<vmem>>, vector<1x16xf32>,
        %get3A_1011 = vector.shape_cast %get3A_1010 : vector<1x16xf32> to vector<16xf32>
        %add3A_1012 = arith.constant 17 : i32
        %add3A_1013 = arith.addi %mul3A_910, %add3A_1012 : i32
        %get3A_1014 = arith.index_cast %add3A_1013 : i32 to index
        %get3A_1015 = arith.constant 0 : index
        %get3A_1016 = tpu.vector_load %arg9[%get3A_1014, %get3A_1015] {strides = array<i32>} : memref<640x64xf32, #tpu.memory_space<vmem>>, vector<1x16xf32>,
        %get3A_1017 = vector.shape_cast %get3A_1016 : vector<1x16xf32> to vector<16xf32>
        %add3A_1018 = arith.constant 18 : i32
        %add3A_1019 = arith.addi %mul3A_910, %add3A_1018 : i32
        %get3A_1020 = arith.index_cast %add3A_1019 : i32 to index
        %get3A_1021 = arith.constant 0 : index
        %get3A_1022 = tpu.vector_load %arg9[%get3A_1020, %get3A_1021] {strides = array<i32>} : memref<640x64xf32, #tpu.memory_space<vmem>>, vector<1x16xf32>,
        %get3A_1023 = vector.shape_cast %get3A_1022 : vector<1x16xf32> to vector<16xf32>
        %add3A_1024 = arith.constant 19 : i32
        %add3A_1025 = arith.addi %mul3A_910, %add3A_1024 : i32
        %get3A_1026 = arith.index_cast %add3A_1025 : i32 to index
        %get3A_1027 = arith.constant 0 : index
        %get3A_1028 = tpu.vector_load %arg9[%get3A_1026, %get3A_1027] {strides = array<i32>} : memref<640x64xf32, #tpu.memory_space<vmem>>, vector<1x16xf32>,
        %get3A_1029 = vector.shape_cast %get3A_1028 : vector<1x16xf32> to vector<16xf32>
        %add3A_1030 = arith.addf %get3A_915, %get3A_921 : vector<16xf32>
        %add3A_1031 = arith.addf %get3A_927, %get3A_933 : vector<16xf32>
        %add3A_1032 = arith.addf %get3A_939, %get3A_945 : vector<16xf32>
        %add3A_1033 = arith.addf %get3A_951, %get3A_957 : vector<16xf32>
        %add3A_1034 = arith.addf %get3A_963, %get3A_969 : vector<16xf32>
        %add3A_1035 = arith.addf %get3A_975, %get3A_981 : vector<16xf32>
        %add3A_1036 = arith.addf %get3A_987, %get3A_993 : vector<16xf32>
        %add3A_1037 = arith.addf %get3A_999, %get3A_1005 : vector<16xf32>
        %add3A_1038 = arith.addf %get3A_1011, %get3A_1017 : vector<16xf32>
        %add3A_1039 = arith.addf %get3A_1023, %get3A_1029 : vector<16xf32>
        %add3A_1040 = arith.addf %add3A_1030, %add3A_1031 : vector<16xf32>
        %add3A_1041 = arith.addf %add3A_1032, %add3A_1033 : vector<16xf32>
        %add3A_1042 = arith.addf %add3A_1034, %add3A_1035 : vector<16xf32>
        %add3A_1043 = arith.addf %add3A_1036, %add3A_1037 : vector<16xf32>
        %add3A_1044 = arith.addf %add3A_1038, %add3A_1039 : vector<16xf32>
        %add3A_1045 = arith.addf %add3A_1040, %add3A_1041 : vector<16xf32>
        %add3A_1046 = arith.addf %add3A_1042, %add3A_1043 : vector<16xf32>
        %add3A_1047 = arith.addf %add3A_1045, %add3A_1046 : vector<16xf32>
        %add3A_1048 = arith.addf %add3A_1047, %add3A_1044 : vector<16xf32>
        %swap3A = arith.index_cast %add3A_908 : i32 to index
        %swap3A_1049 = arith.constant 0 : index
        %swap3A_1050 = tpu.vector_load %arg12[%swap3A, %swap3A_1049] {strides = array<i32>} : memref<32x64xf32, #tpu.memory_space<vmem>>, vector<1x16xf32>,
        %swap3A_1051 = vector.shape_cast %swap3A_1050 : vector<1x16xf32> to vector<16xf32>
        %swap3A_1052 = vector.shape_cast %add3A_1048 : vector<16xf32> to vector<1x16xf32>
        tpu.vector_store %arg12[%swap3A, %swap3A_1049], %swap3A_1052 {strides = array<i32>} : memref<32x64xf32, #tpu.memory_space<vmem>>, vector<1x16xf32>,
        %add3A_1053 = arith.constant 0 : i32
        %add3A_1054 = arith.addi %mul3A_910, %add3A_1053 : i32
        %get3A_1055 = arith.index_cast %add3A_1054 : i32 to index
        %get3A_1056 = arith.constant 16 : index
        %get3A_1057 = tpu.vector_load %arg9[%get3A_1055, %get3A_1056] {strides = array<i32>} : memref<640x64xf32, #tpu.memory_space<vmem>>, vector<1x16xf32>,
        %get3A_1058 = vector.shape_cast %get3A_1057 : vector<1x16xf32> to vector<16xf32>
        %add3A_1059 = arith.constant 1 : i32
        %add3A_1060 = arith.addi %mul3A_910, %add3A_1059 : i32
        %get3A_1061 = arith.index_cast %add3A_1060 : i32 to index
        %get3A_1062 = arith.constant 16 : index
        %get3A_1063 = tpu.vector_load %arg9[%get3A_1061, %get3A_1062] {strides = array<i32>} : memref<640x64xf32, #tpu.memory_space<vmem>>, vector<1x16xf32>,
        %get3A_1064 = vector.shape_cast %get3A_1063 : vector<1x16xf32> to vector<16xf32>
        %add3A_1065 = arith.constant 2 : i32
        %add3A_1066 = arith.addi %mul3A_910, %add3A_1065 : i32
        %get3A_1067 = arith.index_cast %add3A_1066 : i32 to index
        %get3A_1068 = arith.constant 16 : index
        %get3A_1069 = tpu.vector_load %arg9[%get3A_1067, %get3A_1068] {strides = array<i32>} : memref<640x64xf32, #tpu.memory_space<vmem>>, vector<1x16xf32>,
        %get3A_1070 = vector.shape_cast %get3A_1069 : vector<1x16xf32> to vector<16xf32>
        %add3A_1071 = arith.constant 3 : i32
        %add3A_1072 = arith.addi %mul3A_910, %add3A_1071 : i32
        %get3A_1073 = arith.index_cast %add3A_1072 : i32 to index
        %get3A_1074 = arith.constant 16 : index
        %get3A_1075 = tpu.vector_load %arg9[%get3A_1073, %get3A_1074] {strides = array<i32>} : memref<640x64xf32, #tpu.memory_space<vmem>>, vector<1x16xf32>,
        %get3A_1076 = vector.shape_cast %get3A_1075 : vector<1x16xf32> to vector<16xf32>
        %add3A_1077 = arith.constant 4 : i32
        %add3A_1078 = arith.addi %mul3A_910, %add3A_1077 : i32
        %get3A_1079 = arith.index_cast %add3A_1078 : i32 to index
        %get3A_1080 = arith.constant 16 : index
        %get3A_1081 = tpu.vector_load %arg9[%get3A_1079, %get3A_1080] {strides = array<i32>} : memref<640x64xf32, #tpu.memory_space<vmem>>, vector<1x16xf32>,
        %get3A_1082 = vector.shape_cast %get3A_1081 : vector<1x16xf32> to vector<16xf32>
        %add3A_1083 = arith.constant 5 : i32
        %add3A_1084 = arith.addi %mul3A_910, %add3A_1083 : i32
        %get3A_1085 = arith.index_cast %add3A_1084 : i32 to index
        %get3A_1086 = arith.constant 16 : index
        %get3A_1087 = tpu.vector_load %arg9[%get3A_1085, %get3A_1086] {strides = array<i32>} : memref<640x64xf32, #tpu.memory_space<vmem>>, vector<1x16xf32>,
        %get3A_1088 = vector.shape_cast %get3A_1087 : vector<1x16xf32> to vector<16xf32>
        %add3A_1089 = arith.constant 6 : i32
        %add3A_1090 = arith.addi %mul3A_910, %add3A_1089 : i32
        %get3A_1091 = arith.index_cast %add3A_1090 : i32 to index
        %get3A_1092 = arith.constant 16 : index
        %get3A_1093 = tpu.vector_load %arg9[%get3A_1091, %get3A_1092] {strides = array<i32>} : memref<640x64xf32, #tpu.memory_space<vmem>>, vector<1x16xf32>,
        %get3A_1094 = vector.shape_cast %get3A_1093 : vector<1x16xf32> to vector<16xf32>
        %add3A_1095 = arith.constant 7 : i32
        %add3A_1096 = arith.addi %mul3A_910, %add3A_1095 : i32
        %get3A_1097 = arith.index_cast %add3A_1096 : i32 to index
        %get3A_1098 = arith.constant 16 : index
        %get3A_1099 = tpu.vector_load %arg9[%get3A_1097, %get3A_1098] {strides = array<i32>} : memref<640x64xf32, #tpu.memory_space<vmem>>, vector<1x16xf32>,
        %get3A_1100 = vector.shape_cast %get3A_1099 : vector<1x16xf32> to vector<16xf32>
        %add3A_1101 = arith.constant 8 : i32
        %add3A_1102 = arith.addi %mul3A_910, %add3A_1101 : i32
        %get3A_1103 = arith.index_cast %add3A_1102 : i32 to index
        %get3A_1104 = arith.constant 16 : index
        %get3A_1105 = tpu.vector_load %arg9[%get3A_1103, %get3A_1104] {strides = array<i32>} : memref<640x64xf32, #tpu.memory_space<vmem>>, vector<1x16xf32>,
        %get3A_1106 = vector.shape_cast %get3A_1105 : vector<1x16xf32> to vector<16xf32>
        %add3A_1107 = arith.constant 9 : i32
        %add3A_1108 = arith.addi %mul3A_910, %add3A_1107 : i32
        %get3A_1109 = arith.index_cast %add3A_1108 : i32 to index
        %get3A_1110 = arith.constant 16 : index
        %get3A_1111 = tpu.vector_load %arg9[%get3A_1109, %get3A_1110] {strides = array<i32>} : memref<640x64xf32, #tpu.memory_space<vmem>>, vector<1x16xf32>,
        %get3A_1112 = vector.shape_cast %get3A_1111 : vector<1x16xf32> to vector<16xf32>
        %add3A_1113 = arith.constant 10 : i32
        %add3A_1114 = arith.addi %mul3A_910, %add3A_1113 : i32
        %get3A_1115 = arith.index_cast %add3A_1114 : i32 to index
        %get3A_1116 = arith.constant 16 : index
        %get3A_1117 = tpu.vector_load %arg9[%get3A_1115, %get3A_1116] {strides = array<i32>} : memref<640x64xf32, #tpu.memory_space<vmem>>, vector<1x16xf32>,
        %get3A_1118 = vector.shape_cast %get3A_1117 : vector<1x16xf32> to vector<16xf32>
        %add3A_1119 = arith.constant 11 : i32
        %add3A_1120 = arith.addi %mul3A_910, %add3A_1119 : i32
        %get3A_1121 = arith.index_cast %add3A_1120 : i32 to index
        %get3A_1122 = arith.constant 16 : index
        %get3A_1123 = tpu.vector_load %arg9[%get3A_1121, %get3A_1122] {strides = array<i32>} : memref<640x64xf32, #tpu.memory_space<vmem>>, vector<1x16xf32>,
        %get3A_1124 = vector.shape_cast %get3A_1123 : vector<1x16xf32> to vector<16xf32>
        %add3A_1125 = arith.constant 12 : i32
        %add3A_1126 = arith.addi %mul3A_910, %add3A_1125 : i32
        %get3A_1127 = arith.index_cast %add3A_1126 : i32 to index
        %get3A_1128 = arith.constant 16 : index
        %get3A_1129 = tpu.vector_load %arg9[%get3A_1127, %get3A_1128] {strides = array<i32>} : memref<640x64xf32, #tpu.memory_space<vmem>>, vector<1x16xf32>,
        %get3A_1130 = vector.shape_cast %get3A_1129 : vector<1x16xf32> to vector<16xf32>
        %add3A_1131 = arith.constant 13 : i32
        %add3A_1132 = arith.addi %mul3A_910, %add3A_1131 : i32
        %get3A_1133 = arith.index_cast %add3A_1132 : i32 to index
        %get3A_1134 = arith.constant 16 : index
        %get3A_1135 = tpu.vector_load %arg9[%get3A_1133, %get3A_1134] {strides = array<i32>} : memref<640x64xf32, #tpu.memory_space<vmem>>, vector<1x16xf32>,
        %get3A_1136 = vector.shape_cast %get3A_1135 : vector<1x16xf32> to vector<16xf32>
        %add3A_1137 = arith.constant 14 : i32
        %add3A_1138 = arith.addi %mul3A_910, %add3A_1137 : i32
        %get3A_1139 = arith.index_cast %add3A_1138 : i32 to index
        %get3A_1140 = arith.constant 16 : index
        %get3A_1141 = tpu.vector_load %arg9[%get3A_1139, %get3A_1140] {strides = array<i32>} : memref<640x64xf32, #tpu.memory_space<vmem>>, vector<1x16xf32>,
        %get3A_1142 = vector.shape_cast %get3A_1141 : vector<1x16xf32> to vector<16xf32>
        %add3A_1143 = arith.constant 15 : i32
        %add3A_1144 = arith.addi %mul3A_910, %add3A_1143 : i32
        %get3A_1145 = arith.index_cast %add3A_1144 : i32 to index
        %get3A_1146 = arith.constant 16 : index
        %get3A_1147 = tpu.vector_load %arg9[%get3A_1145, %get3A_1146] {strides = array<i32>} : memref<640x64xf32, #tpu.memory_space<vmem>>, vector<1x16xf32>,
        %get3A_1148 = vector.shape_cast %get3A_1147 : vector<1x16xf32> to vector<16xf32>
        %add3A_1149 = arith.constant 16 : i32
        %add3A_1150 = arith.addi %mul3A_910, %add3A_1149 : i32
        %get3A_1151 = arith.index_cast %add3A_1150 : i32 to index
        %get3A_1152 = arith.constant 16 : index
        %get3A_1153 = tpu.vector_load %arg9[%get3A_1151, %get3A_1152] {strides = array<i32>} : memref<640x64xf32, #tpu.memory_space<vmem>>, vector<1x16xf32>,
        %get3A_1154 = vector.shape_cast %get3A_1153 : vector<1x16xf32> to vector<16xf32>
        %add3A_1155 = arith.constant 17 : i32
        %add3A_1156 = arith.addi %mul3A_910, %add3A_1155 : i32
        %get3A_1157 = arith.index_cast %add3A_1156 : i32 to index
        %get3A_1158 = arith.constant 16 : index
        %get3A_1159 = tpu.vector_load %arg9[%get3A_1157, %get3A_1158] {strides = array<i32>} : memref<640x64xf32, #tpu.memory_space<vmem>>, vector<1x16xf32>,
        %get3A_1160 = vector.shape_cast %get3A_1159 : vector<1x16xf32> to vector<16xf32>
        %add3A_1161 = arith.constant 18 : i32
        %add3A_1162 = arith.addi %mul3A_910, %add3A_1161 : i32
        %get3A_1163 = arith.index_cast %add3A_1162 : i32 to index
        %get3A_1164 = arith.constant 16 : index
        %get3A_1165 = tpu.vector_load %arg9[%get3A_1163, %get3A_1164] {strides = array<i32>} : memref<640x64xf32, #tpu.memory_space<vmem>>, vector<1x16xf32>,
        %get3A_1166 = vector.shape_cast %get3A_1165 : vector<1x16xf32> to vector<16xf32>
        %add3A_1167 = arith.constant 19 : i32
        %add3A_1168 = arith.addi %mul3A_910, %add3A_1167 : i32
        %get3A_1169 = arith.index_cast %add3A_1168 : i32 to index
        %get3A_1170 = arith.constant 16 : index
        %get3A_1171 = tpu.vector_load %arg9[%get3A_1169, %get3A_1170] {strides = array<i32>} : memref<640x64xf32, #tpu.memory_space<vmem>>, vector<1x16xf32>,
        %get3A_1172 = vector.shape_cast %get3A_1171 : vector<1x16xf32> to vector<16xf32>
        %add3A_1173 = arith.addf %get3A_1058, %get3A_1064 : vector<16xf32>
        %add3A_1174 = arith.addf %get3A_1070, %get3A_1076 : vector<16xf32>
        %add3A_1175 = arith.addf %get3A_1082, %get3A_1088 : vector<16xf32>
        %add3A_1176 = arith.addf %get3A_1094, %get3A_1100 : vector<16xf32>
        %add3A_1177 = arith.addf %get3A_1106, %get3A_1112 : vector<16xf32>
        %add3A_1178 = arith.addf %get3A_1118, %get3A_1124 : vector<16xf32>
        %add3A_1179 = arith.addf %get3A_1130, %get3A_1136 : vector<16xf32>
        %add3A_1180 = arith.addf %get3A_1142, %get3A_1148 : vector<16xf32>
        %add3A_1181 = arith.addf %get3A_1154, %get3A_1160 : vector<16xf32>
        %add3A_1182 = arith.addf %get3A_1166, %get3A_1172 : vector<16xf32>
        %add3A_1183 = arith.addf %add3A_1173, %add3A_1174 : vector<16xf32>
        %add3A_1184 = arith.addf %add3A_1175, %add3A_1176 : vector<16xf32>
        %add3A_1185 = arith.addf %add3A_1177, %add3A_1178 : vector<16xf32>
        %add3A_1186 = arith.addf %add3A_1179, %add3A_1180 : vector<16xf32>
        %add3A_1187 = arith.addf %add3A_1181, %add3A_1182 : vector<16xf32>
        %add3A_1188 = arith.addf %add3A_1183, %add3A_1184 : vector<16xf32>
        %add3A_1189 = arith.addf %add3A_1185, %add3A_1186 : vector<16xf32>
        %add3A_1190 = arith.addf %add3A_1188, %add3A_1189 : vector<16xf32>
        %add3A_1191 = arith.addf %add3A_1190, %add3A_1187 : vector<16xf32>
        %swap3A_1192 = arith.index_cast %add3A_908 : i32 to index
        %swap3A_1193 = arith.constant 16 : index
        %swap3A_1194 = tpu.vector_load %arg12[%swap3A_1192, %swap3A_1193] {strides = array<i32>} : memref<32x64xf32, #tpu.memory_space<vmem>>, vector<1x16xf32>,
        %swap3A_1195 = vector.shape_cast %swap3A_1194 : vector<1x16xf32> to vector<16xf32>
        %swap3A_1196 = vector.shape_cast %add3A_1191 : vector<16xf32> to vector<1x16xf32>
        tpu.vector_store %arg12[%swap3A_1192, %swap3A_1193], %swap3A_1196 {strides = array<i32>} : memref<32x64xf32, #tpu.memory_space<vmem>>, vector<1x16xf32>,
        %add3A_1197 = arith.constant 0 : i32
        %add3A_1198 = arith.addi %mul3A_910, %add3A_1197 : i32
        %get3A_1199 = arith.index_cast %add3A_1198 : i32 to index
        %get3A_1200 = arith.constant 32 : index
        %get3A_1201 = tpu.vector_load %arg9[%get3A_1199, %get3A_1200] {strides = array<i32>} : memref<640x64xf32, #tpu.memory_space<vmem>>, vector<1x16xf32>,
        %get3A_1202 = vector.shape_cast %get3A_1201 : vector<1x16xf32> to vector<16xf32>
        %add3A_1203 = arith.constant 1 : i32
        %add3A_1204 = arith.addi %mul3A_910, %add3A_1203 : i32
        %get3A_1205 = arith.index_cast %add3A_1204 : i32 to index
        %get3A_1206 = arith.constant 32 : index
        %get3A_1207 = tpu.vector_load %arg9[%get3A_1205, %get3A_1206] {strides = array<i32>} : memref<640x64xf32, #tpu.memory_space<vmem>>, vector<1x16xf32>,
        %get3A_1208 = vector.shape_cast %get3A_1207 : vector<1x16xf32> to vector<16xf32>
        %add3A_1209 = arith.constant 2 : i32
        %add3A_1210 = arith.addi %mul3A_910, %add3A_1209 : i32
        %get3A_1211 = arith.index_cast %add3A_1210 : i32 to index
        %get3A_1212 = arith.constant 32 : index
        %get3A_1213 = tpu.vector_load %arg9[%get3A_1211, %get3A_1212] {strides = array<i32>} : memref<640x64xf32, #tpu.memory_space<vmem>>, vector<1x16xf32>,
        %get3A_1214 = vector.shape_cast %get3A_1213 : vector<1x16xf32> to vector<16xf32>
        %add3A_1215 = arith.constant 3 : i32
        %add3A_1216 = arith.addi %mul3A_910, %add3A_1215 : i32
        %get3A_1217 = arith.index_cast %add3A_1216 : i32 to index
        %get3A_1218 = arith.constant 32 : index
        %get3A_1219 = tpu.vector_load %arg9[%get3A_1217, %get3A_1218] {strides = array<i32>} : memref<640x64xf32, #tpu.memory_space<vmem>>, vector<1x16xf32>,
        %get3A_1220 = vector.shape_cast %get3A_1219 : vector<1x16xf32> to vector<16xf32>
        %add3A_1221 = arith.constant 4 : i32
        %add3A_1222 = arith.addi %mul3A_910, %add3A_1221 : i32
        %get3A_1223 = arith.index_cast %add3A_1222 : i32 to index
        %get3A_1224 = arith.constant 32 : index
        %get3A_1225 = tpu.vector_load %arg9[%get3A_1223, %get3A_1224] {strides = array<i32>} : memref<640x64xf32, #tpu.memory_space<vmem>>, vector<1x16xf32>,
        %get3A_1226 = vector.shape_cast %get3A_1225 : vector<1x16xf32> to vector<16xf32>
        %add3A_1227 = arith.constant 5 : i32
        %add3A_1228 = arith.addi %mul3A_910, %add3A_1227 : i32
        %get3A_1229 = arith.index_cast %add3A_1228 : i32 to index
        %get3A_1230 = arith.constant 32 : index
        %get3A_1231 = tpu.vector_load %arg9[%get3A_1229, %get3A_1230] {strides = array<i32>} : memref<640x64xf32, #tpu.memory_space<vmem>>, vector<1x16xf32>,
        %get3A_1232 = vector.shape_cast %get3A_1231 : vector<1x16xf32> to vector<16xf32>
        %add3A_1233 = arith.constant 6 : i32
        %add3A_1234 = arith.addi %mul3A_910, %add3A_1233 : i32
        %get3A_1235 = arith.index_cast %add3A_1234 : i32 to index
        %get3A_1236 = arith.constant 32 : index
        %get3A_1237 = tpu.vector_load %arg9[%get3A_1235, %get3A_1236] {strides = array<i32>} : memref<640x64xf32, #tpu.memory_space<vmem>>, vector<1x16xf32>,
        %get3A_1238 = vector.shape_cast %get3A_1237 : vector<1x16xf32> to vector<16xf32>
        %add3A_1239 = arith.constant 7 : i32
        %add3A_1240 = arith.addi %mul3A_910, %add3A_1239 : i32
        %get3A_1241 = arith.index_cast %add3A_1240 : i32 to index
        %get3A_1242 = arith.constant 32 : index
        %get3A_1243 = tpu.vector_load %arg9[%get3A_1241, %get3A_1242] {strides = array<i32>} : memref<640x64xf32, #tpu.memory_space<vmem>>, vector<1x16xf32>,
        %get3A_1244 = vector.shape_cast %get3A_1243 : vector<1x16xf32> to vector<16xf32>
        %add3A_1245 = arith.constant 8 : i32
        %add3A_1246 = arith.addi %mul3A_910, %add3A_1245 : i32
        %get3A_1247 = arith.index_cast %add3A_1246 : i32 to index
        %get3A_1248 = arith.constant 32 : index
        %get3A_1249 = tpu.vector_load %arg9[%get3A_1247, %get3A_1248] {strides = array<i32>} : memref<640x64xf32, #tpu.memory_space<vmem>>, vector<1x16xf32>,
        %get3A_1250 = vector.shape_cast %get3A_1249 : vector<1x16xf32> to vector<16xf32>
        %add3A_1251 = arith.constant 9 : i32
        %add3A_1252 = arith.addi %mul3A_910, %add3A_1251 : i32
        %get3A_1253 = arith.index_cast %add3A_1252 : i32 to index
        %get3A_1254 = arith.constant 32 : index
        %get3A_1255 = tpu.vector_load %arg9[%get3A_1253, %get3A_1254] {strides = array<i32>} : memref<640x64xf32, #tpu.memory_space<vmem>>, vector<1x16xf32>,
        %get3A_1256 = vector.shape_cast %get3A_1255 : vector<1x16xf32> to vector<16xf32>
        %add3A_1257 = arith.constant 10 : i32
        %add3A_1258 = arith.addi %mul3A_910, %add3A_1257 : i32
        %get3A_1259 = arith.index_cast %add3A_1258 : i32 to index
        %get3A_1260 = arith.constant 32 : index
        %get3A_1261 = tpu.vector_load %arg9[%get3A_1259, %get3A_1260] {strides = array<i32>} : memref<640x64xf32, #tpu.memory_space<vmem>>, vector<1x16xf32>,
        %get3A_1262 = vector.shape_cast %get3A_1261 : vector<1x16xf32> to vector<16xf32>
        %add3A_1263 = arith.constant 11 : i32
        %add3A_1264 = arith.addi %mul3A_910, %add3A_1263 : i32
        %get3A_1265 = arith.index_cast %add3A_1264 : i32 to index
        %get3A_1266 = arith.constant 32 : index
        %get3A_1267 = tpu.vector_load %arg9[%get3A_1265, %get3A_1266] {strides = array<i32>} : memref<640x64xf32, #tpu.memory_space<vmem>>, vector<1x16xf32>,
        %get3A_1268 = vector.shape_cast %get3A_1267 : vector<1x16xf32> to vector<16xf32>
        %add3A_1269 = arith.constant 12 : i32
        %add3A_1270 = arith.addi %mul3A_910, %add3A_1269 : i32
        %get3A_1271 = arith.index_cast %add3A_1270 : i32 to index
        %get3A_1272 = arith.constant 32 : index
        %get3A_1273 = tpu.vector_load %arg9[%get3A_1271, %get3A_1272] {strides = array<i32>} : memref<640x64xf32, #tpu.memory_space<vmem>>, vector<1x16xf32>,
        %get3A_1274 = vector.shape_cast %get3A_1273 : vector<1x16xf32> to vector<16xf32>
        %add3A_1275 = arith.constant 13 : i32
        %add3A_1276 = arith.addi %mul3A_910, %add3A_1275 : i32
        %get3A_1277 = arith.index_cast %add3A_1276 : i32 to index
        %get3A_1278 = arith.constant 32 : index
        %get3A_1279 = tpu.vector_load %arg9[%get3A_1277, %get3A_1278] {strides = array<i32>} : memref<640x64xf32, #tpu.memory_space<vmem>>, vector<1x16xf32>,
        %get3A_1280 = vector.shape_cast %get3A_1279 : vector<1x16xf32> to vector<16xf32>
        %add3A_1281 = arith.constant 14 : i32
        %add3A_1282 = arith.addi %mul3A_910, %add3A_1281 : i32
        %get3A_1283 = arith.index_cast %add3A_1282 : i32 to index
        %get3A_1284 = arith.constant 32 : index
        %get3A_1285 = tpu.vector_load %arg9[%get3A_1283, %get3A_1284] {strides = array<i32>} : memref<640x64xf32, #tpu.memory_space<vmem>>, vector<1x16xf32>,
        %get3A_1286 = vector.shape_cast %get3A_1285 : vector<1x16xf32> to vector<16xf32>
        %add3A_1287 = arith.constant 15 : i32
        %add3A_1288 = arith.addi %mul3A_910, %add3A_1287 : i32
        %get3A_1289 = arith.index_cast %add3A_1288 : i32 to index
        %get3A_1290 = arith.constant 32 : index
        %get3A_1291 = tpu.vector_load %arg9[%get3A_1289, %get3A_1290] {strides = array<i32>} : memref<640x64xf32, #tpu.memory_space<vmem>>, vector<1x16xf32>,
        %get3A_1292 = vector.shape_cast %get3A_1291 : vector<1x16xf32> to vector<16xf32>
        %add3A_1293 = arith.constant 16 : i32
        %add3A_1294 = arith.addi %mul3A_910, %add3A_1293 : i32
        %get3A_1295 = arith.index_cast %add3A_1294 : i32 to index
        %get3A_1296 = arith.constant 32 : index
        %get3A_1297 = tpu.vector_load %arg9[%get3A_1295, %get3A_1296] {strides = array<i32>} : memref<640x64xf32, #tpu.memory_space<vmem>>, vector<1x16xf32>,
        %get3A_1298 = vector.shape_cast %get3A_1297 : vector<1x16xf32> to vector<16xf32>
        %add3A_1299 = arith.constant 17 : i32
        %add3A_1300 = arith.addi %mul3A_910, %add3A_1299 : i32
        %get3A_1301 = arith.index_cast %add3A_1300 : i32 to index
        %get3A_1302 = arith.constant 32 : index
        %get3A_1303 = tpu.vector_load %arg9[%get3A_1301, %get3A_1302] {strides = array<i32>} : memref<640x64xf32, #tpu.memory_space<vmem>>, vector<1x16xf32>,
        %get3A_1304 = vector.shape_cast %get3A_1303 : vector<1x16xf32> to vector<16xf32>
        %add3A_1305 = arith.constant 18 : i32
        %add3A_1306 = arith.addi %mul3A_910, %add3A_1305 : i32
        %get3A_1307 = arith.index_cast %add3A_1306 : i32 to index
        %get3A_1308 = arith.constant 32 : index
        %get3A_1309 = tpu.vector_load %arg9[%get3A_1307, %get3A_1308] {strides = array<i32>} : memref<640x64xf32, #tpu.memory_space<vmem>>, vector<1x16xf32>,
        %get3A_1310 = vector.shape_cast %get3A_1309 : vector<1x16xf32> to vector<16xf32>
        %add3A_1311 = arith.constant 19 : i32
        %add3A_1312 = arith.addi %mul3A_910, %add3A_1311 : i32
        %get3A_1313 = arith.index_cast %add3A_1312 : i32 to index
        %get3A_1314 = arith.constant 32 : index
        %get3A_1315 = tpu.vector_load %arg9[%get3A_1313, %get3A_1314] {strides = array<i32>} : memref<640x64xf32, #tpu.memory_space<vmem>>, vector<1x16xf32>,
        %get3A_1316 = vector.shape_cast %get3A_1315 : vector<1x16xf32> to vector<16xf32>
        %add3A_1317 = arith.addf %get3A_1202, %get3A_1208 : vector<16xf32>
        %add3A_1318 = arith.addf %get3A_1214, %get3A_1220 : vector<16xf32>
        %add3A_1319 = arith.addf %get3A_1226, %get3A_1232 : vector<16xf32>
        %add3A_1320 = arith.addf %get3A_1238, %get3A_1244 : vector<16xf32>
        %add3A_1321 = arith.addf %get3A_1250, %get3A_1256 : vector<16xf32>
        %add3A_1322 = arith.addf %get3A_1262, %get3A_1268 : vector<16xf32>
        %add3A_1323 = arith.addf %get3A_1274, %get3A_1280 : vector<16xf32>
        %add3A_1324 = arith.addf %get3A_1286, %get3A_1292 : vector<16xf32>
        %add3A_1325 = arith.addf %get3A_1298, %get3A_1304 : vector<16xf32>
        %add3A_1326 = arith.addf %get3A_1310, %get3A_1316 : vector<16xf32>
        %add3A_1327 = arith.addf %add3A_1317, %add3A_1318 : vector<16xf32>
        %add3A_1328 = arith.addf %add3A_1319, %add3A_1320 : vector<16xf32>
        %add3A_1329 = arith.addf %add3A_1321, %add3A_1322 : vector<16xf32>
        %add3A_1330 = arith.addf %add3A_1323, %add3A_1324 : vector<16xf32>
        %add3A_1331 = arith.addf %add3A_1325, %add3A_1326 : vector<16xf32>
        %add3A_1332 = arith.addf %add3A_1327, %add3A_1328 : vector<16xf32>
        %add3A_1333 = arith.addf %add3A_1329, %add3A_1330 : vector<16xf32>
        %add3A_1334 = arith.addf %add3A_1332, %add3A_1333 : vector<16xf32>
        %add3A_1335 = arith.addf %add3A_1334, %add3A_1331 : vector<16xf32>
        %swap3A_1336 = arith.index_cast %add3A_908 : i32 to index
        %swap3A_1337 = arith.constant 32 : index
        %swap3A_1338 = tpu.vector_load %arg12[%swap3A_1336, %swap3A_1337] {strides = array<i32>} : memref<32x64xf32, #tpu.memory_space<vmem>>, vector<1x16xf32>,
        %swap3A_1339 = vector.shape_cast %swap3A_1338 : vector<1x16xf32> to vector<16xf32>
        %swap3A_1340 = vector.shape_cast %add3A_1335 : vector<16xf32> to vector<1x16xf32>
        tpu.vector_store %arg12[%swap3A_1336, %swap3A_1337], %swap3A_1340 {strides = array<i32>} : memref<32x64xf32, #tpu.memory_space<vmem>>, vector<1x16xf32>,
        %add3A_1341 = arith.constant 0 : i32
        %add3A_1342 = arith.addi %mul3A_910, %add3A_1341 : i32
        %get3A_1343 = arith.index_cast %add3A_1342 : i32 to index
        %get3A_1344 = arith.constant 48 : index
        %get3A_1345 = tpu.vector_load %arg9[%get3A_1343, %get3A_1344] {strides = array<i32>} : memref<640x64xf32, #tpu.memory_space<vmem>>, vector<1x16xf32>,
        %get3A_1346 = vector.shape_cast %get3A_1345 : vector<1x16xf32> to vector<16xf32>
        %add3A_1347 = arith.constant 1 : i32
        %add3A_1348 = arith.addi %mul3A_910, %add3A_1347 : i32
        %get3A_1349 = arith.index_cast %add3A_1348 : i32 to index
        %get3A_1350 = arith.constant 48 : index
        %get3A_1351 = tpu.vector_load %arg9[%get3A_1349, %get3A_1350] {strides = array<i32>} : memref<640x64xf32, #tpu.memory_space<vmem>>, vector<1x16xf32>,
        %get3A_1352 = vector.shape_cast %get3A_1351 : vector<1x16xf32> to vector<16xf32>
        %add3A_1353 = arith.constant 2 : i32
        %add3A_1354 = arith.addi %mul3A_910, %add3A_1353 : i32
        %get3A_1355 = arith.index_cast %add3A_1354 : i32 to index
        %get3A_1356 = arith.constant 48 : index
        %get3A_1357 = tpu.vector_load %arg9[%get3A_1355, %get3A_1356] {strides = array<i32>} : memref<640x64xf32, #tpu.memory_space<vmem>>, vector<1x16xf32>,
        %get3A_1358 = vector.shape_cast %get3A_1357 : vector<1x16xf32> to vector<16xf32>
        %add3A_1359 = arith.constant 3 : i32
        %add3A_1360 = arith.addi %mul3A_910, %add3A_1359 : i32
        %get3A_1361 = arith.index_cast %add3A_1360 : i32 to index
        %get3A_1362 = arith.constant 48 : index
        %get3A_1363 = tpu.vector_load %arg9[%get3A_1361, %get3A_1362] {strides = array<i32>} : memref<640x64xf32, #tpu.memory_space<vmem>>, vector<1x16xf32>,
        %get3A_1364 = vector.shape_cast %get3A_1363 : vector<1x16xf32> to vector<16xf32>
        %add3A_1365 = arith.constant 4 : i32
        %add3A_1366 = arith.addi %mul3A_910, %add3A_1365 : i32
        %get3A_1367 = arith.index_cast %add3A_1366 : i32 to index
        %get3A_1368 = arith.constant 48 : index
        %get3A_1369 = tpu.vector_load %arg9[%get3A_1367, %get3A_1368] {strides = array<i32>} : memref<640x64xf32, #tpu.memory_space<vmem>>, vector<1x16xf32>,
        %get3A_1370 = vector.shape_cast %get3A_1369 : vector<1x16xf32> to vector<16xf32>
        %add3A_1371 = arith.constant 5 : i32
        %add3A_1372 = arith.addi %mul3A_910, %add3A_1371 : i32
        %get3A_1373 = arith.index_cast %add3A_1372 : i32 to index
        %get3A_1374 = arith.constant 48 : index
        %get3A_1375 = tpu.vector_load %arg9[%get3A_1373, %get3A_1374] {strides = array<i32>} : memref<640x64xf32, #tpu.memory_space<vmem>>, vector<1x16xf32>,
        %get3A_1376 = vector.shape_cast %get3A_1375 : vector<1x16xf32> to vector<16xf32>
        %add3A_1377 = arith.constant 6 : i32
        %add3A_1378 = arith.addi %mul3A_910, %add3A_1377 : i32
        %get3A_1379 = arith.index_cast %add3A_1378 : i32 to index
        %get3A_1380 = arith.constant 48 : index
        %get3A_1381 = tpu.vector_load %arg9[%get3A_1379, %get3A_1380] {strides = array<i32>} : memref<640x64xf32, #tpu.memory_space<vmem>>, vector<1x16xf32>,
        %get3A_1382 = vector.shape_cast %get3A_1381 : vector<1x16xf32> to vector<16xf32>
        %add3A_1383 = arith.constant 7 : i32
        %add3A_1384 = arith.addi %mul3A_910, %add3A_1383 : i32
        %get3A_1385 = arith.index_cast %add3A_1384 : i32 to index
        %get3A_1386 = arith.constant 48 : index
        %get3A_1387 = tpu.vector_load %arg9[%get3A_1385, %get3A_1386] {strides = array<i32>} : memref<640x64xf32, #tpu.memory_space<vmem>>, vector<1x16xf32>,
        %get3A_1388 = vector.shape_cast %get3A_1387 : vector<1x16xf32> to vector<16xf32>
        %add3A_1389 = arith.constant 8 : i32
        %add3A_1390 = arith.addi %mul3A_910, %add3A_1389 : i32
        %get3A_1391 = arith.index_cast %add3A_1390 : i32 to index
        %get3A_1392 = arith.constant 48 : index
        %get3A_1393 = tpu.vector_load %arg9[%get3A_1391, %get3A_1392] {strides = array<i32>} : memref<640x64xf32, #tpu.memory_space<vmem>>, vector<1x16xf32>,
        %get3A_1394 = vector.shape_cast %get3A_1393 : vector<1x16xf32> to vector<16xf32>
        %add3A_1395 = arith.constant 9 : i32
        %add3A_1396 = arith.addi %mul3A_910, %add3A_1395 : i32
        %get3A_1397 = arith.index_cast %add3A_1396 : i32 to index
        %get3A_1398 = arith.constant 48 : index
        %get3A_1399 = tpu.vector_load %arg9[%get3A_1397, %get3A_1398] {strides = array<i32>} : memref<640x64xf32, #tpu.memory_space<vmem>>, vector<1x16xf32>,
        %get3A_1400 = vector.shape_cast %get3A_1399 : vector<1x16xf32> to vector<16xf32>
        %add3A_1401 = arith.constant 10 : i32
        %add3A_1402 = arith.addi %mul3A_910, %add3A_1401 : i32
        %get3A_1403 = arith.index_cast %add3A_1402 : i32 to index
        %get3A_1404 = arith.constant 48 : index
        %get3A_1405 = tpu.vector_load %arg9[%get3A_1403, %get3A_1404] {strides = array<i32>} : memref<640x64xf32, #tpu.memory_space<vmem>>, vector<1x16xf32>,
        %get3A_1406 = vector.shape_cast %get3A_1405 : vector<1x16xf32> to vector<16xf32>
        %add3A_1407 = arith.constant 11 : i32
        %add3A_1408 = arith.addi %mul3A_910, %add3A_1407 : i32
        %get3A_1409 = arith.index_cast %add3A_1408 : i32 to index
        %get3A_1410 = arith.constant 48 : index
        %get3A_1411 = tpu.vector_load %arg9[%get3A_1409, %get3A_1410] {strides = array<i32>} : memref<640x64xf32, #tpu.memory_space<vmem>>, vector<1x16xf32>,
        %get3A_1412 = vector.shape_cast %get3A_1411 : vector<1x16xf32> to vector<16xf32>
        %add3A_1413 = arith.constant 12 : i32
        %add3A_1414 = arith.addi %mul3A_910, %add3A_1413 : i32
        %get3A_1415 = arith.index_cast %add3A_1414 : i32 to index
        %get3A_1416 = arith.constant 48 : index
        %get3A_1417 = tpu.vector_load %arg9[%get3A_1415, %get3A_1416] {strides = array<i32>} : memref<640x64xf32, #tpu.memory_space<vmem>>, vector<1x16xf32>,
        %get3A_1418 = vector.shape_cast %get3A_1417 : vector<1x16xf32> to vector<16xf32>
        %add3A_1419 = arith.constant 13 : i32
        %add3A_1420 = arith.addi %mul3A_910, %add3A_1419 : i32
        %get3A_1421 = arith.index_cast %add3A_1420 : i32 to index
        %get3A_1422 = arith.constant 48 : index
        %get3A_1423 = tpu.vector_load %arg9[%get3A_1421, %get3A_1422] {strides = array<i32>} : memref<640x64xf32, #tpu.memory_space<vmem>>, vector<1x16xf32>,
        %get3A_1424 = vector.shape_cast %get3A_1423 : vector<1x16xf32> to vector<16xf32>
        %add3A_1425 = arith.constant 14 : i32
        %add3A_1426 = arith.addi %mul3A_910, %add3A_1425 : i32
        %get3A_1427 = arith.index_cast %add3A_1426 : i32 to index
        %get3A_1428 = arith.constant 48 : index
        %get3A_1429 = tpu.vector_load %arg9[%get3A_1427, %get3A_1428] {strides = array<i32>} : memref<640x64xf32, #tpu.memory_space<vmem>>, vector<1x16xf32>,
        %get3A_1430 = vector.shape_cast %get3A_1429 : vector<1x16xf32> to vector<16xf32>
        %add3A_1431 = arith.constant 15 : i32
        %add3A_1432 = arith.addi %mul3A_910, %add3A_1431 : i32
        %get3A_1433 = arith.index_cast %add3A_1432 : i32 to index
        %get3A_1434 = arith.constant 48 : index
        %get3A_1435 = tpu.vector_load %arg9[%get3A_1433, %get3A_1434] {strides = array<i32>} : memref<640x64xf32, #tpu.memory_space<vmem>>, vector<1x16xf32>,
        %get3A_1436 = vector.shape_cast %get3A_1435 : vector<1x16xf32> to vector<16xf32>
        %add3A_1437 = arith.constant 16 : i32
        %add3A_1438 = arith.addi %mul3A_910, %add3A_1437 : i32
        %get3A_1439 = arith.index_cast %add3A_1438 : i32 to index
        %get3A_1440 = arith.constant 48 : index
        %get3A_1441 = tpu.vector_load %arg9[%get3A_1439, %get3A_1440] {strides = array<i32>} : memref<640x64xf32, #tpu.memory_space<vmem>>, vector<1x16xf32>,
        %get3A_1442 = vector.shape_cast %get3A_1441 : vector<1x16xf32> to vector<16xf32>
        %add3A_1443 = arith.constant 17 : i32
        %add3A_1444 = arith.addi %mul3A_910, %add3A_1443 : i32
        %get3A_1445 = arith.index_cast %add3A_1444 : i32 to index
        %get3A_1446 = arith.constant 48 : index
        %get3A_1447 = tpu.vector_load %arg9[%get3A_1445, %get3A_1446] {strides = array<i32>} : memref<640x64xf32, #tpu.memory_space<vmem>>, vector<1x16xf32>,
        %get3A_1448 = vector.shape_cast %get3A_1447 : vector<1x16xf32> to vector<16xf32>
        %add3A_1449 = arith.constant 18 : i32
        %add3A_1450 = arith.addi %mul3A_910, %add3A_1449 : i32
        %get3A_1451 = arith.index_cast %add3A_1450 : i32 to index
        %get3A_1452 = arith.constant 48 : index
        %get3A_1453 = tpu.vector_load %arg9[%get3A_1451, %get3A_1452] {strides = array<i32>} : memref<640x64xf32, #tpu.memory_space<vmem>>, vector<1x16xf32>,
        %get3A_1454 = vector.shape_cast %get3A_1453 : vector<1x16xf32> to vector<16xf32>
        %add3A_1455 = arith.constant 19 : i32
        %add3A_1456 = arith.addi %mul3A_910, %add3A_1455 : i32
        %get3A_1457 = arith.index_cast %add3A_1456 : i32 to index
        %get3A_1458 = arith.constant 48 : index
        %get3A_1459 = tpu.vector_load %arg9[%get3A_1457, %get3A_1458] {strides = array<i32>} : memref<640x64xf32, #tpu.memory_space<vmem>>, vector<1x16xf32>,
        %get3A_1460 = vector.shape_cast %get3A_1459 : vector<1x16xf32> to vector<16xf32>
        %add3A_1461 = arith.addf %get3A_1346, %get3A_1352 : vector<16xf32>
        %add3A_1462 = arith.addf %get3A_1358, %get3A_1364 : vector<16xf32>
        %add3A_1463 = arith.addf %get3A_1370, %get3A_1376 : vector<16xf32>
        %add3A_1464 = arith.addf %get3A_1382, %get3A_1388 : vector<16xf32>
        %add3A_1465 = arith.addf %get3A_1394, %get3A_1400 : vector<16xf32>
        %add3A_1466 = arith.addf %get3A_1406, %get3A_1412 : vector<16xf32>
        %add3A_1467 = arith.addf %get3A_1418, %get3A_1424 : vector<16xf32>
        %add3A_1468 = arith.addf %get3A_1430, %get3A_1436 : vector<16xf32>
        %add3A_1469 = arith.addf %get3A_1442, %get3A_1448 : vector<16xf32>
        %add3A_1470 = arith.addf %get3A_1454, %get3A_1460 : vector<16xf32>
        %add3A_1471 = arith.addf %add3A_1461, %add3A_1462 : vector<16xf32>
        %add3A_1472 = arith.addf %add3A_1463, %add3A_1464 : vector<16xf32>
        %add3A_1473 = arith.addf %add3A_1465, %add3A_1466 : vector<16xf32>
        %add3A_1474 = arith.addf %add3A_1467, %add3A_1468 : vector<16xf32>
        %add3A_1475 = arith.addf %add3A_1469, %add3A_1470 : vector<16xf32>
        %add3A_1476 = arith.addf %add3A_1471, %add3A_1472 : vector<16xf32>
        %add3A_1477 = arith.addf %add3A_1473, %add3A_1474 : vector<16xf32>
        %add3A_1478 = arith.addf %add3A_1476, %add3A_1477 : vector<16xf32>
        %add3A_1479 = arith.addf %add3A_1478, %add3A_1475 : vector<16xf32>
        %swap3A_1480 = arith.index_cast %add3A_908 : i32 to index
        %swap3A_1481 = arith.constant 48 : index
        %swap3A_1482 = tpu.vector_load %arg12[%swap3A_1480, %swap3A_1481] {strides = array<i32>} : memref<32x64xf32, #tpu.memory_space<vmem>>, vector<1x16xf32>,
        %swap3A_1483 = vector.shape_cast %swap3A_1482 : vector<1x16xf32> to vector<16xf32>
        %swap3A_1484 = vector.shape_cast %add3A_1479 : vector<16xf32> to vector<1x16xf32>
        tpu.vector_store %arg12[%swap3A_1480, %swap3A_1481], %swap3A_1484 {strides = array<i32>} : memref<32x64xf32, #tpu.memory_space<vmem>>, vector<1x16xf32>,
      }
      %scan3A_589 = arith.constant 32 : i32
      %jit3A_590 = arith.constant 4 : i32
      %div3A_591 = arith.divsi %add3A_461, %jit3A_590 : i32
      %sign3A_592 = arith.constant 0 : i32
      %sign3A_593 = arith.cmpi sgt, %add3A_461, %sign3A_592 : i32
      %sign3A_594 = arith.extui %sign3A_593 : i1 to i32
      %sign3A_595 = arith.constant 0 : i32
      %sign3A_596 = arith.cmpi slt, %add3A_461, %sign3A_595 : i32
      %sign3A_597 = arith.extui %sign3A_596 : i1 to i32
      %sign3A_598 = arith.subi %sign3A_594, %sign3A_597 : i32
      %sign3A_599 = arith.constant 0 : i32
      %sign3A_600 = arith.cmpi sgt, %jit3A_590, %sign3A_599 : i32
      %sign3A_601 = arith.extui %sign3A_600 : i1 to i32
      %sign3A_602 = arith.constant 0 : i32
      %sign3A_603 = arith.cmpi slt, %jit3A_590, %sign3A_602 : i32
      %sign3A_604 = arith.extui %sign3A_603 : i1 to i32
      %sign3A_605 = arith.subi %sign3A_601, %sign3A_604 : i32
      %ne3A_606 = arith.cmpi ne, %sign3A_598, %sign3A_605 : i32
      %rem3A_607 = arith.remsi %add3A_461, %jit3A_590 : i32
      %ne3A_608 = arith.constant 0 : i32
      %ne3A_609 = arith.cmpi ne, %rem3A_607, %ne3A_608 : i32
      %and3A_610 = arith.andi %ne3A_606, %ne3A_609 : i1
      %sub3A_611 = arith.constant 1 : i32
      %sub3A_612 = arith.subi %div3A_591, %sub3A_611 : i32
      %select_n3A_613 = arith.select %and3A_610, %sub3A_612, %div3A_591 : i32
      %mul3A_614 = arith.constant 128 : i32
      %mul3A_615 = arith.muli %add3A, %mul3A_614 : i32
      %jit3A_616 = arith.constant 4 : i32
      %eq3A_617 = arith.constant 0 : i32
      %eq3A_618 = arith.cmpi eq, %jit3A_616, %eq3A_617 : i32
      %jit3A_619 = arith.constant 1 : i32
      %select_n3A_620 = arith.select %eq3A_618, %jit3A_619, %jit3A_616 : i32
      %rem3A_621 = arith.remsi %add3A_461, %select_n3A_620 : i32
      %ne3A_622 = arith.constant 0 : i32
      %ne3A_623 = arith.cmpi ne, %rem3A_621, %ne3A_622 : i32
      %lt3A_624 = arith.constant 0 : i32
      %lt3A_625 = arith.cmpi slt, %rem3A_621, %lt3A_624 : i32
      %lt3A_626 = arith.constant 0 : i32
      %lt3A_627 = arith.cmpi slt, %select_n3A_620, %lt3A_626 : i32
      %ne3A_628 = arith.xori %lt3A_625, %lt3A_627 : i1
      %and3A_629 = arith.andi %ne3A_628, %ne3A_623 : i1
      %add3A_630 = arith.addi %rem3A_621, %select_n3A_620 : i32
      %select_n3A_631 = arith.select %and3A_629, %add3A_630, %rem3A_621 : i32
      %mul3A_632 = arith.constant 32 : i32
      %mul3A_633 = arith.muli %select_n3A_631, %mul3A_632 : i32
      %add3A_634 = arith.addi %mul3A_615, %mul3A_633 : i32
      %jit3A_635 = arith.constant 2 : i32
      %div3A_636 = arith.divsi %select_n3A_613, %jit3A_635 : i32
      %sign3A_637 = arith.constant 0 : i32
      %sign3A_638 = arith.cmpi sgt, %select_n3A_613, %sign3A_637 : i32
      %sign3A_639 = arith.extui %sign3A_638 : i1 to i32
      %sign3A_640 = arith.constant 0 : i32
      %sign3A_641 = arith.cmpi slt, %select_n3A_613, %sign3A_640 : i32
      %sign3A_642 = arith.extui %sign3A_641 : i1 to i32
      %sign3A_643 = arith.subi %sign3A_639, %sign3A_642 : i32
      %sign3A_644 = arith.constant 0 : i32
      %sign3A_645 = arith.cmpi sgt, %jit3A_635, %sign3A_644 : i32
      %sign3A_646 = arith.extui %sign3A_645 : i1 to i32
      %sign3A_647 = arith.constant 0 : i32
      %sign3A_648 = arith.cmpi slt, %jit3A_635, %sign3A_647 : i32
      %sign3A_649 = arith.extui %sign3A_648 : i1 to i32
      %sign3A_650 = arith.subi %sign3A_646, %sign3A_649 : i32
      %ne3A_651 = arith.cmpi ne, %sign3A_643, %sign3A_650 : i32
      %rem3A_652 = arith.remsi %select_n3A_613, %jit3A_635 : i32
      %ne3A_653 = arith.constant 0 : i32
      %ne3A_654 = arith.cmpi ne, %rem3A_652, %ne3A_653 : i32
      %and3A_655 = arith.andi %ne3A_651, %ne3A_654 : i1
      %sub3A_656 = arith.constant 1 : i32
      %sub3A_657 = arith.subi %div3A_636, %sub3A_656 : i32
      %select_n3A_658 = arith.select %and3A_655, %sub3A_657, %div3A_636 : i32
      %jit3A_659 = arith.constant 2 : i32
      %eq3A_660 = arith.constant 0 : i32
      %eq3A_661 = arith.cmpi eq, %jit3A_659, %eq3A_660 : i32
      %jit3A_662 = arith.constant 1 : i32
      %select_n3A_663 = arith.select %eq3A_661, %jit3A_662, %jit3A_659 : i32
      %rem3A_664 = arith.remsi %select_n3A_613, %select_n3A_663 : i32
      %ne3A_665 = arith.constant 0 : i32
      %ne3A_666 = arith.cmpi ne, %rem3A_664, %ne3A_665 : i32
      %lt3A_667 = arith.constant 0 : i32
      %lt3A_668 = arith.cmpi slt, %rem3A_664, %lt3A_667 : i32
      %lt3A_669 = arith.constant 0 : i32
      %lt3A_670 = arith.cmpi slt, %select_n3A_663, %lt3A_669 : i32
      %ne3A_671 = arith.xori %lt3A_668, %lt3A_670 : i1
      %and3A_672 = arith.andi %ne3A_671, %ne3A_666 : i1
      %add3A_673 = arith.addi %rem3A_664, %select_n3A_663 : i32
      %select_n3A_674 = arith.select %and3A_672, %add3A_673, %rem3A_664 : i32
      %mul3A_675 = arith.constant 64 : i32
      %mul3A_676 = arith.muli %select_n3A_674, %mul3A_675 : i32
      %dma_start3A_677 = tpu.memref_slice %arg4[%select_n3A_658, %add3A_634, %mul3A_676] : memref<13x4096x128xf32, #tpu.memory_space<hbm>> -> memref<1x32x64xf32, #tpu.memory_space<hbm>>
      %dma_start3A_678 = tpu.memref_squeeze %dma_start3A_677 : memref<1x32x64xf32, #tpu.memory_space<hbm>> -> memref<32x64xf32, #tpu.memory_space<hbm>>
      %dma_start3A_679 = tpu.memref_slice %arg4[%select_n3A_658, %add3A_634, %mul3A_676] : memref<13x4096x128xf32, #tpu.memory_space<hbm>> -> memref<1x32x64xf32, #tpu.memory_space<hbm>>
      %dma_start3A_680 = tpu.memref_squeeze %dma_start3A_679 : memref<1x32x64xf32, #tpu.memory_space<hbm>> -> memref<32x64xf32, #tpu.memory_space<hbm>>
      tpu.enqueue_dma source(%arg12 : memref<32x64xf32, #tpu.memory_space<vmem>>) target(%dma_start3A_680 : memref<32x64xf32, #tpu.memory_space<hbm>>) target_semaphore(%arg21 : memref<!tpu.dma_semaphore, #tpu.memory_space<semaphore_mem>>)
      %mul3A_681 = arith.constant 3 : i32
      %mul3A_682 = arith.muli %mul3A_681, %add3A_248 : i32
      %add3A_683 = arith.constant 2 : i32
      %add3A_684 = arith.addi %mul3A_682, %add3A_683 : i32
      %dma_wait3A_685 = arith.constant 0 : i32
      %dma_wait3A_686 = arith.constant 0 : i32
      %dma_wait3A_687 = tpu.memref_slice %arg3[%dma_wait3A_685, %dma_wait3A_686] : memref<1000000x64xf32, #tpu.memory_space<hbm>> -> memref<640x64xf32, #tpu.memory_space<hbm>>
      %dma_wait3A_688 = arith.constant 0 : i32
      %dma_wait3A_689 = arith.constant 0 : i32
      %dma_wait3A_690 = tpu.memref_slice %arg3[%dma_wait3A_688, %dma_wait3A_689] : memref<1000000x64xf32, #tpu.memory_space<hbm>> -> memref<640x64xf32, #tpu.memory_space<hbm>>
      tpu.wait_dma2 semaphore(%arg16 : memref<!tpu.dma_semaphore, #tpu.memory_space<semaphore_mem>>) src(%dma_wait3A_690 : memref<640x64xf32, #tpu.memory_space<hbm>>) dst(%arg10 : memref<640x64xf32, #tpu.memory_space<vmem>>)
      %dma_wait3A_691 = arith.constant 0 : i32
      %dma_wait3A_692 = arith.constant 0 : i32
      %dma_wait3A_693 = tpu.memref_slice %arg2[%dma_wait3A_691, %dma_wait3A_692] : memref<16640x128xi32, #tpu.memory_space<hbm>> -> memref<5x128xi32, #tpu.memory_space<hbm>>
      %dma_wait3A_694 = arith.constant 0 : i32
      %dma_wait3A_695 = arith.constant 0 : i32
      %dma_wait3A_696 = tpu.memref_slice %arg2[%dma_wait3A_694, %dma_wait3A_695] : memref<16640x128xi32, #tpu.memory_space<hbm>> -> memref<5x128xi32, #tpu.memory_space<hbm>>
      tpu.wait_dma2 semaphore(%arg18 : memref<!tpu.dma_semaphore, #tpu.memory_space<semaphore_mem>>) src(%dma_wait3A_696 : memref<5x128xi32, #tpu.memory_space<hbm>>) dst(%arg6 : memref<5x128xi32, #tpu.memory_space<vmem>>)
      %dma_start3A_697 = arith.constant 0 : i32
      %dma_start3A_698 = arith.constant 0 : i32
      %dma_start3A_699 = arith.constant 0 : i32
      %dma_start3A_700 = tpu.memref_slice %arg9[%dma_start3A_698, %dma_start3A_699] : memref<640x64xf32, #tpu.memory_space<vmem>> -> memref<128x64xf32, #tpu.memory_space<vmem>>
      %dma_start3A_701 = arith.constant 0 : i32
      %dma_start3A_702 = tpu.memref_slice %arg6[%dma_start3A_697, %dma_start3A_701] : memref<5x128xi32, #tpu.memory_space<vmem>> -> memref<1x128xi32, #tpu.memory_space<vmem>>
      %dma_start3A_703 = tpu.memref_squeeze %dma_start3A_702 : memref<1x128xi32, #tpu.memory_space<vmem>> -> memref<128xi32, #tpu.memory_space<vmem>>
      %dma_start3A_704 = arith.constant 0 : i32
      %dma_start3A_705 = arith.constant 0 : i32
      %dma_start3A_706 = tpu.memref_slice %arg3[%dma_start3A_704, %dma_start3A_705] : memref<1000000x64xf32, #tpu.memory_space<hbm>> -> memref<1000000x64xf32, #tpu.memory_space<hbm>>
      tpu.enqueue_indirect_dma source(%dma_start3A_706 : memref<1000000x64xf32, #tpu.memory_space<hbm>>) target(%dma_start3A_700 : memref<128x64xf32, #tpu.memory_space<vmem>>) offsets(%dma_start3A_703 : memref<128xi32, #tpu.memory_space<vmem>>) semaphore(%arg15 : memref<!tpu.dma_semaphore, #tpu.memory_space<semaphore_mem>>)
      %dma_start3A_707 = arith.constant 1 : i32
      %dma_start3A_708 = arith.constant 128 : i32
      %dma_start3A_709 = arith.constant 0 : i32
      %dma_start3A_710 = tpu.memref_slice %arg9[%dma_start3A_708, %dma_start3A_709] : memref<640x64xf32, #tpu.memory_space<vmem>> -> memref<128x64xf32, #tpu.memory_space<vmem>>
      %dma_start3A_711 = arith.constant 0 : i32
      %dma_start3A_712 = tpu.memref_slice %arg6[%dma_start3A_707, %dma_start3A_711] : memref<5x128xi32, #tpu.memory_space<vmem>> -> memref<1x128xi32, #tpu.memory_space<vmem>>
      %dma_start3A_713 = tpu.memref_squeeze %dma_start3A_712 : memref<1x128xi32, #tpu.memory_space<vmem>> -> memref<128xi32, #tpu.memory_space<vmem>>
      %dma_start3A_714 = arith.constant 0 : i32
      %dma_start3A_715 = arith.constant 0 : i32
      %dma_start3A_716 = tpu.memref_slice %arg3[%dma_start3A_714, %dma_start3A_715] : memref<1000000x64xf32, #tpu.memory_space<hbm>> -> memref<1000000x64xf32, #tpu.memory_space<hbm>>
      tpu.enqueue_indirect_dma source(%dma_start3A_716 : memref<1000000x64xf32, #tpu.memory_space<hbm>>) target(%dma_start3A_710 : memref<128x64xf32, #tpu.memory_space<vmem>>) offsets(%dma_start3A_713 : memref<128xi32, #tpu.memory_space<vmem>>) semaphore(%arg15 : memref<!tpu.dma_semaphore, #tpu.memory_space<semaphore_mem>>)
      %dma_start3A_717 = arith.constant 2 : i32
      %dma_start3A_718 = arith.constant 256 : i32
      %dma_start3A_719 = arith.constant 0 : i32
      %dma_start3A_720 = tpu.memref_slice %arg9[%dma_start3A_718, %dma_start3A_719] : memref<640x64xf32, #tpu.memory_space<vmem>> -> memref<128x64xf32, #tpu.memory_space<vmem>>
      %dma_start3A_721 = arith.constant 0 : i32
      %dma_start3A_722 = tpu.memref_slice %arg6[%dma_start3A_717, %dma_start3A_721] : memref<5x128xi32, #tpu.memory_space<vmem>> -> memref<1x128xi32, #tpu.memory_space<vmem>>
      %dma_start3A_723 = tpu.memref_squeeze %dma_start3A_722 : memref<1x128xi32, #tpu.memory_space<vmem>> -> memref<128xi32, #tpu.memory_space<vmem>>
      %dma_start3A_724 = arith.constant 0 : i32
      %dma_start3A_725 = arith.constant 0 : i32
      %dma_start3A_726 = tpu.memref_slice %arg3[%dma_start3A_724, %dma_start3A_725] : memref<1000000x64xf32, #tpu.memory_space<hbm>> -> memref<1000000x64xf32, #tpu.memory_space<hbm>>
      tpu.enqueue_indirect_dma source(%dma_start3A_726 : memref<1000000x64xf32, #tpu.memory_space<hbm>>) target(%dma_start3A_720 : memref<128x64xf32, #tpu.memory_space<vmem>>) offsets(%dma_start3A_723 : memref<128xi32, #tpu.memory_space<vmem>>) semaphore(%arg15 : memref<!tpu.dma_semaphore, #tpu.memory_space<semaphore_mem>>)
      %dma_start3A_727 = arith.constant 3 : i32
      %dma_start3A_728 = arith.constant 384 : i32
      %dma_start3A_729 = arith.constant 0 : i32
      %dma_start3A_730 = tpu.memref_slice %arg9[%dma_start3A_728, %dma_start3A_729] : memref<640x64xf32, #tpu.memory_space<vmem>> -> memref<128x64xf32, #tpu.memory_space<vmem>>
      %dma_start3A_731 = arith.constant 0 : i32
      %dma_start3A_732 = tpu.memref_slice %arg6[%dma_start3A_727, %dma_start3A_731] : memref<5x128xi32, #tpu.memory_space<vmem>> -> memref<1x128xi32, #tpu.memory_space<vmem>>
      %dma_start3A_733 = tpu.memref_squeeze %dma_start3A_732 : memref<1x128xi32, #tpu.memory_space<vmem>> -> memref<128xi32, #tpu.memory_space<vmem>>
      %dma_start3A_734 = arith.constant 0 : i32
      %dma_start3A_735 = arith.constant 0 : i32
      %dma_start3A_736 = tpu.memref_slice %arg3[%dma_start3A_734, %dma_start3A_735] : memref<1000000x64xf32, #tpu.memory_space<hbm>> -> memref<1000000x64xf32, #tpu.memory_space<hbm>>
      tpu.enqueue_indirect_dma source(%dma_start3A_736 : memref<1000000x64xf32, #tpu.memory_space<hbm>>) target(%dma_start3A_730 : memref<128x64xf32, #tpu.memory_space<vmem>>) offsets(%dma_start3A_733 : memref<128xi32, #tpu.memory_space<vmem>>) semaphore(%arg15 : memref<!tpu.dma_semaphore, #tpu.memory_space<semaphore_mem>>)
      %dma_start3A_737 = arith.constant 4 : i32
      %dma_start3A_738 = arith.constant 512 : i32
      %dma_start3A_739 = arith.constant 0 : i32
      %dma_start3A_740 = tpu.memref_slice %arg9[%dma_start3A_738, %dma_start3A_739] : memref<640x64xf32, #tpu.memory_space<vmem>> -> memref<128x64xf32, #tpu.memory_space<vmem>>
      %dma_start3A_741 = arith.constant 0 : i32
      %dma_start3A_742 = tpu.memref_slice %arg6[%dma_start3A_737, %dma_start3A_741] : memref<5x128xi32, #tpu.memory_space<vmem>> -> memref<1x128xi32, #tpu.memory_space<vmem>>
      %dma_start3A_743 = tpu.memref_squeeze %dma_start3A_742 : memref<1x128xi32, #tpu.memory_space<vmem>> -> memref<128xi32, #tpu.memory_space<vmem>>
      %dma_start3A_744 = arith.constant 0 : i32
      %dma_start3A_745 = arith.constant 0 : i32
      %dma_start3A_746 = tpu.memref_slice %arg3[%dma_start3A_744, %dma_start3A_745] : memref<1000000x64xf32, #tpu.memory_space<hbm>> -> memref<1000000x64xf32, #tpu.memory_space<hbm>>
      tpu.enqueue_indirect_dma source(%dma_start3A_746 : memref<1000000x64xf32, #tpu.memory_space<hbm>>) target(%dma_start3A_740 : memref<128x64xf32, #tpu.memory_space<vmem>>) offsets(%dma_start3A_743 : memref<128xi32, #tpu.memory_space<vmem>>) semaphore(%arg15 : memref<!tpu.dma_semaphore, #tpu.memory_space<semaphore_mem>>)
      %add3A_747 = arith.constant 3 : i32
      %add3A_748 = arith.addi %add3A_684, %add3A_747 : i32
      %min3A_749 = arith.constant 103 : i32
      %min3A_750 = arith.minsi %add3A_748, %min3A_749 : i32
      %jit3A_751 = arith.constant 4 : i32
      %div3A_752 = arith.divsi %min3A_750, %jit3A_751 : i32
      %sign3A_753 = arith.constant 0 : i32
      %sign3A_754 = arith.cmpi sgt, %min3A_750, %sign3A_753 : i32
      %sign3A_755 = arith.extui %sign3A_754 : i1 to i32
      %sign3A_756 = arith.constant 0 : i32
      %sign3A_757 = arith.cmpi slt, %min3A_750, %sign3A_756 : i32
      %sign3A_758 = arith.extui %sign3A_757 : i1 to i32
      %sign3A_759 = arith.subi %sign3A_755, %sign3A_758 : i32
      %sign3A_760 = arith.constant 0 : i32
      %sign3A_761 = arith.cmpi sgt, %jit3A_751, %sign3A_760 : i32
      %sign3A_762 = arith.extui %sign3A_761 : i1 to i32
      %sign3A_763 = arith.constant 0 : i32
      %sign3A_764 = arith.cmpi slt, %jit3A_751, %sign3A_763 : i32
      %sign3A_765 = arith.extui %sign3A_764 : i1 to i32
      %sign3A_766 = arith.subi %sign3A_762, %sign3A_765 : i32
      %ne3A_767 = arith.cmpi ne, %sign3A_759, %sign3A_766 : i32
      %rem3A_768 = arith.remsi %min3A_750, %jit3A_751 : i32
      %ne3A_769 = arith.constant 0 : i32
      %ne3A_770 = arith.cmpi ne, %rem3A_768, %ne3A_769 : i32
      %and3A_771 = arith.andi %ne3A_767, %ne3A_770 : i1
      %sub3A_772 = arith.constant 1 : i32
      %sub3A_773 = arith.subi %div3A_752, %sub3A_772 : i32
      %select_n3A_774 = arith.select %and3A_771, %sub3A_773, %div3A_752 : i32
      %mul3A_775 = arith.constant 640 : i32
      %mul3A_776 = arith.muli %select_n3A_774, %mul3A_775 : i32
      %mul3A_777 = arith.constant 20 : i32
      %mul3A_778 = arith.muli %add3A, %mul3A_777 : i32
      %add3A_779 = arith.addi %mul3A_776, %mul3A_778 : i32
      %jit3A_780 = arith.constant 4 : i32
      %eq3A_781 = arith.constant 0 : i32
      %eq3A_782 = arith.cmpi eq, %jit3A_780, %eq3A_781 : i32
      %jit3A_783 = arith.constant 1 : i32
      %select_n3A_784 = arith.select %eq3A_782, %jit3A_783, %jit3A_780 : i32
      %rem3A_785 = arith.remsi %min3A_750, %select_n3A_784 : i32
      %ne3A_786 = arith.constant 0 : i32
      %ne3A_787 = arith.cmpi ne, %rem3A_785, %ne3A_786 : i32
      %lt3A_788 = arith.constant 0 : i32
      %lt3A_789 = arith.cmpi slt, %rem3A_785, %lt3A_788 : i32
      %lt3A_790 = arith.constant 0 : i32
      %lt3A_791 = arith.cmpi slt, %select_n3A_784, %lt3A_790 : i32
      %ne3A_792 = arith.xori %lt3A_789, %lt3A_791 : i1
      %and3A_793 = arith.andi %ne3A_792, %ne3A_787 : i1
      %add3A_794 = arith.addi %rem3A_785, %select_n3A_784 : i32
      %select_n3A_795 = arith.select %and3A_793, %add3A_794, %rem3A_785 : i32
      %mul3A_796 = arith.constant 5 : i32
      %mul3A_797 = arith.muli %select_n3A_795, %mul3A_796 : i32
      %add3A_798 = arith.addi %add3A_779, %mul3A_797 : i32
      %dma_start3A_799 = arith.constant 0 : i32
      %dma_start3A_800 = tpu.memref_slice %arg2[%add3A_798, %dma_start3A_799] : memref<16640x128xi32, #tpu.memory_space<hbm>> -> memref<5x128xi32, #tpu.memory_space<hbm>>
      %dma_start3A_801 = arith.constant 0 : i32
      %dma_start3A_802 = tpu.memref_slice %arg2[%add3A_798, %dma_start3A_801] : memref<16640x128xi32, #tpu.memory_space<hbm>> -> memref<5x128xi32, #tpu.memory_space<hbm>>
      tpu.enqueue_dma source(%dma_start3A_802 : memref<5x128xi32, #tpu.memory_space<hbm>>) target(%arg7 : memref<5x128xi32, #tpu.memory_space<vmem>>) target_semaphore(%arg19 : memref<!tpu.dma_semaphore, #tpu.memory_space<semaphore_mem>>)
      %gt3A_803 = arith.constant 0 : i32
      %gt3A_804 = arith.cmpi sgt, %add3A_248, %gt3A_803 : i32
      %convert_element_type3A_805 = arith.extui %gt3A_804 : i1 to i32
      %cond3A_806 = arith.constant 0 : i32
      %cond3A_807 = arith.cmpi ne, %convert_element_type3A_805, %cond3A_806 : i32
      scf.if %cond3A_807 {
        %mul3A_904 = arith.constant 128 : i32
        %mul3A_905 = arith.muli %add3A, %mul3A_904 : i32
        %add3A_906 = arith.constant 0 : i32
        %add3A_907 = arith.addi %mul3A_905, %add3A_906 : i32
        %dma_wait3A_908 = arith.constant 0 : i32
        %dma_wait3A_909 = arith.constant 0 : i32
        %dma_wait3A_910 = tpu.memref_slice %arg4[%dma_wait3A_908, %add3A_907, %dma_wait3A_909] : memref<13x4096x128xf32, #tpu.memory_space<hbm>> -> memref<1x32x64xf32, #tpu.memory_space<hbm>>
        %dma_wait3A_911 = tpu.memref_squeeze %dma_wait3A_910 : memref<1x32x64xf32, #tpu.memory_space<hbm>> -> memref<32x64xf32, #tpu.memory_space<hbm>>
        %dma_wait3A_912 = arith.constant 0 : i32
        %dma_wait3A_913 = tpu.memref_slice %arg4[%dma_wait3A_908, %add3A_907, %dma_wait3A_912] : memref<13x4096x128xf32, #tpu.memory_space<hbm>> -> memref<1x32x64xf32, #tpu.memory_space<hbm>>
        %dma_wait3A_914 = tpu.memref_squeeze %dma_wait3A_913 : memref<1x32x64xf32, #tpu.memory_space<hbm>> -> memref<32x64xf32, #tpu.memory_space<hbm>>
        tpu.wait_dma2 semaphore(%arg22 : memref<!tpu.dma_semaphore, #tpu.memory_space<semaphore_mem>>) src(%arg13 : memref<32x64xf32, #tpu.memory_space<vmem>>) dst(%dma_wait3A_914 : memref<32x64xf32, #tpu.memory_space<hbm>>)
      } else {
      }
      %scan3A_808 = arith.constant 0 : i32
      %scan3A_809 = arith.constant 32 : i32
      %scan3A_810 = arith.addi %scan3A_808, %scan3A_809 : i32
      %scan3A_811 = arith.constant 1 : i32
      scf.for %scan3A_904 = %scan3A_808 to %scan3A_810 step %scan3A_811  : i32 {
        %mul3A_905 = arith.constant 1 : i32
        %mul3A_906 = arith.muli %scan3A_904, %mul3A_905 : i32
        %add3A_907 = arith.constant 0 : i32
        %add3A_908 = arith.addi %add3A_907, %mul3A_906 : i32
        %mul3A_909 = arith.constant 20 : i32
        %mul3A_910 = arith.muli %add3A_908, %mul3A_909 : i32
        %add3A_911 = arith.constant 0 : i32
        %add3A_912 = arith.addi %mul3A_910, %add3A_911 : i32
        %get3A = arith.index_cast %add3A_912 : i32 to index
        %get3A_913 = arith.constant 0 : index
        %get3A_914 = tpu.vector_load %arg10[%get3A, %get3A_913] {strides = array<i32>} : memref<640x64xf32, #tpu.memory_space<vmem>>, vector<1x16xf32>,
        %get3A_915 = vector.shape_cast %get3A_914 : vector<1x16xf32> to vector<16xf32>
        %add3A_916 = arith.constant 1 : i32
        %add3A_917 = arith.addi %mul3A_910, %add3A_916 : i32
        %get3A_918 = arith.index_cast %add3A_917 : i32 to index
        %get3A_919 = arith.constant 0 : index
        %get3A_920 = tpu.vector_load %arg10[%get3A_918, %get3A_919] {strides = array<i32>} : memref<640x64xf32, #tpu.memory_space<vmem>>, vector<1x16xf32>,
        %get3A_921 = vector.shape_cast %get3A_920 : vector<1x16xf32> to vector<16xf32>
        %add3A_922 = arith.constant 2 : i32
        %add3A_923 = arith.addi %mul3A_910, %add3A_922 : i32
        %get3A_924 = arith.index_cast %add3A_923 : i32 to index
        %get3A_925 = arith.constant 0 : index
        %get3A_926 = tpu.vector_load %arg10[%get3A_924, %get3A_925] {strides = array<i32>} : memref<640x64xf32, #tpu.memory_space<vmem>>, vector<1x16xf32>,
        %get3A_927 = vector.shape_cast %get3A_926 : vector<1x16xf32> to vector<16xf32>
        %add3A_928 = arith.constant 3 : i32
        %add3A_929 = arith.addi %mul3A_910, %add3A_928 : i32
        %get3A_930 = arith.index_cast %add3A_929 : i32 to index
        %get3A_931 = arith.constant 0 : index
        %get3A_932 = tpu.vector_load %arg10[%get3A_930, %get3A_931] {strides = array<i32>} : memref<640x64xf32, #tpu.memory_space<vmem>>, vector<1x16xf32>,
        %get3A_933 = vector.shape_cast %get3A_932 : vector<1x16xf32> to vector<16xf32>
        %add3A_934 = arith.constant 4 : i32
        %add3A_935 = arith.addi %mul3A_910, %add3A_934 : i32
        %get3A_936 = arith.index_cast %add3A_935 : i32 to index
        %get3A_937 = arith.constant 0 : index
        %get3A_938 = tpu.vector_load %arg10[%get3A_936, %get3A_937] {strides = array<i32>} : memref<640x64xf32, #tpu.memory_space<vmem>>, vector<1x16xf32>,
        %get3A_939 = vector.shape_cast %get3A_938 : vector<1x16xf32> to vector<16xf32>
        %add3A_940 = arith.constant 5 : i32
        %add3A_941 = arith.addi %mul3A_910, %add3A_940 : i32
        %get3A_942 = arith.index_cast %add3A_941 : i32 to index
        %get3A_943 = arith.constant 0 : index
        %get3A_944 = tpu.vector_load %arg10[%get3A_942, %get3A_943] {strides = array<i32>} : memref<640x64xf32, #tpu.memory_space<vmem>>, vector<1x16xf32>,
        %get3A_945 = vector.shape_cast %get3A_944 : vector<1x16xf32> to vector<16xf32>
        %add3A_946 = arith.constant 6 : i32
        %add3A_947 = arith.addi %mul3A_910, %add3A_946 : i32
        %get3A_948 = arith.index_cast %add3A_947 : i32 to index
        %get3A_949 = arith.constant 0 : index
        %get3A_950 = tpu.vector_load %arg10[%get3A_948, %get3A_949] {strides = array<i32>} : memref<640x64xf32, #tpu.memory_space<vmem>>, vector<1x16xf32>,
        %get3A_951 = vector.shape_cast %get3A_950 : vector<1x16xf32> to vector<16xf32>
        %add3A_952 = arith.constant 7 : i32
        %add3A_953 = arith.addi %mul3A_910, %add3A_952 : i32
        %get3A_954 = arith.index_cast %add3A_953 : i32 to index
        %get3A_955 = arith.constant 0 : index
        %get3A_956 = tpu.vector_load %arg10[%get3A_954, %get3A_955] {strides = array<i32>} : memref<640x64xf32, #tpu.memory_space<vmem>>, vector<1x16xf32>,
        %get3A_957 = vector.shape_cast %get3A_956 : vector<1x16xf32> to vector<16xf32>
        %add3A_958 = arith.constant 8 : i32
        %add3A_959 = arith.addi %mul3A_910, %add3A_958 : i32
        %get3A_960 = arith.index_cast %add3A_959 : i32 to index
        %get3A_961 = arith.constant 0 : index
        %get3A_962 = tpu.vector_load %arg10[%get3A_960, %get3A_961] {strides = array<i32>} : memref<640x64xf32, #tpu.memory_space<vmem>>, vector<1x16xf32>,
        %get3A_963 = vector.shape_cast %get3A_962 : vector<1x16xf32> to vector<16xf32>
        %add3A_964 = arith.constant 9 : i32
        %add3A_965 = arith.addi %mul3A_910, %add3A_964 : i32
        %get3A_966 = arith.index_cast %add3A_965 : i32 to index
        %get3A_967 = arith.constant 0 : index
        %get3A_968 = tpu.vector_load %arg10[%get3A_966, %get3A_967] {strides = array<i32>} : memref<640x64xf32, #tpu.memory_space<vmem>>, vector<1x16xf32>,
        %get3A_969 = vector.shape_cast %get3A_968 : vector<1x16xf32> to vector<16xf32>
        %add3A_970 = arith.constant 10 : i32
        %add3A_971 = arith.addi %mul3A_910, %add3A_970 : i32
        %get3A_972 = arith.index_cast %add3A_971 : i32 to index
        %get3A_973 = arith.constant 0 : index
        %get3A_974 = tpu.vector_load %arg10[%get3A_972, %get3A_973] {strides = array<i32>} : memref<640x64xf32, #tpu.memory_space<vmem>>, vector<1x16xf32>,
        %get3A_975 = vector.shape_cast %get3A_974 : vector<1x16xf32> to vector<16xf32>
        %add3A_976 = arith.constant 11 : i32
        %add3A_977 = arith.addi %mul3A_910, %add3A_976 : i32
        %get3A_978 = arith.index_cast %add3A_977 : i32 to index
        %get3A_979 = arith.constant 0 : index
        %get3A_980 = tpu.vector_load %arg10[%get3A_978, %get3A_979] {strides = array<i32>} : memref<640x64xf32, #tpu.memory_space<vmem>>, vector<1x16xf32>,
        %get3A_981 = vector.shape_cast %get3A_980 : vector<1x16xf32> to vector<16xf32>
        %add3A_982 = arith.constant 12 : i32
        %add3A_983 = arith.addi %mul3A_910, %add3A_982 : i32
        %get3A_984 = arith.index_cast %add3A_983 : i32 to index
        %get3A_985 = arith.constant 0 : index
        %get3A_986 = tpu.vector_load %arg10[%get3A_984, %get3A_985] {strides = array<i32>} : memref<640x64xf32, #tpu.memory_space<vmem>>, vector<1x16xf32>,
        %get3A_987 = vector.shape_cast %get3A_986 : vector<1x16xf32> to vector<16xf32>
        %add3A_988 = arith.constant 13 : i32
        %add3A_989 = arith.addi %mul3A_910, %add3A_988 : i32
        %get3A_990 = arith.index_cast %add3A_989 : i32 to index
        %get3A_991 = arith.constant 0 : index
        %get3A_992 = tpu.vector_load %arg10[%get3A_990, %get3A_991] {strides = array<i32>} : memref<640x64xf32, #tpu.memory_space<vmem>>, vector<1x16xf32>,
        %get3A_993 = vector.shape_cast %get3A_992 : vector<1x16xf32> to vector<16xf32>
        %add3A_994 = arith.constant 14 : i32
        %add3A_995 = arith.addi %mul3A_910, %add3A_994 : i32
        %get3A_996 = arith.index_cast %add3A_995 : i32 to index
        %get3A_997 = arith.constant 0 : index
        %get3A_998 = tpu.vector_load %arg10[%get3A_996, %get3A_997] {strides = array<i32>} : memref<640x64xf32, #tpu.memory_space<vmem>>, vector<1x16xf32>,
        %get3A_999 = vector.shape_cast %get3A_998 : vector<1x16xf32> to vector<16xf32>
        %add3A_1000 = arith.constant 15 : i32
        %add3A_1001 = arith.addi %mul3A_910, %add3A_1000 : i32
        %get3A_1002 = arith.index_cast %add3A_1001 : i32 to index
        %get3A_1003 = arith.constant 0 : index
        %get3A_1004 = tpu.vector_load %arg10[%get3A_1002, %get3A_1003] {strides = array<i32>} : memref<640x64xf32, #tpu.memory_space<vmem>>, vector<1x16xf32>,
        %get3A_1005 = vector.shape_cast %get3A_1004 : vector<1x16xf32> to vector<16xf32>
        %add3A_1006 = arith.constant 16 : i32
        %add3A_1007 = arith.addi %mul3A_910, %add3A_1006 : i32
        %get3A_1008 = arith.index_cast %add3A_1007 : i32 to index
        %get3A_1009 = arith.constant 0 : index
        %get3A_1010 = tpu.vector_load %arg10[%get3A_1008, %get3A_1009] {strides = array<i32>} : memref<640x64xf32, #tpu.memory_space<vmem>>, vector<1x16xf32>,
        %get3A_1011 = vector.shape_cast %get3A_1010 : vector<1x16xf32> to vector<16xf32>
        %add3A_1012 = arith.constant 17 : i32
        %add3A_1013 = arith.addi %mul3A_910, %add3A_1012 : i32
        %get3A_1014 = arith.index_cast %add3A_1013 : i32 to index
        %get3A_1015 = arith.constant 0 : index
        %get3A_1016 = tpu.vector_load %arg10[%get3A_1014, %get3A_1015] {strides = array<i32>} : memref<640x64xf32, #tpu.memory_space<vmem>>, vector<1x16xf32>,
        %get3A_1017 = vector.shape_cast %get3A_1016 : vector<1x16xf32> to vector<16xf32>
        %add3A_1018 = arith.constant 18 : i32
        %add3A_1019 = arith.addi %mul3A_910, %add3A_1018 : i32
        %get3A_1020 = arith.index_cast %add3A_1019 : i32 to index
        %get3A_1021 = arith.constant 0 : index
        %get3A_1022 = tpu.vector_load %arg10[%get3A_1020, %get3A_1021] {strides = array<i32>} : memref<640x64xf32, #tpu.memory_space<vmem>>, vector<1x16xf32>,
        %get3A_1023 = vector.shape_cast %get3A_1022 : vector<1x16xf32> to vector<16xf32>
        %add3A_1024 = arith.constant 19 : i32
        %add3A_1025 = arith.addi %mul3A_910, %add3A_1024 : i32
        %get3A_1026 = arith.index_cast %add3A_1025 : i32 to index
        %get3A_1027 = arith.constant 0 : index
        %get3A_1028 = tpu.vector_load %arg10[%get3A_1026, %get3A_1027] {strides = array<i32>} : memref<640x64xf32, #tpu.memory_space<vmem>>, vector<1x16xf32>,
        %get3A_1029 = vector.shape_cast %get3A_1028 : vector<1x16xf32> to vector<16xf32>
        %add3A_1030 = arith.addf %get3A_915, %get3A_921 : vector<16xf32>
        %add3A_1031 = arith.addf %get3A_927, %get3A_933 : vector<16xf32>
        %add3A_1032 = arith.addf %get3A_939, %get3A_945 : vector<16xf32>
        %add3A_1033 = arith.addf %get3A_951, %get3A_957 : vector<16xf32>
        %add3A_1034 = arith.addf %get3A_963, %get3A_969 : vector<16xf32>
        %add3A_1035 = arith.addf %get3A_975, %get3A_981 : vector<16xf32>
        %add3A_1036 = arith.addf %get3A_987, %get3A_993 : vector<16xf32>
        %add3A_1037 = arith.addf %get3A_999, %get3A_1005 : vector<16xf32>
        %add3A_1038 = arith.addf %get3A_1011, %get3A_1017 : vector<16xf32>
        %add3A_1039 = arith.addf %get3A_1023, %get3A_1029 : vector<16xf32>
        %add3A_1040 = arith.addf %add3A_1030, %add3A_1031 : vector<16xf32>
        %add3A_1041 = arith.addf %add3A_1032, %add3A_1033 : vector<16xf32>
        %add3A_1042 = arith.addf %add3A_1034, %add3A_1035 : vector<16xf32>
        %add3A_1043 = arith.addf %add3A_1036, %add3A_1037 : vector<16xf32>
        %add3A_1044 = arith.addf %add3A_1038, %add3A_1039 : vector<16xf32>
        %add3A_1045 = arith.addf %add3A_1040, %add3A_1041 : vector<16xf32>
        %add3A_1046 = arith.addf %add3A_1042, %add3A_1043 : vector<16xf32>
        %add3A_1047 = arith.addf %add3A_1045, %add3A_1046 : vector<16xf32>
        %add3A_1048 = arith.addf %add3A_1047, %add3A_1044 : vector<16xf32>
        %swap3A = arith.index_cast %add3A_908 : i32 to index
        %swap3A_1049 = arith.constant 0 : index
        %swap3A_1050 = tpu.vector_load %arg13[%swap3A, %swap3A_1049] {strides = array<i32>} : memref<32x64xf32, #tpu.memory_space<vmem>>, vector<1x16xf32>,
        %swap3A_1051 = vector.shape_cast %swap3A_1050 : vector<1x16xf32> to vector<16xf32>
        %swap3A_1052 = vector.shape_cast %add3A_1048 : vector<16xf32> to vector<1x16xf32>
        tpu.vector_store %arg13[%swap3A, %swap3A_1049], %swap3A_1052 {strides = array<i32>} : memref<32x64xf32, #tpu.memory_space<vmem>>, vector<1x16xf32>,
        %add3A_1053 = arith.constant 0 : i32
        %add3A_1054 = arith.addi %mul3A_910, %add3A_1053 : i32
        %get3A_1055 = arith.index_cast %add3A_1054 : i32 to index
        %get3A_1056 = arith.constant 16 : index
        %get3A_1057 = tpu.vector_load %arg10[%get3A_1055, %get3A_1056] {strides = array<i32>} : memref<640x64xf32, #tpu.memory_space<vmem>>, vector<1x16xf32>,
        %get3A_1058 = vector.shape_cast %get3A_1057 : vector<1x16xf32> to vector<16xf32>
        %add3A_1059 = arith.constant 1 : i32
        %add3A_1060 = arith.addi %mul3A_910, %add3A_1059 : i32
        %get3A_1061 = arith.index_cast %add3A_1060 : i32 to index
        %get3A_1062 = arith.constant 16 : index
        %get3A_1063 = tpu.vector_load %arg10[%get3A_1061, %get3A_1062] {strides = array<i32>} : memref<640x64xf32, #tpu.memory_space<vmem>>, vector<1x16xf32>,
        %get3A_1064 = vector.shape_cast %get3A_1063 : vector<1x16xf32> to vector<16xf32>
        %add3A_1065 = arith.constant 2 : i32
        %add3A_1066 = arith.addi %mul3A_910, %add3A_1065 : i32
        %get3A_1067 = arith.index_cast %add3A_1066 : i32 to index
        %get3A_1068 = arith.constant 16 : index
        %get3A_1069 = tpu.vector_load %arg10[%get3A_1067, %get3A_1068] {strides = array<i32>} : memref<640x64xf32, #tpu.memory_space<vmem>>, vector<1x16xf32>,
        %get3A_1070 = vector.shape_cast %get3A_1069 : vector<1x16xf32> to vector<16xf32>
        %add3A_1071 = arith.constant 3 : i32
        %add3A_1072 = arith.addi %mul3A_910, %add3A_1071 : i32
        %get3A_1073 = arith.index_cast %add3A_1072 : i32 to index
        %get3A_1074 = arith.constant 16 : index
        %get3A_1075 = tpu.vector_load %arg10[%get3A_1073, %get3A_1074] {strides = array<i32>} : memref<640x64xf32, #tpu.memory_space<vmem>>, vector<1x16xf32>,
        %get3A_1076 = vector.shape_cast %get3A_1075 : vector<1x16xf32> to vector<16xf32>
        %add3A_1077 = arith.constant 4 : i32
        %add3A_1078 = arith.addi %mul3A_910, %add3A_1077 : i32
        %get3A_1079 = arith.index_cast %add3A_1078 : i32 to index
        %get3A_1080 = arith.constant 16 : index
        %get3A_1081 = tpu.vector_load %arg10[%get3A_1079, %get3A_1080] {strides = array<i32>} : memref<640x64xf32, #tpu.memory_space<vmem>>, vector<1x16xf32>,
        %get3A_1082 = vector.shape_cast %get3A_1081 : vector<1x16xf32> to vector<16xf32>
        %add3A_1083 = arith.constant 5 : i32
        %add3A_1084 = arith.addi %mul3A_910, %add3A_1083 : i32
        %get3A_1085 = arith.index_cast %add3A_1084 : i32 to index
        %get3A_1086 = arith.constant 16 : index
        %get3A_1087 = tpu.vector_load %arg10[%get3A_1085, %get3A_1086] {strides = array<i32>} : memref<640x64xf32, #tpu.memory_space<vmem>>, vector<1x16xf32>,
        %get3A_1088 = vector.shape_cast %get3A_1087 : vector<1x16xf32> to vector<16xf32>
        %add3A_1089 = arith.constant 6 : i32
        %add3A_1090 = arith.addi %mul3A_910, %add3A_1089 : i32
        %get3A_1091 = arith.index_cast %add3A_1090 : i32 to index
        %get3A_1092 = arith.constant 16 : index
        %get3A_1093 = tpu.vector_load %arg10[%get3A_1091, %get3A_1092] {strides = array<i32>} : memref<640x64xf32, #tpu.memory_space<vmem>>, vector<1x16xf32>,
        %get3A_1094 = vector.shape_cast %get3A_1093 : vector<1x16xf32> to vector<16xf32>
        %add3A_1095 = arith.constant 7 : i32
        %add3A_1096 = arith.addi %mul3A_910, %add3A_1095 : i32
        %get3A_1097 = arith.index_cast %add3A_1096 : i32 to index
        %get3A_1098 = arith.constant 16 : index
        %get3A_1099 = tpu.vector_load %arg10[%get3A_1097, %get3A_1098] {strides = array<i32>} : memref<640x64xf32, #tpu.memory_space<vmem>>, vector<1x16xf32>,
        %get3A_1100 = vector.shape_cast %get3A_1099 : vector<1x16xf32> to vector<16xf32>
        %add3A_1101 = arith.constant 8 : i32
        %add3A_1102 = arith.addi %mul3A_910, %add3A_1101 : i32
        %get3A_1103 = arith.index_cast %add3A_1102 : i32 to index
        %get3A_1104 = arith.constant 16 : index
        %get3A_1105 = tpu.vector_load %arg10[%get3A_1103, %get3A_1104] {strides = array<i32>} : memref<640x64xf32, #tpu.memory_space<vmem>>, vector<1x16xf32>,
        %get3A_1106 = vector.shape_cast %get3A_1105 : vector<1x16xf32> to vector<16xf32>
        %add3A_1107 = arith.constant 9 : i32
        %add3A_1108 = arith.addi %mul3A_910, %add3A_1107 : i32
        %get3A_1109 = arith.index_cast %add3A_1108 : i32 to index
        %get3A_1110 = arith.constant 16 : index
        %get3A_1111 = tpu.vector_load %arg10[%get3A_1109, %get3A_1110] {strides = array<i32>} : memref<640x64xf32, #tpu.memory_space<vmem>>, vector<1x16xf32>,
        %get3A_1112 = vector.shape_cast %get3A_1111 : vector<1x16xf32> to vector<16xf32>
        %add3A_1113 = arith.constant 10 : i32
        %add3A_1114 = arith.addi %mul3A_910, %add3A_1113 : i32
        %get3A_1115 = arith.index_cast %add3A_1114 : i32 to index
        %get3A_1116 = arith.constant 16 : index
        %get3A_1117 = tpu.vector_load %arg10[%get3A_1115, %get3A_1116] {strides = array<i32>} : memref<640x64xf32, #tpu.memory_space<vmem>>, vector<1x16xf32>,
        %get3A_1118 = vector.shape_cast %get3A_1117 : vector<1x16xf32> to vector<16xf32>
        %add3A_1119 = arith.constant 11 : i32
        %add3A_1120 = arith.addi %mul3A_910, %add3A_1119 : i32
        %get3A_1121 = arith.index_cast %add3A_1120 : i32 to index
        %get3A_1122 = arith.constant 16 : index
        %get3A_1123 = tpu.vector_load %arg10[%get3A_1121, %get3A_1122] {strides = array<i32>} : memref<640x64xf32, #tpu.memory_space<vmem>>, vector<1x16xf32>,
        %get3A_1124 = vector.shape_cast %get3A_1123 : vector<1x16xf32> to vector<16xf32>
        %add3A_1125 = arith.constant 12 : i32
        %add3A_1126 = arith.addi %mul3A_910, %add3A_1125 : i32
        %get3A_1127 = arith.index_cast %add3A_1126 : i32 to index
        %get3A_1128 = arith.constant 16 : index
        %get3A_1129 = tpu.vector_load %arg10[%get3A_1127, %get3A_1128] {strides = array<i32>} : memref<640x64xf32, #tpu.memory_space<vmem>>, vector<1x16xf32>,
        %get3A_1130 = vector.shape_cast %get3A_1129 : vector<1x16xf32> to vector<16xf32>
        %add3A_1131 = arith.constant 13 : i32
        %add3A_1132 = arith.addi %mul3A_910, %add3A_1131 : i32
        %get3A_1133 = arith.index_cast %add3A_1132 : i32 to index
        %get3A_1134 = arith.constant 16 : index
        %get3A_1135 = tpu.vector_load %arg10[%get3A_1133, %get3A_1134] {strides = array<i32>} : memref<640x64xf32, #tpu.memory_space<vmem>>, vector<1x16xf32>,
        %get3A_1136 = vector.shape_cast %get3A_1135 : vector<1x16xf32> to vector<16xf32>
        %add3A_1137 = arith.constant 14 : i32
        %add3A_1138 = arith.addi %mul3A_910, %add3A_1137 : i32
        %get3A_1139 = arith.index_cast %add3A_1138 : i32 to index
        %get3A_1140 = arith.constant 16 : index
        %get3A_1141 = tpu.vector_load %arg10[%get3A_1139, %get3A_1140] {strides = array<i32>} : memref<640x64xf32, #tpu.memory_space<vmem>>, vector<1x16xf32>,
        %get3A_1142 = vector.shape_cast %get3A_1141 : vector<1x16xf32> to vector<16xf32>
        %add3A_1143 = arith.constant 15 : i32
        %add3A_1144 = arith.addi %mul3A_910, %add3A_1143 : i32
        %get3A_1145 = arith.index_cast %add3A_1144 : i32 to index
        %get3A_1146 = arith.constant 16 : index
        %get3A_1147 = tpu.vector_load %arg10[%get3A_1145, %get3A_1146] {strides = array<i32>} : memref<640x64xf32, #tpu.memory_space<vmem>>, vector<1x16xf32>,
        %get3A_1148 = vector.shape_cast %get3A_1147 : vector<1x16xf32> to vector<16xf32>
        %add3A_1149 = arith.constant 16 : i32
        %add3A_1150 = arith.addi %mul3A_910, %add3A_1149 : i32
        %get3A_1151 = arith.index_cast %add3A_1150 : i32 to index
        %get3A_1152 = arith.constant 16 : index
        %get3A_1153 = tpu.vector_load %arg10[%get3A_1151, %get3A_1152] {strides = array<i32>} : memref<640x64xf32, #tpu.memory_space<vmem>>, vector<1x16xf32>,
        %get3A_1154 = vector.shape_cast %get3A_1153 : vector<1x16xf32> to vector<16xf32>
        %add3A_1155 = arith.constant 17 : i32
        %add3A_1156 = arith.addi %mul3A_910, %add3A_1155 : i32
        %get3A_1157 = arith.index_cast %add3A_1156 : i32 to index
        %get3A_1158 = arith.constant 16 : index
        %get3A_1159 = tpu.vector_load %arg10[%get3A_1157, %get3A_1158] {strides = array<i32>} : memref<640x64xf32, #tpu.memory_space<vmem>>, vector<1x16xf32>,
        %get3A_1160 = vector.shape_cast %get3A_1159 : vector<1x16xf32> to vector<16xf32>
        %add3A_1161 = arith.constant 18 : i32
        %add3A_1162 = arith.addi %mul3A_910, %add3A_1161 : i32
        %get3A_1163 = arith.index_cast %add3A_1162 : i32 to index
        %get3A_1164 = arith.constant 16 : index
        %get3A_1165 = tpu.vector_load %arg10[%get3A_1163, %get3A_1164] {strides = array<i32>} : memref<640x64xf32, #tpu.memory_space<vmem>>, vector<1x16xf32>,
        %get3A_1166 = vector.shape_cast %get3A_1165 : vector<1x16xf32> to vector<16xf32>
        %add3A_1167 = arith.constant 19 : i32
        %add3A_1168 = arith.addi %mul3A_910, %add3A_1167 : i32
        %get3A_1169 = arith.index_cast %add3A_1168 : i32 to index
        %get3A_1170 = arith.constant 16 : index
        %get3A_1171 = tpu.vector_load %arg10[%get3A_1169, %get3A_1170] {strides = array<i32>} : memref<640x64xf32, #tpu.memory_space<vmem>>, vector<1x16xf32>,
        %get3A_1172 = vector.shape_cast %get3A_1171 : vector<1x16xf32> to vector<16xf32>
        %add3A_1173 = arith.addf %get3A_1058, %get3A_1064 : vector<16xf32>
        %add3A_1174 = arith.addf %get3A_1070, %get3A_1076 : vector<16xf32>
        %add3A_1175 = arith.addf %get3A_1082, %get3A_1088 : vector<16xf32>
        %add3A_1176 = arith.addf %get3A_1094, %get3A_1100 : vector<16xf32>
        %add3A_1177 = arith.addf %get3A_1106, %get3A_1112 : vector<16xf32>
        %add3A_1178 = arith.addf %get3A_1118, %get3A_1124 : vector<16xf32>
        %add3A_1179 = arith.addf %get3A_1130, %get3A_1136 : vector<16xf32>
        %add3A_1180 = arith.addf %get3A_1142, %get3A_1148 : vector<16xf32>
        %add3A_1181 = arith.addf %get3A_1154, %get3A_1160 : vector<16xf32>
        %add3A_1182 = arith.addf %get3A_1166, %get3A_1172 : vector<16xf32>
        %add3A_1183 = arith.addf %add3A_1173, %add3A_1174 : vector<16xf32>
        %add3A_1184 = arith.addf %add3A_1175, %add3A_1176 : vector<16xf32>
        %add3A_1185 = arith.addf %add3A_1177, %add3A_1178 : vector<16xf32>
        %add3A_1186 = arith.addf %add3A_1179, %add3A_1180 : vector<16xf32>
        %add3A_1187 = arith.addf %add3A_1181, %add3A_1182 : vector<16xf32>
        %add3A_1188 = arith.addf %add3A_1183, %add3A_1184 : vector<16xf32>
        %add3A_1189 = arith.addf %add3A_1185, %add3A_1186 : vector<16xf32>
        %add3A_1190 = arith.addf %add3A_1188, %add3A_1189 : vector<16xf32>
        %add3A_1191 = arith.addf %add3A_1190, %add3A_1187 : vector<16xf32>
        %swap3A_1192 = arith.index_cast %add3A_908 : i32 to index
        %swap3A_1193 = arith.constant 16 : index
        %swap3A_1194 = tpu.vector_load %arg13[%swap3A_1192, %swap3A_1193] {strides = array<i32>} : memref<32x64xf32, #tpu.memory_space<vmem>>, vector<1x16xf32>,
        %swap3A_1195 = vector.shape_cast %swap3A_1194 : vector<1x16xf32> to vector<16xf32>
        %swap3A_1196 = vector.shape_cast %add3A_1191 : vector<16xf32> to vector<1x16xf32>
        tpu.vector_store %arg13[%swap3A_1192, %swap3A_1193], %swap3A_1196 {strides = array<i32>} : memref<32x64xf32, #tpu.memory_space<vmem>>, vector<1x16xf32>,
        %add3A_1197 = arith.constant 0 : i32
        %add3A_1198 = arith.addi %mul3A_910, %add3A_1197 : i32
        %get3A_1199 = arith.index_cast %add3A_1198 : i32 to index
        %get3A_1200 = arith.constant 32 : index
        %get3A_1201 = tpu.vector_load %arg10[%get3A_1199, %get3A_1200] {strides = array<i32>} : memref<640x64xf32, #tpu.memory_space<vmem>>, vector<1x16xf32>,
        %get3A_1202 = vector.shape_cast %get3A_1201 : vector<1x16xf32> to vector<16xf32>
        %add3A_1203 = arith.constant 1 : i32
        %add3A_1204 = arith.addi %mul3A_910, %add3A_1203 : i32
        %get3A_1205 = arith.index_cast %add3A_1204 : i32 to index
        %get3A_1206 = arith.constant 32 : index
        %get3A_1207 = tpu.vector_load %arg10[%get3A_1205, %get3A_1206] {strides = array<i32>} : memref<640x64xf32, #tpu.memory_space<vmem>>, vector<1x16xf32>,
        %get3A_1208 = vector.shape_cast %get3A_1207 : vector<1x16xf32> to vector<16xf32>
        %add3A_1209 = arith.constant 2 : i32
        %add3A_1210 = arith.addi %mul3A_910, %add3A_1209 : i32
        %get3A_1211 = arith.index_cast %add3A_1210 : i32 to index
        %get3A_1212 = arith.constant 32 : index
        %get3A_1213 = tpu.vector_load %arg10[%get3A_1211, %get3A_1212] {strides = array<i32>} : memref<640x64xf32, #tpu.memory_space<vmem>>, vector<1x16xf32>,
        %get3A_1214 = vector.shape_cast %get3A_1213 : vector<1x16xf32> to vector<16xf32>
        %add3A_1215 = arith.constant 3 : i32
        %add3A_1216 = arith.addi %mul3A_910, %add3A_1215 : i32
        %get3A_1217 = arith.index_cast %add3A_1216 : i32 to index
        %get3A_1218 = arith.constant 32 : index
        %get3A_1219 = tpu.vector_load %arg10[%get3A_1217, %get3A_1218] {strides = array<i32>} : memref<640x64xf32, #tpu.memory_space<vmem>>, vector<1x16xf32>,
        %get3A_1220 = vector.shape_cast %get3A_1219 : vector<1x16xf32> to vector<16xf32>
        %add3A_1221 = arith.constant 4 : i32
        %add3A_1222 = arith.addi %mul3A_910, %add3A_1221 : i32
        %get3A_1223 = arith.index_cast %add3A_1222 : i32 to index
        %get3A_1224 = arith.constant 32 : index
        %get3A_1225 = tpu.vector_load %arg10[%get3A_1223, %get3A_1224] {strides = array<i32>} : memref<640x64xf32, #tpu.memory_space<vmem>>, vector<1x16xf32>,
        %get3A_1226 = vector.shape_cast %get3A_1225 : vector<1x16xf32> to vector<16xf32>
        %add3A_1227 = arith.constant 5 : i32
        %add3A_1228 = arith.addi %mul3A_910, %add3A_1227 : i32
        %get3A_1229 = arith.index_cast %add3A_1228 : i32 to index
        %get3A_1230 = arith.constant 32 : index
        %get3A_1231 = tpu.vector_load %arg10[%get3A_1229, %get3A_1230] {strides = array<i32>} : memref<640x64xf32, #tpu.memory_space<vmem>>, vector<1x16xf32>,
        %get3A_1232 = vector.shape_cast %get3A_1231 : vector<1x16xf32> to vector<16xf32>
        %add3A_1233 = arith.constant 6 : i32
        %add3A_1234 = arith.addi %mul3A_910, %add3A_1233 : i32
        %get3A_1235 = arith.index_cast %add3A_1234 : i32 to index
        %get3A_1236 = arith.constant 32 : index
        %get3A_1237 = tpu.vector_load %arg10[%get3A_1235, %get3A_1236] {strides = array<i32>} : memref<640x64xf32, #tpu.memory_space<vmem>>, vector<1x16xf32>,
        %get3A_1238 = vector.shape_cast %get3A_1237 : vector<1x16xf32> to vector<16xf32>
        %add3A_1239 = arith.constant 7 : i32
        %add3A_1240 = arith.addi %mul3A_910, %add3A_1239 : i32
        %get3A_1241 = arith.index_cast %add3A_1240 : i32 to index
        %get3A_1242 = arith.constant 32 : index
        %get3A_1243 = tpu.vector_load %arg10[%get3A_1241, %get3A_1242] {strides = array<i32>} : memref<640x64xf32, #tpu.memory_space<vmem>>, vector<1x16xf32>,
        %get3A_1244 = vector.shape_cast %get3A_1243 : vector<1x16xf32> to vector<16xf32>
        %add3A_1245 = arith.constant 8 : i32
        %add3A_1246 = arith.addi %mul3A_910, %add3A_1245 : i32
        %get3A_1247 = arith.index_cast %add3A_1246 : i32 to index
        %get3A_1248 = arith.constant 32 : index
        %get3A_1249 = tpu.vector_load %arg10[%get3A_1247, %get3A_1248] {strides = array<i32>} : memref<640x64xf32, #tpu.memory_space<vmem>>, vector<1x16xf32>,
        %get3A_1250 = vector.shape_cast %get3A_1249 : vector<1x16xf32> to vector<16xf32>
        %add3A_1251 = arith.constant 9 : i32
        %add3A_1252 = arith.addi %mul3A_910, %add3A_1251 : i32
        %get3A_1253 = arith.index_cast %add3A_1252 : i32 to index
        %get3A_1254 = arith.constant 32 : index
        %get3A_1255 = tpu.vector_load %arg10[%get3A_1253, %get3A_1254] {strides = array<i32>} : memref<640x64xf32, #tpu.memory_space<vmem>>, vector<1x16xf32>,
        %get3A_1256 = vector.shape_cast %get3A_1255 : vector<1x16xf32> to vector<16xf32>
        %add3A_1257 = arith.constant 10 : i32
        %add3A_1258 = arith.addi %mul3A_910, %add3A_1257 : i32
        %get3A_1259 = arith.index_cast %add3A_1258 : i32 to index
        %get3A_1260 = arith.constant 32 : index
        %get3A_1261 = tpu.vector_load %arg10[%get3A_1259, %get3A_1260] {strides = array<i32>} : memref<640x64xf32, #tpu.memory_space<vmem>>, vector<1x16xf32>,
        %get3A_1262 = vector.shape_cast %get3A_1261 : vector<1x16xf32> to vector<16xf32>
        %add3A_1263 = arith.constant 11 : i32
        %add3A_1264 = arith.addi %mul3A_910, %add3A_1263 : i32
        %get3A_1265 = arith.index_cast %add3A_1264 : i32 to index
        %get3A_1266 = arith.constant 32 : index
        %get3A_1267 = tpu.vector_load %arg10[%get3A_1265, %get3A_1266] {strides = array<i32>} : memref<640x64xf32, #tpu.memory_space<vmem>>, vector<1x16xf32>,
        %get3A_1268 = vector.shape_cast %get3A_1267 : vector<1x16xf32> to vector<16xf32>
        %add3A_1269 = arith.constant 12 : i32
        %add3A_1270 = arith.addi %mul3A_910, %add3A_1269 : i32
        %get3A_1271 = arith.index_cast %add3A_1270 : i32 to index
        %get3A_1272 = arith.constant 32 : index
        %get3A_1273 = tpu.vector_load %arg10[%get3A_1271, %get3A_1272] {strides = array<i32>} : memref<640x64xf32, #tpu.memory_space<vmem>>, vector<1x16xf32>,
        %get3A_1274 = vector.shape_cast %get3A_1273 : vector<1x16xf32> to vector<16xf32>
        %add3A_1275 = arith.constant 13 : i32
        %add3A_1276 = arith.addi %mul3A_910, %add3A_1275 : i32
        %get3A_1277 = arith.index_cast %add3A_1276 : i32 to index
        %get3A_1278 = arith.constant 32 : index
        %get3A_1279 = tpu.vector_load %arg10[%get3A_1277, %get3A_1278] {strides = array<i32>} : memref<640x64xf32, #tpu.memory_space<vmem>>, vector<1x16xf32>,
        %get3A_1280 = vector.shape_cast %get3A_1279 : vector<1x16xf32> to vector<16xf32>
        %add3A_1281 = arith.constant 14 : i32
        %add3A_1282 = arith.addi %mul3A_910, %add3A_1281 : i32
        %get3A_1283 = arith.index_cast %add3A_1282 : i32 to index
        %get3A_1284 = arith.constant 32 : index
        %get3A_1285 = tpu.vector_load %arg10[%get3A_1283, %get3A_1284] {strides = array<i32>} : memref<640x64xf32, #tpu.memory_space<vmem>>, vector<1x16xf32>,
        %get3A_1286 = vector.shape_cast %get3A_1285 : vector<1x16xf32> to vector<16xf32>
        %add3A_1287 = arith.constant 15 : i32
        %add3A_1288 = arith.addi %mul3A_910, %add3A_1287 : i32
        %get3A_1289 = arith.index_cast %add3A_1288 : i32 to index
        %get3A_1290 = arith.constant 32 : index
        %get3A_1291 = tpu.vector_load %arg10[%get3A_1289, %get3A_1290] {strides = array<i32>} : memref<640x64xf32, #tpu.memory_space<vmem>>, vector<1x16xf32>,
        %get3A_1292 = vector.shape_cast %get3A_1291 : vector<1x16xf32> to vector<16xf32>
        %add3A_1293 = arith.constant 16 : i32
        %add3A_1294 = arith.addi %mul3A_910, %add3A_1293 : i32
        %get3A_1295 = arith.index_cast %add3A_1294 : i32 to index
        %get3A_1296 = arith.constant 32 : index
        %get3A_1297 = tpu.vector_load %arg10[%get3A_1295, %get3A_1296] {strides = array<i32>} : memref<640x64xf32, #tpu.memory_space<vmem>>, vector<1x16xf32>,
        %get3A_1298 = vector.shape_cast %get3A_1297 : vector<1x16xf32> to vector<16xf32>
        %add3A_1299 = arith.constant 17 : i32
        %add3A_1300 = arith.addi %mul3A_910, %add3A_1299 : i32
        %get3A_1301 = arith.index_cast %add3A_1300 : i32 to index
        %get3A_1302 = arith.constant 32 : index
        %get3A_1303 = tpu.vector_load %arg10[%get3A_1301, %get3A_1302] {strides = array<i32>} : memref<640x64xf32, #tpu.memory_space<vmem>>, vector<1x16xf32>,
        %get3A_1304 = vector.shape_cast %get3A_1303 : vector<1x16xf32> to vector<16xf32>
        %add3A_1305 = arith.constant 18 : i32
        %add3A_1306 = arith.addi %mul3A_910, %add3A_1305 : i32
        %get3A_1307 = arith.index_cast %add3A_1306 : i32 to index
        %get3A_1308 = arith.constant 32 : index
        %get3A_1309 = tpu.vector_load %arg10[%get3A_1307, %get3A_1308] {strides = array<i32>} : memref<640x64xf32, #tpu.memory_space<vmem>>, vector<1x16xf32>,
        %get3A_1310 = vector.shape_cast %get3A_1309 : vector<1x16xf32> to vector<16xf32>
        %add3A_1311 = arith.constant 19 : i32
        %add3A_1312 = arith.addi %mul3A_910, %add3A_1311 : i32
        %get3A_1313 = arith.index_cast %add3A_1312 : i32 to index
        %get3A_1314 = arith.constant 32 : index
        %get3A_1315 = tpu.vector_load %arg10[%get3A_1313, %get3A_1314] {strides = array<i32>} : memref<640x64xf32, #tpu.memory_space<vmem>>, vector<1x16xf32>,
        %get3A_1316 = vector.shape_cast %get3A_1315 : vector<1x16xf32> to vector<16xf32>
        %add3A_1317 = arith.addf %get3A_1202, %get3A_1208 : vector<16xf32>
        %add3A_1318 = arith.addf %get3A_1214, %get3A_1220 : vector<16xf32>
        %add3A_1319 = arith.addf %get3A_1226, %get3A_1232 : vector<16xf32>
        %add3A_1320 = arith.addf %get3A_1238, %get3A_1244 : vector<16xf32>
        %add3A_1321 = arith.addf %get3A_1250, %get3A_1256 : vector<16xf32>
        %add3A_1322 = arith.addf %get3A_1262, %get3A_1268 : vector<16xf32>
        %add3A_1323 = arith.addf %get3A_1274, %get3A_1280 : vector<16xf32>
        %add3A_1324 = arith.addf %get3A_1286, %get3A_1292 : vector<16xf32>
        %add3A_1325 = arith.addf %get3A_1298, %get3A_1304 : vector<16xf32>
        %add3A_1326 = arith.addf %get3A_1310, %get3A_1316 : vector<16xf32>
        %add3A_1327 = arith.addf %add3A_1317, %add3A_1318 : vector<16xf32>
        %add3A_1328 = arith.addf %add3A_1319, %add3A_1320 : vector<16xf32>
        %add3A_1329 = arith.addf %add3A_1321, %add3A_1322 : vector<16xf32>
        %add3A_1330 = arith.addf %add3A_1323, %add3A_1324 : vector<16xf32>
        %add3A_1331 = arith.addf %add3A_1325, %add3A_1326 : vector<16xf32>
        %add3A_1332 = arith.addf %add3A_1327, %add3A_1328 : vector<16xf32>
        %add3A_1333 = arith.addf %add3A_1329, %add3A_1330 : vector<16xf32>
        %add3A_1334 = arith.addf %add3A_1332, %add3A_1333 : vector<16xf32>
        %add3A_1335 = arith.addf %add3A_1334, %add3A_1331 : vector<16xf32>
        %swap3A_1336 = arith.index_cast %add3A_908 : i32 to index
        %swap3A_1337 = arith.constant 32 : index
        %swap3A_1338 = tpu.vector_load %arg13[%swap3A_1336, %swap3A_1337] {strides = array<i32>} : memref<32x64xf32, #tpu.memory_space<vmem>>, vector<1x16xf32>,
        %swap3A_1339 = vector.shape_cast %swap3A_1338 : vector<1x16xf32> to vector<16xf32>
        %swap3A_1340 = vector.shape_cast %add3A_1335 : vector<16xf32> to vector<1x16xf32>
        tpu.vector_store %arg13[%swap3A_1336, %swap3A_1337], %swap3A_1340 {strides = array<i32>} : memref<32x64xf32, #tpu.memory_space<vmem>>, vector<1x16xf32>,
        %add3A_1341 = arith.constant 0 : i32
        %add3A_1342 = arith.addi %mul3A_910, %add3A_1341 : i32
        %get3A_1343 = arith.index_cast %add3A_1342 : i32 to index
        %get3A_1344 = arith.constant 48 : index
        %get3A_1345 = tpu.vector_load %arg10[%get3A_1343, %get3A_1344] {strides = array<i32>} : memref<640x64xf32, #tpu.memory_space<vmem>>, vector<1x16xf32>,
        %get3A_1346 = vector.shape_cast %get3A_1345 : vector<1x16xf32> to vector<16xf32>
        %add3A_1347 = arith.constant 1 : i32
        %add3A_1348 = arith.addi %mul3A_910, %add3A_1347 : i32
        %get3A_1349 = arith.index_cast %add3A_1348 : i32 to index
        %get3A_1350 = arith.constant 48 : index
        %get3A_1351 = tpu.vector_load %arg10[%get3A_1349, %get3A_1350] {strides = array<i32>} : memref<640x64xf32, #tpu.memory_space<vmem>>, vector<1x16xf32>,
        %get3A_1352 = vector.shape_cast %get3A_1351 : vector<1x16xf32> to vector<16xf32>
        %add3A_1353 = arith.constant 2 : i32
        %add3A_1354 = arith.addi %mul3A_910, %add3A_1353 : i32
        %get3A_1355 = arith.index_cast %add3A_1354 : i32 to index
        %get3A_1356 = arith.constant 48 : index
        %get3A_1357 = tpu.vector_load %arg10[%get3A_1355, %get3A_1356] {strides = array<i32>} : memref<640x64xf32, #tpu.memory_space<vmem>>, vector<1x16xf32>,
        %get3A_1358 = vector.shape_cast %get3A_1357 : vector<1x16xf32> to vector<16xf32>
        %add3A_1359 = arith.constant 3 : i32
        %add3A_1360 = arith.addi %mul3A_910, %add3A_1359 : i32
        %get3A_1361 = arith.index_cast %add3A_1360 : i32 to index
        %get3A_1362 = arith.constant 48 : index
        %get3A_1363 = tpu.vector_load %arg10[%get3A_1361, %get3A_1362] {strides = array<i32>} : memref<640x64xf32, #tpu.memory_space<vmem>>, vector<1x16xf32>,
        %get3A_1364 = vector.shape_cast %get3A_1363 : vector<1x16xf32> to vector<16xf32>
        %add3A_1365 = arith.constant 4 : i32
        %add3A_1366 = arith.addi %mul3A_910, %add3A_1365 : i32
        %get3A_1367 = arith.index_cast %add3A_1366 : i32 to index
        %get3A_1368 = arith.constant 48 : index
        %get3A_1369 = tpu.vector_load %arg10[%get3A_1367, %get3A_1368] {strides = array<i32>} : memref<640x64xf32, #tpu.memory_space<vmem>>, vector<1x16xf32>,
        %get3A_1370 = vector.shape_cast %get3A_1369 : vector<1x16xf32> to vector<16xf32>
        %add3A_1371 = arith.constant 5 : i32
        %add3A_1372 = arith.addi %mul3A_910, %add3A_1371 : i32
        %get3A_1373 = arith.index_cast %add3A_1372 : i32 to index
        %get3A_1374 = arith.constant 48 : index
        %get3A_1375 = tpu.vector_load %arg10[%get3A_1373, %get3A_1374] {strides = array<i32>} : memref<640x64xf32, #tpu.memory_space<vmem>>, vector<1x16xf32>,
        %get3A_1376 = vector.shape_cast %get3A_1375 : vector<1x16xf32> to vector<16xf32>
        %add3A_1377 = arith.constant 6 : i32
        %add3A_1378 = arith.addi %mul3A_910, %add3A_1377 : i32
        %get3A_1379 = arith.index_cast %add3A_1378 : i32 to index
        %get3A_1380 = arith.constant 48 : index
        %get3A_1381 = tpu.vector_load %arg10[%get3A_1379, %get3A_1380] {strides = array<i32>} : memref<640x64xf32, #tpu.memory_space<vmem>>, vector<1x16xf32>,
        %get3A_1382 = vector.shape_cast %get3A_1381 : vector<1x16xf32> to vector<16xf32>
        %add3A_1383 = arith.constant 7 : i32
        %add3A_1384 = arith.addi %mul3A_910, %add3A_1383 : i32
        %get3A_1385 = arith.index_cast %add3A_1384 : i32 to index
        %get3A_1386 = arith.constant 48 : index
        %get3A_1387 = tpu.vector_load %arg10[%get3A_1385, %get3A_1386] {strides = array<i32>} : memref<640x64xf32, #tpu.memory_space<vmem>>, vector<1x16xf32>,
        %get3A_1388 = vector.shape_cast %get3A_1387 : vector<1x16xf32> to vector<16xf32>
        %add3A_1389 = arith.constant 8 : i32
        %add3A_1390 = arith.addi %mul3A_910, %add3A_1389 : i32
        %get3A_1391 = arith.index_cast %add3A_1390 : i32 to index
        %get3A_1392 = arith.constant 48 : index
        %get3A_1393 = tpu.vector_load %arg10[%get3A_1391, %get3A_1392] {strides = array<i32>} : memref<640x64xf32, #tpu.memory_space<vmem>>, vector<1x16xf32>,
        %get3A_1394 = vector.shape_cast %get3A_1393 : vector<1x16xf32> to vector<16xf32>
        %add3A_1395 = arith.constant 9 : i32
        %add3A_1396 = arith.addi %mul3A_910, %add3A_1395 : i32
        %get3A_1397 = arith.index_cast %add3A_1396 : i32 to index
        %get3A_1398 = arith.constant 48 : index
        %get3A_1399 = tpu.vector_load %arg10[%get3A_1397, %get3A_1398] {strides = array<i32>} : memref<640x64xf32, #tpu.memory_space<vmem>>, vector<1x16xf32>,
        %get3A_1400 = vector.shape_cast %get3A_1399 : vector<1x16xf32> to vector<16xf32>
        %add3A_1401 = arith.constant 10 : i32
        %add3A_1402 = arith.addi %mul3A_910, %add3A_1401 : i32
        %get3A_1403 = arith.index_cast %add3A_1402 : i32 to index
        %get3A_1404 = arith.constant 48 : index
        %get3A_1405 = tpu.vector_load %arg10[%get3A_1403, %get3A_1404] {strides = array<i32>} : memref<640x64xf32, #tpu.memory_space<vmem>>, vector<1x16xf32>,
        %get3A_1406 = vector.shape_cast %get3A_1405 : vector<1x16xf32> to vector<16xf32>
        %add3A_1407 = arith.constant 11 : i32
        %add3A_1408 = arith.addi %mul3A_910, %add3A_1407 : i32
        %get3A_1409 = arith.index_cast %add3A_1408 : i32 to index
        %get3A_1410 = arith.constant 48 : index
        %get3A_1411 = tpu.vector_load %arg10[%get3A_1409, %get3A_1410] {strides = array<i32>} : memref<640x64xf32, #tpu.memory_space<vmem>>, vector<1x16xf32>,
        %get3A_1412 = vector.shape_cast %get3A_1411 : vector<1x16xf32> to vector<16xf32>
        %add3A_1413 = arith.constant 12 : i32
        %add3A_1414 = arith.addi %mul3A_910, %add3A_1413 : i32
        %get3A_1415 = arith.index_cast %add3A_1414 : i32 to index
        %get3A_1416 = arith.constant 48 : index
        %get3A_1417 = tpu.vector_load %arg10[%get3A_1415, %get3A_1416] {strides = array<i32>} : memref<640x64xf32, #tpu.memory_space<vmem>>, vector<1x16xf32>,
        %get3A_1418 = vector.shape_cast %get3A_1417 : vector<1x16xf32> to vector<16xf32>
        %add3A_1419 = arith.constant 13 : i32
        %add3A_1420 = arith.addi %mul3A_910, %add3A_1419 : i32
        %get3A_1421 = arith.index_cast %add3A_1420 : i32 to index
        %get3A_1422 = arith.constant 48 : index
        %get3A_1423 = tpu.vector_load %arg10[%get3A_1421, %get3A_1422] {strides = array<i32>} : memref<640x64xf32, #tpu.memory_space<vmem>>, vector<1x16xf32>,
        %get3A_1424 = vector.shape_cast %get3A_1423 : vector<1x16xf32> to vector<16xf32>
        %add3A_1425 = arith.constant 14 : i32
        %add3A_1426 = arith.addi %mul3A_910, %add3A_1425 : i32
        %get3A_1427 = arith.index_cast %add3A_1426 : i32 to index
        %get3A_1428 = arith.constant 48 : index
        %get3A_1429 = tpu.vector_load %arg10[%get3A_1427, %get3A_1428] {strides = array<i32>} : memref<640x64xf32, #tpu.memory_space<vmem>>, vector<1x16xf32>,
        %get3A_1430 = vector.shape_cast %get3A_1429 : vector<1x16xf32> to vector<16xf32>
        %add3A_1431 = arith.constant 15 : i32
        %add3A_1432 = arith.addi %mul3A_910, %add3A_1431 : i32
        %get3A_1433 = arith.index_cast %add3A_1432 : i32 to index
        %get3A_1434 = arith.constant 48 : index
        %get3A_1435 = tpu.vector_load %arg10[%get3A_1433, %get3A_1434] {strides = array<i32>} : memref<640x64xf32, #tpu.memory_space<vmem>>, vector<1x16xf32>,
        %get3A_1436 = vector.shape_cast %get3A_1435 : vector<1x16xf32> to vector<16xf32>
        %add3A_1437 = arith.constant 16 : i32
        %add3A_1438 = arith.addi %mul3A_910, %add3A_1437 : i32
        %get3A_1439 = arith.index_cast %add3A_1438 : i32 to index
        %get3A_1440 = arith.constant 48 : index
        %get3A_1441 = tpu.vector_load %arg10[%get3A_1439, %get3A_1440] {strides = array<i32>} : memref<640x64xf32, #tpu.memory_space<vmem>>, vector<1x16xf32>,
        %get3A_1442 = vector.shape_cast %get3A_1441 : vector<1x16xf32> to vector<16xf32>
        %add3A_1443 = arith.constant 17 : i32
        %add3A_1444 = arith.addi %mul3A_910, %add3A_1443 : i32
        %get3A_1445 = arith.index_cast %add3A_1444 : i32 to index
        %get3A_1446 = arith.constant 48 : index
        %get3A_1447 = tpu.vector_load %arg10[%get3A_1445, %get3A_1446] {strides = array<i32>} : memref<640x64xf32, #tpu.memory_space<vmem>>, vector<1x16xf32>,
        %get3A_1448 = vector.shape_cast %get3A_1447 : vector<1x16xf32> to vector<16xf32>
        %add3A_1449 = arith.constant 18 : i32
        %add3A_1450 = arith.addi %mul3A_910, %add3A_1449 : i32
        %get3A_1451 = arith.index_cast %add3A_1450 : i32 to index
        %get3A_1452 = arith.constant 48 : index
        %get3A_1453 = tpu.vector_load %arg10[%get3A_1451, %get3A_1452] {strides = array<i32>} : memref<640x64xf32, #tpu.memory_space<vmem>>, vector<1x16xf32>,
        %get3A_1454 = vector.shape_cast %get3A_1453 : vector<1x16xf32> to vector<16xf32>
        %add3A_1455 = arith.constant 19 : i32
        %add3A_1456 = arith.addi %mul3A_910, %add3A_1455 : i32
        %get3A_1457 = arith.index_cast %add3A_1456 : i32 to index
        %get3A_1458 = arith.constant 48 : index
        %get3A_1459 = tpu.vector_load %arg10[%get3A_1457, %get3A_1458] {strides = array<i32>} : memref<640x64xf32, #tpu.memory_space<vmem>>, vector<1x16xf32>,
        %get3A_1460 = vector.shape_cast %get3A_1459 : vector<1x16xf32> to vector<16xf32>
        %add3A_1461 = arith.addf %get3A_1346, %get3A_1352 : vector<16xf32>
        %add3A_1462 = arith.addf %get3A_1358, %get3A_1364 : vector<16xf32>
        %add3A_1463 = arith.addf %get3A_1370, %get3A_1376 : vector<16xf32>
        %add3A_1464 = arith.addf %get3A_1382, %get3A_1388 : vector<16xf32>
        %add3A_1465 = arith.addf %get3A_1394, %get3A_1400 : vector<16xf32>
        %add3A_1466 = arith.addf %get3A_1406, %get3A_1412 : vector<16xf32>
        %add3A_1467 = arith.addf %get3A_1418, %get3A_1424 : vector<16xf32>
        %add3A_1468 = arith.addf %get3A_1430, %get3A_1436 : vector<16xf32>
        %add3A_1469 = arith.addf %get3A_1442, %get3A_1448 : vector<16xf32>
        %add3A_1470 = arith.addf %get3A_1454, %get3A_1460 : vector<16xf32>
        %add3A_1471 = arith.addf %add3A_1461, %add3A_1462 : vector<16xf32>
        %add3A_1472 = arith.addf %add3A_1463, %add3A_1464 : vector<16xf32>
        %add3A_1473 = arith.addf %add3A_1465, %add3A_1466 : vector<16xf32>
        %add3A_1474 = arith.addf %add3A_1467, %add3A_1468 : vector<16xf32>
        %add3A_1475 = arith.addf %add3A_1469, %add3A_1470 : vector<16xf32>
        %add3A_1476 = arith.addf %add3A_1471, %add3A_1472 : vector<16xf32>
        %add3A_1477 = arith.addf %add3A_1473, %add3A_1474 : vector<16xf32>
        %add3A_1478 = arith.addf %add3A_1476, %add3A_1477 : vector<16xf32>
        %add3A_1479 = arith.addf %add3A_1478, %add3A_1475 : vector<16xf32>
        %swap3A_1480 = arith.index_cast %add3A_908 : i32 to index
        %swap3A_1481 = arith.constant 48 : index
        %swap3A_1482 = tpu.vector_load %arg13[%swap3A_1480, %swap3A_1481] {strides = array<i32>} : memref<32x64xf32, #tpu.memory_space<vmem>>, vector<1x16xf32>,
        %swap3A_1483 = vector.shape_cast %swap3A_1482 : vector<1x16xf32> to vector<16xf32>
        %swap3A_1484 = vector.shape_cast %add3A_1479 : vector<16xf32> to vector<1x16xf32>
        tpu.vector_store %arg13[%swap3A_1480, %swap3A_1481], %swap3A_1484 {strides = array<i32>} : memref<32x64xf32, #tpu.memory_space<vmem>>, vector<1x16xf32>,
      }
      %scan3A_812 = arith.constant 32 : i32
      %jit3A_813 = arith.constant 4 : i32
      %div3A_814 = arith.divsi %add3A_684, %jit3A_813 : i32
      %sign3A_815 = arith.constant 0 : i32
      %sign3A_816 = arith.cmpi sgt, %add3A_684, %sign3A_815 : i32
      %sign3A_817 = arith.extui %sign3A_816 : i1 to i32
      %sign3A_818 = arith.constant 0 : i32
      %sign3A_819 = arith.cmpi slt, %add3A_684, %sign3A_818 : i32
      %sign3A_820 = arith.extui %sign3A_819 : i1 to i32
      %sign3A_821 = arith.subi %sign3A_817, %sign3A_820 : i32
      %sign3A_822 = arith.constant 0 : i32
      %sign3A_823 = arith.cmpi sgt, %jit3A_813, %sign3A_822 : i32
      %sign3A_824 = arith.extui %sign3A_823 : i1 to i32
      %sign3A_825 = arith.constant 0 : i32
      %sign3A_826 = arith.cmpi slt, %jit3A_813, %sign3A_825 : i32
      %sign3A_827 = arith.extui %sign3A_826 : i1 to i32
      %sign3A_828 = arith.subi %sign3A_824, %sign3A_827 : i32
      %ne3A_829 = arith.cmpi ne, %sign3A_821, %sign3A_828 : i32
      %rem3A_830 = arith.remsi %add3A_684, %jit3A_813 : i32
      %ne3A_831 = arith.constant 0 : i32
      %ne3A_832 = arith.cmpi ne, %rem3A_830, %ne3A_831 : i32
      %and3A_833 = arith.andi %ne3A_829, %ne3A_832 : i1
      %sub3A_834 = arith.constant 1 : i32
      %sub3A_835 = arith.subi %div3A_814, %sub3A_834 : i32
      %select_n3A_836 = arith.select %and3A_833, %sub3A_835, %div3A_814 : i32
      %mul3A_837 = arith.constant 128 : i32
      %mul3A_838 = arith.muli %add3A, %mul3A_837 : i32
      %jit3A_839 = arith.constant 4 : i32
      %eq3A_840 = arith.constant 0 : i32
      %eq3A_841 = arith.cmpi eq, %jit3A_839, %eq3A_840 : i32
      %jit3A_842 = arith.constant 1 : i32
      %select_n3A_843 = arith.select %eq3A_841, %jit3A_842, %jit3A_839 : i32
      %rem3A_844 = arith.remsi %add3A_684, %select_n3A_843 : i32
      %ne3A_845 = arith.constant 0 : i32
      %ne3A_846 = arith.cmpi ne, %rem3A_844, %ne3A_845 : i32
      %lt3A_847 = arith.constant 0 : i32
      %lt3A_848 = arith.cmpi slt, %rem3A_844, %lt3A_847 : i32
      %lt3A_849 = arith.constant 0 : i32
      %lt3A_850 = arith.cmpi slt, %select_n3A_843, %lt3A_849 : i32
      %ne3A_851 = arith.xori %lt3A_848, %lt3A_850 : i1
      %and3A_852 = arith.andi %ne3A_851, %ne3A_846 : i1
      %add3A_853 = arith.addi %rem3A_844, %select_n3A_843 : i32
      %select_n3A_854 = arith.select %and3A_852, %add3A_853, %rem3A_844 : i32
      %mul3A_855 = arith.constant 32 : i32
      %mul3A_856 = arith.muli %select_n3A_854, %mul3A_855 : i32
      %add3A_857 = arith.addi %mul3A_838, %mul3A_856 : i32
      %jit3A_858 = arith.constant 2 : i32
      %div3A_859 = arith.divsi %select_n3A_836, %jit3A_858 : i32
      %sign3A_860 = arith.constant 0 : i32
      %sign3A_861 = arith.cmpi sgt, %select_n3A_836, %sign3A_860 : i32
      %sign3A_862 = arith.extui %sign3A_861 : i1 to i32
      %sign3A_863 = arith.constant 0 : i32
      %sign3A_864 = arith.cmpi slt, %select_n3A_836, %sign3A_863 : i32
      %sign3A_865 = arith.extui %sign3A_864 : i1 to i32
      %sign3A_866 = arith.subi %sign3A_862, %sign3A_865 : i32
      %sign3A_867 = arith.constant 0 : i32
      %sign3A_868 = arith.cmpi sgt, %jit3A_858, %sign3A_867 : i32
      %sign3A_869 = arith.extui %sign3A_868 : i1 to i32
      %sign3A_870 = arith.constant 0 : i32
      %sign3A_871 = arith.cmpi slt, %jit3A_858, %sign3A_870 : i32
      %sign3A_872 = arith.extui %sign3A_871 : i1 to i32
      %sign3A_873 = arith.subi %sign3A_869, %sign3A_872 : i32
      %ne3A_874 = arith.cmpi ne, %sign3A_866, %sign3A_873 : i32
      %rem3A_875 = arith.remsi %select_n3A_836, %jit3A_858 : i32
      %ne3A_876 = arith.constant 0 : i32
      %ne3A_877 = arith.cmpi ne, %rem3A_875, %ne3A_876 : i32
      %and3A_878 = arith.andi %ne3A_874, %ne3A_877 : i1
      %sub3A_879 = arith.constant 1 : i32
      %sub3A_880 = arith.subi %div3A_859, %sub3A_879 : i32
      %select_n3A_881 = arith.select %and3A_878, %sub3A_880, %div3A_859 : i32
      %jit3A_882 = arith.constant 2 : i32
      %eq3A_883 = arith.constant 0 : i32
      %eq3A_884 = arith.cmpi eq, %jit3A_882, %eq3A_883 : i32
      %jit3A_885 = arith.constant 1 : i32
      %select_n3A_886 = arith.select %eq3A_884, %jit3A_885, %jit3A_882 : i32
      %rem3A_887 = arith.remsi %select_n3A_836, %select_n3A_886 : i32
      %ne3A_888 = arith.constant 0 : i32
      %ne3A_889 = arith.cmpi ne, %rem3A_887, %ne3A_888 : i32
      %lt3A_890 = arith.constant 0 : i32
      %lt3A_891 = arith.cmpi slt, %rem3A_887, %lt3A_890 : i32
      %lt3A_892 = arith.constant 0 : i32
      %lt3A_893 = arith.cmpi slt, %select_n3A_886, %lt3A_892 : i32
      %ne3A_894 = arith.xori %lt3A_891, %lt3A_893 : i1
      %and3A_895 = arith.andi %ne3A_894, %ne3A_889 : i1
      %add3A_896 = arith.addi %rem3A_887, %select_n3A_886 : i32
      %select_n3A_897 = arith.select %and3A_895, %add3A_896, %rem3A_887 : i32
      %mul3A_898 = arith.constant 64 : i32
      %mul3A_899 = arith.muli %select_n3A_897, %mul3A_898 : i32
      %dma_start3A_900 = tpu.memref_slice %arg4[%select_n3A_881, %add3A_857, %mul3A_899] : memref<13x4096x128xf32, #tpu.memory_space<hbm>> -> memref<1x32x64xf32, #tpu.memory_space<hbm>>
      %dma_start3A_901 = tpu.memref_squeeze %dma_start3A_900 : memref<1x32x64xf32, #tpu.memory_space<hbm>> -> memref<32x64xf32, #tpu.memory_space<hbm>>
      %dma_start3A_902 = tpu.memref_slice %arg4[%select_n3A_881, %add3A_857, %mul3A_899] : memref<13x4096x128xf32, #tpu.memory_space<hbm>> -> memref<1x32x64xf32, #tpu.memory_space<hbm>>
      %dma_start3A_903 = tpu.memref_squeeze %dma_start3A_902 : memref<1x32x64xf32, #tpu.memory_space<hbm>> -> memref<32x64xf32, #tpu.memory_space<hbm>>
      tpu.enqueue_dma source(%arg13 : memref<32x64xf32, #tpu.memory_space<vmem>>) target(%dma_start3A_903 : memref<32x64xf32, #tpu.memory_space<hbm>>) target_semaphore(%arg22 : memref<!tpu.dma_semaphore, #tpu.memory_space<semaphore_mem>>)
    }
    %scan3A_144 = arith.constant 34 : i32
    %dma_wait3A_145 = arith.constant 0 : i32
    %dma_wait3A_146 = arith.constant 0 : i32
    %dma_wait3A_147 = tpu.memref_slice %arg3[%dma_wait3A_145, %dma_wait3A_146] : memref<1000000x64xf32, #tpu.memory_space<hbm>> -> memref<640x64xf32, #tpu.memory_space<hbm>>
    %dma_wait3A_148 = arith.constant 0 : i32
    %dma_wait3A_149 = arith.constant 0 : i32
    %dma_wait3A_150 = tpu.memref_slice %arg3[%dma_wait3A_148, %dma_wait3A_149] : memref<1000000x64xf32, #tpu.memory_space<hbm>> -> memref<640x64xf32, #tpu.memory_space<hbm>>
    tpu.wait_dma2 semaphore(%arg14 : memref<!tpu.dma_semaphore, #tpu.memory_space<semaphore_mem>>) src(%dma_wait3A_150 : memref<640x64xf32, #tpu.memory_space<hbm>>) dst(%arg8 : memref<640x64xf32, #tpu.memory_space<vmem>>)
    %mul3A_151 = arith.constant 128 : i32
    %mul3A_152 = arith.muli %add3A, %mul3A_151 : i32
    %add3A_153 = arith.constant 0 : i32
    %add3A_154 = arith.addi %mul3A_152, %add3A_153 : i32
    %dma_wait3A_155 = arith.constant 0 : i32
    %dma_wait3A_156 = arith.constant 0 : i32
    %dma_wait3A_157 = tpu.memref_slice %arg4[%dma_wait3A_155, %add3A_154, %dma_wait3A_156] : memref<13x4096x128xf32, #tpu.memory_space<hbm>> -> memref<1x32x64xf32, #tpu.memory_space<hbm>>
    %dma_wait3A_158 = tpu.memref_squeeze %dma_wait3A_157 : memref<1x32x64xf32, #tpu.memory_space<hbm>> -> memref<32x64xf32, #tpu.memory_space<hbm>>
    %dma_wait3A_159 = arith.constant 0 : i32
    %dma_wait3A_160 = tpu.memref_slice %arg4[%dma_wait3A_155, %add3A_154, %dma_wait3A_159] : memref<13x4096x128xf32, #tpu.memory_space<hbm>> -> memref<1x32x64xf32, #tpu.memory_space<hbm>>
    %dma_wait3A_161 = tpu.memref_squeeze %dma_wait3A_160 : memref<1x32x64xf32, #tpu.memory_space<hbm>> -> memref<32x64xf32, #tpu.memory_space<hbm>>
    tpu.wait_dma2 semaphore(%arg20 : memref<!tpu.dma_semaphore, #tpu.memory_space<semaphore_mem>>) src(%arg11 : memref<32x64xf32, #tpu.memory_space<vmem>>) dst(%dma_wait3A_161 : memref<32x64xf32, #tpu.memory_space<hbm>>)
    %scan3A_162 = arith.constant 0 : i32
    %scan3A_163 = arith.constant 32 : i32
    %scan3A_164 = arith.addi %scan3A_162, %scan3A_163 : i32
    %scan3A_165 = arith.constant 1 : i32
    scf.for %scan3A_244 = %scan3A_162 to %scan3A_164 step %scan3A_165  : i32 {
      %mul3A_245 = arith.constant 1 : i32
      %mul3A_246 = arith.muli %scan3A_244, %mul3A_245 : i32
      %add3A_247 = arith.constant 0 : i32
      %add3A_248 = arith.addi %add3A_247, %mul3A_246 : i32
      %mul3A_249 = arith.constant 20 : i32
      %mul3A_250 = arith.muli %add3A_248, %mul3A_249 : i32
      %add3A_251 = arith.constant 0 : i32
      %add3A_252 = arith.addi %mul3A_250, %add3A_251 : i32
      %get3A = arith.index_cast %add3A_252 : i32 to index
      %get3A_253 = arith.constant 0 : index
      %get3A_254 = tpu.vector_load %arg8[%get3A, %get3A_253] {strides = array<i32>} : memref<640x64xf32, #tpu.memory_space<vmem>>, vector<1x16xf32>,
      %get3A_255 = vector.shape_cast %get3A_254 : vector<1x16xf32> to vector<16xf32>
      %add3A_256 = arith.constant 1 : i32
      %add3A_257 = arith.addi %mul3A_250, %add3A_256 : i32
      %get3A_258 = arith.index_cast %add3A_257 : i32 to index
      %get3A_259 = arith.constant 0 : index
      %get3A_260 = tpu.vector_load %arg8[%get3A_258, %get3A_259] {strides = array<i32>} : memref<640x64xf32, #tpu.memory_space<vmem>>, vector<1x16xf32>,
      %get3A_261 = vector.shape_cast %get3A_260 : vector<1x16xf32> to vector<16xf32>
      %add3A_262 = arith.constant 2 : i32
      %add3A_263 = arith.addi %mul3A_250, %add3A_262 : i32
      %get3A_264 = arith.index_cast %add3A_263 : i32 to index
      %get3A_265 = arith.constant 0 : index
      %get3A_266 = tpu.vector_load %arg8[%get3A_264, %get3A_265] {strides = array<i32>} : memref<640x64xf32, #tpu.memory_space<vmem>>, vector<1x16xf32>,
      %get3A_267 = vector.shape_cast %get3A_266 : vector<1x16xf32> to vector<16xf32>
      %add3A_268 = arith.constant 3 : i32
      %add3A_269 = arith.addi %mul3A_250, %add3A_268 : i32
      %get3A_270 = arith.index_cast %add3A_269 : i32 to index
      %get3A_271 = arith.constant 0 : index
      %get3A_272 = tpu.vector_load %arg8[%get3A_270, %get3A_271] {strides = array<i32>} : memref<640x64xf32, #tpu.memory_space<vmem>>, vector<1x16xf32>,
      %get3A_273 = vector.shape_cast %get3A_272 : vector<1x16xf32> to vector<16xf32>
      %add3A_274 = arith.constant 4 : i32
      %add3A_275 = arith.addi %mul3A_250, %add3A_274 : i32
      %get3A_276 = arith.index_cast %add3A_275 : i32 to index
      %get3A_277 = arith.constant 0 : index
      %get3A_278 = tpu.vector_load %arg8[%get3A_276, %get3A_277] {strides = array<i32>} : memref<640x64xf32, #tpu.memory_space<vmem>>, vector<1x16xf32>,
      %get3A_279 = vector.shape_cast %get3A_278 : vector<1x16xf32> to vector<16xf32>
      %add3A_280 = arith.constant 5 : i32
      %add3A_281 = arith.addi %mul3A_250, %add3A_280 : i32
      %get3A_282 = arith.index_cast %add3A_281 : i32 to index
      %get3A_283 = arith.constant 0 : index
      %get3A_284 = tpu.vector_load %arg8[%get3A_282, %get3A_283] {strides = array<i32>} : memref<640x64xf32, #tpu.memory_space<vmem>>, vector<1x16xf32>,
      %get3A_285 = vector.shape_cast %get3A_284 : vector<1x16xf32> to vector<16xf32>
      %add3A_286 = arith.constant 6 : i32
      %add3A_287 = arith.addi %mul3A_250, %add3A_286 : i32
      %get3A_288 = arith.index_cast %add3A_287 : i32 to index
      %get3A_289 = arith.constant 0 : index
      %get3A_290 = tpu.vector_load %arg8[%get3A_288, %get3A_289] {strides = array<i32>} : memref<640x64xf32, #tpu.memory_space<vmem>>, vector<1x16xf32>,
      %get3A_291 = vector.shape_cast %get3A_290 : vector<1x16xf32> to vector<16xf32>
      %add3A_292 = arith.constant 7 : i32
      %add3A_293 = arith.addi %mul3A_250, %add3A_292 : i32
      %get3A_294 = arith.index_cast %add3A_293 : i32 to index
      %get3A_295 = arith.constant 0 : index
      %get3A_296 = tpu.vector_load %arg8[%get3A_294, %get3A_295] {strides = array<i32>} : memref<640x64xf32, #tpu.memory_space<vmem>>, vector<1x16xf32>,
      %get3A_297 = vector.shape_cast %get3A_296 : vector<1x16xf32> to vector<16xf32>
      %add3A_298 = arith.constant 8 : i32
      %add3A_299 = arith.addi %mul3A_250, %add3A_298 : i32
      %get3A_300 = arith.index_cast %add3A_299 : i32 to index
      %get3A_301 = arith.constant 0 : index
      %get3A_302 = tpu.vector_load %arg8[%get3A_300, %get3A_301] {strides = array<i32>} : memref<640x64xf32, #tpu.memory_space<vmem>>, vector<1x16xf32>,
      %get3A_303 = vector.shape_cast %get3A_302 : vector<1x16xf32> to vector<16xf32>
      %add3A_304 = arith.constant 9 : i32
      %add3A_305 = arith.addi %mul3A_250, %add3A_304 : i32
      %get3A_306 = arith.index_cast %add3A_305 : i32 to index
      %get3A_307 = arith.constant 0 : index
      %get3A_308 = tpu.vector_load %arg8[%get3A_306, %get3A_307] {strides = array<i32>} : memref<640x64xf32, #tpu.memory_space<vmem>>, vector<1x16xf32>,
      %get3A_309 = vector.shape_cast %get3A_308 : vector<1x16xf32> to vector<16xf32>
      %add3A_310 = arith.constant 10 : i32
      %add3A_311 = arith.addi %mul3A_250, %add3A_310 : i32
      %get3A_312 = arith.index_cast %add3A_311 : i32 to index
      %get3A_313 = arith.constant 0 : index
      %get3A_314 = tpu.vector_load %arg8[%get3A_312, %get3A_313] {strides = array<i32>} : memref<640x64xf32, #tpu.memory_space<vmem>>, vector<1x16xf32>,
      %get3A_315 = vector.shape_cast %get3A_314 : vector<1x16xf32> to vector<16xf32>
      %add3A_316 = arith.constant 11 : i32
      %add3A_317 = arith.addi %mul3A_250, %add3A_316 : i32
      %get3A_318 = arith.index_cast %add3A_317 : i32 to index
      %get3A_319 = arith.constant 0 : index
      %get3A_320 = tpu.vector_load %arg8[%get3A_318, %get3A_319] {strides = array<i32>} : memref<640x64xf32, #tpu.memory_space<vmem>>, vector<1x16xf32>,
      %get3A_321 = vector.shape_cast %get3A_320 : vector<1x16xf32> to vector<16xf32>
      %add3A_322 = arith.constant 12 : i32
      %add3A_323 = arith.addi %mul3A_250, %add3A_322 : i32
      %get3A_324 = arith.index_cast %add3A_323 : i32 to index
      %get3A_325 = arith.constant 0 : index
      %get3A_326 = tpu.vector_load %arg8[%get3A_324, %get3A_325] {strides = array<i32>} : memref<640x64xf32, #tpu.memory_space<vmem>>, vector<1x16xf32>,
      %get3A_327 = vector.shape_cast %get3A_326 : vector<1x16xf32> to vector<16xf32>
      %add3A_328 = arith.constant 13 : i32
      %add3A_329 = arith.addi %mul3A_250, %add3A_328 : i32
      %get3A_330 = arith.index_cast %add3A_329 : i32 to index
      %get3A_331 = arith.constant 0 : index
      %get3A_332 = tpu.vector_load %arg8[%get3A_330, %get3A_331] {strides = array<i32>} : memref<640x64xf32, #tpu.memory_space<vmem>>, vector<1x16xf32>,
      %get3A_333 = vector.shape_cast %get3A_332 : vector<1x16xf32> to vector<16xf32>
      %add3A_334 = arith.constant 14 : i32
      %add3A_335 = arith.addi %mul3A_250, %add3A_334 : i32
      %get3A_336 = arith.index_cast %add3A_335 : i32 to index
      %get3A_337 = arith.constant 0 : index
      %get3A_338 = tpu.vector_load %arg8[%get3A_336, %get3A_337] {strides = array<i32>} : memref<640x64xf32, #tpu.memory_space<vmem>>, vector<1x16xf32>,
      %get3A_339 = vector.shape_cast %get3A_338 : vector<1x16xf32> to vector<16xf32>
      %add3A_340 = arith.constant 15 : i32
      %add3A_341 = arith.addi %mul3A_250, %add3A_340 : i32
      %get3A_342 = arith.index_cast %add3A_341 : i32 to index
      %get3A_343 = arith.constant 0 : index
      %get3A_344 = tpu.vector_load %arg8[%get3A_342, %get3A_343] {strides = array<i32>} : memref<640x64xf32, #tpu.memory_space<vmem>>, vector<1x16xf32>,
      %get3A_345 = vector.shape_cast %get3A_344 : vector<1x16xf32> to vector<16xf32>
      %add3A_346 = arith.constant 16 : i32
      %add3A_347 = arith.addi %mul3A_250, %add3A_346 : i32
      %get3A_348 = arith.index_cast %add3A_347 : i32 to index
      %get3A_349 = arith.constant 0 : index
      %get3A_350 = tpu.vector_load %arg8[%get3A_348, %get3A_349] {strides = array<i32>} : memref<640x64xf32, #tpu.memory_space<vmem>>, vector<1x16xf32>,
      %get3A_351 = vector.shape_cast %get3A_350 : vector<1x16xf32> to vector<16xf32>
      %add3A_352 = arith.constant 17 : i32
      %add3A_353 = arith.addi %mul3A_250, %add3A_352 : i32
      %get3A_354 = arith.index_cast %add3A_353 : i32 to index
      %get3A_355 = arith.constant 0 : index
      %get3A_356 = tpu.vector_load %arg8[%get3A_354, %get3A_355] {strides = array<i32>} : memref<640x64xf32, #tpu.memory_space<vmem>>, vector<1x16xf32>,
      %get3A_357 = vector.shape_cast %get3A_356 : vector<1x16xf32> to vector<16xf32>
      %add3A_358 = arith.constant 18 : i32
      %add3A_359 = arith.addi %mul3A_250, %add3A_358 : i32
      %get3A_360 = arith.index_cast %add3A_359 : i32 to index
      %get3A_361 = arith.constant 0 : index
      %get3A_362 = tpu.vector_load %arg8[%get3A_360, %get3A_361] {strides = array<i32>} : memref<640x64xf32, #tpu.memory_space<vmem>>, vector<1x16xf32>,
      %get3A_363 = vector.shape_cast %get3A_362 : vector<1x16xf32> to vector<16xf32>
      %add3A_364 = arith.constant 19 : i32
      %add3A_365 = arith.addi %mul3A_250, %add3A_364 : i32
      %get3A_366 = arith.index_cast %add3A_365 : i32 to index
      %get3A_367 = arith.constant 0 : index
      %get3A_368 = tpu.vector_load %arg8[%get3A_366, %get3A_367] {strides = array<i32>} : memref<640x64xf32, #tpu.memory_space<vmem>>, vector<1x16xf32>,
      %get3A_369 = vector.shape_cast %get3A_368 : vector<1x16xf32> to vector<16xf32>
      %add3A_370 = arith.addf %get3A_255, %get3A_261 : vector<16xf32>
      %add3A_371 = arith.addf %get3A_267, %get3A_273 : vector<16xf32>
      %add3A_372 = arith.addf %get3A_279, %get3A_285 : vector<16xf32>
      %add3A_373 = arith.addf %get3A_291, %get3A_297 : vector<16xf32>
      %add3A_374 = arith.addf %get3A_303, %get3A_309 : vector<16xf32>
      %add3A_375 = arith.addf %get3A_315, %get3A_321 : vector<16xf32>
      %add3A_376 = arith.addf %get3A_327, %get3A_333 : vector<16xf32>
      %add3A_377 = arith.addf %get3A_339, %get3A_345 : vector<16xf32>
      %add3A_378 = arith.addf %get3A_351, %get3A_357 : vector<16xf32>
      %add3A_379 = arith.addf %get3A_363, %get3A_369 : vector<16xf32>
      %add3A_380 = arith.addf %add3A_370, %add3A_371 : vector<16xf32>
      %add3A_381 = arith.addf %add3A_372, %add3A_373 : vector<16xf32>
      %add3A_382 = arith.addf %add3A_374, %add3A_375 : vector<16xf32>
      %add3A_383 = arith.addf %add3A_376, %add3A_377 : vector<16xf32>
      %add3A_384 = arith.addf %add3A_378, %add3A_379 : vector<16xf32>
      %add3A_385 = arith.addf %add3A_380, %add3A_381 : vector<16xf32>
      %add3A_386 = arith.addf %add3A_382, %add3A_383 : vector<16xf32>
      %add3A_387 = arith.addf %add3A_385, %add3A_386 : vector<16xf32>
      %add3A_388 = arith.addf %add3A_387, %add3A_384 : vector<16xf32>
      %swap3A = arith.index_cast %add3A_248 : i32 to index
      %swap3A_389 = arith.constant 0 : index
      %swap3A_390 = tpu.vector_load %arg11[%swap3A, %swap3A_389] {strides = array<i32>} : memref<32x64xf32, #tpu.memory_space<vmem>>, vector<1x16xf32>,
      %swap3A_391 = vector.shape_cast %swap3A_390 : vector<1x16xf32> to vector<16xf32>
      %swap3A_392 = vector.shape_cast %add3A_388 : vector<16xf32> to vector<1x16xf32>
      tpu.vector_store %arg11[%swap3A, %swap3A_389], %swap3A_392 {strides = array<i32>} : memref<32x64xf32, #tpu.memory_space<vmem>>, vector<1x16xf32>,
      %add3A_393 = arith.constant 0 : i32
      %add3A_394 = arith.addi %mul3A_250, %add3A_393 : i32
      %get3A_395 = arith.index_cast %add3A_394 : i32 to index
      %get3A_396 = arith.constant 16 : index
      %get3A_397 = tpu.vector_load %arg8[%get3A_395, %get3A_396] {strides = array<i32>} : memref<640x64xf32, #tpu.memory_space<vmem>>, vector<1x16xf32>,
      %get3A_398 = vector.shape_cast %get3A_397 : vector<1x16xf32> to vector<16xf32>
      %add3A_399 = arith.constant 1 : i32
      %add3A_400 = arith.addi %mul3A_250, %add3A_399 : i32
      %get3A_401 = arith.index_cast %add3A_400 : i32 to index
      %get3A_402 = arith.constant 16 : index
      %get3A_403 = tpu.vector_load %arg8[%get3A_401, %get3A_402] {strides = array<i32>} : memref<640x64xf32, #tpu.memory_space<vmem>>, vector<1x16xf32>,
      %get3A_404 = vector.shape_cast %get3A_403 : vector<1x16xf32> to vector<16xf32>
      %add3A_405 = arith.constant 2 : i32
      %add3A_406 = arith.addi %mul3A_250, %add3A_405 : i32
      %get3A_407 = arith.index_cast %add3A_406 : i32 to index
      %get3A_408 = arith.constant 16 : index
      %get3A_409 = tpu.vector_load %arg8[%get3A_407, %get3A_408] {strides = array<i32>} : memref<640x64xf32, #tpu.memory_space<vmem>>, vector<1x16xf32>,
      %get3A_410 = vector.shape_cast %get3A_409 : vector<1x16xf32> to vector<16xf32>
      %add3A_411 = arith.constant 3 : i32
      %add3A_412 = arith.addi %mul3A_250, %add3A_411 : i32
      %get3A_413 = arith.index_cast %add3A_412 : i32 to index
      %get3A_414 = arith.constant 16 : index
      %get3A_415 = tpu.vector_load %arg8[%get3A_413, %get3A_414] {strides = array<i32>} : memref<640x64xf32, #tpu.memory_space<vmem>>, vector<1x16xf32>,
      %get3A_416 = vector.shape_cast %get3A_415 : vector<1x16xf32> to vector<16xf32>
      %add3A_417 = arith.constant 4 : i32
      %add3A_418 = arith.addi %mul3A_250, %add3A_417 : i32
      %get3A_419 = arith.index_cast %add3A_418 : i32 to index
      %get3A_420 = arith.constant 16 : index
      %get3A_421 = tpu.vector_load %arg8[%get3A_419, %get3A_420] {strides = array<i32>} : memref<640x64xf32, #tpu.memory_space<vmem>>, vector<1x16xf32>,
      %get3A_422 = vector.shape_cast %get3A_421 : vector<1x16xf32> to vector<16xf32>
      %add3A_423 = arith.constant 5 : i32
      %add3A_424 = arith.addi %mul3A_250, %add3A_423 : i32
      %get3A_425 = arith.index_cast %add3A_424 : i32 to index
      %get3A_426 = arith.constant 16 : index
      %get3A_427 = tpu.vector_load %arg8[%get3A_425, %get3A_426] {strides = array<i32>} : memref<640x64xf32, #tpu.memory_space<vmem>>, vector<1x16xf32>,
      %get3A_428 = vector.shape_cast %get3A_427 : vector<1x16xf32> to vector<16xf32>
      %add3A_429 = arith.constant 6 : i32
      %add3A_430 = arith.addi %mul3A_250, %add3A_429 : i32
      %get3A_431 = arith.index_cast %add3A_430 : i32 to index
      %get3A_432 = arith.constant 16 : index
      %get3A_433 = tpu.vector_load %arg8[%get3A_431, %get3A_432] {strides = array<i32>} : memref<640x64xf32, #tpu.memory_space<vmem>>, vector<1x16xf32>,
      %get3A_434 = vector.shape_cast %get3A_433 : vector<1x16xf32> to vector<16xf32>
      %add3A_435 = arith.constant 7 : i32
      %add3A_436 = arith.addi %mul3A_250, %add3A_435 : i32
      %get3A_437 = arith.index_cast %add3A_436 : i32 to index
      %get3A_438 = arith.constant 16 : index
      %get3A_439 = tpu.vector_load %arg8[%get3A_437, %get3A_438] {strides = array<i32>} : memref<640x64xf32, #tpu.memory_space<vmem>>, vector<1x16xf32>,
      %get3A_440 = vector.shape_cast %get3A_439 : vector<1x16xf32> to vector<16xf32>
      %add3A_441 = arith.constant 8 : i32
      %add3A_442 = arith.addi %mul3A_250, %add3A_441 : i32
      %get3A_443 = arith.index_cast %add3A_442 : i32 to index
      %get3A_444 = arith.constant 16 : index
      %get3A_445 = tpu.vector_load %arg8[%get3A_443, %get3A_444] {strides = array<i32>} : memref<640x64xf32, #tpu.memory_space<vmem>>, vector<1x16xf32>,
      %get3A_446 = vector.shape_cast %get3A_445 : vector<1x16xf32> to vector<16xf32>
      %add3A_447 = arith.constant 9 : i32
      %add3A_448 = arith.addi %mul3A_250, %add3A_447 : i32
      %get3A_449 = arith.index_cast %add3A_448 : i32 to index
      %get3A_450 = arith.constant 16 : index
      %get3A_451 = tpu.vector_load %arg8[%get3A_449, %get3A_450] {strides = array<i32>} : memref<640x64xf32, #tpu.memory_space<vmem>>, vector<1x16xf32>,
      %get3A_452 = vector.shape_cast %get3A_451 : vector<1x16xf32> to vector<16xf32>
      %add3A_453 = arith.constant 10 : i32
      %add3A_454 = arith.addi %mul3A_250, %add3A_453 : i32
      %get3A_455 = arith.index_cast %add3A_454 : i32 to index
      %get3A_456 = arith.constant 16 : index
      %get3A_457 = tpu.vector_load %arg8[%get3A_455, %get3A_456] {strides = array<i32>} : memref<640x64xf32, #tpu.memory_space<vmem>>, vector<1x16xf32>,
      %get3A_458 = vector.shape_cast %get3A_457 : vector<1x16xf32> to vector<16xf32>
      %add3A_459 = arith.constant 11 : i32
      %add3A_460 = arith.addi %mul3A_250, %add3A_459 : i32
      %get3A_461 = arith.index_cast %add3A_460 : i32 to index
      %get3A_462 = arith.constant 16 : index
      %get3A_463 = tpu.vector_load %arg8[%get3A_461, %get3A_462] {strides = array<i32>} : memref<640x64xf32, #tpu.memory_space<vmem>>, vector<1x16xf32>,
      %get3A_464 = vector.shape_cast %get3A_463 : vector<1x16xf32> to vector<16xf32>
      %add3A_465 = arith.constant 12 : i32
      %add3A_466 = arith.addi %mul3A_250, %add3A_465 : i32
      %get3A_467 = arith.index_cast %add3A_466 : i32 to index
      %get3A_468 = arith.constant 16 : index
      %get3A_469 = tpu.vector_load %arg8[%get3A_467, %get3A_468] {strides = array<i32>} : memref<640x64xf32, #tpu.memory_space<vmem>>, vector<1x16xf32>,
      %get3A_470 = vector.shape_cast %get3A_469 : vector<1x16xf32> to vector<16xf32>
      %add3A_471 = arith.constant 13 : i32
      %add3A_472 = arith.addi %mul3A_250, %add3A_471 : i32
      %get3A_473 = arith.index_cast %add3A_472 : i32 to index
      %get3A_474 = arith.constant 16 : index
      %get3A_475 = tpu.vector_load %arg8[%get3A_473, %get3A_474] {strides = array<i32>} : memref<640x64xf32, #tpu.memory_space<vmem>>, vector<1x16xf32>,
      %get3A_476 = vector.shape_cast %get3A_475 : vector<1x16xf32> to vector<16xf32>
      %add3A_477 = arith.constant 14 : i32
      %add3A_478 = arith.addi %mul3A_250, %add3A_477 : i32
      %get3A_479 = arith.index_cast %add3A_478 : i32 to index
      %get3A_480 = arith.constant 16 : index
      %get3A_481 = tpu.vector_load %arg8[%get3A_479, %get3A_480] {strides = array<i32>} : memref<640x64xf32, #tpu.memory_space<vmem>>, vector<1x16xf32>,
      %get3A_482 = vector.shape_cast %get3A_481 : vector<1x16xf32> to vector<16xf32>
      %add3A_483 = arith.constant 15 : i32
      %add3A_484 = arith.addi %mul3A_250, %add3A_483 : i32
      %get3A_485 = arith.index_cast %add3A_484 : i32 to index
      %get3A_486 = arith.constant 16 : index
      %get3A_487 = tpu.vector_load %arg8[%get3A_485, %get3A_486] {strides = array<i32>} : memref<640x64xf32, #tpu.memory_space<vmem>>, vector<1x16xf32>,
      %get3A_488 = vector.shape_cast %get3A_487 : vector<1x16xf32> to vector<16xf32>
      %add3A_489 = arith.constant 16 : i32
      %add3A_490 = arith.addi %mul3A_250, %add3A_489 : i32
      %get3A_491 = arith.index_cast %add3A_490 : i32 to index
      %get3A_492 = arith.constant 16 : index
      %get3A_493 = tpu.vector_load %arg8[%get3A_491, %get3A_492] {strides = array<i32>} : memref<640x64xf32, #tpu.memory_space<vmem>>, vector<1x16xf32>,
      %get3A_494 = vector.shape_cast %get3A_493 : vector<1x16xf32> to vector<16xf32>
      %add3A_495 = arith.constant 17 : i32
      %add3A_496 = arith.addi %mul3A_250, %add3A_495 : i32
      %get3A_497 = arith.index_cast %add3A_496 : i32 to index
      %get3A_498 = arith.constant 16 : index
      %get3A_499 = tpu.vector_load %arg8[%get3A_497, %get3A_498] {strides = array<i32>} : memref<640x64xf32, #tpu.memory_space<vmem>>, vector<1x16xf32>,
      %get3A_500 = vector.shape_cast %get3A_499 : vector<1x16xf32> to vector<16xf32>
      %add3A_501 = arith.constant 18 : i32
      %add3A_502 = arith.addi %mul3A_250, %add3A_501 : i32
      %get3A_503 = arith.index_cast %add3A_502 : i32 to index
      %get3A_504 = arith.constant 16 : index
      %get3A_505 = tpu.vector_load %arg8[%get3A_503, %get3A_504] {strides = array<i32>} : memref<640x64xf32, #tpu.memory_space<vmem>>, vector<1x16xf32>,
      %get3A_506 = vector.shape_cast %get3A_505 : vector<1x16xf32> to vector<16xf32>
      %add3A_507 = arith.constant 19 : i32
      %add3A_508 = arith.addi %mul3A_250, %add3A_507 : i32
      %get3A_509 = arith.index_cast %add3A_508 : i32 to index
      %get3A_510 = arith.constant 16 : index
      %get3A_511 = tpu.vector_load %arg8[%get3A_509, %get3A_510] {strides = array<i32>} : memref<640x64xf32, #tpu.memory_space<vmem>>, vector<1x16xf32>,
      %get3A_512 = vector.shape_cast %get3A_511 : vector<1x16xf32> to vector<16xf32>
      %add3A_513 = arith.addf %get3A_398, %get3A_404 : vector<16xf32>
      %add3A_514 = arith.addf %get3A_410, %get3A_416 : vector<16xf32>
      %add3A_515 = arith.addf %get3A_422, %get3A_428 : vector<16xf32>
      %add3A_516 = arith.addf %get3A_434, %get3A_440 : vector<16xf32>
      %add3A_517 = arith.addf %get3A_446, %get3A_452 : vector<16xf32>
      %add3A_518 = arith.addf %get3A_458, %get3A_464 : vector<16xf32>
      %add3A_519 = arith.addf %get3A_470, %get3A_476 : vector<16xf32>
      %add3A_520 = arith.addf %get3A_482, %get3A_488 : vector<16xf32>
      %add3A_521 = arith.addf %get3A_494, %get3A_500 : vector<16xf32>
      %add3A_522 = arith.addf %get3A_506, %get3A_512 : vector<16xf32>
      %add3A_523 = arith.addf %add3A_513, %add3A_514 : vector<16xf32>
      %add3A_524 = arith.addf %add3A_515, %add3A_516 : vector<16xf32>
      %add3A_525 = arith.addf %add3A_517, %add3A_518 : vector<16xf32>
      %add3A_526 = arith.addf %add3A_519, %add3A_520 : vector<16xf32>
      %add3A_527 = arith.addf %add3A_521, %add3A_522 : vector<16xf32>
      %add3A_528 = arith.addf %add3A_523, %add3A_524 : vector<16xf32>
      %add3A_529 = arith.addf %add3A_525, %add3A_526 : vector<16xf32>
      %add3A_530 = arith.addf %add3A_528, %add3A_529 : vector<16xf32>
      %add3A_531 = arith.addf %add3A_530, %add3A_527 : vector<16xf32>
      %swap3A_532 = arith.index_cast %add3A_248 : i32 to index
      %swap3A_533 = arith.constant 16 : index
      %swap3A_534 = tpu.vector_load %arg11[%swap3A_532, %swap3A_533] {strides = array<i32>} : memref<32x64xf32, #tpu.memory_space<vmem>>, vector<1x16xf32>,
      %swap3A_535 = vector.shape_cast %swap3A_534 : vector<1x16xf32> to vector<16xf32>
      %swap3A_536 = vector.shape_cast %add3A_531 : vector<16xf32> to vector<1x16xf32>
      tpu.vector_store %arg11[%swap3A_532, %swap3A_533], %swap3A_536 {strides = array<i32>} : memref<32x64xf32, #tpu.memory_space<vmem>>, vector<1x16xf32>,
      %add3A_537 = arith.constant 0 : i32
      %add3A_538 = arith.addi %mul3A_250, %add3A_537 : i32
      %get3A_539 = arith.index_cast %add3A_538 : i32 to index
      %get3A_540 = arith.constant 32 : index
      %get3A_541 = tpu.vector_load %arg8[%get3A_539, %get3A_540] {strides = array<i32>} : memref<640x64xf32, #tpu.memory_space<vmem>>, vector<1x16xf32>,
      %get3A_542 = vector.shape_cast %get3A_541 : vector<1x16xf32> to vector<16xf32>
      %add3A_543 = arith.constant 1 : i32
      %add3A_544 = arith.addi %mul3A_250, %add3A_543 : i32
      %get3A_545 = arith.index_cast %add3A_544 : i32 to index
      %get3A_546 = arith.constant 32 : index
      %get3A_547 = tpu.vector_load %arg8[%get3A_545, %get3A_546] {strides = array<i32>} : memref<640x64xf32, #tpu.memory_space<vmem>>, vector<1x16xf32>,
      %get3A_548 = vector.shape_cast %get3A_547 : vector<1x16xf32> to vector<16xf32>
      %add3A_549 = arith.constant 2 : i32
      %add3A_550 = arith.addi %mul3A_250, %add3A_549 : i32
      %get3A_551 = arith.index_cast %add3A_550 : i32 to index
      %get3A_552 = arith.constant 32 : index
      %get3A_553 = tpu.vector_load %arg8[%get3A_551, %get3A_552] {strides = array<i32>} : memref<640x64xf32, #tpu.memory_space<vmem>>, vector<1x16xf32>,
      %get3A_554 = vector.shape_cast %get3A_553 : vector<1x16xf32> to vector<16xf32>
      %add3A_555 = arith.constant 3 : i32
      %add3A_556 = arith.addi %mul3A_250, %add3A_555 : i32
      %get3A_557 = arith.index_cast %add3A_556 : i32 to index
      %get3A_558 = arith.constant 32 : index
      %get3A_559 = tpu.vector_load %arg8[%get3A_557, %get3A_558] {strides = array<i32>} : memref<640x64xf32, #tpu.memory_space<vmem>>, vector<1x16xf32>,
      %get3A_560 = vector.shape_cast %get3A_559 : vector<1x16xf32> to vector<16xf32>
      %add3A_561 = arith.constant 4 : i32
      %add3A_562 = arith.addi %mul3A_250, %add3A_561 : i32
      %get3A_563 = arith.index_cast %add3A_562 : i32 to index
      %get3A_564 = arith.constant 32 : index
      %get3A_565 = tpu.vector_load %arg8[%get3A_563, %get3A_564] {strides = array<i32>} : memref<640x64xf32, #tpu.memory_space<vmem>>, vector<1x16xf32>,
      %get3A_566 = vector.shape_cast %get3A_565 : vector<1x16xf32> to vector<16xf32>
      %add3A_567 = arith.constant 5 : i32
      %add3A_568 = arith.addi %mul3A_250, %add3A_567 : i32
      %get3A_569 = arith.index_cast %add3A_568 : i32 to index
      %get3A_570 = arith.constant 32 : index
      %get3A_571 = tpu.vector_load %arg8[%get3A_569, %get3A_570] {strides = array<i32>} : memref<640x64xf32, #tpu.memory_space<vmem>>, vector<1x16xf32>,
      %get3A_572 = vector.shape_cast %get3A_571 : vector<1x16xf32> to vector<16xf32>
      %add3A_573 = arith.constant 6 : i32
      %add3A_574 = arith.addi %mul3A_250, %add3A_573 : i32
      %get3A_575 = arith.index_cast %add3A_574 : i32 to index
      %get3A_576 = arith.constant 32 : index
      %get3A_577 = tpu.vector_load %arg8[%get3A_575, %get3A_576] {strides = array<i32>} : memref<640x64xf32, #tpu.memory_space<vmem>>, vector<1x16xf32>,
      %get3A_578 = vector.shape_cast %get3A_577 : vector<1x16xf32> to vector<16xf32>
      %add3A_579 = arith.constant 7 : i32
      %add3A_580 = arith.addi %mul3A_250, %add3A_579 : i32
      %get3A_581 = arith.index_cast %add3A_580 : i32 to index
      %get3A_582 = arith.constant 32 : index
      %get3A_583 = tpu.vector_load %arg8[%get3A_581, %get3A_582] {strides = array<i32>} : memref<640x64xf32, #tpu.memory_space<vmem>>, vector<1x16xf32>,
      %get3A_584 = vector.shape_cast %get3A_583 : vector<1x16xf32> to vector<16xf32>
      %add3A_585 = arith.constant 8 : i32
      %add3A_586 = arith.addi %mul3A_250, %add3A_585 : i32
      %get3A_587 = arith.index_cast %add3A_586 : i32 to index
      %get3A_588 = arith.constant 32 : index
      %get3A_589 = tpu.vector_load %arg8[%get3A_587, %get3A_588] {strides = array<i32>} : memref<640x64xf32, #tpu.memory_space<vmem>>, vector<1x16xf32>,
      %get3A_590 = vector.shape_cast %get3A_589 : vector<1x16xf32> to vector<16xf32>
      %add3A_591 = arith.constant 9 : i32
      %add3A_592 = arith.addi %mul3A_250, %add3A_591 : i32
      %get3A_593 = arith.index_cast %add3A_592 : i32 to index
      %get3A_594 = arith.constant 32 : index
      %get3A_595 = tpu.vector_load %arg8[%get3A_593, %get3A_594] {strides = array<i32>} : memref<640x64xf32, #tpu.memory_space<vmem>>, vector<1x16xf32>,
      %get3A_596 = vector.shape_cast %get3A_595 : vector<1x16xf32> to vector<16xf32>
      %add3A_597 = arith.constant 10 : i32
      %add3A_598 = arith.addi %mul3A_250, %add3A_597 : i32
      %get3A_599 = arith.index_cast %add3A_598 : i32 to index
      %get3A_600 = arith.constant 32 : index
      %get3A_601 = tpu.vector_load %arg8[%get3A_599, %get3A_600] {strides = array<i32>} : memref<640x64xf32, #tpu.memory_space<vmem>>, vector<1x16xf32>,
      %get3A_602 = vector.shape_cast %get3A_601 : vector<1x16xf32> to vector<16xf32>
      %add3A_603 = arith.constant 11 : i32
      %add3A_604 = arith.addi %mul3A_250, %add3A_603 : i32
      %get3A_605 = arith.index_cast %add3A_604 : i32 to index
      %get3A_606 = arith.constant 32 : index
      %get3A_607 = tpu.vector_load %arg8[%get3A_605, %get3A_606] {strides = array<i32>} : memref<640x64xf32, #tpu.memory_space<vmem>>, vector<1x16xf32>,
      %get3A_608 = vector.shape_cast %get3A_607 : vector<1x16xf32> to vector<16xf32>
      %add3A_609 = arith.constant 12 : i32
      %add3A_610 = arith.addi %mul3A_250, %add3A_609 : i32
      %get3A_611 = arith.index_cast %add3A_610 : i32 to index
      %get3A_612 = arith.constant 32 : index
      %get3A_613 = tpu.vector_load %arg8[%get3A_611, %get3A_612] {strides = array<i32>} : memref<640x64xf32, #tpu.memory_space<vmem>>, vector<1x16xf32>,
      %get3A_614 = vector.shape_cast %get3A_613 : vector<1x16xf32> to vector<16xf32>
      %add3A_615 = arith.constant 13 : i32
      %add3A_616 = arith.addi %mul3A_250, %add3A_615 : i32
      %get3A_617 = arith.index_cast %add3A_616 : i32 to index
      %get3A_618 = arith.constant 32 : index
      %get3A_619 = tpu.vector_load %arg8[%get3A_617, %get3A_618] {strides = array<i32>} : memref<640x64xf32, #tpu.memory_space<vmem>>, vector<1x16xf32>,
      %get3A_620 = vector.shape_cast %get3A_619 : vector<1x16xf32> to vector<16xf32>
      %add3A_621 = arith.constant 14 : i32
      %add3A_622 = arith.addi %mul3A_250, %add3A_621 : i32
      %get3A_623 = arith.index_cast %add3A_622 : i32 to index
      %get3A_624 = arith.constant 32 : index
      %get3A_625 = tpu.vector_load %arg8[%get3A_623, %get3A_624] {strides = array<i32>} : memref<640x64xf32, #tpu.memory_space<vmem>>, vector<1x16xf32>,
      %get3A_626 = vector.shape_cast %get3A_625 : vector<1x16xf32> to vector<16xf32>
      %add3A_627 = arith.constant 15 : i32
      %add3A_628 = arith.addi %mul3A_250, %add3A_627 : i32
      %get3A_629 = arith.index_cast %add3A_628 : i32 to index
      %get3A_630 = arith.constant 32 : index
      %get3A_631 = tpu.vector_load %arg8[%get3A_629, %get3A_630] {strides = array<i32>} : memref<640x64xf32, #tpu.memory_space<vmem>>, vector<1x16xf32>,
      %get3A_632 = vector.shape_cast %get3A_631 : vector<1x16xf32> to vector<16xf32>
      %add3A_633 = arith.constant 16 : i32
      %add3A_634 = arith.addi %mul3A_250, %add3A_633 : i32
      %get3A_635 = arith.index_cast %add3A_634 : i32 to index
      %get3A_636 = arith.constant 32 : index
      %get3A_637 = tpu.vector_load %arg8[%get3A_635, %get3A_636] {strides = array<i32>} : memref<640x64xf32, #tpu.memory_space<vmem>>, vector<1x16xf32>,
      %get3A_638 = vector.shape_cast %get3A_637 : vector<1x16xf32> to vector<16xf32>
      %add3A_639 = arith.constant 17 : i32
      %add3A_640 = arith.addi %mul3A_250, %add3A_639 : i32
      %get3A_641 = arith.index_cast %add3A_640 : i32 to index
      %get3A_642 = arith.constant 32 : index
      %get3A_643 = tpu.vector_load %arg8[%get3A_641, %get3A_642] {strides = array<i32>} : memref<640x64xf32, #tpu.memory_space<vmem>>, vector<1x16xf32>,
      %get3A_644 = vector.shape_cast %get3A_643 : vector<1x16xf32> to vector<16xf32>
      %add3A_645 = arith.constant 18 : i32
      %add3A_646 = arith.addi %mul3A_250, %add3A_645 : i32
      %get3A_647 = arith.index_cast %add3A_646 : i32 to index
      %get3A_648 = arith.constant 32 : index
      %get3A_649 = tpu.vector_load %arg8[%get3A_647, %get3A_648] {strides = array<i32>} : memref<640x64xf32, #tpu.memory_space<vmem>>, vector<1x16xf32>,
      %get3A_650 = vector.shape_cast %get3A_649 : vector<1x16xf32> to vector<16xf32>
      %add3A_651 = arith.constant 19 : i32
      %add3A_652 = arith.addi %mul3A_250, %add3A_651 : i32
      %get3A_653 = arith.index_cast %add3A_652 : i32 to index
      %get3A_654 = arith.constant 32 : index
      %get3A_655 = tpu.vector_load %arg8[%get3A_653, %get3A_654] {strides = array<i32>} : memref<640x64xf32, #tpu.memory_space<vmem>>, vector<1x16xf32>,
      %get3A_656 = vector.shape_cast %get3A_655 : vector<1x16xf32> to vector<16xf32>
      %add3A_657 = arith.addf %get3A_542, %get3A_548 : vector<16xf32>
      %add3A_658 = arith.addf %get3A_554, %get3A_560 : vector<16xf32>
      %add3A_659 = arith.addf %get3A_566, %get3A_572 : vector<16xf32>
      %add3A_660 = arith.addf %get3A_578, %get3A_584 : vector<16xf32>
      %add3A_661 = arith.addf %get3A_590, %get3A_596 : vector<16xf32>
      %add3A_662 = arith.addf %get3A_602, %get3A_608 : vector<16xf32>
      %add3A_663 = arith.addf %get3A_614, %get3A_620 : vector<16xf32>
      %add3A_664 = arith.addf %get3A_626, %get3A_632 : vector<16xf32>
      %add3A_665 = arith.addf %get3A_638, %get3A_644 : vector<16xf32>
      %add3A_666 = arith.addf %get3A_650, %get3A_656 : vector<16xf32>
      %add3A_667 = arith.addf %add3A_657, %add3A_658 : vector<16xf32>
      %add3A_668 = arith.addf %add3A_659, %add3A_660 : vector<16xf32>
      %add3A_669 = arith.addf %add3A_661, %add3A_662 : vector<16xf32>
      %add3A_670 = arith.addf %add3A_663, %add3A_664 : vector<16xf32>
      %add3A_671 = arith.addf %add3A_665, %add3A_666 : vector<16xf32>
      %add3A_672 = arith.addf %add3A_667, %add3A_668 : vector<16xf32>
      %add3A_673 = arith.addf %add3A_669, %add3A_670 : vector<16xf32>
      %add3A_674 = arith.addf %add3A_672, %add3A_673 : vector<16xf32>
      %add3A_675 = arith.addf %add3A_674, %add3A_671 : vector<16xf32>
      %swap3A_676 = arith.index_cast %add3A_248 : i32 to index
      %swap3A_677 = arith.constant 32 : index
      %swap3A_678 = tpu.vector_load %arg11[%swap3A_676, %swap3A_677] {strides = array<i32>} : memref<32x64xf32, #tpu.memory_space<vmem>>, vector<1x16xf32>,
      %swap3A_679 = vector.shape_cast %swap3A_678 : vector<1x16xf32> to vector<16xf32>
      %swap3A_680 = vector.shape_cast %add3A_675 : vector<16xf32> to vector<1x16xf32>
      tpu.vector_store %arg11[%swap3A_676, %swap3A_677], %swap3A_680 {strides = array<i32>} : memref<32x64xf32, #tpu.memory_space<vmem>>, vector<1x16xf32>,
      %add3A_681 = arith.constant 0 : i32
      %add3A_682 = arith.addi %mul3A_250, %add3A_681 : i32
      %get3A_683 = arith.index_cast %add3A_682 : i32 to index
      %get3A_684 = arith.constant 48 : index
      %get3A_685 = tpu.vector_load %arg8[%get3A_683, %get3A_684] {strides = array<i32>} : memref<640x64xf32, #tpu.memory_space<vmem>>, vector<1x16xf32>,
      %get3A_686 = vector.shape_cast %get3A_685 : vector<1x16xf32> to vector<16xf32>
      %add3A_687 = arith.constant 1 : i32
      %add3A_688 = arith.addi %mul3A_250, %add3A_687 : i32
      %get3A_689 = arith.index_cast %add3A_688 : i32 to index
      %get3A_690 = arith.constant 48 : index
      %get3A_691 = tpu.vector_load %arg8[%get3A_689, %get3A_690] {strides = array<i32>} : memref<640x64xf32, #tpu.memory_space<vmem>>, vector<1x16xf32>,
      %get3A_692 = vector.shape_cast %get3A_691 : vector<1x16xf32> to vector<16xf32>
      %add3A_693 = arith.constant 2 : i32
      %add3A_694 = arith.addi %mul3A_250, %add3A_693 : i32
      %get3A_695 = arith.index_cast %add3A_694 : i32 to index
      %get3A_696 = arith.constant 48 : index
      %get3A_697 = tpu.vector_load %arg8[%get3A_695, %get3A_696] {strides = array<i32>} : memref<640x64xf32, #tpu.memory_space<vmem>>, vector<1x16xf32>,
      %get3A_698 = vector.shape_cast %get3A_697 : vector<1x16xf32> to vector<16xf32>
      %add3A_699 = arith.constant 3 : i32
      %add3A_700 = arith.addi %mul3A_250, %add3A_699 : i32
      %get3A_701 = arith.index_cast %add3A_700 : i32 to index
      %get3A_702 = arith.constant 48 : index
      %get3A_703 = tpu.vector_load %arg8[%get3A_701, %get3A_702] {strides = array<i32>} : memref<640x64xf32, #tpu.memory_space<vmem>>, vector<1x16xf32>,
      %get3A_704 = vector.shape_cast %get3A_703 : vector<1x16xf32> to vector<16xf32>
      %add3A_705 = arith.constant 4 : i32
      %add3A_706 = arith.addi %mul3A_250, %add3A_705 : i32
      %get3A_707 = arith.index_cast %add3A_706 : i32 to index
      %get3A_708 = arith.constant 48 : index
      %get3A_709 = tpu.vector_load %arg8[%get3A_707, %get3A_708] {strides = array<i32>} : memref<640x64xf32, #tpu.memory_space<vmem>>, vector<1x16xf32>,
      %get3A_710 = vector.shape_cast %get3A_709 : vector<1x16xf32> to vector<16xf32>
      %add3A_711 = arith.constant 5 : i32
      %add3A_712 = arith.addi %mul3A_250, %add3A_711 : i32
      %get3A_713 = arith.index_cast %add3A_712 : i32 to index
      %get3A_714 = arith.constant 48 : index
      %get3A_715 = tpu.vector_load %arg8[%get3A_713, %get3A_714] {strides = array<i32>} : memref<640x64xf32, #tpu.memory_space<vmem>>, vector<1x16xf32>,
      %get3A_716 = vector.shape_cast %get3A_715 : vector<1x16xf32> to vector<16xf32>
      %add3A_717 = arith.constant 6 : i32
      %add3A_718 = arith.addi %mul3A_250, %add3A_717 : i32
      %get3A_719 = arith.index_cast %add3A_718 : i32 to index
      %get3A_720 = arith.constant 48 : index
      %get3A_721 = tpu.vector_load %arg8[%get3A_719, %get3A_720] {strides = array<i32>} : memref<640x64xf32, #tpu.memory_space<vmem>>, vector<1x16xf32>,
      %get3A_722 = vector.shape_cast %get3A_721 : vector<1x16xf32> to vector<16xf32>
      %add3A_723 = arith.constant 7 : i32
      %add3A_724 = arith.addi %mul3A_250, %add3A_723 : i32
      %get3A_725 = arith.index_cast %add3A_724 : i32 to index
      %get3A_726 = arith.constant 48 : index
      %get3A_727 = tpu.vector_load %arg8[%get3A_725, %get3A_726] {strides = array<i32>} : memref<640x64xf32, #tpu.memory_space<vmem>>, vector<1x16xf32>,
      %get3A_728 = vector.shape_cast %get3A_727 : vector<1x16xf32> to vector<16xf32>
      %add3A_729 = arith.constant 8 : i32
      %add3A_730 = arith.addi %mul3A_250, %add3A_729 : i32
      %get3A_731 = arith.index_cast %add3A_730 : i32 to index
      %get3A_732 = arith.constant 48 : index
      %get3A_733 = tpu.vector_load %arg8[%get3A_731, %get3A_732] {strides = array<i32>} : memref<640x64xf32, #tpu.memory_space<vmem>>, vector<1x16xf32>,
      %get3A_734 = vector.shape_cast %get3A_733 : vector<1x16xf32> to vector<16xf32>
      %add3A_735 = arith.constant 9 : i32
      %add3A_736 = arith.addi %mul3A_250, %add3A_735 : i32
      %get3A_737 = arith.index_cast %add3A_736 : i32 to index
      %get3A_738 = arith.constant 48 : index
      %get3A_739 = tpu.vector_load %arg8[%get3A_737, %get3A_738] {strides = array<i32>} : memref<640x64xf32, #tpu.memory_space<vmem>>, vector<1x16xf32>,
      %get3A_740 = vector.shape_cast %get3A_739 : vector<1x16xf32> to vector<16xf32>
      %add3A_741 = arith.constant 10 : i32
      %add3A_742 = arith.addi %mul3A_250, %add3A_741 : i32
      %get3A_743 = arith.index_cast %add3A_742 : i32 to index
      %get3A_744 = arith.constant 48 : index
      %get3A_745 = tpu.vector_load %arg8[%get3A_743, %get3A_744] {strides = array<i32>} : memref<640x64xf32, #tpu.memory_space<vmem>>, vector<1x16xf32>,
      %get3A_746 = vector.shape_cast %get3A_745 : vector<1x16xf32> to vector<16xf32>
      %add3A_747 = arith.constant 11 : i32
      %add3A_748 = arith.addi %mul3A_250, %add3A_747 : i32
      %get3A_749 = arith.index_cast %add3A_748 : i32 to index
      %get3A_750 = arith.constant 48 : index
      %get3A_751 = tpu.vector_load %arg8[%get3A_749, %get3A_750] {strides = array<i32>} : memref<640x64xf32, #tpu.memory_space<vmem>>, vector<1x16xf32>,
      %get3A_752 = vector.shape_cast %get3A_751 : vector<1x16xf32> to vector<16xf32>
      %add3A_753 = arith.constant 12 : i32
      %add3A_754 = arith.addi %mul3A_250, %add3A_753 : i32
      %get3A_755 = arith.index_cast %add3A_754 : i32 to index
      %get3A_756 = arith.constant 48 : index
      %get3A_757 = tpu.vector_load %arg8[%get3A_755, %get3A_756] {strides = array<i32>} : memref<640x64xf32, #tpu.memory_space<vmem>>, vector<1x16xf32>,
      %get3A_758 = vector.shape_cast %get3A_757 : vector<1x16xf32> to vector<16xf32>
      %add3A_759 = arith.constant 13 : i32
      %add3A_760 = arith.addi %mul3A_250, %add3A_759 : i32
      %get3A_761 = arith.index_cast %add3A_760 : i32 to index
      %get3A_762 = arith.constant 48 : index
      %get3A_763 = tpu.vector_load %arg8[%get3A_761, %get3A_762] {strides = array<i32>} : memref<640x64xf32, #tpu.memory_space<vmem>>, vector<1x16xf32>,
      %get3A_764 = vector.shape_cast %get3A_763 : vector<1x16xf32> to vector<16xf32>
      %add3A_765 = arith.constant 14 : i32
      %add3A_766 = arith.addi %mul3A_250, %add3A_765 : i32
      %get3A_767 = arith.index_cast %add3A_766 : i32 to index
      %get3A_768 = arith.constant 48 : index
      %get3A_769 = tpu.vector_load %arg8[%get3A_767, %get3A_768] {strides = array<i32>} : memref<640x64xf32, #tpu.memory_space<vmem>>, vector<1x16xf32>,
      %get3A_770 = vector.shape_cast %get3A_769 : vector<1x16xf32> to vector<16xf32>
      %add3A_771 = arith.constant 15 : i32
      %add3A_772 = arith.addi %mul3A_250, %add3A_771 : i32
      %get3A_773 = arith.index_cast %add3A_772 : i32 to index
      %get3A_774 = arith.constant 48 : index
      %get3A_775 = tpu.vector_load %arg8[%get3A_773, %get3A_774] {strides = array<i32>} : memref<640x64xf32, #tpu.memory_space<vmem>>, vector<1x16xf32>,
      %get3A_776 = vector.shape_cast %get3A_775 : vector<1x16xf32> to vector<16xf32>
      %add3A_777 = arith.constant 16 : i32
      %add3A_778 = arith.addi %mul3A_250, %add3A_777 : i32
      %get3A_779 = arith.index_cast %add3A_778 : i32 to index
      %get3A_780 = arith.constant 48 : index
      %get3A_781 = tpu.vector_load %arg8[%get3A_779, %get3A_780] {strides = array<i32>} : memref<640x64xf32, #tpu.memory_space<vmem>>, vector<1x16xf32>,
      %get3A_782 = vector.shape_cast %get3A_781 : vector<1x16xf32> to vector<16xf32>
      %add3A_783 = arith.constant 17 : i32
      %add3A_784 = arith.addi %mul3A_250, %add3A_783 : i32
      %get3A_785 = arith.index_cast %add3A_784 : i32 to index
      %get3A_786 = arith.constant 48 : index
      %get3A_787 = tpu.vector_load %arg8[%get3A_785, %get3A_786] {strides = array<i32>} : memref<640x64xf32, #tpu.memory_space<vmem>>, vector<1x16xf32>,
      %get3A_788 = vector.shape_cast %get3A_787 : vector<1x16xf32> to vector<16xf32>
      %add3A_789 = arith.constant 18 : i32
      %add3A_790 = arith.addi %mul3A_250, %add3A_789 : i32
      %get3A_791 = arith.index_cast %add3A_790 : i32 to index
      %get3A_792 = arith.constant 48 : index
      %get3A_793 = tpu.vector_load %arg8[%get3A_791, %get3A_792] {strides = array<i32>} : memref<640x64xf32, #tpu.memory_space<vmem>>, vector<1x16xf32>,
      %get3A_794 = vector.shape_cast %get3A_793 : vector<1x16xf32> to vector<16xf32>
      %add3A_795 = arith.constant 19 : i32
      %add3A_796 = arith.addi %mul3A_250, %add3A_795 : i32
      %get3A_797 = arith.index_cast %add3A_796 : i32 to index
      %get3A_798 = arith.constant 48 : index
      %get3A_799 = tpu.vector_load %arg8[%get3A_797, %get3A_798] {strides = array<i32>} : memref<640x64xf32, #tpu.memory_space<vmem>>, vector<1x16xf32>,
      %get3A_800 = vector.shape_cast %get3A_799 : vector<1x16xf32> to vector<16xf32>
      %add3A_801 = arith.addf %get3A_686, %get3A_692 : vector<16xf32>
      %add3A_802 = arith.addf %get3A_698, %get3A_704 : vector<16xf32>
      %add3A_803 = arith.addf %get3A_710, %get3A_716 : vector<16xf32>
      %add3A_804 = arith.addf %get3A_722, %get3A_728 : vector<16xf32>
      %add3A_805 = arith.addf %get3A_734, %get3A_740 : vector<16xf32>
      %add3A_806 = arith.addf %get3A_746, %get3A_752 : vector<16xf32>
      %add3A_807 = arith.addf %get3A_758, %get3A_764 : vector<16xf32>
      %add3A_808 = arith.addf %get3A_770, %get3A_776 : vector<16xf32>
      %add3A_809 = arith.addf %get3A_782, %get3A_788 : vector<16xf32>
      %add3A_810 = arith.addf %get3A_794, %get3A_800 : vector<16xf32>
      %add3A_811 = arith.addf %add3A_801, %add3A_802 : vector<16xf32>
      %add3A_812 = arith.addf %add3A_803, %add3A_804 : vector<16xf32>
      %add3A_813 = arith.addf %add3A_805, %add3A_806 : vector<16xf32>
      %add3A_814 = arith.addf %add3A_807, %add3A_808 : vector<16xf32>
      %add3A_815 = arith.addf %add3A_809, %add3A_810 : vector<16xf32>
      %add3A_816 = arith.addf %add3A_811, %add3A_812 : vector<16xf32>
      %add3A_817 = arith.addf %add3A_813, %add3A_814 : vector<16xf32>
      %add3A_818 = arith.addf %add3A_816, %add3A_817 : vector<16xf32>
      %add3A_819 = arith.addf %add3A_818, %add3A_815 : vector<16xf32>
      %swap3A_820 = arith.index_cast %add3A_248 : i32 to index
      %swap3A_821 = arith.constant 48 : index
      %swap3A_822 = tpu.vector_load %arg11[%swap3A_820, %swap3A_821] {strides = array<i32>} : memref<32x64xf32, #tpu.memory_space<vmem>>, vector<1x16xf32>,
      %swap3A_823 = vector.shape_cast %swap3A_822 : vector<1x16xf32> to vector<16xf32>
      %swap3A_824 = vector.shape_cast %add3A_819 : vector<16xf32> to vector<1x16xf32>
      tpu.vector_store %arg11[%swap3A_820, %swap3A_821], %swap3A_824 {strides = array<i32>} : memref<32x64xf32, #tpu.memory_space<vmem>>, vector<1x16xf32>,
    }
    %scan3A_166 = arith.constant 32 : i32
    %mul3A_167 = arith.constant 128 : i32
    %mul3A_168 = arith.muli %add3A, %mul3A_167 : i32
    %add3A_169 = arith.constant 64 : i32
    %add3A_170 = arith.addi %mul3A_168, %add3A_169 : i32
    %dma_start3A_171 = arith.constant 12 : i32
    %dma_start3A_172 = arith.constant 64 : i32
    %dma_start3A_173 = tpu.memref_slice %arg4[%dma_start3A_171, %add3A_170, %dma_start3A_172] : memref<13x4096x128xf32, #tpu.memory_space<hbm>> -> memref<1x32x64xf32, #tpu.memory_space<hbm>>
    %dma_start3A_174 = tpu.memref_squeeze %dma_start3A_173 : memref<1x32x64xf32, #tpu.memory_space<hbm>> -> memref<32x64xf32, #tpu.memory_space<hbm>>
    %dma_start3A_175 = arith.constant 64 : i32
    %dma_start3A_176 = tpu.memref_slice %arg4[%dma_start3A_171, %add3A_170, %dma_start3A_175] : memref<13x4096x128xf32, #tpu.memory_space<hbm>> -> memref<1x32x64xf32, #tpu.memory_space<hbm>>
    %dma_start3A_177 = tpu.memref_squeeze %dma_start3A_176 : memref<1x32x64xf32, #tpu.memory_space<hbm>> -> memref<32x64xf32, #tpu.memory_space<hbm>>
    tpu.enqueue_dma source(%arg11 : memref<32x64xf32, #tpu.memory_space<vmem>>) target(%dma_start3A_177 : memref<32x64xf32, #tpu.memory_space<hbm>>) target_semaphore(%arg20 : memref<!tpu.dma_semaphore, #tpu.memory_space<semaphore_mem>>)
    %dma_wait3A_178 = arith.constant 0 : i32
    %dma_wait3A_179 = arith.constant 0 : i32
    %dma_wait3A_180 = tpu.memref_slice %arg3[%dma_wait3A_178, %dma_wait3A_179] : memref<1000000x64xf32, #tpu.memory_space<hbm>> -> memref<640x64xf32, #tpu.memory_space<hbm>>
    %dma_wait3A_181 = arith.constant 0 : i32
    %dma_wait3A_182 = arith.constant 0 : i32
    %dma_wait3A_183 = tpu.memref_slice %arg3[%dma_wait3A_181, %dma_wait3A_182] : memref<1000000x64xf32, #tpu.memory_space<hbm>> -> memref<640x64xf32, #tpu.memory_space<hbm>>
    tpu.wait_dma2 semaphore(%arg15 : memref<!tpu.dma_semaphore, #tpu.memory_space<semaphore_mem>>) src(%dma_wait3A_183 : memref<640x64xf32, #tpu.memory_space<hbm>>) dst(%arg9 : memref<640x64xf32, #tpu.memory_space<vmem>>)
    %mul3A_184 = arith.constant 128 : i32
    %mul3A_185 = arith.muli %add3A, %mul3A_184 : i32
    %add3A_186 = arith.constant 0 : i32
    %add3A_187 = arith.addi %mul3A_185, %add3A_186 : i32
    %dma_wait3A_188 = arith.constant 0 : i32
    %dma_wait3A_189 = arith.constant 0 : i32
    %dma_wait3A_190 = tpu.memref_slice %arg4[%dma_wait3A_188, %add3A_187, %dma_wait3A_189] : memref<13x4096x128xf32, #tpu.memory_space<hbm>> -> memref<1x32x64xf32, #tpu.memory_space<hbm>>
    %dma_wait3A_191 = tpu.memref_squeeze %dma_wait3A_190 : memref<1x32x64xf32, #tpu.memory_space<hbm>> -> memref<32x64xf32, #tpu.memory_space<hbm>>
    %dma_wait3A_192 = arith.constant 0 : i32
    %dma_wait3A_193 = tpu.memref_slice %arg4[%dma_wait3A_188, %add3A_187, %dma_wait3A_192] : memref<13x4096x128xf32, #tpu.memory_space<hbm>> -> memref<1x32x64xf32, #tpu.memory_space<hbm>>
    %dma_wait3A_194 = tpu.memref_squeeze %dma_wait3A_193 : memref<1x32x64xf32, #tpu.memory_space<hbm>> -> memref<32x64xf32, #tpu.memory_space<hbm>>
    tpu.wait_dma2 semaphore(%arg21 : memref<!tpu.dma_semaphore, #tpu.memory_space<semaphore_mem>>) src(%arg12 : memref<32x64xf32, #tpu.memory_space<vmem>>) dst(%dma_wait3A_194 : memref<32x64xf32, #tpu.memory_space<hbm>>)
    %scan3A_195 = arith.constant 0 : i32
    %scan3A_196 = arith.constant 32 : i32
    %scan3A_197 = arith.addi %scan3A_195, %scan3A_196 : i32
    %scan3A_198 = arith.constant 1 : i32
    scf.for %scan3A_244 = %scan3A_195 to %scan3A_197 step %scan3A_198  : i32 {
      %mul3A_245 = arith.constant 1 : i32
      %mul3A_246 = arith.muli %scan3A_244, %mul3A_245 : i32
      %add3A_247 = arith.constant 0 : i32
      %add3A_248 = arith.addi %add3A_247, %mul3A_246 : i32
      %mul3A_249 = arith.constant 20 : i32
      %mul3A_250 = arith.muli %add3A_248, %mul3A_249 : i32
      %add3A_251 = arith.constant 0 : i32
      %add3A_252 = arith.addi %mul3A_250, %add3A_251 : i32
      %get3A = arith.index_cast %add3A_252 : i32 to index
      %get3A_253 = arith.constant 0 : index
      %get3A_254 = tpu.vector_load %arg9[%get3A, %get3A_253] {strides = array<i32>} : memref<640x64xf32, #tpu.memory_space<vmem>>, vector<1x16xf32>,
      %get3A_255 = vector.shape_cast %get3A_254 : vector<1x16xf32> to vector<16xf32>
      %add3A_256 = arith.constant 1 : i32
      %add3A_257 = arith.addi %mul3A_250, %add3A_256 : i32
      %get3A_258 = arith.index_cast %add3A_257 : i32 to index
      %get3A_259 = arith.constant 0 : index
      %get3A_260 = tpu.vector_load %arg9[%get3A_258, %get3A_259] {strides = array<i32>} : memref<640x64xf32, #tpu.memory_space<vmem>>, vector<1x16xf32>,
      %get3A_261 = vector.shape_cast %get3A_260 : vector<1x16xf32> to vector<16xf32>
      %add3A_262 = arith.constant 2 : i32
      %add3A_263 = arith.addi %mul3A_250, %add3A_262 : i32
      %get3A_264 = arith.index_cast %add3A_263 : i32 to index
      %get3A_265 = arith.constant 0 : index
      %get3A_266 = tpu.vector_load %arg9[%get3A_264, %get3A_265] {strides = array<i32>} : memref<640x64xf32, #tpu.memory_space<vmem>>, vector<1x16xf32>,
      %get3A_267 = vector.shape_cast %get3A_266 : vector<1x16xf32> to vector<16xf32>
      %add3A_268 = arith.constant 3 : i32
      %add3A_269 = arith.addi %mul3A_250, %add3A_268 : i32
      %get3A_270 = arith.index_cast %add3A_269 : i32 to index
      %get3A_271 = arith.constant 0 : index
      %get3A_272 = tpu.vector_load %arg9[%get3A_270, %get3A_271] {strides = array<i32>} : memref<640x64xf32, #tpu.memory_space<vmem>>, vector<1x16xf32>,
      %get3A_273 = vector.shape_cast %get3A_272 : vector<1x16xf32> to vector<16xf32>
      %add3A_274 = arith.constant 4 : i32
      %add3A_275 = arith.addi %mul3A_250, %add3A_274 : i32
      %get3A_276 = arith.index_cast %add3A_275 : i32 to index
      %get3A_277 = arith.constant 0 : index
      %get3A_278 = tpu.vector_load %arg9[%get3A_276, %get3A_277] {strides = array<i32>} : memref<640x64xf32, #tpu.memory_space<vmem>>, vector<1x16xf32>,
      %get3A_279 = vector.shape_cast %get3A_278 : vector<1x16xf32> to vector<16xf32>
      %add3A_280 = arith.constant 5 : i32
      %add3A_281 = arith.addi %mul3A_250, %add3A_280 : i32
      %get3A_282 = arith.index_cast %add3A_281 : i32 to index
      %get3A_283 = arith.constant 0 : index
      %get3A_284 = tpu.vector_load %arg9[%get3A_282, %get3A_283] {strides = array<i32>} : memref<640x64xf32, #tpu.memory_space<vmem>>, vector<1x16xf32>,
      %get3A_285 = vector.shape_cast %get3A_284 : vector<1x16xf32> to vector<16xf32>
      %add3A_286 = arith.constant 6 : i32
      %add3A_287 = arith.addi %mul3A_250, %add3A_286 : i32
      %get3A_288 = arith.index_cast %add3A_287 : i32 to index
      %get3A_289 = arith.constant 0 : index
      %get3A_290 = tpu.vector_load %arg9[%get3A_288, %get3A_289] {strides = array<i32>} : memref<640x64xf32, #tpu.memory_space<vmem>>, vector<1x16xf32>,
      %get3A_291 = vector.shape_cast %get3A_290 : vector<1x16xf32> to vector<16xf32>
      %add3A_292 = arith.constant 7 : i32
      %add3A_293 = arith.addi %mul3A_250, %add3A_292 : i32
      %get3A_294 = arith.index_cast %add3A_293 : i32 to index
      %get3A_295 = arith.constant 0 : index
      %get3A_296 = tpu.vector_load %arg9[%get3A_294, %get3A_295] {strides = array<i32>} : memref<640x64xf32, #tpu.memory_space<vmem>>, vector<1x16xf32>,
      %get3A_297 = vector.shape_cast %get3A_296 : vector<1x16xf32> to vector<16xf32>
      %add3A_298 = arith.constant 8 : i32
      %add3A_299 = arith.addi %mul3A_250, %add3A_298 : i32
      %get3A_300 = arith.index_cast %add3A_299 : i32 to index
      %get3A_301 = arith.constant 0 : index
      %get3A_302 = tpu.vector_load %arg9[%get3A_300, %get3A_301] {strides = array<i32>} : memref<640x64xf32, #tpu.memory_space<vmem>>, vector<1x16xf32>,
      %get3A_303 = vector.shape_cast %get3A_302 : vector<1x16xf32> to vector<16xf32>
      %add3A_304 = arith.constant 9 : i32
      %add3A_305 = arith.addi %mul3A_250, %add3A_304 : i32
      %get3A_306 = arith.index_cast %add3A_305 : i32 to index
      %get3A_307 = arith.constant 0 : index
      %get3A_308 = tpu.vector_load %arg9[%get3A_306, %get3A_307] {strides = array<i32>} : memref<640x64xf32, #tpu.memory_space<vmem>>, vector<1x16xf32>,
      %get3A_309 = vector.shape_cast %get3A_308 : vector<1x16xf32> to vector<16xf32>
      %add3A_310 = arith.constant 10 : i32
      %add3A_311 = arith.addi %mul3A_250, %add3A_310 : i32
      %get3A_312 = arith.index_cast %add3A_311 : i32 to index
      %get3A_313 = arith.constant 0 : index
      %get3A_314 = tpu.vector_load %arg9[%get3A_312, %get3A_313] {strides = array<i32>} : memref<640x64xf32, #tpu.memory_space<vmem>>, vector<1x16xf32>,
      %get3A_315 = vector.shape_cast %get3A_314 : vector<1x16xf32> to vector<16xf32>
      %add3A_316 = arith.constant 11 : i32
      %add3A_317 = arith.addi %mul3A_250, %add3A_316 : i32
      %get3A_318 = arith.index_cast %add3A_317 : i32 to index
      %get3A_319 = arith.constant 0 : index
      %get3A_320 = tpu.vector_load %arg9[%get3A_318, %get3A_319] {strides = array<i32>} : memref<640x64xf32, #tpu.memory_space<vmem>>, vector<1x16xf32>,
      %get3A_321 = vector.shape_cast %get3A_320 : vector<1x16xf32> to vector<16xf32>
      %add3A_322 = arith.constant 12 : i32
      %add3A_323 = arith.addi %mul3A_250, %add3A_322 : i32
      %get3A_324 = arith.index_cast %add3A_323 : i32 to index
      %get3A_325 = arith.constant 0 : index
      %get3A_326 = tpu.vector_load %arg9[%get3A_324, %get3A_325] {strides = array<i32>} : memref<640x64xf32, #tpu.memory_space<vmem>>, vector<1x16xf32>,
      %get3A_327 = vector.shape_cast %get3A_326 : vector<1x16xf32> to vector<16xf32>
      %add3A_328 = arith.constant 13 : i32
      %add3A_329 = arith.addi %mul3A_250, %add3A_328 : i32
      %get3A_330 = arith.index_cast %add3A_329 : i32 to index
      %get3A_331 = arith.constant 0 : index
      %get3A_332 = tpu.vector_load %arg9[%get3A_330, %get3A_331] {strides = array<i32>} : memref<640x64xf32, #tpu.memory_space<vmem>>, vector<1x16xf32>,
      %get3A_333 = vector.shape_cast %get3A_332 : vector<1x16xf32> to vector<16xf32>
      %add3A_334 = arith.constant 14 : i32
      %add3A_335 = arith.addi %mul3A_250, %add3A_334 : i32
      %get3A_336 = arith.index_cast %add3A_335 : i32 to index
      %get3A_337 = arith.constant 0 : index
      %get3A_338 = tpu.vector_load %arg9[%get3A_336, %get3A_337] {strides = array<i32>} : memref<640x64xf32, #tpu.memory_space<vmem>>, vector<1x16xf32>,
      %get3A_339 = vector.shape_cast %get3A_338 : vector<1x16xf32> to vector<16xf32>
      %add3A_340 = arith.constant 15 : i32
      %add3A_341 = arith.addi %mul3A_250, %add3A_340 : i32
      %get3A_342 = arith.index_cast %add3A_341 : i32 to index
      %get3A_343 = arith.constant 0 : index
      %get3A_344 = tpu.vector_load %arg9[%get3A_342, %get3A_343] {strides = array<i32>} : memref<640x64xf32, #tpu.memory_space<vmem>>, vector<1x16xf32>,
      %get3A_345 = vector.shape_cast %get3A_344 : vector<1x16xf32> to vector<16xf32>
      %add3A_346 = arith.constant 16 : i32
      %add3A_347 = arith.addi %mul3A_250, %add3A_346 : i32
      %get3A_348 = arith.index_cast %add3A_347 : i32 to index
      %get3A_349 = arith.constant 0 : index
      %get3A_350 = tpu.vector_load %arg9[%get3A_348, %get3A_349] {strides = array<i32>} : memref<640x64xf32, #tpu.memory_space<vmem>>, vector<1x16xf32>,
      %get3A_351 = vector.shape_cast %get3A_350 : vector<1x16xf32> to vector<16xf32>
      %add3A_352 = arith.constant 17 : i32
      %add3A_353 = arith.addi %mul3A_250, %add3A_352 : i32
      %get3A_354 = arith.index_cast %add3A_353 : i32 to index
      %get3A_355 = arith.constant 0 : index
      %get3A_356 = tpu.vector_load %arg9[%get3A_354, %get3A_355] {strides = array<i32>} : memref<640x64xf32, #tpu.memory_space<vmem>>, vector<1x16xf32>,
      %get3A_357 = vector.shape_cast %get3A_356 : vector<1x16xf32> to vector<16xf32>
      %add3A_358 = arith.constant 18 : i32
      %add3A_359 = arith.addi %mul3A_250, %add3A_358 : i32
      %get3A_360 = arith.index_cast %add3A_359 : i32 to index
      %get3A_361 = arith.constant 0 : index
      %get3A_362 = tpu.vector_load %arg9[%get3A_360, %get3A_361] {strides = array<i32>} : memref<640x64xf32, #tpu.memory_space<vmem>>, vector<1x16xf32>,
      %get3A_363 = vector.shape_cast %get3A_362 : vector<1x16xf32> to vector<16xf32>
      %add3A_364 = arith.constant 19 : i32
      %add3A_365 = arith.addi %mul3A_250, %add3A_364 : i32
      %get3A_366 = arith.index_cast %add3A_365 : i32 to index
      %get3A_367 = arith.constant 0 : index
      %get3A_368 = tpu.vector_load %arg9[%get3A_366, %get3A_367] {strides = array<i32>} : memref<640x64xf32, #tpu.memory_space<vmem>>, vector<1x16xf32>,
      %get3A_369 = vector.shape_cast %get3A_368 : vector<1x16xf32> to vector<16xf32>
      %add3A_370 = arith.addf %get3A_255, %get3A_261 : vector<16xf32>
      %add3A_371 = arith.addf %get3A_267, %get3A_273 : vector<16xf32>
      %add3A_372 = arith.addf %get3A_279, %get3A_285 : vector<16xf32>
      %add3A_373 = arith.addf %get3A_291, %get3A_297 : vector<16xf32>
      %add3A_374 = arith.addf %get3A_303, %get3A_309 : vector<16xf32>
      %add3A_375 = arith.addf %get3A_315, %get3A_321 : vector<16xf32>
      %add3A_376 = arith.addf %get3A_327, %get3A_333 : vector<16xf32>
      %add3A_377 = arith.addf %get3A_339, %get3A_345 : vector<16xf32>
      %add3A_378 = arith.addf %get3A_351, %get3A_357 : vector<16xf32>
      %add3A_379 = arith.addf %get3A_363, %get3A_369 : vector<16xf32>
      %add3A_380 = arith.addf %add3A_370, %add3A_371 : vector<16xf32>
      %add3A_381 = arith.addf %add3A_372, %add3A_373 : vector<16xf32>
      %add3A_382 = arith.addf %add3A_374, %add3A_375 : vector<16xf32>
      %add3A_383 = arith.addf %add3A_376, %add3A_377 : vector<16xf32>
      %add3A_384 = arith.addf %add3A_378, %add3A_379 : vector<16xf32>
      %add3A_385 = arith.addf %add3A_380, %add3A_381 : vector<16xf32>
      %add3A_386 = arith.addf %add3A_382, %add3A_383 : vector<16xf32>
      %add3A_387 = arith.addf %add3A_385, %add3A_386 : vector<16xf32>
      %add3A_388 = arith.addf %add3A_387, %add3A_384 : vector<16xf32>
      %swap3A = arith.index_cast %add3A_248 : i32 to index
      %swap3A_389 = arith.constant 0 : index
      %swap3A_390 = tpu.vector_load %arg12[%swap3A, %swap3A_389] {strides = array<i32>} : memref<32x64xf32, #tpu.memory_space<vmem>>, vector<1x16xf32>,
      %swap3A_391 = vector.shape_cast %swap3A_390 : vector<1x16xf32> to vector<16xf32>
      %swap3A_392 = vector.shape_cast %add3A_388 : vector<16xf32> to vector<1x16xf32>
      tpu.vector_store %arg12[%swap3A, %swap3A_389], %swap3A_392 {strides = array<i32>} : memref<32x64xf32, #tpu.memory_space<vmem>>, vector<1x16xf32>,
      %add3A_393 = arith.constant 0 : i32
      %add3A_394 = arith.addi %mul3A_250, %add3A_393 : i32
      %get3A_395 = arith.index_cast %add3A_394 : i32 to index
      %get3A_396 = arith.constant 16 : index
      %get3A_397 = tpu.vector_load %arg9[%get3A_395, %get3A_396] {strides = array<i32>} : memref<640x64xf32, #tpu.memory_space<vmem>>, vector<1x16xf32>,
      %get3A_398 = vector.shape_cast %get3A_397 : vector<1x16xf32> to vector<16xf32>
      %add3A_399 = arith.constant 1 : i32
      %add3A_400 = arith.addi %mul3A_250, %add3A_399 : i32
      %get3A_401 = arith.index_cast %add3A_400 : i32 to index
      %get3A_402 = arith.constant 16 : index
      %get3A_403 = tpu.vector_load %arg9[%get3A_401, %get3A_402] {strides = array<i32>} : memref<640x64xf32, #tpu.memory_space<vmem>>, vector<1x16xf32>,
      %get3A_404 = vector.shape_cast %get3A_403 : vector<1x16xf32> to vector<16xf32>
      %add3A_405 = arith.constant 2 : i32
      %add3A_406 = arith.addi %mul3A_250, %add3A_405 : i32
      %get3A_407 = arith.index_cast %add3A_406 : i32 to index
      %get3A_408 = arith.constant 16 : index
      %get3A_409 = tpu.vector_load %arg9[%get3A_407, %get3A_408] {strides = array<i32>} : memref<640x64xf32, #tpu.memory_space<vmem>>, vector<1x16xf32>,
      %get3A_410 = vector.shape_cast %get3A_409 : vector<1x16xf32> to vector<16xf32>
      %add3A_411 = arith.constant 3 : i32
      %add3A_412 = arith.addi %mul3A_250, %add3A_411 : i32
      %get3A_413 = arith.index_cast %add3A_412 : i32 to index
      %get3A_414 = arith.constant 16 : index
      %get3A_415 = tpu.vector_load %arg9[%get3A_413, %get3A_414] {strides = array<i32>} : memref<640x64xf32, #tpu.memory_space<vmem>>, vector<1x16xf32>,
      %get3A_416 = vector.shape_cast %get3A_415 : vector<1x16xf32> to vector<16xf32>
      %add3A_417 = arith.constant 4 : i32
      %add3A_418 = arith.addi %mul3A_250, %add3A_417 : i32
      %get3A_419 = arith.index_cast %add3A_418 : i32 to index
      %get3A_420 = arith.constant 16 : index
      %get3A_421 = tpu.vector_load %arg9[%get3A_419, %get3A_420] {strides = array<i32>} : memref<640x64xf32, #tpu.memory_space<vmem>>, vector<1x16xf32>,
      %get3A_422 = vector.shape_cast %get3A_421 : vector<1x16xf32> to vector<16xf32>
      %add3A_423 = arith.constant 5 : i32
      %add3A_424 = arith.addi %mul3A_250, %add3A_423 : i32
      %get3A_425 = arith.index_cast %add3A_424 : i32 to index
      %get3A_426 = arith.constant 16 : index
      %get3A_427 = tpu.vector_load %arg9[%get3A_425, %get3A_426] {strides = array<i32>} : memref<640x64xf32, #tpu.memory_space<vmem>>, vector<1x16xf32>,
      %get3A_428 = vector.shape_cast %get3A_427 : vector<1x16xf32> to vector<16xf32>
      %add3A_429 = arith.constant 6 : i32
      %add3A_430 = arith.addi %mul3A_250, %add3A_429 : i32
      %get3A_431 = arith.index_cast %add3A_430 : i32 to index
      %get3A_432 = arith.constant 16 : index
      %get3A_433 = tpu.vector_load %arg9[%get3A_431, %get3A_432] {strides = array<i32>} : memref<640x64xf32, #tpu.memory_space<vmem>>, vector<1x16xf32>,
      %get3A_434 = vector.shape_cast %get3A_433 : vector<1x16xf32> to vector<16xf32>
      %add3A_435 = arith.constant 7 : i32
      %add3A_436 = arith.addi %mul3A_250, %add3A_435 : i32
      %get3A_437 = arith.index_cast %add3A_436 : i32 to index
      %get3A_438 = arith.constant 16 : index
      %get3A_439 = tpu.vector_load %arg9[%get3A_437, %get3A_438] {strides = array<i32>} : memref<640x64xf32, #tpu.memory_space<vmem>>, vector<1x16xf32>,
      %get3A_440 = vector.shape_cast %get3A_439 : vector<1x16xf32> to vector<16xf32>
      %add3A_441 = arith.constant 8 : i32
      %add3A_442 = arith.addi %mul3A_250, %add3A_441 : i32
      %get3A_443 = arith.index_cast %add3A_442 : i32 to index
      %get3A_444 = arith.constant 16 : index
      %get3A_445 = tpu.vector_load %arg9[%get3A_443, %get3A_444] {strides = array<i32>} : memref<640x64xf32, #tpu.memory_space<vmem>>, vector<1x16xf32>,
      %get3A_446 = vector.shape_cast %get3A_445 : vector<1x16xf32> to vector<16xf32>
      %add3A_447 = arith.constant 9 : i32
      %add3A_448 = arith.addi %mul3A_250, %add3A_447 : i32
      %get3A_449 = arith.index_cast %add3A_448 : i32 to index
      %get3A_450 = arith.constant 16 : index
      %get3A_451 = tpu.vector_load %arg9[%get3A_449, %get3A_450] {strides = array<i32>} : memref<640x64xf32, #tpu.memory_space<vmem>>, vector<1x16xf32>,
      %get3A_452 = vector.shape_cast %get3A_451 : vector<1x16xf32> to vector<16xf32>
      %add3A_453 = arith.constant 10 : i32
      %add3A_454 = arith.addi %mul3A_250, %add3A_453 : i32
      %get3A_455 = arith.index_cast %add3A_454 : i32 to index
      %get3A_456 = arith.constant 16 : index
      %get3A_457 = tpu.vector_load %arg9[%get3A_455, %get3A_456] {strides = array<i32>} : memref<640x64xf32, #tpu.memory_space<vmem>>, vector<1x16xf32>,
      %get3A_458 = vector.shape_cast %get3A_457 : vector<1x16xf32> to vector<16xf32>
      %add3A_459 = arith.constant 11 : i32
      %add3A_460 = arith.addi %mul3A_250, %add3A_459 : i32
      %get3A_461 = arith.index_cast %add3A_460 : i32 to index
      %get3A_462 = arith.constant 16 : index
      %get3A_463 = tpu.vector_load %arg9[%get3A_461, %get3A_462] {strides = array<i32>} : memref<640x64xf32, #tpu.memory_space<vmem>>, vector<1x16xf32>,
      %get3A_464 = vector.shape_cast %get3A_463 : vector<1x16xf32> to vector<16xf32>
      %add3A_465 = arith.constant 12 : i32
      %add3A_466 = arith.addi %mul3A_250, %add3A_465 : i32
      %get3A_467 = arith.index_cast %add3A_466 : i32 to index
      %get3A_468 = arith.constant 16 : index
      %get3A_469 = tpu.vector_load %arg9[%get3A_467, %get3A_468] {strides = array<i32>} : memref<640x64xf32, #tpu.memory_space<vmem>>, vector<1x16xf32>,
      %get3A_470 = vector.shape_cast %get3A_469 : vector<1x16xf32> to vector<16xf32>
      %add3A_471 = arith.constant 13 : i32
      %add3A_472 = arith.addi %mul3A_250, %add3A_471 : i32
      %get3A_473 = arith.index_cast %add3A_472 : i32 to index
      %get3A_474 = arith.constant 16 : index
      %get3A_475 = tpu.vector_load %arg9[%get3A_473, %get3A_474] {strides = array<i32>} : memref<640x64xf32, #tpu.memory_space<vmem>>, vector<1x16xf32>,
      %get3A_476 = vector.shape_cast %get3A_475 : vector<1x16xf32> to vector<16xf32>
      %add3A_477 = arith.constant 14 : i32
      %add3A_478 = arith.addi %mul3A_250, %add3A_477 : i32
      %get3A_479 = arith.index_cast %add3A_478 : i32 to index
      %get3A_480 = arith.constant 16 : index
      %get3A_481 = tpu.vector_load %arg9[%get3A_479, %get3A_480] {strides = array<i32>} : memref<640x64xf32, #tpu.memory_space<vmem>>, vector<1x16xf32>,
      %get3A_482 = vector.shape_cast %get3A_481 : vector<1x16xf32> to vector<16xf32>
      %add3A_483 = arith.constant 15 : i32
      %add3A_484 = arith.addi %mul3A_250, %add3A_483 : i32
      %get3A_485 = arith.index_cast %add3A_484 : i32 to index
      %get3A_486 = arith.constant 16 : index
      %get3A_487 = tpu.vector_load %arg9[%get3A_485, %get3A_486] {strides = array<i32>} : memref<640x64xf32, #tpu.memory_space<vmem>>, vector<1x16xf32>,
      %get3A_488 = vector.shape_cast %get3A_487 : vector<1x16xf32> to vector<16xf32>
      %add3A_489 = arith.constant 16 : i32
      %add3A_490 = arith.addi %mul3A_250, %add3A_489 : i32
      %get3A_491 = arith.index_cast %add3A_490 : i32 to index
      %get3A_492 = arith.constant 16 : index
      %get3A_493 = tpu.vector_load %arg9[%get3A_491, %get3A_492] {strides = array<i32>} : memref<640x64xf32, #tpu.memory_space<vmem>>, vector<1x16xf32>,
      %get3A_494 = vector.shape_cast %get3A_493 : vector<1x16xf32> to vector<16xf32>
      %add3A_495 = arith.constant 17 : i32
      %add3A_496 = arith.addi %mul3A_250, %add3A_495 : i32
      %get3A_497 = arith.index_cast %add3A_496 : i32 to index
      %get3A_498 = arith.constant 16 : index
      %get3A_499 = tpu.vector_load %arg9[%get3A_497, %get3A_498] {strides = array<i32>} : memref<640x64xf32, #tpu.memory_space<vmem>>, vector<1x16xf32>,
      %get3A_500 = vector.shape_cast %get3A_499 : vector<1x16xf32> to vector<16xf32>
      %add3A_501 = arith.constant 18 : i32
      %add3A_502 = arith.addi %mul3A_250, %add3A_501 : i32
      %get3A_503 = arith.index_cast %add3A_502 : i32 to index
      %get3A_504 = arith.constant 16 : index
      %get3A_505 = tpu.vector_load %arg9[%get3A_503, %get3A_504] {strides = array<i32>} : memref<640x64xf32, #tpu.memory_space<vmem>>, vector<1x16xf32>,
      %get3A_506 = vector.shape_cast %get3A_505 : vector<1x16xf32> to vector<16xf32>
      %add3A_507 = arith.constant 19 : i32
      %add3A_508 = arith.addi %mul3A_250, %add3A_507 : i32
      %get3A_509 = arith.index_cast %add3A_508 : i32 to index
      %get3A_510 = arith.constant 16 : index
      %get3A_511 = tpu.vector_load %arg9[%get3A_509, %get3A_510] {strides = array<i32>} : memref<640x64xf32, #tpu.memory_space<vmem>>, vector<1x16xf32>,
      %get3A_512 = vector.shape_cast %get3A_511 : vector<1x16xf32> to vector<16xf32>
      %add3A_513 = arith.addf %get3A_398, %get3A_404 : vector<16xf32>
      %add3A_514 = arith.addf %get3A_410, %get3A_416 : vector<16xf32>
      %add3A_515 = arith.addf %get3A_422, %get3A_428 : vector<16xf32>
      %add3A_516 = arith.addf %get3A_434, %get3A_440 : vector<16xf32>
      %add3A_517 = arith.addf %get3A_446, %get3A_452 : vector<16xf32>
      %add3A_518 = arith.addf %get3A_458, %get3A_464 : vector<16xf32>
      %add3A_519 = arith.addf %get3A_470, %get3A_476 : vector<16xf32>
      %add3A_520 = arith.addf %get3A_482, %get3A_488 : vector<16xf32>
      %add3A_521 = arith.addf %get3A_494, %get3A_500 : vector<16xf32>
      %add3A_522 = arith.addf %get3A_506, %get3A_512 : vector<16xf32>
      %add3A_523 = arith.addf %add3A_513, %add3A_514 : vector<16xf32>
      %add3A_524 = arith.addf %add3A_515, %add3A_516 : vector<16xf32>
      %add3A_525 = arith.addf %add3A_517, %add3A_518 : vector<16xf32>
      %add3A_526 = arith.addf %add3A_519, %add3A_520 : vector<16xf32>
      %add3A_527 = arith.addf %add3A_521, %add3A_522 : vector<16xf32>
      %add3A_528 = arith.addf %add3A_523, %add3A_524 : vector<16xf32>
      %add3A_529 = arith.addf %add3A_525, %add3A_526 : vector<16xf32>
      %add3A_530 = arith.addf %add3A_528, %add3A_529 : vector<16xf32>
      %add3A_531 = arith.addf %add3A_530, %add3A_527 : vector<16xf32>
      %swap3A_532 = arith.index_cast %add3A_248 : i32 to index
      %swap3A_533 = arith.constant 16 : index
      %swap3A_534 = tpu.vector_load %arg12[%swap3A_532, %swap3A_533] {strides = array<i32>} : memref<32x64xf32, #tpu.memory_space<vmem>>, vector<1x16xf32>,
      %swap3A_535 = vector.shape_cast %swap3A_534 : vector<1x16xf32> to vector<16xf32>
      %swap3A_536 = vector.shape_cast %add3A_531 : vector<16xf32> to vector<1x16xf32>
      tpu.vector_store %arg12[%swap3A_532, %swap3A_533], %swap3A_536 {strides = array<i32>} : memref<32x64xf32, #tpu.memory_space<vmem>>, vector<1x16xf32>,
      %add3A_537 = arith.constant 0 : i32
      %add3A_538 = arith.addi %mul3A_250, %add3A_537 : i32
      %get3A_539 = arith.index_cast %add3A_538 : i32 to index
      %get3A_540 = arith.constant 32 : index
      %get3A_541 = tpu.vector_load %arg9[%get3A_539, %get3A_540] {strides = array<i32>} : memref<640x64xf32, #tpu.memory_space<vmem>>, vector<1x16xf32>,
      %get3A_542 = vector.shape_cast %get3A_541 : vector<1x16xf32> to vector<16xf32>
      %add3A_543 = arith.constant 1 : i32
      %add3A_544 = arith.addi %mul3A_250, %add3A_543 : i32
      %get3A_545 = arith.index_cast %add3A_544 : i32 to index
      %get3A_546 = arith.constant 32 : index
      %get3A_547 = tpu.vector_load %arg9[%get3A_545, %get3A_546] {strides = array<i32>} : memref<640x64xf32, #tpu.memory_space<vmem>>, vector<1x16xf32>,
      %get3A_548 = vector.shape_cast %get3A_547 : vector<1x16xf32> to vector<16xf32>
      %add3A_549 = arith.constant 2 : i32
      %add3A_550 = arith.addi %mul3A_250, %add3A_549 : i32
      %get3A_551 = arith.index_cast %add3A_550 : i32 to index
      %get3A_552 = arith.constant 32 : index
      %get3A_553 = tpu.vector_load %arg9[%get3A_551, %get3A_552] {strides = array<i32>} : memref<640x64xf32, #tpu.memory_space<vmem>>, vector<1x16xf32>,
      %get3A_554 = vector.shape_cast %get3A_553 : vector<1x16xf32> to vector<16xf32>
      %add3A_555 = arith.constant 3 : i32
      %add3A_556 = arith.addi %mul3A_250, %add3A_555 : i32
      %get3A_557 = arith.index_cast %add3A_556 : i32 to index
      %get3A_558 = arith.constant 32 : index
      %get3A_559 = tpu.vector_load %arg9[%get3A_557, %get3A_558] {strides = array<i32>} : memref<640x64xf32, #tpu.memory_space<vmem>>, vector<1x16xf32>,
      %get3A_560 = vector.shape_cast %get3A_559 : vector<1x16xf32> to vector<16xf32>
      %add3A_561 = arith.constant 4 : i32
      %add3A_562 = arith.addi %mul3A_250, %add3A_561 : i32
      %get3A_563 = arith.index_cast %add3A_562 : i32 to index
      %get3A_564 = arith.constant 32 : index
      %get3A_565 = tpu.vector_load %arg9[%get3A_563, %get3A_564] {strides = array<i32>} : memref<640x64xf32, #tpu.memory_space<vmem>>, vector<1x16xf32>,
      %get3A_566 = vector.shape_cast %get3A_565 : vector<1x16xf32> to vector<16xf32>
      %add3A_567 = arith.constant 5 : i32
      %add3A_568 = arith.addi %mul3A_250, %add3A_567 : i32
      %get3A_569 = arith.index_cast %add3A_568 : i32 to index
      %get3A_570 = arith.constant 32 : index
      %get3A_571 = tpu.vector_load %arg9[%get3A_569, %get3A_570] {strides = array<i32>} : memref<640x64xf32, #tpu.memory_space<vmem>>, vector<1x16xf32>,
      %get3A_572 = vector.shape_cast %get3A_571 : vector<1x16xf32> to vector<16xf32>
      %add3A_573 = arith.constant 6 : i32
      %add3A_574 = arith.addi %mul3A_250, %add3A_573 : i32
      %get3A_575 = arith.index_cast %add3A_574 : i32 to index
      %get3A_576 = arith.constant 32 : index
      %get3A_577 = tpu.vector_load %arg9[%get3A_575, %get3A_576] {strides = array<i32>} : memref<640x64xf32, #tpu.memory_space<vmem>>, vector<1x16xf32>,
      %get3A_578 = vector.shape_cast %get3A_577 : vector<1x16xf32> to vector<16xf32>
      %add3A_579 = arith.constant 7 : i32
      %add3A_580 = arith.addi %mul3A_250, %add3A_579 : i32
      %get3A_581 = arith.index_cast %add3A_580 : i32 to index
      %get3A_582 = arith.constant 32 : index
      %get3A_583 = tpu.vector_load %arg9[%get3A_581, %get3A_582] {strides = array<i32>} : memref<640x64xf32, #tpu.memory_space<vmem>>, vector<1x16xf32>,
      %get3A_584 = vector.shape_cast %get3A_583 : vector<1x16xf32> to vector<16xf32>
      %add3A_585 = arith.constant 8 : i32
      %add3A_586 = arith.addi %mul3A_250, %add3A_585 : i32
      %get3A_587 = arith.index_cast %add3A_586 : i32 to index
      %get3A_588 = arith.constant 32 : index
      %get3A_589 = tpu.vector_load %arg9[%get3A_587, %get3A_588] {strides = array<i32>} : memref<640x64xf32, #tpu.memory_space<vmem>>, vector<1x16xf32>,
      %get3A_590 = vector.shape_cast %get3A_589 : vector<1x16xf32> to vector<16xf32>
      %add3A_591 = arith.constant 9 : i32
      %add3A_592 = arith.addi %mul3A_250, %add3A_591 : i32
      %get3A_593 = arith.index_cast %add3A_592 : i32 to index
      %get3A_594 = arith.constant 32 : index
      %get3A_595 = tpu.vector_load %arg9[%get3A_593, %get3A_594] {strides = array<i32>} : memref<640x64xf32, #tpu.memory_space<vmem>>, vector<1x16xf32>,
      %get3A_596 = vector.shape_cast %get3A_595 : vector<1x16xf32> to vector<16xf32>
      %add3A_597 = arith.constant 10 : i32
      %add3A_598 = arith.addi %mul3A_250, %add3A_597 : i32
      %get3A_599 = arith.index_cast %add3A_598 : i32 to index
      %get3A_600 = arith.constant 32 : index
      %get3A_601 = tpu.vector_load %arg9[%get3A_599, %get3A_600] {strides = array<i32>} : memref<640x64xf32, #tpu.memory_space<vmem>>, vector<1x16xf32>,
      %get3A_602 = vector.shape_cast %get3A_601 : vector<1x16xf32> to vector<16xf32>
      %add3A_603 = arith.constant 11 : i32
      %add3A_604 = arith.addi %mul3A_250, %add3A_603 : i32
      %get3A_605 = arith.index_cast %add3A_604 : i32 to index
      %get3A_606 = arith.constant 32 : index
      %get3A_607 = tpu.vector_load %arg9[%get3A_605, %get3A_606] {strides = array<i32>} : memref<640x64xf32, #tpu.memory_space<vmem>>, vector<1x16xf32>,
      %get3A_608 = vector.shape_cast %get3A_607 : vector<1x16xf32> to vector<16xf32>
      %add3A_609 = arith.constant 12 : i32
      %add3A_610 = arith.addi %mul3A_250, %add3A_609 : i32
      %get3A_611 = arith.index_cast %add3A_610 : i32 to index
      %get3A_612 = arith.constant 32 : index
      %get3A_613 = tpu.vector_load %arg9[%get3A_611, %get3A_612] {strides = array<i32>} : memref<640x64xf32, #tpu.memory_space<vmem>>, vector<1x16xf32>,
      %get3A_614 = vector.shape_cast %get3A_613 : vector<1x16xf32> to vector<16xf32>
      %add3A_615 = arith.constant 13 : i32
      %add3A_616 = arith.addi %mul3A_250, %add3A_615 : i32
      %get3A_617 = arith.index_cast %add3A_616 : i32 to index
      %get3A_618 = arith.constant 32 : index
      %get3A_619 = tpu.vector_load %arg9[%get3A_617, %get3A_618] {strides = array<i32>} : memref<640x64xf32, #tpu.memory_space<vmem>>, vector<1x16xf32>,
      %get3A_620 = vector.shape_cast %get3A_619 : vector<1x16xf32> to vector<16xf32>
      %add3A_621 = arith.constant 14 : i32
      %add3A_622 = arith.addi %mul3A_250, %add3A_621 : i32
      %get3A_623 = arith.index_cast %add3A_622 : i32 to index
      %get3A_624 = arith.constant 32 : index
      %get3A_625 = tpu.vector_load %arg9[%get3A_623, %get3A_624] {strides = array<i32>} : memref<640x64xf32, #tpu.memory_space<vmem>>, vector<1x16xf32>,
      %get3A_626 = vector.shape_cast %get3A_625 : vector<1x16xf32> to vector<16xf32>
      %add3A_627 = arith.constant 15 : i32
      %add3A_628 = arith.addi %mul3A_250, %add3A_627 : i32
      %get3A_629 = arith.index_cast %add3A_628 : i32 to index
      %get3A_630 = arith.constant 32 : index
      %get3A_631 = tpu.vector_load %arg9[%get3A_629, %get3A_630] {strides = array<i32>} : memref<640x64xf32, #tpu.memory_space<vmem>>, vector<1x16xf32>,
      %get3A_632 = vector.shape_cast %get3A_631 : vector<1x16xf32> to vector<16xf32>
      %add3A_633 = arith.constant 16 : i32
      %add3A_634 = arith.addi %mul3A_250, %add3A_633 : i32
      %get3A_635 = arith.index_cast %add3A_634 : i32 to index
      %get3A_636 = arith.constant 32 : index
      %get3A_637 = tpu.vector_load %arg9[%get3A_635, %get3A_636] {strides = array<i32>} : memref<640x64xf32, #tpu.memory_space<vmem>>, vector<1x16xf32>,
      %get3A_638 = vector.shape_cast %get3A_637 : vector<1x16xf32> to vector<16xf32>
      %add3A_639 = arith.constant 17 : i32
      %add3A_640 = arith.addi %mul3A_250, %add3A_639 : i32
      %get3A_641 = arith.index_cast %add3A_640 : i32 to index
      %get3A_642 = arith.constant 32 : index
      %get3A_643 = tpu.vector_load %arg9[%get3A_641, %get3A_642] {strides = array<i32>} : memref<640x64xf32, #tpu.memory_space<vmem>>, vector<1x16xf32>,
      %get3A_644 = vector.shape_cast %get3A_643 : vector<1x16xf32> to vector<16xf32>
      %add3A_645 = arith.constant 18 : i32
      %add3A_646 = arith.addi %mul3A_250, %add3A_645 : i32
      %get3A_647 = arith.index_cast %add3A_646 : i32 to index
      %get3A_648 = arith.constant 32 : index
      %get3A_649 = tpu.vector_load %arg9[%get3A_647, %get3A_648] {strides = array<i32>} : memref<640x64xf32, #tpu.memory_space<vmem>>, vector<1x16xf32>,
      %get3A_650 = vector.shape_cast %get3A_649 : vector<1x16xf32> to vector<16xf32>
      %add3A_651 = arith.constant 19 : i32
      %add3A_652 = arith.addi %mul3A_250, %add3A_651 : i32
      %get3A_653 = arith.index_cast %add3A_652 : i32 to index
      %get3A_654 = arith.constant 32 : index
      %get3A_655 = tpu.vector_load %arg9[%get3A_653, %get3A_654] {strides = array<i32>} : memref<640x64xf32, #tpu.memory_space<vmem>>, vector<1x16xf32>,
      %get3A_656 = vector.shape_cast %get3A_655 : vector<1x16xf32> to vector<16xf32>
      %add3A_657 = arith.addf %get3A_542, %get3A_548 : vector<16xf32>
      %add3A_658 = arith.addf %get3A_554, %get3A_560 : vector<16xf32>
      %add3A_659 = arith.addf %get3A_566, %get3A_572 : vector<16xf32>
      %add3A_660 = arith.addf %get3A_578, %get3A_584 : vector<16xf32>
      %add3A_661 = arith.addf %get3A_590, %get3A_596 : vector<16xf32>
      %add3A_662 = arith.addf %get3A_602, %get3A_608 : vector<16xf32>
      %add3A_663 = arith.addf %get3A_614, %get3A_620 : vector<16xf32>
      %add3A_664 = arith.addf %get3A_626, %get3A_632 : vector<16xf32>
      %add3A_665 = arith.addf %get3A_638, %get3A_644 : vector<16xf32>
      %add3A_666 = arith.addf %get3A_650, %get3A_656 : vector<16xf32>
      %add3A_667 = arith.addf %add3A_657, %add3A_658 : vector<16xf32>
      %add3A_668 = arith.addf %add3A_659, %add3A_660 : vector<16xf32>
      %add3A_669 = arith.addf %add3A_661, %add3A_662 : vector<16xf32>
      %add3A_670 = arith.addf %add3A_663, %add3A_664 : vector<16xf32>
      %add3A_671 = arith.addf %add3A_665, %add3A_666 : vector<16xf32>
      %add3A_672 = arith.addf %add3A_667, %add3A_668 : vector<16xf32>
      %add3A_673 = arith.addf %add3A_669, %add3A_670 : vector<16xf32>
      %add3A_674 = arith.addf %add3A_672, %add3A_673 : vector<16xf32>
      %add3A_675 = arith.addf %add3A_674, %add3A_671 : vector<16xf32>
      %swap3A_676 = arith.index_cast %add3A_248 : i32 to index
      %swap3A_677 = arith.constant 32 : index
      %swap3A_678 = tpu.vector_load %arg12[%swap3A_676, %swap3A_677] {strides = array<i32>} : memref<32x64xf32, #tpu.memory_space<vmem>>, vector<1x16xf32>,
      %swap3A_679 = vector.shape_cast %swap3A_678 : vector<1x16xf32> to vector<16xf32>
      %swap3A_680 = vector.shape_cast %add3A_675 : vector<16xf32> to vector<1x16xf32>
      tpu.vector_store %arg12[%swap3A_676, %swap3A_677], %swap3A_680 {strides = array<i32>} : memref<32x64xf32, #tpu.memory_space<vmem>>, vector<1x16xf32>,
      %add3A_681 = arith.constant 0 : i32
      %add3A_682 = arith.addi %mul3A_250, %add3A_681 : i32
      %get3A_683 = arith.index_cast %add3A_682 : i32 to index
      %get3A_684 = arith.constant 48 : index
      %get3A_685 = tpu.vector_load %arg9[%get3A_683, %get3A_684] {strides = array<i32>} : memref<640x64xf32, #tpu.memory_space<vmem>>, vector<1x16xf32>,
      %get3A_686 = vector.shape_cast %get3A_685 : vector<1x16xf32> to vector<16xf32>
      %add3A_687 = arith.constant 1 : i32
      %add3A_688 = arith.addi %mul3A_250, %add3A_687 : i32
      %get3A_689 = arith.index_cast %add3A_688 : i32 to index
      %get3A_690 = arith.constant 48 : index
      %get3A_691 = tpu.vector_load %arg9[%get3A_689, %get3A_690] {strides = array<i32>} : memref<640x64xf32, #tpu.memory_space<vmem>>, vector<1x16xf32>,
      %get3A_692 = vector.shape_cast %get3A_691 : vector<1x16xf32> to vector<16xf32>
      %add3A_693 = arith.constant 2 : i32
      %add3A_694 = arith.addi %mul3A_250, %add3A_693 : i32
      %get3A_695 = arith.index_cast %add3A_694 : i32 to index
      %get3A_696 = arith.constant 48 : index
      %get3A_697 = tpu.vector_load %arg9[%get3A_695, %get3A_696] {strides = array<i32>} : memref<640x64xf32, #tpu.memory_space<vmem>>, vector<1x16xf32>,
      %get3A_698 = vector.shape_cast %get3A_697 : vector<1x16xf32> to vector<16xf32>
      %add3A_699 = arith.constant 3 : i32
      %add3A_700 = arith.addi %mul3A_250, %add3A_699 : i32
      %get3A_701 = arith.index_cast %add3A_700 : i32 to index
      %get3A_702 = arith.constant 48 : index
      %get3A_703 = tpu.vector_load %arg9[%get3A_701, %get3A_702] {strides = array<i32>} : memref<640x64xf32, #tpu.memory_space<vmem>>, vector<1x16xf32>,
      %get3A_704 = vector.shape_cast %get3A_703 : vector<1x16xf32> to vector<16xf32>
      %add3A_705 = arith.constant 4 : i32
      %add3A_706 = arith.addi %mul3A_250, %add3A_705 : i32
      %get3A_707 = arith.index_cast %add3A_706 : i32 to index
      %get3A_708 = arith.constant 48 : index
      %get3A_709 = tpu.vector_load %arg9[%get3A_707, %get3A_708] {strides = array<i32>} : memref<640x64xf32, #tpu.memory_space<vmem>>, vector<1x16xf32>,
      %get3A_710 = vector.shape_cast %get3A_709 : vector<1x16xf32> to vector<16xf32>
      %add3A_711 = arith.constant 5 : i32
      %add3A_712 = arith.addi %mul3A_250, %add3A_711 : i32
      %get3A_713 = arith.index_cast %add3A_712 : i32 to index
      %get3A_714 = arith.constant 48 : index
      %get3A_715 = tpu.vector_load %arg9[%get3A_713, %get3A_714] {strides = array<i32>} : memref<640x64xf32, #tpu.memory_space<vmem>>, vector<1x16xf32>,
      %get3A_716 = vector.shape_cast %get3A_715 : vector<1x16xf32> to vector<16xf32>
      %add3A_717 = arith.constant 6 : i32
      %add3A_718 = arith.addi %mul3A_250, %add3A_717 : i32
      %get3A_719 = arith.index_cast %add3A_718 : i32 to index
      %get3A_720 = arith.constant 48 : index
      %get3A_721 = tpu.vector_load %arg9[%get3A_719, %get3A_720] {strides = array<i32>} : memref<640x64xf32, #tpu.memory_space<vmem>>, vector<1x16xf32>,
      %get3A_722 = vector.shape_cast %get3A_721 : vector<1x16xf32> to vector<16xf32>
      %add3A_723 = arith.constant 7 : i32
      %add3A_724 = arith.addi %mul3A_250, %add3A_723 : i32
      %get3A_725 = arith.index_cast %add3A_724 : i32 to index
      %get3A_726 = arith.constant 48 : index
      %get3A_727 = tpu.vector_load %arg9[%get3A_725, %get3A_726] {strides = array<i32>} : memref<640x64xf32, #tpu.memory_space<vmem>>, vector<1x16xf32>,
      %get3A_728 = vector.shape_cast %get3A_727 : vector<1x16xf32> to vector<16xf32>
      %add3A_729 = arith.constant 8 : i32
      %add3A_730 = arith.addi %mul3A_250, %add3A_729 : i32
      %get3A_731 = arith.index_cast %add3A_730 : i32 to index
      %get3A_732 = arith.constant 48 : index
      %get3A_733 = tpu.vector_load %arg9[%get3A_731, %get3A_732] {strides = array<i32>} : memref<640x64xf32, #tpu.memory_space<vmem>>, vector<1x16xf32>,
      %get3A_734 = vector.shape_cast %get3A_733 : vector<1x16xf32> to vector<16xf32>
      %add3A_735 = arith.constant 9 : i32
      %add3A_736 = arith.addi %mul3A_250, %add3A_735 : i32
      %get3A_737 = arith.index_cast %add3A_736 : i32 to index
      %get3A_738 = arith.constant 48 : index
      %get3A_739 = tpu.vector_load %arg9[%get3A_737, %get3A_738] {strides = array<i32>} : memref<640x64xf32, #tpu.memory_space<vmem>>, vector<1x16xf32>,
      %get3A_740 = vector.shape_cast %get3A_739 : vector<1x16xf32> to vector<16xf32>
      %add3A_741 = arith.constant 10 : i32
      %add3A_742 = arith.addi %mul3A_250, %add3A_741 : i32
      %get3A_743 = arith.index_cast %add3A_742 : i32 to index
      %get3A_744 = arith.constant 48 : index
      %get3A_745 = tpu.vector_load %arg9[%get3A_743, %get3A_744] {strides = array<i32>} : memref<640x64xf32, #tpu.memory_space<vmem>>, vector<1x16xf32>,
      %get3A_746 = vector.shape_cast %get3A_745 : vector<1x16xf32> to vector<16xf32>
      %add3A_747 = arith.constant 11 : i32
      %add3A_748 = arith.addi %mul3A_250, %add3A_747 : i32
      %get3A_749 = arith.index_cast %add3A_748 : i32 to index
      %get3A_750 = arith.constant 48 : index
      %get3A_751 = tpu.vector_load %arg9[%get3A_749, %get3A_750] {strides = array<i32>} : memref<640x64xf32, #tpu.memory_space<vmem>>, vector<1x16xf32>,
      %get3A_752 = vector.shape_cast %get3A_751 : vector<1x16xf32> to vector<16xf32>
      %add3A_753 = arith.constant 12 : i32
      %add3A_754 = arith.addi %mul3A_250, %add3A_753 : i32
      %get3A_755 = arith.index_cast %add3A_754 : i32 to index
      %get3A_756 = arith.constant 48 : index
      %get3A_757 = tpu.vector_load %arg9[%get3A_755, %get3A_756] {strides = array<i32>} : memref<640x64xf32, #tpu.memory_space<vmem>>, vector<1x16xf32>,
      %get3A_758 = vector.shape_cast %get3A_757 : vector<1x16xf32> to vector<16xf32>
      %add3A_759 = arith.constant 13 : i32
      %add3A_760 = arith.addi %mul3A_250, %add3A_759 : i32
      %get3A_761 = arith.index_cast %add3A_760 : i32 to index
      %get3A_762 = arith.constant 48 : index
      %get3A_763 = tpu.vector_load %arg9[%get3A_761, %get3A_762] {strides = array<i32>} : memref<640x64xf32, #tpu.memory_space<vmem>>, vector<1x16xf32>,
      %get3A_764 = vector.shape_cast %get3A_763 : vector<1x16xf32> to vector<16xf32>
      %add3A_765 = arith.constant 14 : i32
      %add3A_766 = arith.addi %mul3A_250, %add3A_765 : i32
      %get3A_767 = arith.index_cast %add3A_766 : i32 to index
      %get3A_768 = arith.constant 48 : index
      %get3A_769 = tpu.vector_load %arg9[%get3A_767, %get3A_768] {strides = array<i32>} : memref<640x64xf32, #tpu.memory_space<vmem>>, vector<1x16xf32>,
      %get3A_770 = vector.shape_cast %get3A_769 : vector<1x16xf32> to vector<16xf32>
      %add3A_771 = arith.constant 15 : i32
      %add3A_772 = arith.addi %mul3A_250, %add3A_771 : i32
      %get3A_773 = arith.index_cast %add3A_772 : i32 to index
      %get3A_774 = arith.constant 48 : index
      %get3A_775 = tpu.vector_load %arg9[%get3A_773, %get3A_774] {strides = array<i32>} : memref<640x64xf32, #tpu.memory_space<vmem>>, vector<1x16xf32>,
      %get3A_776 = vector.shape_cast %get3A_775 : vector<1x16xf32> to vector<16xf32>
      %add3A_777 = arith.constant 16 : i32
      %add3A_778 = arith.addi %mul3A_250, %add3A_777 : i32
      %get3A_779 = arith.index_cast %add3A_778 : i32 to index
      %get3A_780 = arith.constant 48 : index
      %get3A_781 = tpu.vector_load %arg9[%get3A_779, %get3A_780] {strides = array<i32>} : memref<640x64xf32, #tpu.memory_space<vmem>>, vector<1x16xf32>,
      %get3A_782 = vector.shape_cast %get3A_781 : vector<1x16xf32> to vector<16xf32>
      %add3A_783 = arith.constant 17 : i32
      %add3A_784 = arith.addi %mul3A_250, %add3A_783 : i32
      %get3A_785 = arith.index_cast %add3A_784 : i32 to index
      %get3A_786 = arith.constant 48 : index
      %get3A_787 = tpu.vector_load %arg9[%get3A_785, %get3A_786] {strides = array<i32>} : memref<640x64xf32, #tpu.memory_space<vmem>>, vector<1x16xf32>,
      %get3A_788 = vector.shape_cast %get3A_787 : vector<1x16xf32> to vector<16xf32>
      %add3A_789 = arith.constant 18 : i32
      %add3A_790 = arith.addi %mul3A_250, %add3A_789 : i32
      %get3A_791 = arith.index_cast %add3A_790 : i32 to index
      %get3A_792 = arith.constant 48 : index
      %get3A_793 = tpu.vector_load %arg9[%get3A_791, %get3A_792] {strides = array<i32>} : memref<640x64xf32, #tpu.memory_space<vmem>>, vector<1x16xf32>,
      %get3A_794 = vector.shape_cast %get3A_793 : vector<1x16xf32> to vector<16xf32>
      %add3A_795 = arith.constant 19 : i32
      %add3A_796 = arith.addi %mul3A_250, %add3A_795 : i32
      %get3A_797 = arith.index_cast %add3A_796 : i32 to index
      %get3A_798 = arith.constant 48 : index
      %get3A_799 = tpu.vector_load %arg9[%get3A_797, %get3A_798] {strides = array<i32>} : memref<640x64xf32, #tpu.memory_space<vmem>>, vector<1x16xf32>,
      %get3A_800 = vector.shape_cast %get3A_799 : vector<1x16xf32> to vector<16xf32>
      %add3A_801 = arith.addf %get3A_686, %get3A_692 : vector<16xf32>
      %add3A_802 = arith.addf %get3A_698, %get3A_704 : vector<16xf32>
      %add3A_803 = arith.addf %get3A_710, %get3A_716 : vector<16xf32>
      %add3A_804 = arith.addf %get3A_722, %get3A_728 : vector<16xf32>
      %add3A_805 = arith.addf %get3A_734, %get3A_740 : vector<16xf32>
      %add3A_806 = arith.addf %get3A_746, %get3A_752 : vector<16xf32>
      %add3A_807 = arith.addf %get3A_758, %get3A_764 : vector<16xf32>
      %add3A_808 = arith.addf %get3A_770, %get3A_776 : vector<16xf32>
      %add3A_809 = arith.addf %get3A_782, %get3A_788 : vector<16xf32>
      %add3A_810 = arith.addf %get3A_794, %get3A_800 : vector<16xf32>
      %add3A_811 = arith.addf %add3A_801, %add3A_802 : vector<16xf32>
      %add3A_812 = arith.addf %add3A_803, %add3A_804 : vector<16xf32>
      %add3A_813 = arith.addf %add3A_805, %add3A_806 : vector<16xf32>
      %add3A_814 = arith.addf %add3A_807, %add3A_808 : vector<16xf32>
      %add3A_815 = arith.addf %add3A_809, %add3A_810 : vector<16xf32>
      %add3A_816 = arith.addf %add3A_811, %add3A_812 : vector<16xf32>
      %add3A_817 = arith.addf %add3A_813, %add3A_814 : vector<16xf32>
      %add3A_818 = arith.addf %add3A_816, %add3A_817 : vector<16xf32>
      %add3A_819 = arith.addf %add3A_818, %add3A_815 : vector<16xf32>
      %swap3A_820 = arith.index_cast %add3A_248 : i32 to index
      %swap3A_821 = arith.constant 48 : index
      %swap3A_822 = tpu.vector_load %arg12[%swap3A_820, %swap3A_821] {strides = array<i32>} : memref<32x64xf32, #tpu.memory_space<vmem>>, vector<1x16xf32>,
      %swap3A_823 = vector.shape_cast %swap3A_822 : vector<1x16xf32> to vector<16xf32>
      %swap3A_824 = vector.shape_cast %add3A_819 : vector<16xf32> to vector<1x16xf32>
      tpu.vector_store %arg12[%swap3A_820, %swap3A_821], %swap3A_824 {strides = array<i32>} : memref<32x64xf32, #tpu.memory_space<vmem>>, vector<1x16xf32>,
    }
    %scan3A_199 = arith.constant 32 : i32
    %mul3A_200 = arith.constant 128 : i32
    %mul3A_201 = arith.muli %add3A, %mul3A_200 : i32
    %add3A_202 = arith.constant 96 : i32
    %add3A_203 = arith.addi %mul3A_201, %add3A_202 : i32
    %dma_start3A_204 = arith.constant 12 : i32
    %dma_start3A_205 = arith.constant 64 : i32
    %dma_start3A_206 = tpu.memref_slice %arg4[%dma_start3A_204, %add3A_203, %dma_start3A_205] : memref<13x4096x128xf32, #tpu.memory_space<hbm>> -> memref<1x32x64xf32, #tpu.memory_space<hbm>>
    %dma_start3A_207 = tpu.memref_squeeze %dma_start3A_206 : memref<1x32x64xf32, #tpu.memory_space<hbm>> -> memref<32x64xf32, #tpu.memory_space<hbm>>
    %dma_start3A_208 = arith.constant 64 : i32
    %dma_start3A_209 = tpu.memref_slice %arg4[%dma_start3A_204, %add3A_203, %dma_start3A_208] : memref<13x4096x128xf32, #tpu.memory_space<hbm>> -> memref<1x32x64xf32, #tpu.memory_space<hbm>>
    %dma_start3A_210 = tpu.memref_squeeze %dma_start3A_209 : memref<1x32x64xf32, #tpu.memory_space<hbm>> -> memref<32x64xf32, #tpu.memory_space<hbm>>
    tpu.enqueue_dma source(%arg12 : memref<32x64xf32, #tpu.memory_space<vmem>>) target(%dma_start3A_210 : memref<32x64xf32, #tpu.memory_space<hbm>>) target_semaphore(%arg21 : memref<!tpu.dma_semaphore, #tpu.memory_space<semaphore_mem>>)
    %mul3A_211 = arith.constant 128 : i32
    %mul3A_212 = arith.muli %add3A, %mul3A_211 : i32
    %add3A_213 = arith.constant 0 : i32
    %add3A_214 = arith.addi %mul3A_212, %add3A_213 : i32
    %dma_wait3A_215 = arith.constant 0 : i32
    %dma_wait3A_216 = arith.constant 0 : i32
    %dma_wait3A_217 = tpu.memref_slice %arg4[%dma_wait3A_215, %add3A_214, %dma_wait3A_216] : memref<13x4096x128xf32, #tpu.memory_space<hbm>> -> memref<1x32x64xf32, #tpu.memory_space<hbm>>
    %dma_wait3A_218 = tpu.memref_squeeze %dma_wait3A_217 : memref<1x32x64xf32, #tpu.memory_space<hbm>> -> memref<32x64xf32, #tpu.memory_space<hbm>>
    %dma_wait3A_219 = arith.constant 0 : i32
    %dma_wait3A_220 = tpu.memref_slice %arg4[%dma_wait3A_215, %add3A_214, %dma_wait3A_219] : memref<13x4096x128xf32, #tpu.memory_space<hbm>> -> memref<1x32x64xf32, #tpu.memory_space<hbm>>
    %dma_wait3A_221 = tpu.memref_squeeze %dma_wait3A_220 : memref<1x32x64xf32, #tpu.memory_space<hbm>> -> memref<32x64xf32, #tpu.memory_space<hbm>>
    tpu.wait_dma2 semaphore(%arg22 : memref<!tpu.dma_semaphore, #tpu.memory_space<semaphore_mem>>) src(%arg13 : memref<32x64xf32, #tpu.memory_space<vmem>>) dst(%dma_wait3A_221 : memref<32x64xf32, #tpu.memory_space<hbm>>)
    %mul3A_222 = arith.constant 128 : i32
    %mul3A_223 = arith.muli %add3A, %mul3A_222 : i32
    %add3A_224 = arith.constant 0 : i32
    %add3A_225 = arith.addi %mul3A_223, %add3A_224 : i32
    %dma_wait3A_226 = arith.constant 0 : i32
    %dma_wait3A_227 = arith.constant 0 : i32
    %dma_wait3A_228 = tpu.memref_slice %arg4[%dma_wait3A_226, %add3A_225, %dma_wait3A_227] : memref<13x4096x128xf32, #tpu.memory_space<hbm>> -> memref<1x32x64xf32, #tpu.memory_space<hbm>>
    %dma_wait3A_229 = tpu.memref_squeeze %dma_wait3A_228 : memref<1x32x64xf32, #tpu.memory_space<hbm>> -> memref<32x64xf32, #tpu.memory_space<hbm>>
    %dma_wait3A_230 = arith.constant 0 : i32
    %dma_wait3A_231 = tpu.memref_slice %arg4[%dma_wait3A_226, %add3A_225, %dma_wait3A_230] : memref<13x4096x128xf32, #tpu.memory_space<hbm>> -> memref<1x32x64xf32, #tpu.memory_space<hbm>>
    %dma_wait3A_232 = tpu.memref_squeeze %dma_wait3A_231 : memref<1x32x64xf32, #tpu.memory_space<hbm>> -> memref<32x64xf32, #tpu.memory_space<hbm>>
    tpu.wait_dma2 semaphore(%arg20 : memref<!tpu.dma_semaphore, #tpu.memory_space<semaphore_mem>>) src(%arg11 : memref<32x64xf32, #tpu.memory_space<vmem>>) dst(%dma_wait3A_232 : memref<32x64xf32, #tpu.memory_space<hbm>>)
    %mul3A_233 = arith.constant 128 : i32
    %mul3A_234 = arith.muli %add3A, %mul3A_233 : i32
    %add3A_235 = arith.constant 0 : i32
    %add3A_236 = arith.addi %mul3A_234, %add3A_235 : i32
    %dma_wait3A_237 = arith.constant 0 : i32
    %dma_wait3A_238 = arith.constant 0 : i32
    %dma_wait3A_239 = tpu.memref_slice %arg4[%dma_wait3A_237, %add3A_236, %dma_wait3A_238] : memref<13x4096x128xf32, #tpu.memory_space<hbm>> -> memref<1x32x64xf32, #tpu.memory_space<hbm>>
    %dma_wait3A_240 = tpu.memref_squeeze %dma_wait3A_239 : memref<1x32x64xf32, #tpu.memory_space<hbm>> -> memref<32x64xf32, #tpu.memory_space<hbm>>
    %dma_wait3A_241 = arith.constant 0 : i32
    %dma_wait3A_242 = tpu.memref_slice %arg4[%dma_wait3A_237, %add3A_236, %dma_wait3A_241] : memref<13x4096x128xf32, #tpu.memory_space<hbm>> -> memref<1x32x64xf32, #tpu.memory_space<hbm>>
    %dma_wait3A_243 = tpu.memref_squeeze %dma_wait3A_242 : memref<1x32x64xf32, #tpu.memory_space<hbm>> -> memref<32x64xf32, #tpu.memory_space<hbm>>
    tpu.wait_dma2 semaphore(%arg21 : memref<!tpu.dma_semaphore, #tpu.memory_space<semaphore_mem>>) src(%arg12 : memref<32x64xf32, #tpu.memory_space<vmem>>) dst(%dma_wait3A_243 : memref<32x64xf32, #tpu.memory_space<hbm>>)
    return
  }
}

module attributes {stable_mosaic.version = 14 : i64} {
  func.func @_mlp_body(%arg0: i32, %arg1: memref<13x512x128xf32, #tpu.memory_space<vmem>>, %arg2: memref<512x1664xf32, #tpu.memory_space<vmem>>, %arg3: memref<1x512xf32, #tpu.memory_space<vmem>>, %arg4: memref<128x512xf32, #tpu.memory_space<vmem>>, %arg5: memref<1x128xf32, #tpu.memory_space<vmem>>, %arg6: memref<1x128xf32, #tpu.memory_space<vmem>>, %arg7: memref<1x1xf32, #tpu.memory_space<vmem>>, %arg8: memref<512x1xf32, #tpu.memory_space<vmem>>) attributes {dimension_semantics = [#tpu.dimension_semantics<arbitrary>], iteration_bounds = array<i64: 8>, scalar_prefetch = 0 : i64, scratch_operands = 0 : i64, tpu.core_type = #tpu.core_type<tc>, window_params = [{transform_indices = @transform_0, window_bounds = array<i64: 13, 512, 128>}, {pipeline_mode = #tpu.pipeline_mode<synchronous>, transform_indices = @transform_1, window_bounds = array<i64: 512, 1664>}, {pipeline_mode = #tpu.pipeline_mode<synchronous>, transform_indices = @transform_2, window_bounds = array<i64: 1, 512>}, {pipeline_mode = #tpu.pipeline_mode<synchronous>, transform_indices = @transform_3, window_bounds = array<i64: 128, 512>}, {pipeline_mode = #tpu.pipeline_mode<synchronous>, transform_indices = @transform_4, window_bounds = array<i64: 1, 128>}, {pipeline_mode = #tpu.pipeline_mode<synchronous>, transform_indices = @transform_5, window_bounds = array<i64: 1, 128>}, {pipeline_mode = #tpu.pipeline_mode<synchronous>, transform_indices = @transform_6, window_bounds = array<i64: 1, 1>}, {transform_indices = @transform_7, window_bounds = array<i64: 512, 1>}]} {
    %get3A = arith.constant 0 : index
    %get3A_0 = arith.constant 0 : index
    %get3A_1 = vector.load %arg3[%get3A, %get3A_0] : memref<1x512xf32, #tpu.memory_space<vmem>>, vector<1x512xf32>
    %get3A_2 = arith.constant 0 : index
    %get3A_3 = arith.constant 0 : index
    %get3A_4 = arith.constant 0 : index
    %get3A_5 = vector.load %arg1[%get3A_2, %get3A_3, %get3A_4] : memref<13x512x128xf32, #tpu.memory_space<vmem>>, vector<1x512x128xf32>
    %get3A_6 = vector.shape_cast %get3A_5 : vector<1x512x128xf32> to vector<512x128xf32>
    %get3A_7 = arith.constant 0 : index
    %get3A_8 = arith.constant 0 : index
    %get3A_9 = vector.load %arg2[%get3A_7, %get3A_8] : memref<512x1664xf32, #tpu.memory_space<vmem>>, vector<512x128xf32>
    %dot_general3A = arith.constant dense<0.000000e+00> : vector<512x512xf32>
    %dot_general3A_10 = tpu.matmul %get3A_6, %get3A_9, %dot_general3A {dimension_numbers = #tpu.dot_dimension_numbers<[1], [1], [0], [0], [0, 0, 1, 0], [], []>, transpose_lhs_hint = false} : vector<512x128xf32>, vector<512x128xf32>, vector<512x512xf32> -> vector<512x512xf32>
    %add3A = vector.broadcast %get3A_1 : vector<1x512xf32> to vector<512x512xf32>
    %add3A_11 = arith.addf %add3A, %dot_general3A_10 : vector<512x512xf32>
    %get3A_12 = arith.constant 1 : index
    %get3A_13 = arith.constant 0 : index
    %get3A_14 = arith.constant 0 : index
    %get3A_15 = vector.load %arg1[%get3A_12, %get3A_13, %get3A_14] : memref<13x512x128xf32, #tpu.memory_space<vmem>>, vector<1x512x128xf32>
    %get3A_16 = vector.shape_cast %get3A_15 : vector<1x512x128xf32> to vector<512x128xf32>
    %get3A_17 = arith.constant 0 : index
    %get3A_18 = arith.constant 128 : index
    %get3A_19 = vector.load %arg2[%get3A_17, %get3A_18] : memref<512x1664xf32, #tpu.memory_space<vmem>>, vector<512x128xf32>
    %dot_general3A_20 = arith.constant dense<0.000000e+00> : vector<512x512xf32>
    %dot_general3A_21 = tpu.matmul %get3A_16, %get3A_19, %dot_general3A_20 {dimension_numbers = #tpu.dot_dimension_numbers<[1], [1], [0], [0], [0, 0, 1, 0], [], []>, transpose_lhs_hint = false} : vector<512x128xf32>, vector<512x128xf32>, vector<512x512xf32> -> vector<512x512xf32>
    %add3A_22 = arith.addf %add3A_11, %dot_general3A_21 : vector<512x512xf32>
    %get3A_23 = arith.constant 2 : index
    %get3A_24 = arith.constant 0 : index
    %get3A_25 = arith.constant 0 : index
    %get3A_26 = vector.load %arg1[%get3A_23, %get3A_24, %get3A_25] : memref<13x512x128xf32, #tpu.memory_space<vmem>>, vector<1x512x128xf32>
    %get3A_27 = vector.shape_cast %get3A_26 : vector<1x512x128xf32> to vector<512x128xf32>
    %get3A_28 = arith.constant 0 : index
    %get3A_29 = arith.constant 256 : index
    %get3A_30 = vector.load %arg2[%get3A_28, %get3A_29] : memref<512x1664xf32, #tpu.memory_space<vmem>>, vector<512x128xf32>
    %dot_general3A_31 = arith.constant dense<0.000000e+00> : vector<512x512xf32>
    %dot_general3A_32 = tpu.matmul %get3A_27, %get3A_30, %dot_general3A_31 {dimension_numbers = #tpu.dot_dimension_numbers<[1], [1], [0], [0], [0, 0, 1, 0], [], []>, transpose_lhs_hint = false} : vector<512x128xf32>, vector<512x128xf32>, vector<512x512xf32> -> vector<512x512xf32>
    %add3A_33 = arith.addf %add3A_22, %dot_general3A_32 : vector<512x512xf32>
    %get3A_34 = arith.constant 3 : index
    %get3A_35 = arith.constant 0 : index
    %get3A_36 = arith.constant 0 : index
    %get3A_37 = vector.load %arg1[%get3A_34, %get3A_35, %get3A_36] : memref<13x512x128xf32, #tpu.memory_space<vmem>>, vector<1x512x128xf32>
    %get3A_38 = vector.shape_cast %get3A_37 : vector<1x512x128xf32> to vector<512x128xf32>
    %get3A_39 = arith.constant 0 : index
    %get3A_40 = arith.constant 384 : index
    %get3A_41 = vector.load %arg2[%get3A_39, %get3A_40] : memref<512x1664xf32, #tpu.memory_space<vmem>>, vector<512x128xf32>
    %dot_general3A_42 = arith.constant dense<0.000000e+00> : vector<512x512xf32>
    %dot_general3A_43 = tpu.matmul %get3A_38, %get3A_41, %dot_general3A_42 {dimension_numbers = #tpu.dot_dimension_numbers<[1], [1], [0], [0], [0, 0, 1, 0], [], []>, transpose_lhs_hint = false} : vector<512x128xf32>, vector<512x128xf32>, vector<512x512xf32> -> vector<512x512xf32>
    %add3A_44 = arith.addf %add3A_33, %dot_general3A_43 : vector<512x512xf32>
    %get3A_45 = arith.constant 4 : index
    %get3A_46 = arith.constant 0 : index
    %get3A_47 = arith.constant 0 : index
    %get3A_48 = vector.load %arg1[%get3A_45, %get3A_46, %get3A_47] : memref<13x512x128xf32, #tpu.memory_space<vmem>>, vector<1x512x128xf32>
    %get3A_49 = vector.shape_cast %get3A_48 : vector<1x512x128xf32> to vector<512x128xf32>
    %get3A_50 = arith.constant 0 : index
    %get3A_51 = arith.constant 512 : index
    %get3A_52 = vector.load %arg2[%get3A_50, %get3A_51] : memref<512x1664xf32, #tpu.memory_space<vmem>>, vector<512x128xf32>
    %dot_general3A_53 = arith.constant dense<0.000000e+00> : vector<512x512xf32>
    %dot_general3A_54 = tpu.matmul %get3A_49, %get3A_52, %dot_general3A_53 {dimension_numbers = #tpu.dot_dimension_numbers<[1], [1], [0], [0], [0, 0, 1, 0], [], []>, transpose_lhs_hint = false} : vector<512x128xf32>, vector<512x128xf32>, vector<512x512xf32> -> vector<512x512xf32>
    %add3A_55 = arith.addf %add3A_44, %dot_general3A_54 : vector<512x512xf32>
    %get3A_56 = arith.constant 5 : index
    %get3A_57 = arith.constant 0 : index
    %get3A_58 = arith.constant 0 : index
    %get3A_59 = vector.load %arg1[%get3A_56, %get3A_57, %get3A_58] : memref<13x512x128xf32, #tpu.memory_space<vmem>>, vector<1x512x128xf32>
    %get3A_60 = vector.shape_cast %get3A_59 : vector<1x512x128xf32> to vector<512x128xf32>
    %get3A_61 = arith.constant 0 : index
    %get3A_62 = arith.constant 640 : index
    %get3A_63 = vector.load %arg2[%get3A_61, %get3A_62] : memref<512x1664xf32, #tpu.memory_space<vmem>>, vector<512x128xf32>
    %dot_general3A_64 = arith.constant dense<0.000000e+00> : vector<512x512xf32>
    %dot_general3A_65 = tpu.matmul %get3A_60, %get3A_63, %dot_general3A_64 {dimension_numbers = #tpu.dot_dimension_numbers<[1], [1], [0], [0], [0, 0, 1, 0], [], []>, transpose_lhs_hint = false} : vector<512x128xf32>, vector<512x128xf32>, vector<512x512xf32> -> vector<512x512xf32>
    %add3A_66 = arith.addf %add3A_55, %dot_general3A_65 : vector<512x512xf32>
    %get3A_67 = arith.constant 6 : index
    %get3A_68 = arith.constant 0 : index
    %get3A_69 = arith.constant 0 : index
    %get3A_70 = vector.load %arg1[%get3A_67, %get3A_68, %get3A_69] : memref<13x512x128xf32, #tpu.memory_space<vmem>>, vector<1x512x128xf32>
    %get3A_71 = vector.shape_cast %get3A_70 : vector<1x512x128xf32> to vector<512x128xf32>
    %get3A_72 = arith.constant 0 : index
    %get3A_73 = arith.constant 768 : index
    %get3A_74 = vector.load %arg2[%get3A_72, %get3A_73] : memref<512x1664xf32, #tpu.memory_space<vmem>>, vector<512x128xf32>
    %dot_general3A_75 = arith.constant dense<0.000000e+00> : vector<512x512xf32>
    %dot_general3A_76 = tpu.matmul %get3A_71, %get3A_74, %dot_general3A_75 {dimension_numbers = #tpu.dot_dimension_numbers<[1], [1], [0], [0], [0, 0, 1, 0], [], []>, transpose_lhs_hint = false} : vector<512x128xf32>, vector<512x128xf32>, vector<512x512xf32> -> vector<512x512xf32>
    %add3A_77 = arith.addf %add3A_66, %dot_general3A_76 : vector<512x512xf32>
    %get3A_78 = arith.constant 7 : index
    %get3A_79 = arith.constant 0 : index
    %get3A_80 = arith.constant 0 : index
    %get3A_81 = vector.load %arg1[%get3A_78, %get3A_79, %get3A_80] : memref<13x512x128xf32, #tpu.memory_space<vmem>>, vector<1x512x128xf32>
    %get3A_82 = vector.shape_cast %get3A_81 : vector<1x512x128xf32> to vector<512x128xf32>
    %get3A_83 = arith.constant 0 : index
    %get3A_84 = arith.constant 896 : index
    %get3A_85 = vector.load %arg2[%get3A_83, %get3A_84] : memref<512x1664xf32, #tpu.memory_space<vmem>>, vector<512x128xf32>
    %dot_general3A_86 = arith.constant dense<0.000000e+00> : vector<512x512xf32>
    %dot_general3A_87 = tpu.matmul %get3A_82, %get3A_85, %dot_general3A_86 {dimension_numbers = #tpu.dot_dimension_numbers<[1], [1], [0], [0], [0, 0, 1, 0], [], []>, transpose_lhs_hint = false} : vector<512x128xf32>, vector<512x128xf32>, vector<512x512xf32> -> vector<512x512xf32>
    %add3A_88 = arith.addf %add3A_77, %dot_general3A_87 : vector<512x512xf32>
    %get3A_89 = arith.constant 8 : index
    %get3A_90 = arith.constant 0 : index
    %get3A_91 = arith.constant 0 : index
    %get3A_92 = vector.load %arg1[%get3A_89, %get3A_90, %get3A_91] : memref<13x512x128xf32, #tpu.memory_space<vmem>>, vector<1x512x128xf32>
    %get3A_93 = vector.shape_cast %get3A_92 : vector<1x512x128xf32> to vector<512x128xf32>
    %get3A_94 = arith.constant 0 : index
    %get3A_95 = arith.constant 1024 : index
    %get3A_96 = vector.load %arg2[%get3A_94, %get3A_95] : memref<512x1664xf32, #tpu.memory_space<vmem>>, vector<512x128xf32>
    %dot_general3A_97 = arith.constant dense<0.000000e+00> : vector<512x512xf32>
    %dot_general3A_98 = tpu.matmul %get3A_93, %get3A_96, %dot_general3A_97 {dimension_numbers = #tpu.dot_dimension_numbers<[1], [1], [0], [0], [0, 0, 1, 0], [], []>, transpose_lhs_hint = false} : vector<512x128xf32>, vector<512x128xf32>, vector<512x512xf32> -> vector<512x512xf32>
    %add3A_99 = arith.addf %add3A_88, %dot_general3A_98 : vector<512x512xf32>
    %get3A_100 = arith.constant 9 : index
    %get3A_101 = arith.constant 0 : index
    %get3A_102 = arith.constant 0 : index
    %get3A_103 = vector.load %arg1[%get3A_100, %get3A_101, %get3A_102] : memref<13x512x128xf32, #tpu.memory_space<vmem>>, vector<1x512x128xf32>
    %get3A_104 = vector.shape_cast %get3A_103 : vector<1x512x128xf32> to vector<512x128xf32>
    %get3A_105 = arith.constant 0 : index
    %get3A_106 = arith.constant 1152 : index
    %get3A_107 = vector.load %arg2[%get3A_105, %get3A_106] : memref<512x1664xf32, #tpu.memory_space<vmem>>, vector<512x128xf32>
    %dot_general3A_108 = arith.constant dense<0.000000e+00> : vector<512x512xf32>
    %dot_general3A_109 = tpu.matmul %get3A_104, %get3A_107, %dot_general3A_108 {dimension_numbers = #tpu.dot_dimension_numbers<[1], [1], [0], [0], [0, 0, 1, 0], [], []>, transpose_lhs_hint = false} : vector<512x128xf32>, vector<512x128xf32>, vector<512x512xf32> -> vector<512x512xf32>
    %add3A_110 = arith.addf %add3A_99, %dot_general3A_109 : vector<512x512xf32>
    %get3A_111 = arith.constant 10 : index
    %get3A_112 = arith.constant 0 : index
    %get3A_113 = arith.constant 0 : index
    %get3A_114 = vector.load %arg1[%get3A_111, %get3A_112, %get3A_113] : memref<13x512x128xf32, #tpu.memory_space<vmem>>, vector<1x512x128xf32>
    %get3A_115 = vector.shape_cast %get3A_114 : vector<1x512x128xf32> to vector<512x128xf32>
    %get3A_116 = arith.constant 0 : index
    %get3A_117 = arith.constant 1280 : index
    %get3A_118 = vector.load %arg2[%get3A_116, %get3A_117] : memref<512x1664xf32, #tpu.memory_space<vmem>>, vector<512x128xf32>
    %dot_general3A_119 = arith.constant dense<0.000000e+00> : vector<512x512xf32>
    %dot_general3A_120 = tpu.matmul %get3A_115, %get3A_118, %dot_general3A_119 {dimension_numbers = #tpu.dot_dimension_numbers<[1], [1], [0], [0], [0, 0, 1, 0], [], []>, transpose_lhs_hint = false} : vector<512x128xf32>, vector<512x128xf32>, vector<512x512xf32> -> vector<512x512xf32>
    %add3A_121 = arith.addf %add3A_110, %dot_general3A_120 : vector<512x512xf32>
    %get3A_122 = arith.constant 11 : index
    %get3A_123 = arith.constant 0 : index
    %get3A_124 = arith.constant 0 : index
    %get3A_125 = vector.load %arg1[%get3A_122, %get3A_123, %get3A_124] : memref<13x512x128xf32, #tpu.memory_space<vmem>>, vector<1x512x128xf32>
    %get3A_126 = vector.shape_cast %get3A_125 : vector<1x512x128xf32> to vector<512x128xf32>
    %get3A_127 = arith.constant 0 : index
    %get3A_128 = arith.constant 1408 : index
    %get3A_129 = vector.load %arg2[%get3A_127, %get3A_128] : memref<512x1664xf32, #tpu.memory_space<vmem>>, vector<512x128xf32>
    %dot_general3A_130 = arith.constant dense<0.000000e+00> : vector<512x512xf32>
    %dot_general3A_131 = tpu.matmul %get3A_126, %get3A_129, %dot_general3A_130 {dimension_numbers = #tpu.dot_dimension_numbers<[1], [1], [0], [0], [0, 0, 1, 0], [], []>, transpose_lhs_hint = false} : vector<512x128xf32>, vector<512x128xf32>, vector<512x512xf32> -> vector<512x512xf32>
    %add3A_132 = arith.addf %add3A_121, %dot_general3A_131 : vector<512x512xf32>
    %get3A_133 = arith.constant 12 : index
    %get3A_134 = arith.constant 0 : index
    %get3A_135 = arith.constant 0 : index
    %get3A_136 = vector.load %arg1[%get3A_133, %get3A_134, %get3A_135] : memref<13x512x128xf32, #tpu.memory_space<vmem>>, vector<1x512x128xf32>
    %get3A_137 = vector.shape_cast %get3A_136 : vector<1x512x128xf32> to vector<512x128xf32>
    %get3A_138 = arith.constant 0 : index
    %get3A_139 = arith.constant 1536 : index
    %get3A_140 = vector.load %arg2[%get3A_138, %get3A_139] : memref<512x1664xf32, #tpu.memory_space<vmem>>, vector<512x128xf32>
    %dot_general3A_141 = arith.constant dense<0.000000e+00> : vector<512x512xf32>
    %dot_general3A_142 = tpu.matmul %get3A_137, %get3A_140, %dot_general3A_141 {dimension_numbers = #tpu.dot_dimension_numbers<[1], [1], [0], [0], [0, 0, 1, 0], [], []>, transpose_lhs_hint = false} : vector<512x128xf32>, vector<512x128xf32>, vector<512x512xf32> -> vector<512x512xf32>
    %add3A_143 = arith.addf %add3A_132, %dot_general3A_142 : vector<512x512xf32>
    %max3A = arith.constant 0.000000e+00 : f32
    %max3A_144 = vector.broadcast %max3A : f32 to vector<512x512xf32>
    %max3A_145 = arith.maximumf %add3A_143, %max3A_144 : vector<512x512xf32>
    %get3A_146 = arith.constant 0 : index
    %get3A_147 = arith.constant 0 : index
    %get3A_148 = vector.load %arg4[%get3A_146, %get3A_147] : memref<128x512xf32, #tpu.memory_space<vmem>>, vector<128x512xf32>
    %dot_general3A_149 = arith.constant dense<0.000000e+00> : vector<512x128xf32>
    %dot_general3A_150 = tpu.matmul %max3A_145, %get3A_148, %dot_general3A_149 {dimension_numbers = #tpu.dot_dimension_numbers<[1], [1], [0], [0], [0, 0, 1, 0], [], []>, transpose_lhs_hint = false} : vector<512x512xf32>, vector<128x512xf32>, vector<512x128xf32> -> vector<512x128xf32>
    %get3A_151 = arith.constant 0 : index
    %get3A_152 = arith.constant 0 : index
    %get3A_153 = vector.load %arg5[%get3A_151, %get3A_152] : memref<1x128xf32, #tpu.memory_space<vmem>>, vector<1x128xf32>
    %add3A_154 = vector.broadcast %get3A_153 : vector<1x128xf32> to vector<512x128xf32>
    %add3A_155 = arith.addf %dot_general3A_150, %add3A_154 : vector<512x128xf32>
    %max3A_156 = arith.constant 0.000000e+00 : f32
    %max3A_157 = vector.broadcast %max3A_156 : f32 to vector<512x128xf32>
    %max3A_158 = arith.maximumf %add3A_155, %max3A_157 : vector<512x128xf32>
    %get3A_159 = arith.constant 0 : index
    %get3A_160 = arith.constant 0 : index
    %get3A_161 = vector.load %arg6[%get3A_159, %get3A_160] : memref<1x128xf32, #tpu.memory_space<vmem>>, vector<1x128xf32>
    %mul3A = vector.broadcast %get3A_161 : vector<1x128xf32> to vector<512x128xf32>
    %mul3A_162 = arith.mulf %max3A_158, %mul3A : vector<512x128xf32>
    %reduce_sum3A = arith.constant dense<0.000000e+00> : vector<512xf32>
    %reduce_sum3A_163 = vector.multi_reduction <add>, %mul3A_162, %reduce_sum3A [1] : vector<512x128xf32> to vector<512xf32>
    %broadcast_in_dim3A = vector.shape_cast %reduce_sum3A_163 : vector<512xf32> to vector<512x1xf32>
    %get3A_164 = arith.constant 0 : index
    %get3A_165 = arith.constant 0 : index
    %get3A_166 = vector.load %arg7[%get3A_164, %get3A_165] : memref<1x1xf32, #tpu.memory_space<vmem>>, vector<1x1xf32>
    %add3A_167 = vector.broadcast %get3A_166 : vector<1x1xf32> to vector<512x1xf32>
    %add3A_168 = arith.addf %broadcast_in_dim3A, %add3A_167 : vector<512x1xf32>
    %swap3A = arith.constant 0 : index
    %swap3A_169 = arith.constant 0 : index
    %swap3A_170 = vector.load %arg8[%swap3A, %swap3A_169] : memref<512x1xf32, #tpu.memory_space<vmem>>, vector<512x1xf32>
    tpu.vector_store %arg8[%swap3A, %swap3A_169], %add3A_168 {strides = array<i32>} : memref<512x1xf32, #tpu.memory_space<vmem>>, vector<512x1xf32>,
    return
  }
  func.func @transform_0(%arg0: i32) -> (i32, i32, i32) {
    %c0_i32 = arith.constant 0 : i32
    %c0_i32_0 = arith.constant 0 : i32
    %c0_i32_1 = arith.constant 0 : i32
    return %c0_i32, %arg0, %c0_i32_0 : i32, i32, i32
  }
  func.func @transform_1(%arg0: i32) -> (i32, i32) {
    %c0_i32 = arith.constant 0 : i32
    %c0_i32_0 = arith.constant 0 : i32
    %c0_i32_1 = arith.constant 0 : i32
    return %c0_i32, %c0_i32_0 : i32, i32
  }
  func.func @transform_2(%arg0: i32) -> (i32, i32) {
    %c0_i32 = arith.constant 0 : i32
    %c0_i32_0 = arith.constant 0 : i32
    %c0_i32_1 = arith.constant 0 : i32
    return %c0_i32, %c0_i32_0 : i32, i32
  }
  func.func @transform_3(%arg0: i32) -> (i32, i32) {
    %c0_i32 = arith.constant 0 : i32
    %c0_i32_0 = arith.constant 0 : i32
    %c0_i32_1 = arith.constant 0 : i32
    return %c0_i32, %c0_i32_0 : i32, i32
  }
  func.func @transform_4(%arg0: i32) -> (i32, i32) {
    %c0_i32 = arith.constant 0 : i32
    %c0_i32_0 = arith.constant 0 : i32
    %c0_i32_1 = arith.constant 0 : i32
    return %c0_i32, %c0_i32_0 : i32, i32
  }
  func.func @transform_5(%arg0: i32) -> (i32, i32) {
    %c0_i32 = arith.constant 0 : i32
    %c0_i32_0 = arith.constant 0 : i32
    %c0_i32_1 = arith.constant 0 : i32
    return %c0_i32, %c0_i32_0 : i32, i32
  }
  func.func @transform_6(%arg0: i32) -> (i32, i32) {
    %c0_i32 = arith.constant 0 : i32
    %c0_i32_0 = arith.constant 0 : i32
    %c0_i32_1 = arith.constant 0 : i32
    return %c0_i32, %c0_i32_0 : i32, i32
  }
  func.func @transform_7(%arg0: i32) -> (i32, i32) {
    %c0_i32 = arith.constant 0 : i32
    %c0_i32_0 = arith.constant 0 : i32
    return %arg0, %c0_i32 : i32, i32
  }
}

</mosaic_0001>

<sc_bundles>
// kernel: kernel.4.cloned.1.call-start
scs
__scs_entry_jumppad:
0x0: {  	(pc) =	sbr.rel $0x88, $3  }
0x1: {  	(tag) =	ssettag $0x0;
	lr =	simm.s32 $0x1  }
0x2: {  	[smem:$0x3F99] =	sst lr;
	_ =	strace $0xD0000000  }
0x3: {  	_ = 	snop  }
0x4: {  	_ = 	snop  }
0x5: {  	_ = 	snop  }
0x6: {  	_ = 	snop  }
0x7: {  	_ = 	snop  }
__scs_overlays_trampoline_lowered:
0x8: {  	[smem:$0x3FA8] =	sst s0  }
0x9: {  	[smem:$0x3FA9] =	sst s1  }
0xa: {  	[smem:$0x3FAA] =	sst s2  }
0xb: {  	[smem:$0x3FAB] =	sst s3  }
0xc: {  	[smem:$0x3FAC] =	sst s4  }
0xd: {  	[smem:$0x3FAD] =	sst s5  }
0xe: {  	[smem:$0x3FAE] =	sst s6  }
0xf: {  	[smem:$0x3FAF] =	sst s7  }
0x10: {  	[smem:$0x3FB0] =	sst s8  }
0x11: {  	[smem:$0x3FB1] =	sst s9;
	s0 =	simm.s32 @!p0 $0x0  }
0x12: {  	s1 =	sld [smem:$0x3F97];
	s0 =	simm.s32 @p0 $0x1  }
0x13: {  	[smem:$0x3FB2] =	sst s0;
	s0 =	simm.s32 @!p1 $0x0  }
0x14: {  	s2 =	sld [smem:$0x3F96];
	s0 =	simm.s32 @p1 $0x1  }
0x15: {  	[smem:$0x3FB3] =	sst s0;
	s0 =	simm.s32 @!p2 $0x0  }
0x16: {  	s3 =	sld [smem:$0x3FDB];
	s0 =	simm.s32 @p2 $0x1  }
0x17: {  	s4 =	simm.s32 $0x1BF5;
	[smem:$0x3FB5] =	sst s0  }
0x18: {  	s0 =	sld [smem:$0x3F98];
	_ =	swait.ge [sflag:s4], $0x0  }
0x19: {  	s7 =	sld [smem:$0x3F99]  }
0x1a: {  	s8 =	sadd.s32 $0xFFFFE003, lr  }
0x1b: {  	s9 =	sadd.s32 $0xFFFFFEF7, lr;
	s5 =	simm.s32 $0xFFFFFFFF;
	p2 =	slt.u32 s8, $0xFFFFF086  }
0x1c: {  	p1 =	slt.u32 s9, $0xF7A;
	s5 =	simm.s32 @!p2 $0x0  }
0x1d: {  	s5 =	simm.s32 @p1 $0x1;
	p0 =	seq.s32 s7, s2  }
0x1e: {  	s7 =	smul.u32 @!p0 $0xF7A, s2;
	p2 =	seq.s32 @!p0 s5, $0x0  }
0x1f: {  	s9 =	smul.u32 $0xF7A, s1;
	s8 =	simm.s32 @!p0 $0x1BF5;
	p2 =	por !p2, p0  }
0x20: {  	[sflag:s8] =	ssyncset.s32 @!p0 $0xFFFFF086;
	s6 =	sadd.s32 @!p0 s3, s7;
	s7 =	simm.s32 @!p0 $0x108  }
0x21: {  	s3 =	sadd.s32 s3, s9;
	s6 =	sadd.s32 @!p0 $0x88, s6;
	s7 =	simm.s32 @p2 $0x1082  }
0x22: {  	[simem:s7], [sflag:s8] =	dma.local @!p0 [hbm:s6], $0xF7A  }
0x23: {  	s9 =	sor.u32 $0xD0000000, s2;
	s6 =	simm.s32 $0x108;
	_ =	swait.ge @!p0 [sflag:s8], $0x0  }
0x24: {  	s3 =	sadd.s32 $0x88, s3;
	s6 =	simm.s32 @!p1 $0x1082;
	[sflag:s4] =	ssyncset.s32 $0xFFFFF086  }
0x25: {  	[simem:s6], [sflag:s4] =	dma.local [hbm:s3], $0xF7A  }
0x26: {  	[smem:$0x3F99] =	sst s1;
	(tag) =	ssettag s2;
	_ =	strace s9  }
0x27: {  	s1 =	sld [smem:$0x3FA9]  }
0x28: {  	s2 =	sld [smem:$0x3FAA]  }
0x29: {  	s4 =	sld [smem:$0x3FAC]  }
0x2a: {  	p0 =	seq.s32 s5, $0x0;
	s5 =	sld [smem:$0x3FAD]  }
0x2b: {  	s6 =	sld [smem:$0x3FAE]  }
0x2c: {  	s7 =	sld [smem:$0x3FAF]  }
0x2d: {  	s3 =	simm.s32 $0x108;
	s8 =	sld [smem:$0x3FB0]  }
0x2e: {  	s3 =	simm.s32 @!p0 $0x1082;
	s9 =	sld [smem:$0x3FB1]  }
0x2f: {  	lr =	sadd.s32 s0, s3;
	s0 =	sld [smem:$0x3FA8]  }
0x30: {  	s3 =	sld [smem:$0x3FAB]  }
0x31: {  	[smem:$0x3FB4] =	sst s10  }
0x32: {  	s10 =	sld [smem:$0x3FB2];
	_ =	sdelay $0x3  }
0x33: {  	p0 =	seq.s32 s10, $0x1;
	s10 =	sld [smem:$0x3FB4];
	_ =	sdelay $0x3  }
0x34: {  	[smem:$0x3FB4] =	sst s10  }
0x35: {  	s10 =	sld [smem:$0x3FB3];
	_ =	sdelay $0x3  }
0x36: {  	p1 =	seq.s32 s10, $0x1;
	s10 =	sld [smem:$0x3FB4];
	_ =	sdelay $0x3  }
0x37: {  	[smem:$0x3FB4] =	sst s10  }
0x38: {  	s10 =	sld [smem:$0x3FB5]  }
0x39: {  	_ = 	snop;
	(pc) =	sbr.ind lr, $3  }
0x3a: {  	_ = 	snop  }
0x3b: {  	_ = 	snop  }
0x3c: {  	p2 =	seq.s32 s10, $0x1;
	s10 =	sld [smem:$0x3FB4]  }
0x3d: {  	_ =	shalt  }
0x3e: {  	_ =	shalt  }
0x3f: {  	_ =	shalt  }
0x40: {  	_ =	shalt  }
0x41: {  	_ =	shalt  }
0x42: {  	_ =	shalt  }
0x43: {  	_ =	shalt  }
0x44: {  	_ =	shalt  }
0x45: {  	_ =	shalt  }
0x46: {  	_ =	shalt  }
0x47: {  	_ =	shalt  }
0x48: {  	_ =	shalt  }
0x49: {  	_ =	shalt  }
0x4a: {  	_ =	shalt  }
0x4b: {  	_ =	shalt  }
0x4c: {  	_ =	shalt  }
0x4d: {  	_ =	shalt  }
0x4e: {  	_ =	shalt  }
0x4f: {  	_ =	shalt  }
0x50: {  	_ =	shalt  }
0x51: {  	_ =	shalt  }
0x52: {  	_ =	shalt  }
0x53: {  	_ =	shalt  }
0x54: {  	_ =	shalt  }
0x55: {  	_ =	shalt  }
0x56: {  	_ =	shalt  }
0x57: {  	_ =	shalt  }
0x58: {  	_ =	shalt  }
0x59: {  	_ =	shalt  }
0x5a: {  	_ =	shalt  }
0x5b: {  	_ =	shalt  }
0x5c: {  	_ =	shalt  }
0x5d: {  	_ =	shalt  }
0x5e: {  	_ =	shalt  }
0x5f: {  	_ =	shalt  }
0x60: {  	_ =	shalt  }
0x61: {  	_ =	shalt  }
0x62: {  	_ =	shalt  }
0x63: {  	_ =	shalt  }
0x64: {  	_ =	shalt  }
0x65: {  	_ =	shalt  }
0x66: {  	_ =	shalt  }
0x67: {  	_ =	shalt  }
0x68: {  	_ =	shalt  }
0x69: {  	_ =	shalt  }
0x6a: {  	_ =	shalt  }
0x6b: {  	_ =	shalt  }
0x6c: {  	_ =	shalt  }
0x6d: {  	_ =	shalt  }
0x6e: {  	_ =	shalt  }
0x6f: {  	_ =	shalt  }
0x70: {  	_ =	shalt  }
0x71: {  	_ =	shalt  }
0x72: {  	_ =	shalt  }
0x73: {  	_ =	shalt  }
0x74: {  	_ =	shalt  }
0x75: {  	_ =	shalt  }
0x76: {  	_ =	shalt  }
0x77: {  	_ =	shalt  }
0x78: {  	_ =	shalt  }
0x79: {  	_ =	shalt  }
0x7a: {  	_ =	shalt  }
0x7b: {  	_ =	shalt  }
0x7c: {  	_ =	shalt  }
0x7d: {  	_ =	shalt  }
0x7e: {  	_ =	shalt  }
0x7f: {  	_ =	shalt  }
0x80: {  	_ =	shalt  }
0x81: {  	_ =	shalt  }
0x82: {  	_ =	shalt  }
0x83: {  	_ =	shalt  }
0x84: {  	_ =	shalt  }
0x85: {  	_ =	shalt  }
0x86: {  	_ =	shalt  }
0x87: {  	_ =	shalt  }
.Lfunc_end0:
.L_simem_size_0:
called_computation_lowered:
.L_overlay_start_0:
0x88: {  	s2 =	sld [smem:$0x3FD9]  }
0x89: {  	s3 =	sld [smem:$0x3FFE];
	_ =	sdelay $0x1  }
0x8a: {  	s1 =	srdreg.scid  }
0x8b: {  	s0 =	sand.u32 $0x1, s1  }
0x8c: {  	s16 =	sshll.u32 s0, $0xA;
	s2 =	sadd.s32 s3, s2  }
0x8d: {  	s2 =	sadd.s32 s2, s16  }
0x8e: {  	[smem:$0x3FC0] =	sst s2  }
0x8f: {  	_ = 	snop  }
0x90: {  	(tm) =	ssettm $0x1  }
0x91: {  	s17 =	sld [smem:$0x3FFB];
	_ =	sdelay $0x3  }
0x92: {  	_ =	strace s17  }
0x93: {  	s2 =	sld [smem:$0x3FFC];
	_ =	sdelay $0x3  }
0x94: {  	_ =	strace s2  }
0x95: {  	s2 =	sld [smem:$0x3FFD];
	_ =	sdelay $0x3  }
0x96: {  	_ =	strace s2  }
0x97: {  	_ =	strace $0x8FFFFFFF  }
0x98: {  	s18 =	sld [smem:$0x3FDB];
	_ =	sdelay $0x1  }
0x99: {  	s19 =	simm.s32 $_scs_section_size  }
0x9a: {  	s4 =	simm.s32 $_size__tile_overlayer_lowered;
	s5 =	simm.s32 $_tile_overlayer_lowered  }
0x9b: {  	s22 =	simm.s32 $0x1BFF;
	s21 =	sshll.u32 s5, $0x1;
	s2 =	sadd.s32 s19, s18  }
0x9c: {  	s6 =	simm.s32 $0x0;
	s20 =	sshll.u32 s4, $0x1;
	s4 =	sadd.s32 s21, s2  }
0x9d: {  	[timem:s6], [sflag:s22] =	dma.local [hbm:s4], s20  }
0x9e: {  	_ =	swait.ge [sflag:s22], s20  }
0x9f: {  	s3 =	ssub.s32 $0x0, s20;
	[sflag:s22] =	ssyncset.done $0x0  }
0xa0: {  	[sflag:s22] =	ssyncadd.s32 s3;
	_ =	sdelay $0x1  }
0xa1: {  	s23 =	simm.s32 $0x1B8B  }
0xa2: {  	_ =	swait.ge [sflag:s23], $0x1  }
0xa3: {  	[sflag:s23] =	ssyncset.done $0x0  }
0xa4: {  	s25 =	simm.s32 $0x1B8E;
	s24 =	sld [smem:$0x3FFE];
	[sflag:s23] =	ssyncadd.s32 $0xFFFFFFFF  }
0xa5: {  	s26 =	simm.s32 $execute0_lowered;
	[smem:$0x3FD2] =	sst s25  }
0xa6: {  	s4 =	sshll.u32 s26, $0x1;
	_ =	strace $0x80000046;
	[dreg:$0x1] =	wrdreg $0xFFFFFFFF  }
0xa7: {  	s28 =	simm.s32 $_size_execute0_lowered;
	s2 =	sadd.s32 s2, s4;
	[dreg:$0x0] =	wrdreg $0x0  }
0xa8: {  	s4 =	sshll.u32 s28, $0x1;
	[dreg:$0x2] =	wrdreg s2  }
0xa9: {  	[dreg:$0x3] =	wrdreg s4  }
0xaa: {  	[dreg:$0x4] =	wrdreg $0xC0  }
0xab: {  	_ =	task [dreg:s6], $0x5FFFF  }
0xac: {  	[dreg:$0x1] =	wrdreg $0xFFFFFFFF  }
0xad: {  	[dreg:$0x0] =	wrdreg $0x60  }
0xae: {  	[dreg:$0x2] =	wrdreg s24  }
0xaf: {  	[dreg:$0x3] =	wrdreg $0x9  }
0xb0: {  	_ =	task.clear_ibuf [dreg:s6], $0x4FFFF;
	_ =	strace $0x90000046  }
0xb1: {  	s29 =	simm.s32 $0x9;
	_ =	strace $0x80000048  }
0xb2: {  	_ =	swait.ge [sflag:s29], $0x1  }
0xb3: {  	[sflag:s29] =	ssyncadd.s32 $0xFFFFFFFF  }
0xb4: {  	_ =	strace $0x90000048  }
0xb5: {  	_ =	sfence  }
0xb6: {  	s30 =	sld [smem:$0x0];
	_ =	sdelay $0x2  }
0xb7: {  	s31 =	sshll.u32 s1, $0xD;
	s1 =	sshrl.u32 s1, $0x2  }
0xb8: {  	s3 =	sand.u32 $0x4000, s31;
	s1 =	sadd.s32 s1, s30  }
0xb9: {  	s0 =	sor.u32 s3, s0;
	s1 =	sshll.u32 s1, $0x11  }
0xba: {  	s0 =	sor.u32 s1, s0  }
0xbb: {  	s0 =	sadd.s32 $0x8F2B, s0  }
0xbc: {  	[sflag:s0] =	ssyncadd.remote.s32 $0x1  }
0xbd: {  	_ =	sfence.sel $0xFFFF  }
0xbe: {  	[dreg:$0x0] =	wrdreg $0xFFFFFFFF;
	(pc) =	sbr.abs _section_cstart, $3  }
0xbf: {  	[dreg:$0x1] =	wrdreg $0xFFFFFFFF  }
0xc0: {  	_ =	task.clear_ibuf [dreg:s6], $0x2FFFF;
	_ =	strace $0x9FFFFFFF  }
0xc1: {  	(tm) =	ssettm $0x7FFFFFFF  }
tec
execute0_lowered:
.L_overlay_start_1:
0x0: {  	(tag) =	ssettag $0x1  }
0x1: {  	s0 =	rddreg [dreg:$0x0]  }
0x2: {  	s2 =	simm.s32 $0x0;
	s1 =	srdreg.scid;
	s3 =	stileid.u32  }
0x3: {  	s14 =	simm.s32 $0x280;
	s15 =	simm.s32 $0x500;
	s16 =	simm.s32 $0x4  }
0x4: {  	s17 =	simm.s32 $0x80;
	s30 =	simm.s32 $0xC780;
	s31 =	simm.s32 $0x380  }
0x5: {  	s11 =	simm.s32 $0x1;
	s12 =	simm.s32 $0x6;
	s13 =	simm.s32 $0x40  }
0x6: {  	s18 =	simm.s32 $0x1E780;
	s19 =	simm.s32 $0x2;
	s20 =	simm.s32 $0x1EF80  }
0x7: {  	s21 =	simm.s32 $0x3;
	s23 =	simm.s32 $0x0;
	[smem:$0x7FF] =	sst s2  }
0x8: {  	s1 =	sand.u32 $0x1, s1;
	s3 =	sshll.u32 s3, $0x1;
	s4 =	sadd.s32 $0xF43400, s0  }
0x9: {  	s5 =	sadd.s32 $0x1000, s0;
	_ =	strace $0x80000047;
	s7 =	sor.u32 s1, s3  }
0xa: {  	s3 =	sadd.s32 $0x1A1000, s0;
	s1 =	ssub.s32 $0x2, s1;
	s6 =	smul.u32 $0xA00, s7  }
0xb: {  	s24 =	sshrl.u32 s1, $0x1;
	s25 =	smul.u32 $0x140, s7;
	s9 =	sshll.u32 s7, $0xB  }
0xc: {  	s10 =	sshll.u32 s7, $0x7;
	s0 =	ssub.s32 s1, s24;
	s28 =	sadd.s32 s9, s5  }
0xd: {  	s9 =	simm.s32 $0x12780;
	s8 =	sshrl.u32 s6, $0x3;
	s1 =	sadd.s32 s3, s25  }
0xe: {  	s6 =	smul.u32 $0x14, s7;
	s29 =	sadd.s32 $0xC0408, s28;
	[dreg:$0x2] =	wrdreg s1  }
0xf: {  	s0 =	smax.u32 s0, $0x1;
	s7 =	simm.s32 $0x10780;
	[dreg:$0x5] =	wrdreg s29  }
0x10: {  	s8 =	sadd.s32 s3, s8;
	s1 =	sadd.s32 $0xC0608, s28;
	[dreg:$0x7] =	wrdreg s0  }
0x11: {  	s0 =	simm.s32 $0xE780;
	s26 =	sadd.s32 $0x50, s8;
	[dreg:$0x6] =	wrdreg s1  }
0x12: {  	s8 =	sadd.s32 $0xA0, s8;
	s1 =	simm.s32 $0x400;
	[dreg:$0x3] =	wrdreg s26  }
0x13: {  	[dreg:$0x4] =	wrdreg s8;
	s26 =	simm.s32 $0x5;
	s8 =	simm.s32 $0x480  }
.LBB2_1:
0x14: {  	[dreg:$0x8] =	wrdreg s23  }
0x15: {  	s22 =	rddreg [dreg:$0x2]  }
0x16: {  	[tilespmem:s2], [sflag:$0x4] =	stream.linear.gather [hbm4b:s22+s2], $0x280, $0x38;
	[tilespmem:$0x1FF80] =	vst v63  }
0x17: {  	s25 =	rddreg [dreg:$0x3]  }
0x18: {  	[tilespmem:s14], [sflag:$0x5] =	stream.linear.gather [hbm4b:s25+s2], $0x280, $0x38;
	[tilespmem:$0x1FF80] =	vst v63  }
0x19: {  	s28 =	rddreg [dreg:$0x4]  }
0x1a: {  	[tilespmem:s15], [sflag:$0x6] =	stream.linear.gather [hbm4b:s28+s2], $0x280, $0x38;
	[tilespmem:$0x1FF80] =	vst v63  }
0x1b: {  	_ =	swait.ge [sflag:s16], $0x280  }
0x1c: {  	[sflag:s16] =	ssyncset.done $0x0  }
0x1d: {  	s29 =	simm.s32 $0x780;
	[sflag:s16] =	ssyncadd.s32 $0xFFFFFD80  }
0x1e: {  	[tilespmem:s29], [sflag:$0x1] =	stream.indirect.gather [hbm4b:s4+s17], $0x40, s2, s17, $0xb8;
	[tilespmem:$0x1FF80] =	vst v63  }
0x1f: {  	s23 =	simm.s32 $0x2780  }
0x20: {  	[tilespmem:s23], [sflag:$0x1] =	stream.indirect.gather [hbm4b:s4+s17], $0x40, s17, s17, $0xb8;
	[tilespmem:$0x1FF80] =	vst v63  }
0x21: {  	s24 =	simm.s32 $0x100;
	s25 =	simm.s32 $0x4780  }
0x22: {  	[tilespmem:s25], [sflag:$0x1] =	stream.indirect.gather [hbm4b:s4+s17], $0x40, s24, s17, $0xb8;
	[tilespmem:$0x1FF80] =	vst v63  }
0x23: {  	s28 =	simm.s32 $0x180;
	s29 =	simm.s32 $0x6780  }
0x24: {  	[tilespmem:s29], [sflag:$0x1] =	stream.indirect.gather [hbm4b:s4+s17], $0x40, s28, s17, $0xb8;
	[tilespmem:$0x1FF80] =	vst v63  }
0x25: {  	s24 =	simm.s32 $0x200;
	s25 =	simm.s32 $0x8780  }
0x26: {  	[tilespmem:s25], [sflag:$0x1] =	stream.indirect.gather [hbm4b:s4+s17], $0x40, s24, s17, $0xb8;
	[tilespmem:$0x1FF80] =	vst v63  }
0x27: {  	_ =	swait.ge [sflag:s26], $0x280  }
0x28: {  	[sflag:s26] =	ssyncset.done $0x0  }
0x29: {  	s28 =	simm.s32 $0xA780;
	[sflag:s26] =	ssyncadd.s32 $0xFFFFFD80  }
0x2a: {  	[tilespmem:s28], [sflag:$0x2] =	stream.indirect.gather [hbm4b:s4+s17], $0x40, s14, s17, $0xb8;
	[tilespmem:$0x1FF80] =	vst v63  }
0x2b: {  	s29 =	simm.s32 $0x300  }
0x2c: {  	[tilespmem:s30], [sflag:$0x2] =	stream.indirect.gather [hbm4b:s4+s17], $0x40, s29, s17, $0xb8;
	[tilespmem:$0x1FF80] =	vst v63  }
0x2d: {  	_ = 	snop  }
0x2e: {  	[tilespmem:s0], [sflag:$0x2] =	stream.indirect.gather [hbm4b:s4+s17], $0x40, s31, s17, $0xb8;
	[tilespmem:$0x1FF80] =	vst v63  }
0x2f: {  	_ = 	snop  }
0x30: {  	[tilespmem:s7], [sflag:$0x2] =	stream.indirect.gather [hbm4b:s4+s17], $0x40, s1, s17, $0xb8;
	[tilespmem:$0x1FF80] =	vst v63  }
0x31: {  	s22 =	simm.s32 $0x0  }
0x32: {  	[tilespmem:s9], [sflag:$0x2] =	stream.indirect.gather [hbm4b:s4+s17], $0x40, s8, s17, $0xb8;
	[tilespmem:$0x1FF80] =	vst v63  }
.LBB2_2:
0x33: {  	_ =	swait.ge [sflag:s11], $0xA000  }
0x34: {  	[sflag:s11] =	ssyncset.done $0x0  }
0x35: {  	[sflag:s11] =	ssyncadd.s32 $0xFFFF6000  }
0x36: {  	_ =	swait.ge [sflag:s12], $0x280  }
0x37: {  	[sflag:s12] =	ssyncset.done $0x0  }
0x38: {  	s23 =	simm.s32 $0x14780;
	[sflag:s12] =	ssyncadd.s32 $0xFFFFFD80  }
0x39: {  	[tilespmem:s23], [sflag:$0x3] =	stream.indirect.gather [hbm4b:s4+s17], $0x40, s15, s17, $0xb8;
	[tilespmem:$0x1FF80] =	vst v63  }
0x3a: {  	s25 =	simm.s32 $0x580;
	s24 =	simm.s32 $0x16780  }
0x3b: {  	[tilespmem:s24], [sflag:$0x3] =	stream.indirect.gather [hbm4b:s4+s17], $0x40, s25, s17, $0xb8;
	[tilespmem:$0x1FF80] =	vst v63  }
0x3c: {  	s28 =	simm.s32 $0x600;
	s29 =	simm.s32 $0x18780  }
0x3d: {  	[tilespmem:s29], [sflag:$0x3] =	stream.indirect.gather [hbm4b:s4+s17], $0x40, s28, s17, $0xb8;
	[tilespmem:$0x1FF80] =	vst v63  }
0x3e: {  	s23 =	smul.u32 $0x3, s22;
	s25 =	simm.s32 $0x680;
	s28 =	simm.s32 $0x1A780  }
0x3f: {  	[tilespmem:s28], [sflag:$0x3] =	stream.indirect.gather [hbm4b:s4+s17], $0x40, s25, s17, $0xb8;
	[tilespmem:$0x1FF80] =	vst v63  }
0x40: {  	s29 =	simm.s32 $0x700;
	s25 =	simm.s32 $0x1C780;
	s28 =	sadd.s32 $0x3, s23  }
0x41: {  	[tilespmem:s25], [sflag:$0x3] =	stream.indirect.gather [hbm4b:s4+s17], $0x40, s29, s17, $0xb8;
	[tilespmem:$0x1FF80] =	vst v63  }
0x42: {  	s29 =	sshrl.u32 s28, $0x2  }
0x43: {  	s24 =	sand.u32 $0x3, s28;
	s25 =	smul.u32 $0x280, s29  }
0x44: {  	s24 =	smul.u32 $0x5, s24  }
0x45: {  	s25 =	sadd.s32 s6, s25  }
0x46: {  	s24 =	sadd.s32 s24, s25  }
0x47: {  	s24 =	sshll.u32 s24, $0x4  }
0x48: {  	s24 =	sand.u32 $0x1FFFFFF0, s24  }
0x49: {  	p0 =	seq.s32 s22, $0x0;
	s24 =	sadd.s32 s3, s24  }
0x4a: {  	[tilespmem:s2], [sflag:$0x4] =	stream.linear.gather [hbm4b:s24+s2], $0x280, $0x38;
	[tilespmem:$0x1FF80] =	vst v63  }
0x4b: {  	s24 =	simm.s32 @!p0 $0x7  }
0x4c: {  	_ =	swait.ge @!p0 [sflag:s24], $0x800  }
0x4d: {  	[sflag:s24] =	ssyncset.done @!p0 $0x0  }
0x4e: {  	s25 =	simm.s32 $0xA00;
	[sflag:s24] =	ssyncadd.s32 @!p0 $0xFFFFF800;
	s24 =	simm.s32 $0x0  }
.LBB2_3:
0x4f: {  	v0 =	vld [tilespmem:s25+$0xFFFFFD80]  }
0x50: {  	v1 =	vld [tilespmem:s25+$0xFFFFFDC0]  }
0x51: {  	v2 =	vld [tilespmem:s25+$0xFFFFFE00]  }
0x52: {  	v3 =	vld [tilespmem:s25+$0xFFFFFE40]  }
0x53: {  	v4 =	vld [tilespmem:s25+$0xFFFFFE80]  }
0x54: {  	v5 =	vld [tilespmem:s25+$0xFFFFFEC0]  }
0x55: {  	v6 =	vld [tilespmem:s25+$0xFFFFFF00]  }
0x56: {  	v7 =	vld [tilespmem:s25+$0xFFFFFF40]  }
0x57: {  	v8 =	vld [tilespmem:s25+$0xFFFFFF80]  }
0x58: {  	v9 =	vld [tilespmem:s25+$0xFFFFFFC0]  }
0x59: {  	v10 =	vld [tilespmem:s25+$0x0]  }
0x5a: {  	v11 =	vld [tilespmem:s25+$0x40]  }
0x5b: {  	v12 =	vld [tilespmem:s25+$0x80]  }
0x5c: {  	v13 =	vld [tilespmem:s25+$0xC0]  }
0x5d: {  	v14 =	vld [tilespmem:s25+$0x100]  }
0x5e: {  	v15 =	vld [tilespmem:s25+$0x140]  }
0x5f: {  	v16 =	vld [tilespmem:s25+$0x180]  }
0x60: {  	v17 =	vld [tilespmem:s25+$0x1C0]  }
0x61: {  	v18 =	vld [tilespmem:s25+$0x200];
	v0 =	vadd.f32 v1, v0;
	v45 =	vadd.f32 v3, v2  }
0x62: {  	v46 =	vld [tilespmem:s25+$0x240];
	v47 =	vadd.f32 v5, v4;
	v48 =	vadd.f32 v7, v6  }
0x63: {  	v49 =	vadd.f32 v9, v8;
	v50 =	vadd.f32 v11, v10  }
0x64: {  	v51 =	vadd.f32 v13, v12;
	v52 =	vadd.f32 v15, v14  }
0x65: {  	v0 =	vadd.f32 v45, v0;
	v53 =	vadd.f32 v48, v47  }
0x66: {  	v54 =	vadd.f32 v50, v49;
	v55 =	vadd.f32 v52, v51  }
0x67: {  	v56 =	vadd.f32 v17, v16;
	v2 =	vadd.f32 v46, v18  }
0x68: {  	v0 =	vadd.f32 v53, v0;
	v57 =	vadd.f32 v55, v54;
	_ =	sdelay $0x1  }
0x69: {  	v2 =	vadd.f32 v2, v56;
	v0 =	vadd.f32 v57, v0;
	_ =	sdelay $0x1  }
0x6a: {  	v0 =	vadd.f32 v2, v0  }
0x6b: {  	s28 =	sshra.s32 s24, $0x2  }
0x6c: {  	[tilespmem:s28+$0x1E780] =	vst v0  }
0x6d: {  	v0 =	vld [tilespmem:s25+$0xFFFFFD90]  }
0x6e: {  	v58 =	vld [tilespmem:s25+$0xFFFFFDD0]  }
0x6f: {  	v59 =	vld [tilespmem:s25+$0xFFFFFE10]  }
0x70: {  	v60 =	vld [tilespmem:s25+$0xFFFFFE50]  }
0x71: {  	v61 =	vld [tilespmem:s25+$0xFFFFFE90]  }
0x72: {  	v62 =	vld [tilespmem:s25+$0xFFFFFED0]  }
0x73: {  	v63 =	vld [tilespmem:s25+$0xFFFFFF10]  }
0x74: {  	v21 =	vld [tilespmem:s25+$0xFFFFFF50]  }
0x75: {  	v22 =	vld [tilespmem:s25+$0xFFFFFF90]  }
0x76: {  	v23 =	vld [tilespmem:s25+$0xFFFFFFD0]  }
0x77: {  	v24 =	vld [tilespmem:s25+$0x10]  }
0x78: {  	v25 =	vld [tilespmem:s25+$0x50]  }
0x79: {  	v26 =	vld [tilespmem:s25+$0x90]  }
0x7a: {  	v27 =	vld [tilespmem:s25+$0xD0]  }
0x7b: {  	v28 =	vld [tilespmem:s25+$0x110]  }
0x7c: {  	v29 =	vld [tilespmem:s25+$0x150]  }
0x7d: {  	v30 =	vld [tilespmem:s25+$0x190]  }
0x7e: {  	v31 =	vld [tilespmem:s25+$0x1D0]  }
0x7f: {  	v32 =	vld [tilespmem:s25+$0x210];
	v0 =	vadd.f32 v58, v0;
	v33 =	vadd.f32 v60, v59  }
0x80: {  	v34 =	vld [tilespmem:s25+$0x250];
	v35 =	vadd.f32 v62, v61;
	v36 =	vadd.f32 v21, v63  }
0x81: {  	v37 =	vadd.f32 v23, v22;
	v38 =	vadd.f32 v25, v24  }
0x82: {  	v39 =	vadd.f32 v27, v26;
	v40 =	vadd.f32 v29, v28  }
0x83: {  	v0 =	vadd.f32 v33, v0;
	v41 =	vadd.f32 v36, v35  }
0x84: {  	v42 =	vadd.f32 v38, v37;
	v43 =	vadd.f32 v40, v39  }
0x85: {  	v44 =	vadd.f32 v31, v30;
	v2 =	vadd.f32 v34, v32  }
0x86: {  	v0 =	vadd.f32 v41, v0;
	v45 =	vadd.f32 v43, v42;
	_ =	sdelay $0x1  }
0x87: {  	v2 =	vadd.f32 v2, v44;
	v0 =	vadd.f32 v45, v0;
	_ =	sdelay $0x1  }
0x88: {  	v0 =	vadd.f32 v2, v0;
	_ =	sdelay $0x1  }
0x89: {  	[tilespmem:s28+$0x1E790] =	vst v0  }
0x8a: {  	v0 =	vld [tilespmem:s25+$0xFFFFFDA0]  }
0x8b: {  	v46 =	vld [tilespmem:s25+$0xFFFFFDE0]  }
0x8c: {  	v47 =	vld [tilespmem:s25+$0xFFFFFE20]  }
0x8d: {  	v48 =	vld [tilespmem:s25+$0xFFFFFE60]  }
0x8e: {  	v49 =	vld [tilespmem:s25+$0xFFFFFEA0]  }
0x8f: {  	v50 =	vld [tilespmem:s25+$0xFFFFFEE0]  }
0x90: {  	v51 =	vld [tilespmem:s25+$0xFFFFFF20]  }
0x91: {  	v52 =	vld [tilespmem:s25+$0xFFFFFF60]  }
0x92: {  	v53 =	vld [tilespmem:s25+$0xFFFFFFA0]  }
0x93: {  	v54 =	vld [tilespmem:s25+$0xFFFFFFE0]  }
0x94: {  	v55 =	vld [tilespmem:s25+$0x20]  }
0x95: {  	v56 =	vld [tilespmem:s25+$0x60]  }
0x96: {  	v57 =	vld [tilespmem:s25+$0xA0]  }
0x97: {  	v58 =	vld [tilespmem:s25+$0xE0]  }
0x98: {  	v59 =	vld [tilespmem:s25+$0x120]  }
0x99: {  	v60 =	vld [tilespmem:s25+$0x160]  }
0x9a: {  	v61 =	vld [tilespmem:s25+$0x1A0]  }
0x9b: {  	v62 =	vld [tilespmem:s25+$0x1E0]  }
0x9c: {  	v63 =	vld [tilespmem:s25+$0x220];
	v0 =	vadd.f32 v46, v0;
	v20 =	vadd.f32 v48, v47  }
0x9d: {  	v21 =	vld [tilespmem:s25+$0x260];
	v22 =	vadd.f32 v50, v49;
	v23 =	vadd.f32 v52, v51  }
0x9e: {  	v24 =	vadd.f32 v54, v53;
	v25 =	vadd.f32 v56, v55  }
0x9f: {  	v26 =	vadd.f32 v58, v57;
	v27 =	vadd.f32 v60, v59  }
0xa0: {  	v0 =	vadd.f32 v20, v0;
	v28 =	vadd.f32 v23, v22  }
0xa1: {  	v29 =	vadd.f32 v25, v24;
	v30 =	vadd.f32 v27, v26  }
0xa2: {  	v31 =	vadd.f32 v62, v61;
	v2 =	vadd.f32 v21, v63  }
0xa3: {  	v0 =	vadd.f32 v28, v0;
	v32 =	vadd.f32 v30, v29;
	_ =	sdelay $0x1  }
0xa4: {  	v2 =	vadd.f32 v2, v31;
	v0 =	vadd.f32 v32, v0;
	_ =	sdelay $0x1  }
0xa5: {  	v0 =	vadd.f32 v2, v0;
	_ =	sdelay $0x1  }
0xa6: {  	[tilespmem:s28+$0x1E7A0] =	vst v0  }
0xa7: {  	v0 =	vld [tilespmem:s25+$0xFFFFFDB0]  }
0xa8: {  	v33 =	vld [tilespmem:s25+$0xFFFFFDF0]  }
0xa9: {  	v34 =	vld [tilespmem:s25+$0xFFFFFE30]  }
0xaa: {  	v35 =	vld [tilespmem:s25+$0xFFFFFE70]  }
0xab: {  	v36 =	vld [tilespmem:s25+$0xFFFFFEB0]  }
0xac: {  	v37 =	vld [tilespmem:s25+$0xFFFFFEF0]  }
0xad: {  	v38 =	vld [tilespmem:s25+$0xFFFFFF30]  }
0xae: {  	v39 =	vld [tilespmem:s25+$0xFFFFFF70]  }
0xaf: {  	v40 =	vld [tilespmem:s25+$0xFFFFFFB0]  }
0xb0: {  	v41 =	vld [tilespmem:s25+$0xFFFFFFF0]  }
0xb1: {  	v42 =	vld [tilespmem:s25+$0x30]  }
0xb2: {  	v43 =	vld [tilespmem:s25+$0x70]  }
0xb3: {  	v44 =	vld [tilespmem:s25+$0xB0]  }
0xb4: {  	v45 =	vld [tilespmem:s25+$0xF0]  }
0xb5: {  	v46 =	vld [tilespmem:s25+$0x130]  }
0xb6: {  	v47 =	vld [tilespmem:s25+$0x170]  }
0xb7: {  	v48 =	vld [tilespmem:s25+$0x1B0]  }
0xb8: {  	v49 =	vld [tilespmem:s25+$0x1F0]  }
0xb9: {  	v50 =	vld [tilespmem:s25+$0x230];
	v0 =	vadd.f32 v33, v0;
	v51 =	vadd.f32 v35, v34  }
0xba: {  	v52 =	vld [tilespmem:s25+$0x270];
	v53 =	vadd.f32 v37, v36;
	v54 =	vadd.f32 v39, v38  }
0xbb: {  	v55 =	vadd.f32 v41, v40;
	v56 =	vadd.f32 v43, v42  }
0xbc: {  	v57 =	vadd.f32 v45, v44;
	v58 =	vadd.f32 v47, v46  }
0xbd: {  	v0 =	vadd.f32 v51, v0;
	v59 =	vadd.f32 v54, v53  }
0xbe: {  	v60 =	vadd.f32 v56, v55;
	v61 =	vadd.f32 v58, v57  }
0xbf: {  	v62 =	vadd.f32 v49, v48;
	v2 =	vadd.f32 v52, v50  }
0xc0: {  	v0 =	vadd.f32 v59, v0;
	v63 =	vadd.f32 v61, v60  }
0xc1: {  	p1 =	sne.s32 s24, $0x1F00  }
.Ltmp0:
0xc2: {  	v2 =	vadd.f32 v2, v62;
	v0 =	vadd.f32 v63, v0;
	(pc) =	sbr.rel @p1 .LBB2_3-.Ltmp0, $3  }
0xc3: {  	_ = 	snop  }
0xc4: {  	v0 =	vadd.f32 v2, v0;
	_ =	sdelay $0x1  }
0xc5: {  	s24 =	sadd.s32 $0x100, s24;
	s25 =	sadd.s32 $0x500, s25;
	[tilespmem:s28+$0x1E7B0] =	vst v0  }
0xc6: {  	s24 =	smul.u32 $0x60, s22;
	_ =	sdelay $0x1  }
0xc7: {  	s25 =	smul.u32 $0x30000, s22;
	s24 =	sand.u32 $0x60, s24  }
0xc8: {  	s28 =	smul.u32 $0x30, s22;
	s24 =	sor.u32 s10, s24  }
0xc9: {  	s25 =	sand.u32 $0xF80000, s25;
	s24 =	sshll.u32 s24, $0x7  }
0xca: {  	s29 =	sand.u32 $0x40, s28;
	s24 =	sor.u32 s25, s24  }
0xcb: {  	s24 =	sor.u32 s29, s24  }
0xcc: {  	s24 =	sshrl.u32 s24, $0x3  }
0xcd: {  	s24 =	sadd.s32 s5, s24  }
0xce: {  	[hbm4b:s24+s13] =	stream.strided.scatter [tilespmem:s18], [sflag:$0x7], $0x800, s17, s13, $0x38;
	[tilespmem:$0x1FF80] =	vst v63  }
0xcf: {  	_ =	swait.ge [sflag:s19], $0xA000  }
0xd0: {  	[sflag:s19] =	ssyncset.done $0x0  }
0xd1: {  	[sflag:s19] =	ssyncadd.s32 $0xFFFF6000  }
0xd2: {  	_ =	swait.ge [sflag:s16], $0x280  }
0xd3: {  	[sflag:s16] =	ssyncset.done $0x0  }
0xd4: {  	s25 =	simm.s32 $0x780;
	[sflag:s16] =	ssyncadd.s32 $0xFFFFFD80  }
0xd5: {  	[tilespmem:s25], [sflag:$0x1] =	stream.indirect.gather [hbm4b:s4+s17], $0x40, s2, s17, $0xb8;
	[tilespmem:$0x1FF80] =	vst v63  }
0xd6: {  	s29 =	simm.s32 $0x2780  }
0xd7: {  	[tilespmem:s29], [sflag:$0x1] =	stream.indirect.gather [hbm4b:s4+s17], $0x40, s17, s17, $0xb8;
	[tilespmem:$0x1FF80] =	vst v63  }
0xd8: {  	s25 =	simm.s32 $0x100;
	s29 =	simm.s32 $0x4780  }
0xd9: {  	[tilespmem:s29], [sflag:$0x1] =	stream.indirect.gather [hbm4b:s4+s17], $0x40, s25, s17, $0xb8;
	[tilespmem:$0x1FF80] =	vst v63  }
0xda: {  	s25 =	simm.s32 $0x180;
	s29 =	simm.s32 $0x6780  }
0xdb: {  	[tilespmem:s29], [sflag:$0x1] =	stream.indirect.gather [hbm4b:s4+s17], $0x40, s25, s17, $0xb8;
	[tilespmem:$0x1FF80] =	vst v63  }
0xdc: {  	s25 =	simm.s32 $0x200;
	s29 =	simm.s32 $0x8780  }
0xdd: {  	[tilespmem:s29], [sflag:$0x1] =	stream.indirect.gather [hbm4b:s4+s17], $0x40, s25, s17, $0xb8;
	[tilespmem:$0x1FF80] =	vst v63  }
0xde: {  	s25 =	sadd.s32 $0x4, s23;
	s29 =	sand.u32 $0x3, s23  }
0xdf: {  	s24 =	sshrl.u32 s25, $0x2;
	s25 =	smul.u32 $0x5, s29  }
0xe0: {  	s24 =	smul.u32 $0x280, s24  }
0xe1: {  	s25 =	sadd.s32 s6, s25  }
0xe2: {  	s24 =	sadd.s32 s24, s25  }
0xe3: {  	s24 =	sshll.u32 s24, $0x4  }
0xe4: {  	s24 =	sand.u32 $0x1FFFFFF0, s24  }
0xe5: {  	s25 =	simm.s32 @!p0 $0x8;
	s24 =	sadd.s32 s3, s24  }
0xe6: {  	[tilespmem:s14], [sflag:$0x5] =	stream.linear.gather [hbm4b:s24+s2], $0x280, $0x38;
	[tilespmem:$0x1FF80] =	vst v63  }
0xe7: {  	_ =	swait.ge @!p0 [sflag:s25], $0x800  }
0xe8: {  	s28 =	simm.s32 $0xAA00;
	[sflag:s25] =	ssyncset.done @!p0 $0x0  }
0xe9: {  	s24 =	sadd.s32 $0x1, s23;
	[sflag:s25] =	ssyncadd.s32 @!p0 $0xFFFFF800;
	s25 =	simm.s32 $0x0  }
.LBB2_5:
0xea: {  	v0 =	vld [tilespmem:s28+$0xFFFFFD80]  }
0xeb: {  	v1 =	vld [tilespmem:s28+$0xFFFFFDC0]  }
0xec: {  	v2 =	vld [tilespmem:s28+$0xFFFFFE00]  }
0xed: {  	v3 =	vld [tilespmem:s28+$0xFFFFFE40]  }
0xee: {  	v4 =	vld [tilespmem:s28+$0xFFFFFE80]  }
0xef: {  	v5 =	vld [tilespmem:s28+$0xFFFFFEC0]  }
0xf0: {  	v6 =	vld [tilespmem:s28+$0xFFFFFF00]  }
0xf1: {  	v7 =	vld [tilespmem:s28+$0xFFFFFF40]  }
0xf2: {  	v8 =	vld [tilespmem:s28+$0xFFFFFF80]  }
0xf3: {  	v9 =	vld [tilespmem:s28+$0xFFFFFFC0]  }
0xf4: {  	v10 =	vld [tilespmem:s28+$0x0]  }
0xf5: {  	v11 =	vld [tilespmem:s28+$0x40]  }
0xf6: {  	v12 =	vld [tilespmem:s28+$0x80]  }
0xf7: {  	v13 =	vld [tilespmem:s28+$0xC0]  }
0xf8: {  	v14 =	vld [tilespmem:s28+$0x100]  }
0xf9: {  	v15 =	vld [tilespmem:s28+$0x140]  }
0xfa: {  	v16 =	vld [tilespmem:s28+$0x180]  }
0xfb: {  	v17 =	vld [tilespmem:s28+$0x1C0]  }
0xfc: {  	v18 =	vld [tilespmem:s28+$0x200];
	v0 =	vadd.f32 v1, v0;
	v45 =	vadd.f32 v3, v2  }
0xfd: {  	v46 =	vld [tilespmem:s28+$0x240];
	v47 =	vadd.f32 v5, v4;
	v48 =	vadd.f32 v7, v6  }
0xfe: {  	v49 =	vadd.f32 v9, v8;
	v50 =	vadd.f32 v11, v10  }
0xff: {  	v51 =	vadd.f32 v13, v12;
	v52 =	vadd.f32 v15, v14  }
0x100: {  	v0 =	vadd.f32 v45, v0;
	v53 =	vadd.f32 v48, v47  }
0x101: {  	v54 =	vadd.f32 v50, v49;
	v55 =	vadd.f32 v52, v51  }
0x102: {  	v56 =	vadd.f32 v17, v16;
	v2 =	vadd.f32 v46, v18  }
0x103: {  	v0 =	vadd.f32 v53, v0;
	v57 =	vadd.f32 v55, v54;
	_ =	sdelay $0x1  }
0x104: {  	v2 =	vadd.f32 v2, v56;
	v0 =	vadd.f32 v57, v0;
	_ =	sdelay $0x1  }
0x105: {  	v0 =	vadd.f32 v2, v0  }
0x106: {  	s29 =	sshra.s32 s25, $0x2  }
0x107: {  	[tilespmem:s29+$0x1EF80] =	vst v0  }
0x108: {  	v0 =	vld [tilespmem:s28+$0xFFFFFD90]  }
0x109: {  	v58 =	vld [tilespmem:s28+$0xFFFFFDD0]  }
0x10a: {  	v59 =	vld [tilespmem:s28+$0xFFFFFE10]  }
0x10b: {  	v60 =	vld [tilespmem:s28+$0xFFFFFE50]  }
0x10c: {  	v61 =	vld [tilespmem:s28+$0xFFFFFE90]  }
0x10d: {  	v62 =	vld [tilespmem:s28+$0xFFFFFED0]  }
0x10e: {  	v63 =	vld [tilespmem:s28+$0xFFFFFF10]  }
0x10f: {  	v21 =	vld [tilespmem:s28+$0xFFFFFF50]  }
0x110: {  	v22 =	vld [tilespmem:s28+$0xFFFFFF90]  }
0x111: {  	v23 =	vld [tilespmem:s28+$0xFFFFFFD0]  }
0x112: {  	v24 =	vld [tilespmem:s28+$0x10]  }
0x113: {  	v25 =	vld [tilespmem:s28+$0x50]  }
0x114: {  	v26 =	vld [tilespmem:s28+$0x90]  }
0x115: {  	v27 =	vld [tilespmem:s28+$0xD0]  }
0x116: {  	v28 =	vld [tilespmem:s28+$0x110]  }
0x117: {  	v29 =	vld [tilespmem:s28+$0x150]  }
0x118: {  	v30 =	vld [tilespmem:s28+$0x190]  }
0x119: {  	v31 =	vld [tilespmem:s28+$0x1D0]  }
0x11a: {  	v32 =	vld [tilespmem:s28+$0x210];
	v0 =	vadd.f32 v58, v0;
	v33 =	vadd.f32 v60, v59  }
0x11b: {  	v34 =	vld [tilespmem:s28+$0x250];
	v35 =	vadd.f32 v62, v61;
	v36 =	vadd.f32 v21, v63  }
0x11c: {  	v37 =	vadd.f32 v23, v22;
	v38 =	vadd.f32 v25, v24  }
0x11d: {  	v39 =	vadd.f32 v27, v26;
	v40 =	vadd.f32 v29, v28  }
0x11e: {  	v0 =	vadd.f32 v33, v0;
	v41 =	vadd.f32 v36, v35  }
0x11f: {  	v42 =	vadd.f32 v38, v37;
	v43 =	vadd.f32 v40, v39  }
0x120: {  	v44 =	vadd.f32 v31, v30;
	v2 =	vadd.f32 v34, v32  }
0x121: {  	v0 =	vadd.f32 v41, v0;
	v45 =	vadd.f32 v43, v42;
	_ =	sdelay $0x1  }
0x122: {  	v2 =	vadd.f32 v2, v44;
	v0 =	vadd.f32 v45, v0;
	_ =	sdelay $0x1  }
0x123: {  	v0 =	vadd.f32 v2, v0;
	_ =	sdelay $0x1  }
0x124: {  	[tilespmem:s29+$0x1EF90] =	vst v0  }
0x125: {  	v0 =	vld [tilespmem:s28+$0xFFFFFDA0]  }
0x126: {  	v46 =	vld [tilespmem:s28+$0xFFFFFDE0]  }
0x127: {  	v47 =	vld [tilespmem:s28+$0xFFFFFE20]  }
0x128: {  	v48 =	vld [tilespmem:s28+$0xFFFFFE60]  }
0x129: {  	v49 =	vld [tilespmem:s28+$0xFFFFFEA0]  }
0x12a: {  	v50 =	vld [tilespmem:s28+$0xFFFFFEE0]  }
0x12b: {  	v51 =	vld [tilespmem:s28+$0xFFFFFF20]  }
0x12c: {  	v52 =	vld [tilespmem:s28+$0xFFFFFF60]  }
0x12d: {  	v53 =	vld [tilespmem:s28+$0xFFFFFFA0]  }
0x12e: {  	v54 =	vld [tilespmem:s28+$0xFFFFFFE0]  }
0x12f: {  	v55 =	vld [tilespmem:s28+$0x20]  }
0x130: {  	v56 =	vld [tilespmem:s28+$0x60]  }
0x131: {  	v57 =	vld [tilespmem:s28+$0xA0]  }
0x132: {  	v58 =	vld [tilespmem:s28+$0xE0]  }
0x133: {  	v59 =	vld [tilespmem:s28+$0x120]  }
0x134: {  	v60 =	vld [tilespmem:s28+$0x160]  }
0x135: {  	v61 =	vld [tilespmem:s28+$0x1A0]  }
0x136: {  	v62 =	vld [tilespmem:s28+$0x1E0]  }
0x137: {  	v63 =	vld [tilespmem:s28+$0x220];
	v0 =	vadd.f32 v46, v0;
	v20 =	vadd.f32 v48, v47  }
0x138: {  	v21 =	vld [tilespmem:s28+$0x260];
	v22 =	vadd.f32 v50, v49;
	v23 =	vadd.f32 v52, v51  }
0x139: {  	v24 =	vadd.f32 v54, v53;
	v25 =	vadd.f32 v56, v55  }
0x13a: {  	v26 =	vadd.f32 v58, v57;
	v27 =	vadd.f32 v60, v59  }
0x13b: {  	v0 =	vadd.f32 v20, v0;
	v28 =	vadd.f32 v23, v22  }
0x13c: {  	v29 =	vadd.f32 v25, v24;
	v30 =	vadd.f32 v27, v26  }
0x13d: {  	v31 =	vadd.f32 v62, v61;
	v2 =	vadd.f32 v21, v63  }
0x13e: {  	v0 =	vadd.f32 v28, v0;
	v32 =	vadd.f32 v30, v29;
	_ =	sdelay $0x1  }
0x13f: {  	v2 =	vadd.f32 v2, v31;
	v0 =	vadd.f32 v32, v0;
	_ =	sdelay $0x1  }
0x140: {  	v0 =	vadd.f32 v2, v0;
	_ =	sdelay $0x1  }
0x141: {  	[tilespmem:s29+$0x1EFA0] =	vst v0  }
0x142: {  	v0 =	vld [tilespmem:s28+$0xFFFFFDB0]  }
0x143: {  	v33 =	vld [tilespmem:s28+$0xFFFFFDF0]  }
0x144: {  	v34 =	vld [tilespmem:s28+$0xFFFFFE30]  }
0x145: {  	v35 =	vld [tilespmem:s28+$0xFFFFFE70]  }
0x146: {  	v36 =	vld [tilespmem:s28+$0xFFFFFEB0]  }
0x147: {  	v37 =	vld [tilespmem:s28+$0xFFFFFEF0]  }
0x148: {  	v38 =	vld [tilespmem:s28+$0xFFFFFF30]  }
0x149: {  	v39 =	vld [tilespmem:s28+$0xFFFFFF70]  }
0x14a: {  	v40 =	vld [tilespmem:s28+$0xFFFFFFB0]  }
0x14b: {  	v41 =	vld [tilespmem:s28+$0xFFFFFFF0]  }
0x14c: {  	v42 =	vld [tilespmem:s28+$0x30]  }
0x14d: {  	v43 =	vld [tilespmem:s28+$0x70]  }
0x14e: {  	v44 =	vld [tilespmem:s28+$0xB0]  }
0x14f: {  	v45 =	vld [tilespmem:s28+$0xF0]  }
0x150: {  	v46 =	vld [tilespmem:s28+$0x130]  }
0x151: {  	v47 =	vld [tilespmem:s28+$0x170]  }
0x152: {  	v48 =	vld [tilespmem:s28+$0x1B0]  }
0x153: {  	v49 =	vld [tilespmem:s28+$0x1F0]  }
0x154: {  	v50 =	vld [tilespmem:s28+$0x230];
	v0 =	vadd.f32 v33, v0;
	v51 =	vadd.f32 v35, v34  }
0x155: {  	v52 =	vld [tilespmem:s28+$0x270];
	v53 =	vadd.f32 v37, v36;
	v54 =	vadd.f32 v39, v38  }
0x156: {  	v55 =	vadd.f32 v41, v40;
	v56 =	vadd.f32 v43, v42  }
0x157: {  	v57 =	vadd.f32 v45, v44;
	v58 =	vadd.f32 v47, v46  }
0x158: {  	v0 =	vadd.f32 v51, v0;
	v59 =	vadd.f32 v54, v53  }
0x159: {  	v60 =	vadd.f32 v56, v55;
	v61 =	vadd.f32 v58, v57  }
0x15a: {  	v62 =	vadd.f32 v49, v48;
	v2 =	vadd.f32 v52, v50  }
0x15b: {  	v0 =	vadd.f32 v59, v0;
	v63 =	vadd.f32 v61, v60  }
0x15c: {  	p1 =	sne.s32 s25, $0x1F00  }
.Ltmp1:
0x15d: {  	v2 =	vadd.f32 v2, v62;
	v0 =	vadd.f32 v63, v0;
	(pc) =	sbr.rel @p1 .LBB2_5-.Ltmp1, $3  }
0x15e: {  	_ = 	snop  }
0x15f: {  	v0 =	vadd.f32 v2, v0;
	_ =	sdelay $0x1  }
0x160: {  	s25 =	sadd.s32 $0x100, s25;
	s28 =	sadd.s32 $0x500, s28;
	[tilespmem:s29+$0x1EFB0] =	vst v0  }
0x161: {  	s25 =	sshll.u32 s24, $0xD;
	s28 =	sshll.u32 s24, $0x5  }
0x162: {  	s29 =	sshll.u32 s24, $0x1;
	s25 =	sand.u32 $0x3F0000, s25;
	s28 =	sand.u32 $0x60, s28  }
0x163: {  	s24 =	sand.u32 $0x8, s29;
	s28 =	sor.u32 s10, s28;
	s25 =	sadd.s32 s5, s25  }
0x164: {  	s28 =	sshll.u32 s28, $0x4;
	s24 =	sadd.s32 s24, s25  }
0x165: {  	s24 =	sadd.s32 s28, s24  }
0x166: {  	[hbm4b:s24+s13] =	stream.strided.scatter [tilespmem:s20], [sflag:$0x8], $0x800, s17, s13, $0x38;
	[tilespmem:$0x1FF80] =	vst v63  }
0x167: {  	_ =	swait.ge [sflag:s21], $0xA000  }
0x168: {  	[sflag:s21] =	ssyncset.done $0x0  }
0x169: {  	[sflag:s21] =	ssyncadd.s32 $0xFFFF6000  }
0x16a: {  	_ =	swait.ge [sflag:s26], $0x280  }
0x16b: {  	s28 =	smin.u32 s23, $0x62;
	[sflag:s26] =	ssyncset.done $0x0  }
0x16c: {  	s29 =	simm.s32 $0xA780;
	s24 =	sadd.s32 $0x5, s28;
	[sflag:s26] =	ssyncadd.s32 $0xFFFFFD80  }
0x16d: {  	[tilespmem:s29], [sflag:$0x2] =	stream.indirect.gather [hbm4b:s4+s17], $0x40, s14, s17, $0xb8;
	[tilespmem:$0x1FF80] =	vst v63  }
0x16e: {  	s29 =	sshrl.u32 s24, $0x2;
	s24 =	sand.u32 $0x3, s24  }
0x16f: {  	s25 =	simm.s32 $0x300;
	s24 =	smul.u32 $0x5, s24  }
0x170: {  	[tilespmem:s30], [sflag:$0x2] =	stream.indirect.gather [hbm4b:s4+s17], $0x40, s25, s17, $0xb8;
	[tilespmem:$0x1FF80] =	vst v63  }
0x171: {  	s25 =	smul.u32 $0x280, s29  }
0x172: {  	[tilespmem:s0], [sflag:$0x2] =	stream.indirect.gather [hbm4b:s4+s17], $0x40, s31, s17, $0xb8;
	[tilespmem:$0x1FF80] =	vst v63  }
0x173: {  	s25 =	sadd.s32 s6, s25  }
0x174: {  	s24 =	sadd.s32 s24, s25  }
0x175: {  	[tilespmem:s7], [sflag:$0x2] =	stream.indirect.gather [hbm4b:s4+s17], $0x40, s1, s17, $0xb8;
	[tilespmem:$0x1FF80] =	vst v63  }
0x176: {  	s24 =	sshll.u32 s24, $0x4  }
0x177: {  	s24 =	sand.u32 $0x1FFFFFF0, s24  }
0x178: {  	[tilespmem:s9], [sflag:$0x2] =	stream.indirect.gather [hbm4b:s4+s17], $0x40, s8, s17, $0xb8;
	[tilespmem:$0x1FF80] =	vst v63  }
0x179: {  	s24 =	sadd.s32 s3, s24  }
0x17a: {  	[tilespmem:s15], [sflag:$0x6] =	stream.linear.gather [hbm4b:s24+s2], $0x280, $0x38;
	[tilespmem:$0x1FF80] =	vst v63  }
0x17b: {  	s24 =	simm.s32 @!p0 $0x9  }
0x17c: {  	_ =	swait.ge @!p0 [sflag:s24], $0x800  }
0x17d: {  	s23 =	sadd.s32 $0x2, s23;
	[sflag:s24] =	ssyncset.done @!p0 $0x0  }
0x17e: {  	s25 =	simm.s32 $0x14A00;
	[sflag:s24] =	ssyncadd.s32 @!p0 $0xFFFFF800;
	s24 =	simm.s32 $0x0  }
.LBB2_7:
0x17f: {  	v0 =	vld [tilespmem:s25+$0xFFFFFD80]  }
0x180: {  	v1 =	vld [tilespmem:s25+$0xFFFFFDC0]  }
0x181: {  	v2 =	vld [tilespmem:s25+$0xFFFFFE00]  }
0x182: {  	v3 =	vld [tilespmem:s25+$0xFFFFFE40]  }
0x183: {  	v4 =	vld [tilespmem:s25+$0xFFFFFE80]  }
0x184: {  	v5 =	vld [tilespmem:s25+$0xFFFFFEC0]  }
0x185: {  	v6 =	vld [tilespmem:s25+$0xFFFFFF00]  }
0x186: {  	v7 =	vld [tilespmem:s25+$0xFFFFFF40]  }
0x187: {  	v8 =	vld [tilespmem:s25+$0xFFFFFF80]  }
0x188: {  	v9 =	vld [tilespmem:s25+$0xFFFFFFC0]  }
0x189: {  	v10 =	vld [tilespmem:s25+$0x0]  }
0x18a: {  	v11 =	vld [tilespmem:s25+$0x40]  }
0x18b: {  	v12 =	vld [tilespmem:s25+$0x80]  }
0x18c: {  	v13 =	vld [tilespmem:s25+$0xC0]  }
0x18d: {  	v14 =	vld [tilespmem:s25+$0x100]  }
0x18e: {  	v15 =	vld [tilespmem:s25+$0x140]  }
0x18f: {  	v16 =	vld [tilespmem:s25+$0x180]  }
0x190: {  	v17 =	vld [tilespmem:s25+$0x1C0]  }
0x191: {  	v18 =	vld [tilespmem:s25+$0x200];
	v0 =	vadd.f32 v1, v0;
	v45 =	vadd.f32 v3, v2  }
0x192: {  	v46 =	vld [tilespmem:s25+$0x240];
	v47 =	vadd.f32 v5, v4;
	v48 =	vadd.f32 v7, v6  }
0x193: {  	v49 =	vadd.f32 v9, v8;
	v50 =	vadd.f32 v11, v10  }
0x194: {  	v51 =	vadd.f32 v13, v12;
	v52 =	vadd.f32 v15, v14  }
0x195: {  	v0 =	vadd.f32 v45, v0;
	v53 =	vadd.f32 v48, v47  }
0x196: {  	v54 =	vadd.f32 v50, v49;
	v55 =	vadd.f32 v52, v51  }
0x197: {  	v56 =	vadd.f32 v17, v16;
	v2 =	vadd.f32 v46, v18  }
0x198: {  	v0 =	vadd.f32 v53, v0;
	v57 =	vadd.f32 v55, v54;
	_ =	sdelay $0x1  }
0x199: {  	v2 =	vadd.f32 v2, v56;
	v0 =	vadd.f32 v57, v0;
	_ =	sdelay $0x1  }
0x19a: {  	v0 =	vadd.f32 v2, v0  }
0x19b: {  	s28 =	sshra.s32 s24, $0x2  }
0x19c: {  	[tilespmem:s28+$0x1F780] =	vst v0  }
0x19d: {  	v0 =	vld [tilespmem:s25+$0xFFFFFD90]  }
0x19e: {  	v58 =	vld [tilespmem:s25+$0xFFFFFDD0]  }
0x19f: {  	v59 =	vld [tilespmem:s25+$0xFFFFFE10]  }
0x1a0: {  	v60 =	vld [tilespmem:s25+$0xFFFFFE50]  }
0x1a1: {  	v61 =	vld [tilespmem:s25+$0xFFFFFE90]  }
0x1a2: {  	v62 =	vld [tilespmem:s25+$0xFFFFFED0]  }
0x1a3: {  	v63 =	vld [tilespmem:s25+$0xFFFFFF10]  }
0x1a4: {  	v21 =	vld [tilespmem:s25+$0xFFFFFF50]  }
0x1a5: {  	v22 =	vld [tilespmem:s25+$0xFFFFFF90]  }
0x1a6: {  	v23 =	vld [tilespmem:s25+$0xFFFFFFD0]  }
0x1a7: {  	v24 =	vld [tilespmem:s25+$0x10]  }
0x1a8: {  	v25 =	vld [tilespmem:s25+$0x50]  }
0x1a9: {  	v26 =	vld [tilespmem:s25+$0x90]  }
0x1aa: {  	v27 =	vld [tilespmem:s25+$0xD0]  }
0x1ab: {  	v28 =	vld [tilespmem:s25+$0x110]  }
0x1ac: {  	v29 =	vld [tilespmem:s25+$0x150]  }
0x1ad: {  	v30 =	vld [tilespmem:s25+$0x190]  }
0x1ae: {  	v31 =	vld [tilespmem:s25+$0x1D0]  }
0x1af: {  	v32 =	vld [tilespmem:s25+$0x210];
	v0 =	vadd.f32 v58, v0;
	v33 =	vadd.f32 v60, v59  }
0x1b0: {  	v34 =	vld [tilespmem:s25+$0x250];
	v35 =	vadd.f32 v62, v61;
	v36 =	vadd.f32 v21, v63  }
0x1b1: {  	v37 =	vadd.f32 v23, v22;
	v38 =	vadd.f32 v25, v24  }
0x1b2: {  	v39 =	vadd.f32 v27, v26;
	v40 =	vadd.f32 v29, v28  }
0x1b3: {  	v0 =	vadd.f32 v33, v0;
	v41 =	vadd.f32 v36, v35  }
0x1b4: {  	v42 =	vadd.f32 v38, v37;
	v43 =	vadd.f32 v40, v39  }
0x1b5: {  	v44 =	vadd.f32 v31, v30;
	v2 =	vadd.f32 v34, v32  }
0x1b6: {  	v0 =	vadd.f32 v41, v0;
	v45 =	vadd.f32 v43, v42;
	_ =	sdelay $0x1  }
0x1b7: {  	v2 =	vadd.f32 v2, v44;
	v0 =	vadd.f32 v45, v0;
	_ =	sdelay $0x1  }
0x1b8: {  	v0 =	vadd.f32 v2, v0;
	_ =	sdelay $0x1  }
0x1b9: {  	[tilespmem:s28+$0x1F790] =	vst v0  }
0x1ba: {  	v0 =	vld [tilespmem:s25+$0xFFFFFDA0]  }
0x1bb: {  	v46 =	vld [tilespmem:s25+$0xFFFFFDE0]  }
0x1bc: {  	v47 =	vld [tilespmem:s25+$0xFFFFFE20]  }
0x1bd: {  	v48 =	vld [tilespmem:s25+$0xFFFFFE60]  }
0x1be: {  	v49 =	vld [tilespmem:s25+$0xFFFFFEA0]  }
0x1bf: {  	v50 =	vld [tilespmem:s25+$0xFFFFFEE0]  }
0x1c0: {  	v51 =	vld [tilespmem:s25+$0xFFFFFF20]  }
0x1c1: {  	v52 =	vld [tilespmem:s25+$0xFFFFFF60]  }
0x1c2: {  	v53 =	vld [tilespmem:s25+$0xFFFFFFA0]  }
0x1c3: {  	v54 =	vld [tilespmem:s25+$0xFFFFFFE0]  }
0x1c4: {  	v55 =	vld [tilespmem:s25+$0x20]  }
0x1c5: {  	v56 =	vld [tilespmem:s25+$0x60]  }
0x1c6: {  	v57 =	vld [tilespmem:s25+$0xA0]  }
0x1c7: {  	v58 =	vld [tilespmem:s25+$0xE0]  }
0x1c8: {  	v59 =	vld [tilespmem:s25+$0x120]  }
0x1c9: {  	v60 =	vld [tilespmem:s25+$0x160]  }
0x1ca: {  	v61 =	vld [tilespmem:s25+$0x1A0]  }
0x1cb: {  	v62 =	vld [tilespmem:s25+$0x1E0]  }
0x1cc: {  	v63 =	vld [tilespmem:s25+$0x220];
	v0 =	vadd.f32 v46, v0;
	v20 =	vadd.f32 v48, v47  }
0x1cd: {  	v21 =	vld [tilespmem:s25+$0x260];
	v22 =	vadd.f32 v50, v49;
	v23 =	vadd.f32 v52, v51  }
0x1ce: {  	v24 =	vadd.f32 v54, v53;
	v25 =	vadd.f32 v56, v55  }
0x1cf: {  	v26 =	vadd.f32 v58, v57;
	v27 =	vadd.f32 v60, v59  }
0x1d0: {  	v0 =	vadd.f32 v20, v0;
	v28 =	vadd.f32 v23, v22  }
0x1d1: {  	v29 =	vadd.f32 v25, v24;
	v30 =	vadd.f32 v27, v26  }
0x1d2: {  	v31 =	vadd.f32 v62, v61;
	v2 =	vadd.f32 v21, v63  }
0x1d3: {  	v0 =	vadd.f32 v28, v0;
	v32 =	vadd.f32 v30, v29;
	_ =	sdelay $0x1  }
0x1d4: {  	v2 =	vadd.f32 v2, v31;
	v0 =	vadd.f32 v32, v0;
	_ =	sdelay $0x1  }
0x1d5: {  	v0 =	vadd.f32 v2, v0;
	_ =	sdelay $0x1  }
0x1d6: {  	[tilespmem:s28+$0x1F7A0] =	vst v0  }
0x1d7: {  	v0 =	vld [tilespmem:s25+$0xFFFFFDB0]  }
0x1d8: {  	v33 =	vld [tilespmem:s25+$0xFFFFFDF0]  }
0x1d9: {  	v34 =	vld [tilespmem:s25+$0xFFFFFE30]  }
0x1da: {  	v35 =	vld [tilespmem:s25+$0xFFFFFE70]  }
0x1db: {  	v36 =	vld [tilespmem:s25+$0xFFFFFEB0]  }
0x1dc: {  	v37 =	vld [tilespmem:s25+$0xFFFFFEF0]  }
0x1dd: {  	v38 =	vld [tilespmem:s25+$0xFFFFFF30]  }
0x1de: {  	v39 =	vld [tilespmem:s25+$0xFFFFFF70]  }
0x1df: {  	v40 =	vld [tilespmem:s25+$0xFFFFFFB0]  }
0x1e0: {  	v41 =	vld [tilespmem:s25+$0xFFFFFFF0]  }
0x1e1: {  	v42 =	vld [tilespmem:s25+$0x30]  }
0x1e2: {  	v43 =	vld [tilespmem:s25+$0x70]  }
0x1e3: {  	v44 =	vld [tilespmem:s25+$0xB0]  }
0x1e4: {  	v45 =	vld [tilespmem:s25+$0xF0]  }
0x1e5: {  	v46 =	vld [tilespmem:s25+$0x130]  }
0x1e6: {  	v47 =	vld [tilespmem:s25+$0x170]  }
0x1e7: {  	v48 =	vld [tilespmem:s25+$0x1B0]  }
0x1e8: {  	v49 =	vld [tilespmem:s25+$0x1F0]  }
0x1e9: {  	v50 =	vld [tilespmem:s25+$0x230];
	v0 =	vadd.f32 v33, v0;
	v51 =	vadd.f32 v35, v34  }
0x1ea: {  	v52 =	vld [tilespmem:s25+$0x270];
	v53 =	vadd.f32 v37, v36;
	v54 =	vadd.f32 v39, v38  }
0x1eb: {  	v55 =	vadd.f32 v41, v40;
	v56 =	vadd.f32 v43, v42  }
0x1ec: {  	v57 =	vadd.f32 v45, v44;
	v58 =	vadd.f32 v47, v46  }
0x1ed: {  	v0 =	vadd.f32 v51, v0;
	v59 =	vadd.f32 v54, v53  }
0x1ee: {  	v60 =	vadd.f32 v56, v55;
	v61 =	vadd.f32 v58, v57  }
0x1ef: {  	v62 =	vadd.f32 v49, v48;
	v2 =	vadd.f32 v52, v50  }
0x1f0: {  	v0 =	vadd.f32 v59, v0;
	v63 =	vadd.f32 v61, v60  }
0x1f1: {  	p0 =	sne.s32 s24, $0x1F00  }
.Ltmp2:
0x1f2: {  	v2 =	vadd.f32 v2, v62;
	v0 =	vadd.f32 v63, v0;
	(pc) =	sbr.rel @p0 .LBB2_7-.Ltmp2, $3  }
0x1f3: {  	_ = 	snop  }
0x1f4: {  	v0 =	vadd.f32 v2, v0;
	_ =	sdelay $0x1  }
0x1f5: {  	s24 =	sadd.s32 $0x100, s24;
	s25 =	sadd.s32 $0x500, s25;
	[tilespmem:s28+$0x1F7B0] =	vst v0  }
0x1f6: {  	s24 =	sshll.u32 s23, $0xD;
	s22 =	sadd.s32 $0x1, s22  }
0x1f7: {  	s25 =	sshll.u32 s23, $0x5;
	s28 =	sshll.u32 s23, $0x1;
	p0 =	sne.s32 s22, $0x22  }
.Ltmp3:
0x1f8: {  	s24 =	sand.u32 $0x3F0000, s24;
	s25 =	sand.u32 $0x60, s25;
	(pc) =	sbr.rel @p0 .LBB2_2-.Ltmp3, $4  }
0x1f9: {  	s23 =	sand.u32 $0x8, s28;
	s25 =	sor.u32 s10, s25;
	s24 =	sadd.s32 s5, s24  }
0x1fa: {  	s25 =	sshll.u32 s25, $0x4;
	s23 =	sadd.s32 s23, s24  }
0x1fb: {  	s29 =	simm.s32 $0x1F780;
	s23 =	sadd.s32 s25, s23  }
0x1fc: {  	[hbm4b:s23+s13] =	stream.strided.scatter [tilespmem:s29], [sflag:$0x9], $0x800, s17, s13, $0x38;
	[tilespmem:$0x1FF80] =	vst v63  }
0x1fd: {  	_ =	swait.ge [sflag:s11], $0xA000  }
0x1fe: {  	[sflag:s11] =	ssyncset.done $0x0  }
0x1ff: {  	s25 =	simm.s32 $0x7;
	[sflag:s11] =	ssyncadd.s32 $0xFFFF6000  }
0x200: {  	_ =	swait.ge [sflag:s25], $0x800  }
0x201: {  	[sflag:s25] =	ssyncset.done $0x0  }
0x202: {  	s22 =	simm.s32 $0x0;
	s23 =	simm.s32 $0xA00;
	[sflag:s25] =	ssyncadd.s32 $0xFFFFF800  }
.LBB2_10:
0x203: {  	v0 =	vld [tilespmem:s23+$0xFFFFFD80]  }
0x204: {  	v1 =	vld [tilespmem:s23+$0xFFFFFDC0]  }
0x205: {  	v2 =	vld [tilespmem:s23+$0xFFFFFE00]  }
0x206: {  	v3 =	vld [tilespmem:s23+$0xFFFFFE40]  }
0x207: {  	v4 =	vld [tilespmem:s23+$0xFFFFFE80]  }
0x208: {  	v5 =	vld [tilespmem:s23+$0xFFFFFEC0]  }
0x209: {  	v6 =	vld [tilespmem:s23+$0xFFFFFF00]  }
0x20a: {  	v7 =	vld [tilespmem:s23+$0xFFFFFF40]  }
0x20b: {  	v8 =	vld [tilespmem:s23+$0xFFFFFF80]  }
0x20c: {  	v9 =	vld [tilespmem:s23+$0xFFFFFFC0]  }
0x20d: {  	v10 =	vld [tilespmem:s23+$0x0]  }
0x20e: {  	v11 =	vld [tilespmem:s23+$0x40]  }
0x20f: {  	v12 =	vld [tilespmem:s23+$0x80]  }
0x210: {  	v13 =	vld [tilespmem:s23+$0xC0]  }
0x211: {  	v14 =	vld [tilespmem:s23+$0x100]  }
0x212: {  	v15 =	vld [tilespmem:s23+$0x140]  }
0x213: {  	v16 =	vld [tilespmem:s23+$0x180]  }
0x214: {  	v17 =	vld [tilespmem:s23+$0x1C0]  }
0x215: {  	v18 =	vld [tilespmem:s23+$0x200];
	v0 =	vadd.f32 v1, v0;
	v45 =	vadd.f32 v3, v2  }
0x216: {  	v46 =	vld [tilespmem:s23+$0x240];
	v47 =	vadd.f32 v5, v4;
	v48 =	vadd.f32 v7, v6  }
0x217: {  	v49 =	vadd.f32 v9, v8;
	v50 =	vadd.f32 v11, v10  }
0x218: {  	v51 =	vadd.f32 v13, v12;
	v52 =	vadd.f32 v15, v14  }
0x219: {  	v0 =	vadd.f32 v45, v0;
	v53 =	vadd.f32 v48, v47  }
0x21a: {  	v54 =	vadd.f32 v50, v49;
	v55 =	vadd.f32 v52, v51  }
0x21b: {  	v56 =	vadd.f32 v17, v16;
	v2 =	vadd.f32 v46, v18  }
0x21c: {  	v0 =	vadd.f32 v53, v0;
	v57 =	vadd.f32 v55, v54;
	_ =	sdelay $0x1  }
0x21d: {  	v2 =	vadd.f32 v2, v56;
	v0 =	vadd.f32 v57, v0;
	_ =	sdelay $0x1  }
0x21e: {  	v0 =	vadd.f32 v2, v0  }
0x21f: {  	s24 =	sshra.s32 s22, $0x2  }
0x220: {  	[tilespmem:s24+$0x1E780] =	vst v0  }
0x221: {  	v0 =	vld [tilespmem:s23+$0xFFFFFD90]  }
0x222: {  	v58 =	vld [tilespmem:s23+$0xFFFFFDD0]  }
0x223: {  	v59 =	vld [tilespmem:s23+$0xFFFFFE10]  }
0x224: {  	v60 =	vld [tilespmem:s23+$0xFFFFFE50]  }
0x225: {  	v61 =	vld [tilespmem:s23+$0xFFFFFE90]  }
0x226: {  	v62 =	vld [tilespmem:s23+$0xFFFFFED0]  }
0x227: {  	v63 =	vld [tilespmem:s23+$0xFFFFFF10]  }
0x228: {  	v21 =	vld [tilespmem:s23+$0xFFFFFF50]  }
0x229: {  	v22 =	vld [tilespmem:s23+$0xFFFFFF90]  }
0x22a: {  	v23 =	vld [tilespmem:s23+$0xFFFFFFD0]  }
0x22b: {  	v24 =	vld [tilespmem:s23+$0x10]  }
0x22c: {  	v25 =	vld [tilespmem:s23+$0x50]  }
0x22d: {  	v26 =	vld [tilespmem:s23+$0x90]  }
0x22e: {  	v27 =	vld [tilespmem:s23+$0xD0]  }
0x22f: {  	v28 =	vld [tilespmem:s23+$0x110]  }
0x230: {  	v29 =	vld [tilespmem:s23+$0x150]  }
0x231: {  	v30 =	vld [tilespmem:s23+$0x190]  }
0x232: {  	v31 =	vld [tilespmem:s23+$0x1D0]  }
0x233: {  	v32 =	vld [tilespmem:s23+$0x210];
	v0 =	vadd.f32 v58, v0;
	v33 =	vadd.f32 v60, v59  }
0x234: {  	v34 =	vld [tilespmem:s23+$0x250];
	v35 =	vadd.f32 v62, v61;
	v36 =	vadd.f32 v21, v63  }
0x235: {  	v37 =	vadd.f32 v23, v22;
	v38 =	vadd.f32 v25, v24  }
0x236: {  	v39 =	vadd.f32 v27, v26;
	v40 =	vadd.f32 v29, v28  }
0x237: {  	v0 =	vadd.f32 v33, v0;
	v41 =	vadd.f32 v36, v35  }
0x238: {  	v42 =	vadd.f32 v38, v37;
	v43 =	vadd.f32 v40, v39  }
0x239: {  	v44 =	vadd.f32 v31, v30;
	v2 =	vadd.f32 v34, v32  }
0x23a: {  	v0 =	vadd.f32 v41, v0;
	v45 =	vadd.f32 v43, v42;
	_ =	sdelay $0x1  }
0x23b: {  	v2 =	vadd.f32 v2, v44;
	v0 =	vadd.f32 v45, v0;
	_ =	sdelay $0x1  }
0x23c: {  	v0 =	vadd.f32 v2, v0;
	_ =	sdelay $0x1  }
0x23d: {  	[tilespmem:s24+$0x1E790] =	vst v0  }
0x23e: {  	v0 =	vld [tilespmem:s23+$0xFFFFFDA0]  }
0x23f: {  	v46 =	vld [tilespmem:s23+$0xFFFFFDE0]  }
0x240: {  	v47 =	vld [tilespmem:s23+$0xFFFFFE20]  }
0x241: {  	v48 =	vld [tilespmem:s23+$0xFFFFFE60]  }
0x242: {  	v49 =	vld [tilespmem:s23+$0xFFFFFEA0]  }
0x243: {  	v50 =	vld [tilespmem:s23+$0xFFFFFEE0]  }
0x244: {  	v51 =	vld [tilespmem:s23+$0xFFFFFF20]  }
0x245: {  	v52 =	vld [tilespmem:s23+$0xFFFFFF60]  }
0x246: {  	v53 =	vld [tilespmem:s23+$0xFFFFFFA0]  }
0x247: {  	v54 =	vld [tilespmem:s23+$0xFFFFFFE0]  }
0x248: {  	v55 =	vld [tilespmem:s23+$0x20]  }
0x249: {  	v56 =	vld [tilespmem:s23+$0x60]  }
0x24a: {  	v57 =	vld [tilespmem:s23+$0xA0]  }
0x24b: {  	v58 =	vld [tilespmem:s23+$0xE0]  }
0x24c: {  	v59 =	vld [tilespmem:s23+$0x120]  }
0x24d: {  	v60 =	vld [tilespmem:s23+$0x160]  }
0x24e: {  	v61 =	vld [tilespmem:s23+$0x1A0]  }
0x24f: {  	v62 =	vld [tilespmem:s23+$0x1E0]  }
0x250: {  	v63 =	vld [tilespmem:s23+$0x220];
	v0 =	vadd.f32 v46, v0;
	v20 =	vadd.f32 v48, v47  }
0x251: {  	v21 =	vld [tilespmem:s23+$0x260];
	v22 =	vadd.f32 v50, v49;
	v23 =	vadd.f32 v52, v51  }
0x252: {  	v24 =	vadd.f32 v54, v53;
	v25 =	vadd.f32 v56, v55  }
0x253: {  	v26 =	vadd.f32 v58, v57;
	v27 =	vadd.f32 v60, v59  }
0x254: {  	v0 =	vadd.f32 v20, v0;
	v28 =	vadd.f32 v23, v22  }
0x255: {  	v29 =	vadd.f32 v25, v24;
	v30 =	vadd.f32 v27, v26  }
0x256: {  	v31 =	vadd.f32 v62, v61;
	v2 =	vadd.f32 v21, v63  }
0x257: {  	v0 =	vadd.f32 v28, v0;
	v32 =	vadd.f32 v30, v29;
	_ =	sdelay $0x1  }
0x258: {  	v2 =	vadd.f32 v2, v31;
	v0 =	vadd.f32 v32, v0;
	_ =	sdelay $0x1  }
0x259: {  	v0 =	vadd.f32 v2, v0;
	_ =	sdelay $0x1  }
0x25a: {  	[tilespmem:s24+$0x1E7A0] =	vst v0  }
0x25b: {  	v0 =	vld [tilespmem:s23+$0xFFFFFDB0]  }
0x25c: {  	v33 =	vld [tilespmem:s23+$0xFFFFFDF0]  }
0x25d: {  	v34 =	vld [tilespmem:s23+$0xFFFFFE30]  }
0x25e: {  	v35 =	vld [tilespmem:s23+$0xFFFFFE70]  }
0x25f: {  	v36 =	vld [tilespmem:s23+$0xFFFFFEB0]  }
0x260: {  	v37 =	vld [tilespmem:s23+$0xFFFFFEF0]  }
0x261: {  	v38 =	vld [tilespmem:s23+$0xFFFFFF30]  }
0x262: {  	v39 =	vld [tilespmem:s23+$0xFFFFFF70]  }
0x263: {  	v40 =	vld [tilespmem:s23+$0xFFFFFFB0]  }
0x264: {  	v41 =	vld [tilespmem:s23+$0xFFFFFFF0]  }
0x265: {  	v42 =	vld [tilespmem:s23+$0x30]  }
0x266: {  	v43 =	vld [tilespmem:s23+$0x70]  }
0x267: {  	v44 =	vld [tilespmem:s23+$0xB0]  }
0x268: {  	v45 =	vld [tilespmem:s23+$0xF0]  }
0x269: {  	v46 =	vld [tilespmem:s23+$0x130]  }
0x26a: {  	v47 =	vld [tilespmem:s23+$0x170]  }
0x26b: {  	v48 =	vld [tilespmem:s23+$0x1B0]  }
0x26c: {  	v49 =	vld [tilespmem:s23+$0x1F0]  }
0x26d: {  	v50 =	vld [tilespmem:s23+$0x230];
	v0 =	vadd.f32 v33, v0;
	v51 =	vadd.f32 v35, v34  }
0x26e: {  	v52 =	vld [tilespmem:s23+$0x270];
	v53 =	vadd.f32 v37, v36;
	v54 =	vadd.f32 v39, v38  }
0x26f: {  	v55 =	vadd.f32 v41, v40;
	v56 =	vadd.f32 v43, v42  }
0x270: {  	v57 =	vadd.f32 v45, v44;
	v58 =	vadd.f32 v47, v46  }
0x271: {  	v0 =	vadd.f32 v51, v0;
	v59 =	vadd.f32 v54, v53  }
0x272: {  	v60 =	vadd.f32 v56, v55;
	v61 =	vadd.f32 v58, v57  }
0x273: {  	v62 =	vadd.f32 v49, v48;
	v2 =	vadd.f32 v52, v50  }
0x274: {  	v0 =	vadd.f32 v59, v0;
	v63 =	vadd.f32 v61, v60  }
0x275: {  	p0 =	sne.s32 s22, $0x1F00  }
.Ltmp4:
0x276: {  	v2 =	vadd.f32 v2, v62;
	v0 =	vadd.f32 v63, v0;
	(pc) =	sbr.rel @p0 .LBB2_10-.Ltmp4, $3  }
0x277: {  	_ = 	snop  }
0x278: {  	v0 =	vadd.f32 v2, v0;
	_ =	sdelay $0x1  }
0x279: {  	s22 =	sadd.s32 $0x100, s22;
	s23 =	sadd.s32 $0x500, s23;
	[tilespmem:s24+$0x1E7B0] =	vst v0  }
0x27a: {  	s22 =	rddreg [dreg:$0x5]  }
0x27b: {  	[hbm4b:s22+s13] =	stream.strided.scatter [tilespmem:s18], [sflag:$0x7], $0x800, s17, s13, $0x38;
	[tilespmem:$0x1FF80] =	vst v63  }
0x27c: {  	_ =	swait.ge [sflag:s19], $0xA000  }
0x27d: {  	[sflag:s19] =	ssyncset.done $0x0  }
0x27e: {  	s28 =	simm.s32 $0x8;
	[sflag:s19] =	ssyncadd.s32 $0xFFFF6000  }
0x27f: {  	_ =	swait.ge [sflag:s28], $0x800  }
0x280: {  	[sflag:s28] =	ssyncset.done $0x0  }
0x281: {  	s23 =	simm.s32 $0xAA00;
	s22 =	simm.s32 $0x0;
	[sflag:s28] =	ssyncadd.s32 $0xFFFFF800  }
.LBB2_12:
0x282: {  	v0 =	vld [tilespmem:s23+$0xFFFFFD80]  }
0x283: {  	v1 =	vld [tilespmem:s23+$0xFFFFFDC0]  }
0x284: {  	v2 =	vld [tilespmem:s23+$0xFFFFFE00]  }
0x285: {  	v3 =	vld [tilespmem:s23+$0xFFFFFE40]  }
0x286: {  	v4 =	vld [tilespmem:s23+$0xFFFFFE80]  }
0x287: {  	v5 =	vld [tilespmem:s23+$0xFFFFFEC0]  }
0x288: {  	v6 =	vld [tilespmem:s23+$0xFFFFFF00]  }
0x289: {  	v7 =	vld [tilespmem:s23+$0xFFFFFF40]  }
0x28a: {  	v8 =	vld [tilespmem:s23+$0xFFFFFF80]  }
0x28b: {  	v9 =	vld [tilespmem:s23+$0xFFFFFFC0]  }
0x28c: {  	v10 =	vld [tilespmem:s23+$0x0]  }
0x28d: {  	v11 =	vld [tilespmem:s23+$0x40]  }
0x28e: {  	v12 =	vld [tilespmem:s23+$0x80]  }
0x28f: {  	v13 =	vld [tilespmem:s23+$0xC0]  }
0x290: {  	v14 =	vld [tilespmem:s23+$0x100]  }
0x291: {  	v15 =	vld [tilespmem:s23+$0x140]  }
0x292: {  	v16 =	vld [tilespmem:s23+$0x180]  }
0x293: {  	v17 =	vld [tilespmem:s23+$0x1C0]  }
0x294: {  	v18 =	vld [tilespmem:s23+$0x200];
	v0 =	vadd.f32 v1, v0;
	v45 =	vadd.f32 v3, v2  }
0x295: {  	v46 =	vld [tilespmem:s23+$0x240];
	v47 =	vadd.f32 v5, v4;
	v48 =	vadd.f32 v7, v6  }
0x296: {  	v49 =	vadd.f32 v9, v8;
	v50 =	vadd.f32 v11, v10  }
0x297: {  	v51 =	vadd.f32 v13, v12;
	v52 =	vadd.f32 v15, v14  }
0x298: {  	v0 =	vadd.f32 v45, v0;
	v53 =	vadd.f32 v48, v47  }
0x299: {  	v54 =	vadd.f32 v50, v49;
	v55 =	vadd.f32 v52, v51  }
0x29a: {  	v56 =	vadd.f32 v17, v16;
	v2 =	vadd.f32 v46, v18  }
0x29b: {  	v0 =	vadd.f32 v53, v0;
	v57 =	vadd.f32 v55, v54;
	_ =	sdelay $0x1  }
0x29c: {  	v2 =	vadd.f32 v2, v56;
	v0 =	vadd.f32 v57, v0;
	_ =	sdelay $0x1  }
0x29d: {  	v0 =	vadd.f32 v2, v0  }
0x29e: {  	s24 =	sshra.s32 s22, $0x2  }
0x29f: {  	[tilespmem:s24+$0x1EF80] =	vst v0  }
0x2a0: {  	v0 =	vld [tilespmem:s23+$0xFFFFFD90]  }
0x2a1: {  	v58 =	vld [tilespmem:s23+$0xFFFFFDD0]  }
0x2a2: {  	v59 =	vld [tilespmem:s23+$0xFFFFFE10]  }
0x2a3: {  	v60 =	vld [tilespmem:s23+$0xFFFFFE50]  }
0x2a4: {  	v61 =	vld [tilespmem:s23+$0xFFFFFE90]  }
0x2a5: {  	v62 =	vld [tilespmem:s23+$0xFFFFFED0]  }
0x2a6: {  	v63 =	vld [tilespmem:s23+$0xFFFFFF10]  }
0x2a7: {  	v21 =	vld [tilespmem:s23+$0xFFFFFF50]  }
0x2a8: {  	v22 =	vld [tilespmem:s23+$0xFFFFFF90]  }
0x2a9: {  	v23 =	vld [tilespmem:s23+$0xFFFFFFD0]  }
0x2aa: {  	v24 =	vld [tilespmem:s23+$0x10]  }
0x2ab: {  	v25 =	vld [tilespmem:s23+$0x50]  }
0x2ac: {  	v26 =	vld [tilespmem:s23+$0x90]  }
0x2ad: {  	v27 =	vld [tilespmem:s23+$0xD0]  }
0x2ae: {  	v28 =	vld [tilespmem:s23+$0x110]  }
0x2af: {  	v29 =	vld [tilespmem:s23+$0x150]  }
0x2b0: {  	v30 =	vld [tilespmem:s23+$0x190]  }
0x2b1: {  	v31 =	vld [tilespmem:s23+$0x1D0]  }
0x2b2: {  	v32 =	vld [tilespmem:s23+$0x210];
	v0 =	vadd.f32 v58, v0;
	v33 =	vadd.f32 v60, v59  }
0x2b3: {  	v34 =	vld [tilespmem:s23+$0x250];
	v35 =	vadd.f32 v62, v61;
	v36 =	vadd.f32 v21, v63  }
0x2b4: {  	v37 =	vadd.f32 v23, v22;
	v38 =	vadd.f32 v25, v24  }
0x2b5: {  	v39 =	vadd.f32 v27, v26;
	v40 =	vadd.f32 v29, v28  }
0x2b6: {  	v0 =	vadd.f32 v33, v0;
	v41 =	vadd.f32 v36, v35  }
0x2b7: {  	v42 =	vadd.f32 v38, v37;
	v43 =	vadd.f32 v40, v39  }
0x2b8: {  	v44 =	vadd.f32 v31, v30;
	v2 =	vadd.f32 v34, v32  }
0x2b9: {  	v0 =	vadd.f32 v41, v0;
	v45 =	vadd.f32 v43, v42;
	_ =	sdelay $0x1  }
0x2ba: {  	v2 =	vadd.f32 v2, v44;
	v0 =	vadd.f32 v45, v0;
	_ =	sdelay $0x1  }
0x2bb: {  	v0 =	vadd.f32 v2, v0;
	_ =	sdelay $0x1  }
0x2bc: {  	[tilespmem:s24+$0x1EF90] =	vst v0  }
0x2bd: {  	v0 =	vld [tilespmem:s23+$0xFFFFFDA0]  }
0x2be: {  	v46 =	vld [tilespmem:s23+$0xFFFFFDE0]  }
0x2bf: {  	v47 =	vld [tilespmem:s23+$0xFFFFFE20]  }
0x2c0: {  	v48 =	vld [tilespmem:s23+$0xFFFFFE60]  }
0x2c1: {  	v49 =	vld [tilespmem:s23+$0xFFFFFEA0]  }
0x2c2: {  	v50 =	vld [tilespmem:s23+$0xFFFFFEE0]  }
0x2c3: {  	v51 =	vld [tilespmem:s23+$0xFFFFFF20]  }
0x2c4: {  	v52 =	vld [tilespmem:s23+$0xFFFFFF60]  }
0x2c5: {  	v53 =	vld [tilespmem:s23+$0xFFFFFFA0]  }
0x2c6: {  	v54 =	vld [tilespmem:s23+$0xFFFFFFE0]  }
0x2c7: {  	v55 =	vld [tilespmem:s23+$0x20]  }
0x2c8: {  	v56 =	vld [tilespmem:s23+$0x60]  }
0x2c9: {  	v57 =	vld [tilespmem:s23+$0xA0]  }
0x2ca: {  	v58 =	vld [tilespmem:s23+$0xE0]  }
0x2cb: {  	v59 =	vld [tilespmem:s23+$0x120]  }
0x2cc: {  	v60 =	vld [tilespmem:s23+$0x160]  }
0x2cd: {  	v61 =	vld [tilespmem:s23+$0x1A0]  }
0x2ce: {  	v62 =	vld [tilespmem:s23+$0x1E0]  }
0x2cf: {  	v63 =	vld [tilespmem:s23+$0x220];
	v0 =	vadd.f32 v46, v0;
	v20 =	vadd.f32 v48, v47  }
0x2d0: {  	v21 =	vld [tilespmem:s23+$0x260];
	v22 =	vadd.f32 v50, v49;
	v23 =	vadd.f32 v52, v51  }
0x2d1: {  	v24 =	vadd.f32 v54, v53;
	v25 =	vadd.f32 v56, v55  }
0x2d2: {  	v26 =	vadd.f32 v58, v57;
	v27 =	vadd.f32 v60, v59  }
0x2d3: {  	v0 =	vadd.f32 v20, v0;
	v28 =	vadd.f32 v23, v22  }
0x2d4: {  	v29 =	vadd.f32 v25, v24;
	v30 =	vadd.f32 v27, v26  }
0x2d5: {  	v31 =	vadd.f32 v62, v61;
	v2 =	vadd.f32 v21, v63  }
0x2d6: {  	v0 =	vadd.f32 v28, v0;
	v32 =	vadd.f32 v30, v29;
	_ =	sdelay $0x1  }
0x2d7: {  	v2 =	vadd.f32 v2, v31;
	v0 =	vadd.f32 v32, v0;
	_ =	sdelay $0x1  }
0x2d8: {  	v0 =	vadd.f32 v2, v0;
	_ =	sdelay $0x1  }
0x2d9: {  	[tilespmem:s24+$0x1EFA0] =	vst v0  }
0x2da: {  	v0 =	vld [tilespmem:s23+$0xFFFFFDB0]  }
0x2db: {  	v33 =	vld [tilespmem:s23+$0xFFFFFDF0]  }
0x2dc: {  	v34 =	vld [tilespmem:s23+$0xFFFFFE30]  }
0x2dd: {  	v35 =	vld [tilespmem:s23+$0xFFFFFE70]  }
0x2de: {  	v36 =	vld [tilespmem:s23+$0xFFFFFEB0]  }
0x2df: {  	v37 =	vld [tilespmem:s23+$0xFFFFFEF0]  }
0x2e0: {  	v38 =	vld [tilespmem:s23+$0xFFFFFF30]  }
0x2e1: {  	v39 =	vld [tilespmem:s23+$0xFFFFFF70]  }
0x2e2: {  	v40 =	vld [tilespmem:s23+$0xFFFFFFB0]  }
0x2e3: {  	v41 =	vld [tilespmem:s23+$0xFFFFFFF0]  }
0x2e4: {  	v42 =	vld [tilespmem:s23+$0x30]  }
0x2e5: {  	v43 =	vld [tilespmem:s23+$0x70]  }
0x2e6: {  	v44 =	vld [tilespmem:s23+$0xB0]  }
0x2e7: {  	v45 =	vld [tilespmem:s23+$0xF0]  }
0x2e8: {  	v46 =	vld [tilespmem:s23+$0x130]  }
0x2e9: {  	v47 =	vld [tilespmem:s23+$0x170]  }
0x2ea: {  	v48 =	vld [tilespmem:s23+$0x1B0]  }
0x2eb: {  	v49 =	vld [tilespmem:s23+$0x1F0]  }
0x2ec: {  	v50 =	vld [tilespmem:s23+$0x230];
	v0 =	vadd.f32 v33, v0;
	v51 =	vadd.f32 v35, v34  }
0x2ed: {  	v52 =	vld [tilespmem:s23+$0x270];
	v53 =	vadd.f32 v37, v36;
	v54 =	vadd.f32 v39, v38  }
0x2ee: {  	v55 =	vadd.f32 v41, v40;
	v56 =	vadd.f32 v43, v42  }
0x2ef: {  	v57 =	vadd.f32 v45, v44;
	v58 =	vadd.f32 v47, v46  }
0x2f0: {  	v0 =	vadd.f32 v51, v0;
	v59 =	vadd.f32 v54, v53  }
0x2f1: {  	v60 =	vadd.f32 v56, v55;
	v61 =	vadd.f32 v58, v57  }
0x2f2: {  	v62 =	vadd.f32 v49, v48;
	v2 =	vadd.f32 v52, v50  }
0x2f3: {  	v0 =	vadd.f32 v59, v0;
	v63 =	vadd.f32 v61, v60  }
0x2f4: {  	p0 =	sne.s32 s22, $0x1F00  }
.Ltmp5:
0x2f5: {  	v2 =	vadd.f32 v2, v62;
	v0 =	vadd.f32 v63, v0;
	(pc) =	sbr.rel @p0 .LBB2_12-.Ltmp5, $3  }
0x2f6: {  	_ = 	snop  }
0x2f7: {  	v0 =	vadd.f32 v2, v0;
	_ =	sdelay $0x1  }
0x2f8: {  	s22 =	sadd.s32 $0x100, s22;
	s23 =	sadd.s32 $0x500, s23;
	[tilespmem:s24+$0x1EFB0] =	vst v0  }
0x2f9: {  	s22 =	rddreg [dreg:$0x6];
	s24 =	simm.s32 $0x9  }
0x2fa: {  	[hbm4b:s22+s13] =	stream.strided.scatter [tilespmem:s20], [sflag:$0x8], $0x800, s17, s13, $0x38;
	[tilespmem:$0x1FF80] =	vst v63  }
0x2fb: {  	_ =	swait.ge [sflag:s24], $0x800  }
0x2fc: {  	[sflag:s24] =	ssyncset.done $0x0  }
0x2fd: {  	[sflag:s24] =	ssyncadd.s32 $0xFFFFF800  }
0x2fe: {  	_ =	swait.ge [sflag:s25], $0x800  }
0x2ff: {  	[sflag:s25] =	ssyncset.done $0x0  }
0x300: {  	[sflag:s25] =	ssyncadd.s32 $0xFFFFF800  }
0x301: {  	_ =	swait.ge [sflag:s28], $0x800  }
0x302: {  	s23 =	rddreg [dreg:$0x8]  }
0x303: {  	s29 =	rddreg [dreg:$0x7];
	s23 =	sadd.s32 $0x1, s23  }
0x304: {  	p0 =	sne.s32 s23, s29  }
.Ltmp6:
0x305: {  	_ = 	snop;
	(pc) =	sbr.rel @p0 .LBB2_1-.Ltmp6, $3  }
0x306: {  	_ =	sdelay $0x1  }
0x307: {  	[sflag:s28] =	ssyncset.done $0x0  }
0x308: {  	[sflag:s28] =	ssyncadd.s32 $0xFFFFF800  }
0x309: {  	_ =	sfence.sel $0x180000  }
0x30a: {  	[bflag:$0x0] =	sbarrier.arrive $0xFFFF  }
0x30b: {  	_ =	strace $0x90000047  }
0x30c: {  	s0 =	stileid.u32;
	[bflag:$0x2] =	sbarrier.arrive $0xFFFF  }
0x30d: {  	p0 =	sne.s32 s0, $0x0;
	s0 =	rddreg [dreg:$0x1]  }
0x30e: {  	s0 =	sadd.s32 @!p0 $0x100000, s0  }
0x30f: {  	[sflag:s0] =	ssyncadd.tile.s32 @!p0 $0x1;
	_ =	shalt  }
.Lfunc_end2:
_tile_overlayer_lowered:
.L_overlay_start_2:
0x310: {  	(tag) =	ssettag $0x2  }
0x311: {  	s0 =	rddreg [dreg:$0x0];
	s2 =	stileid.u32  }
0x312: {  	s1 =	rddreg [dreg:$0x1];
	p0 =	sne.s32 s2, $0x0  }
0x313: {  	s3 =	rddreg [dreg:$0x2];
	[bflag:$0x3] =	sbarrier.arrive $0xFFFF;
	s2 =	simm.s32 @!p0 $0x1C0A  }
0x314: {  	[timem:s3], [sflag:s2] =	dma.local @!p0 [hbm:s0], s1  }
0x315: {  	s0 =	simm.s32 @!p0 $0xA  }
0x316: {  	_ =	swait.ge @!p0 [sflag:s0], s1  }
0x317: {  	s1 =	ssub.s32 @!p0 $0x0, s1;
	[sflag:s0] =	ssyncset.done @!p0 $0x0  }
0x318: {  	[sflag:s0] =	ssyncadd.s32 @!p0 s1  }
0x319: {  	[bflag:$0x3] =	sbarrier.arrive $0xFFFF  }
0x31a: {  	_ =	shalt  }

</sc_bundles>
